<compile_context>
chip_gen: v7x
topology: tpu7x:2x2x1
jax: 0.10.2.dev20260603
libtpu: 0.0.44.dev20260713+nightly
codegen_flags: <defaults>
</compile_context>

<pallas_src>
import jax
import jax.numpy as jnp
from jax import lax
from jax.experimental import pallas as pl
from jax.experimental.pallas import tpu as pltpu
from jax.experimental.pallas import tpu_sc as plsc

E = 8
TOPK = 2
D_MODEL = 768
D_FF = 768
T = 2048
BLK = 128
KB13 = D_MODEL // BLK
KB2 = D_FF // BLK

TILE_M = 512
A = T * TOPK
MAX_TILES = A // TILE_M + E
MAX_ROWS = MAX_TILES * TILE_M

NC = 2
NS = 16
NW = NC * NS
TPW = T // NW
LANES = 16


NCH = A // BLK
CH = BLK


def _route_body(ids_ref, slot_ref, te_ref):
    ei = lax.broadcasted_iota(jnp.int32, (E, 1), 0).astype(jnp.float32)
    ri = lax.broadcasted_iota(jnp.int32, (CH, CH), 0)
    ci = lax.broadcasted_iota(jnp.int32, (CH, CH), 1)
    tri = (ci < ri).astype(jnp.float32)

    def step(c, counts):
        row = ids_ref[pl.ds(c, 1), :].astype(jnp.float32)
        m2 = (row == ei).astype(jnp.float32)
        local = lax.dot_general(m2, tri, (((1,), (1,)), ((), ())),
                                preferred_element_type=jnp.float32)
        rank_row = jnp.sum(m2 * (local + counts), axis=0, keepdims=True)
        slot_ref[pl.ds(c, 1), :] = rank_row.astype(jnp.int32)
        return counts + jnp.sum(m2, axis=1, keepdims=True)

    counts = lax.fori_loop(0, NCH, step, jnp.zeros((E, 1), jnp.float32))

    ntiles = jnp.floor((counts + (TILE_M - 1)) / TILE_M)
    ei8 = lax.broadcasted_iota(jnp.int32, (E, E), 0)
    ci8 = lax.broadcasted_iota(jnp.int32, (E, E), 1)
    tri8 = (ci8 <= ei8).astype(jnp.float32)
    tile_end = lax.dot_general(tri8, ntiles, (((1,), (0,)), ((), ())),
                               preferred_element_type=jnp.float32)
    row_off = (tile_end - ntiles) * TILE_M

    def add_off(c, _):
        row = ids_ref[pl.ds(c, 1), :].astype(jnp.float32)
        off = jnp.zeros((1, CH), jnp.float32)
        for e in range(E):
            off = off + jnp.where(row == e, row_off[e, 0], 0.0)
        slot_ref[pl.ds(c, 1), :] = (slot_ref[pl.ds(c, 1), :]
                                    + off.astype(jnp.int32))
        return 0

    lax.fori_loop(0, NCH, add_off, 0)

    nv = tile_end[E - 1, 0]
    tidx = lax.broadcasted_iota(jnp.int32, (1, CH), 1).astype(jnp.float32)
    te_raw = jnp.zeros((1, CH), jnp.float32)
    for e in range(E):
        te_raw = te_raw + (tidx >= tile_end[e, 0]).astype(jnp.float32)
    last_e = jnp.sum(jnp.where(tidx == nv - 1.0, te_raw, 0.0))
    te = jnp.where(tidx < nv, te_raw, last_e)
    te = jnp.where(tidx == CH - 1, nv, te)
    te_ref[...] = te.astype(jnp.int32)


def _tc_route(ids_km):
    return pl.pallas_call(
        _route_body,
        out_shape=(jax.ShapeDtypeStruct((NCH, CH), jnp.int32),
                   jax.ShapeDtypeStruct((1, CH), jnp.int32)),
    )(ids_km)




def _dispatch_body(x_hbm, slot_hbm, xg_hbm, x_v, slot_v, sem):
    wid = lax.axis_index("s") * NC + lax.axis_index("c")
    base = wid * TPW
    pltpu.sync_copy(slot_hbm.at[0, wid], slot_v.at[0])
    pltpu.sync_copy(slot_hbm.at[1, wid], slot_v.at[1])
    pltpu.sync_copy(x_hbm.at[pl.ds(base, TPW)], x_v)
    c0 = pltpu.async_copy(x_v, xg_hbm.at[slot_v.at[0]], sem)
    c1 = pltpu.async_copy(x_v, xg_hbm.at[slot_v.at[1]], sem)
    c0.wait()
    c1.wait()


def _sc_dispatch(x, slot3):
    mesh = plsc.VectorSubcoreMesh(core_axis_name="c", subcore_axis_name="s")
    return pl.kernel(
        _dispatch_body,
        mesh=mesh,
        out_type=jax.ShapeDtypeStruct((MAX_ROWS, D_MODEL), jnp.float32),
        scratch_types=[
            pltpu.VMEM((TPW, D_MODEL), jnp.float32),
            pltpu.VMEM((TOPK, TPW), jnp.int32),
            pltpu.SemaphoreType.DMA,
        ],
    )(x, slot3)


def _combine_body(ys_hbm, slot_hbm, twe_hbm, out_hbm, slot_v, twe_v, a_v, b_v,
                  sem):
    wid = lax.axis_index("s") * NC + lax.axis_index("c")
    base = wid * TPW
    pltpu.sync_copy(slot_hbm.at[0, wid], slot_v.at[0])
    pltpu.sync_copy(slot_hbm.at[1, wid], slot_v.at[1])
    pltpu.sync_copy(twe_hbm.at[pl.ds(base, TPW)], twe_v)
    HALF = TPW // 2
    copies = []
    for h in range(2):
        hs = pl.ds(h * HALF, HALF)
        copies.append(pltpu.async_copy(ys_hbm.at[slot_v.at[0, hs]],
                                       a_v.at[hs], sem))
        copies.append(pltpu.async_copy(ys_hbm.at[slot_v.at[1, hs]],
                                       b_v.at[hs], sem))

    def row(j, carry):
        w0 = twe_v[j, 0, :]
        w1 = twe_v[j, 1, :]
        for c in range(D_MODEL // LANES):
            sl = pl.ds(c * LANES, LANES)
            a_v[j, sl] = a_v[j, sl] * w0 + b_v[j, sl] * w1
        return carry

    copies[0].wait()
    copies[1].wait()
    lax.fori_loop(0, HALF, row, 0)
    ow0 = pltpu.async_copy(a_v.at[pl.ds(0, HALF)],
                           out_hbm.at[pl.ds(base, HALF)], sem)
    copies[2].wait()
    copies[3].wait()
    lax.fori_loop(HALF, TPW, row, 0)
    ow0.wait()
    pltpu.sync_copy(a_v.at[pl.ds(HALF, HALF)],
                    out_hbm.at[pl.ds(base + HALF, HALF)])


def _sc_combine(ys, slot3, twe):
    mesh = plsc.VectorSubcoreMesh(core_axis_name="c", subcore_axis_name="s")
    return pl.kernel(
        _combine_body,
        mesh=mesh,
        out_type=jax.ShapeDtypeStruct((T, D_MODEL), jnp.float32),
        scratch_types=[
            pltpu.VMEM((TOPK, TPW), jnp.int32),
            pltpu.VMEM((TPW, TOPK, LANES), jnp.float32),
            pltpu.VMEM((TPW, D_MODEL), jnp.float32),
            pltpu.VMEM((TPW, D_MODEL), jnp.float32),
            pltpu.SemaphoreType.DMA,
        ],
    )(ys, slot3, twe)


def _gmm_body(te_ref, nv_ref, xg_ref, w13_ref, s13_ref, w2_ref, s2_ref,
              ys_ref, w13d_ref, w2d_ref):
    t = pl.program_id(0)

    @pl.when(t < nv_ref[0])
    def _run():
        changed = jnp.logical_or(
            t == 0, te_ref[t] != te_ref[jnp.maximum(t - 1, 0)])

        @pl.when(changed)
        def _dequant():
            for kb in range(KB13):
                sl = pl.ds(kb * BLK, BLK)
                w13d_ref[:, sl] = (w13_ref[0, :, sl]
                                   * s13_ref[0, kb, :][:, None]).astype(jnp.bfloat16)
            for kb in range(KB2):
                sl = pl.ds(kb * BLK, BLK)
                w2d_ref[:, sl] = (w2_ref[0, :, sl]
                                  * s2_ref[0, kb, :][:, None]).astype(jnp.bfloat16)

        xt = xg_ref[...].astype(jnp.bfloat16)
        h = lax.dot_general(xt, w13d_ref[...], (((1,), (1,)), ((), ())),
                            preferred_element_type=jnp.float32)
        gate = h[:, :D_FF]
        up = h[:, D_FF:]
        act = (gate / (1.0 + jnp.exp(-gate)) * up).astype(jnp.bfloat16)
        ys_ref[...] = lax.dot_general(act, w2d_ref[...], (((1,), (1,)), ((), ())),
                                      preferred_element_type=jnp.float32)


def _tc_gmm(te, nv, xg, w13, s13e, w2, s2e):
    return pl.pallas_call(
        _gmm_body,
        grid_spec=pltpu.PrefetchScalarGridSpec(
            num_scalar_prefetch=2,
            grid=(MAX_TILES,),
            in_specs=[
                pl.BlockSpec((TILE_M, D_MODEL),
                             lambda t, te, nv: (jnp.minimum(t, nv[0] - 1), 0)),
                pl.BlockSpec((1, 2 * D_FF, D_MODEL),
                             lambda t, te, nv: (te[t], 0, 0)),
                pl.BlockSpec((1, KB13, 2 * D_FF),
                             lambda t, te, nv: (te[t], 0, 0)),
                pl.BlockSpec((1, D_MODEL, D_FF),
                             lambda t, te, nv: (te[t], 0, 0)),
                pl.BlockSpec((1, KB2, D_MODEL),
                             lambda t, te, nv: (te[t], 0, 0)),
            ],
            out_specs=pl.BlockSpec((TILE_M, D_MODEL),
                                   lambda t, te, nv: (jnp.minimum(t, nv[0] - 1), 0)),
            scratch_shapes=[
                pltpu.VMEM((2 * D_FF, D_MODEL), jnp.bfloat16),
                pltpu.VMEM((D_MODEL, D_FF), jnp.bfloat16),
            ],
        ),
        out_shape=jax.ShapeDtypeStruct((MAX_ROWS, D_MODEL), jnp.float32),
    )(te, nv, xg, w13, s13e, w2, s2e)


@jax.jit
def _moe_routed(x, topk_ids, topk_weights, w13_fp8, s13e, w2_fp8, s2e):
    ids_km = topk_ids.T.reshape(NCH, CH)
    slot2, te_row = _tc_route(ids_km)
    te = te_row[0, :MAX_TILES]
    nv = te_row[0, CH - 1:CH]
    slot3 = slot2.reshape(TOPK, NW, TPW)
    twe = jnp.broadcast_to(topk_weights[:, :, None], (T, TOPK, LANES))

    xg = _sc_dispatch(x, slot3)
    ys = _tc_gmm(te, nv, xg, w13_fp8, s13e, w2_fp8, s2e)
    return _sc_combine(ys, slot3, twe)


def kernel(x, topk_ids, topk_weights, moe_n_slice, n_expert_slice, ep_shift,
           w13_fp8, w13_scale_inv, w2_fp8, w2_scale_inv):
    s13e = jnp.repeat(w13_scale_inv.transpose(0, 2, 1), BLK, axis=2)
    s2e = jnp.repeat(w2_scale_inv.transpose(0, 2, 1), BLK, axis=2)
    return _moe_routed(x, topk_ids.astype(jnp.int32),
                       topk_weights.astype(jnp.float32),
                       w13_fp8, s13e, w2_fp8, s2e)

# --- scband reference (transcript-rebuilt; emitter-appended) ---
"""Pipeline reference for scband-vllm-mixture-of-experts-op-fp8-15401752723973 (READ-ONLY COPY).

The authoritative reference and input builder live on the scoring server;
editing this copy changes nothing except your own understanding.
"""

import jax, jax.numpy as jnp
import numpy as np

E = 8
TOPK = 2
D_MODEL = 768
D_FF = 768
T = 2048
BLK = 128


def _dequant_block_fp8(w, s, blk=BLK):
    # w: [E, N, K] simulated-fp8 values stored in float32
    # s: [E, N//blk, K//blk] per-block inverse scales
    sf = jnp.repeat(jnp.repeat(s, blk, axis=-2), blk, axis=-1)
    return (w * sf).astype(jnp.float32)


def setup_inputs(seed: int = 0) -> dict:
    key = jax.random.key(seed)
    ks = jax.random.split(key, 8)
    x = jax.random.normal(ks[0], (T, D_MODEL), dtype=jnp.float32)
    topk_ids = jax.random.randint(ks[1], (T, TOPK), 0, E)
    tw = jax.random.uniform(ks[2], (T, TOPK), dtype=jnp.float32) + 1e-3
    topk_weights = tw / jnp.sum(tw, axis=-1, keepdims=True)
    # per-expert FP8 block-quantized weights (values stored in fp32) + scale_inv
    w13_fp8 = jax.random.normal(ks[3], (E, 2 * D_FF, D_MODEL), dtype=jnp.float32)
    w13_scale_inv = jax.random.uniform(ks[4], (E, (2 * D_FF) // BLK, D_MODEL // BLK), dtype=jnp.float32) * 0.02 + 0.005
    w2_fp8 = jax.random.normal(ks[5], (E, D_MODEL, D_FF), dtype=jnp.float32)
    w2_scale_inv = jax.random.uniform(ks[6], (E, D_MODEL // BLK, D_FF // BLK), dtype=jnp.float32) * 0.02 + 0.005
    return {
        'x': x,
        'topk_ids': topk_ids,
        'topk_weights': topk_weights,
        'moe_n_slice': 1,
        'n_expert_slice': E,
        'ep_shift': 0,
        'w13_fp8': w13_fp8,
        'w13_scale_inv': w13_scale_inv,
        'w2_fp8': w2_fp8,
        'w2_scale_inv': w2_scale_inv,
    }


def reference(x, topk_ids, topk_weights, moe_n_slice, n_expert_slice, ep_shift, w13_fp8, w13_scale_inv, w2_fp8, w2_scale_inv):
    # dequant_block_fp8_weight_naive for every expert (experts_min=0, experts_max=E)
    w13 = _dequant_block_fp8(w13_fp8, w13_scale_inv)  # [E, 2*d_ff, d_model]
    w2 = _dequant_block_fp8(w2_fp8, w2_scale_inv)     # [E, d_model, d_ff]
    tw = topk_weights.astype(x.dtype)
    # combine weights: [T, E], router weight per (token, expert)
    oh = jax.nn.one_hot(topk_ids, E, dtype=x.dtype)   # [T, K, E]
    combine = jnp.einsum('tke,tk->te', oh, tw)
    # fused w13 matmul (gate+up), SiLU-gated, then w2 down-projection
    h = jnp.einsum('td,efd->etf', x, w13)             # [E, T, 2*d_ff]
    gate, up = jnp.split(h, 2, axis=-1)
    act = jax.nn.silu(gate) * up                      # [E, T, d_ff]
    eo = jnp.einsum('etf,edf->etd', act, w2)          # [E, T, d_model]
    final_hidden_states = jnp.einsum('te,etd->td', combine, eo)
    return final_hidden_states

if __name__ == "__main__":
    import jax
    _d = setup_inputs()
    print(jax.jit(kernel)(*tuple(_d.values())))

</pallas_src>

<mosaic_0001>
#map = affine_map<(d0, d1) -> (0, 0)>
#map1 = affine_map<(d0, d1) -> (0, 0, 0)>
module attributes {stable_mosaic.version = 14 : i64} {
  func.func @_combine_body(%arg0: i32, %arg1: i32, %arg2: memref<8192x768xf32, #tpu.memory_space<hbm>>, %arg3: memref<2x32x64xi32, #tpu.memory_space<hbm>>, %arg4: memref<2048x2x16xf32, #tpu.memory_space<hbm>>, %arg5: memref<2048x768xf32, #tpu.memory_space<hbm>>, %arg6: memref<2x64xi32, #tpu.memory_space<vmem>>, %arg7: memref<64x2x16xf32, #tpu.memory_space<vmem>>, %arg8: memref<64x768xf32, #tpu.memory_space<vmem>>, %arg9: memref<64x768xf32, #tpu.memory_space<vmem>>, %arg10: memref<!tpu.dma_semaphore, #tpu.memory_space<semaphore_mem>>) attributes {dimension_semantics = [#tpu.dimension_semantics<core_parallel>, #tpu.dimension_semantics<subcore_parallel>], iteration_bounds = array<i64: 2, 16>, scalar_prefetch = 0 : i64, scratch_operands = 5 : i64, tpu.core_type = #tpu.core_type<sc_vector_subcore>, window_params = [{transform_indices = #map}, {transform_indices = #map1}, {transform_indices = #map1}, {transform_indices = #map}]} {
    %mul3A = arith.constant 2 : i32
    %mul3A_0 = arith.muli %arg1, %mul3A : i32
    %add3A = arith.addi %mul3A_0, %arg0 : i32
    %mul3A_1 = arith.constant 64 : i32
    %mul3A_2 = arith.muli %add3A, %mul3A_1 : i32
    %run_scoped3A = arith.constant 0 : i32
    %run_scoped3A_3 = arith.constant 0 : i32
    "tpu.region"() ({
      %run_scoped3A_117 = tpu.sem_alloc : memref<!tpu.dma_semaphore, #tpu.memory_space<semaphore_mem>>
      %dma_start3A_118 = arith.constant 0 : i32
      %dma_start3A_119 = tpu.memref_slice %arg6[%run_scoped3A_3, %dma_start3A_118] : memref<2x64xi32, #tpu.memory_space<vmem>> -> memref<1x64xi32, #tpu.memory_space<vmem>>
      %dma_start3A_120 = tpu.memref_squeeze %dma_start3A_119 : memref<1x64xi32, #tpu.memory_space<vmem>> -> memref<64xi32, #tpu.memory_space<vmem>>
      %dma_start3A_121 = arith.constant 0 : i32
      %dma_start3A_122 = tpu.memref_slice %arg3[%run_scoped3A, %add3A, %dma_start3A_121] : memref<2x32x64xi32, #tpu.memory_space<hbm>> -> memref<1x1x64xi32, #tpu.memory_space<hbm>>
      %dma_start3A_123 = tpu.memref_squeeze %dma_start3A_122 : memref<1x1x64xi32, #tpu.memory_space<hbm>> -> memref<64xi32, #tpu.memory_space<hbm>>
      %dma_start3A_124 = arith.constant 0 : i32
      %dma_start3A_125 = tpu.memref_slice %arg6[%run_scoped3A_3, %dma_start3A_124] : memref<2x64xi32, #tpu.memory_space<vmem>> -> memref<1x64xi32, #tpu.memory_space<vmem>>
      %dma_start3A_126 = tpu.memref_squeeze %dma_start3A_125 : memref<1x64xi32, #tpu.memory_space<vmem>> -> memref<64xi32, #tpu.memory_space<vmem>>
      %dma_start3A_127 = arith.constant 0 : i32
      %dma_start3A_128 = tpu.memref_slice %arg3[%run_scoped3A, %add3A, %dma_start3A_127] : memref<2x32x64xi32, #tpu.memory_space<hbm>> -> memref<1x1x64xi32, #tpu.memory_space<hbm>>
      %dma_start3A_129 = tpu.memref_squeeze %dma_start3A_128 : memref<1x1x64xi32, #tpu.memory_space<hbm>> -> memref<64xi32, #tpu.memory_space<hbm>>
      tpu.enqueue_dma source(%dma_start3A_129 : memref<64xi32, #tpu.memory_space<hbm>>) target(%dma_start3A_126 : memref<64xi32, #tpu.memory_space<vmem>>) target_semaphore(%run_scoped3A_117 : memref<!tpu.dma_semaphore, #tpu.memory_space<semaphore_mem>>)
      %dma_wait3A_130 = arith.constant 0 : i32
      %dma_wait3A_131 = tpu.memref_slice %arg6[%run_scoped3A_3, %dma_wait3A_130] : memref<2x64xi32, #tpu.memory_space<vmem>> -> memref<1x64xi32, #tpu.memory_space<vmem>>
      %dma_wait3A_132 = tpu.memref_squeeze %dma_wait3A_131 : memref<1x64xi32, #tpu.memory_space<vmem>> -> memref<64xi32, #tpu.memory_space<vmem>>
      %dma_wait3A_133 = arith.constant 0 : i32
      %dma_wait3A_134 = tpu.memref_slice %arg3[%run_scoped3A, %add3A, %dma_wait3A_133] : memref<2x32x64xi32, #tpu.memory_space<hbm>> -> memref<1x1x64xi32, #tpu.memory_space<hbm>>
      %dma_wait3A_135 = tpu.memref_squeeze %dma_wait3A_134 : memref<1x1x64xi32, #tpu.memory_space<hbm>> -> memref<64xi32, #tpu.memory_space<hbm>>
      %dma_wait3A_136 = arith.constant 0 : i32
      %dma_wait3A_137 = tpu.memref_slice %arg6[%run_scoped3A_3, %dma_wait3A_136] : memref<2x64xi32, #tpu.memory_space<vmem>> -> memref<1x64xi32, #tpu.memory_space<vmem>>
      %dma_wait3A_138 = tpu.memref_squeeze %dma_wait3A_137 : memref<1x64xi32, #tpu.memory_space<vmem>> -> memref<64xi32, #tpu.memory_space<vmem>>
      %dma_wait3A_139 = arith.constant 0 : i32
      %dma_wait3A_140 = tpu.memref_slice %arg3[%run_scoped3A, %add3A, %dma_wait3A_139] : memref<2x32x64xi32, #tpu.memory_space<hbm>> -> memref<1x1x64xi32, #tpu.memory_space<hbm>>
      %dma_wait3A_141 = tpu.memref_squeeze %dma_wait3A_140 : memref<1x1x64xi32, #tpu.memory_space<hbm>> -> memref<64xi32, #tpu.memory_space<hbm>>
      tpu.wait_dma2 semaphore(%run_scoped3A_117 : memref<!tpu.dma_semaphore, #tpu.memory_space<semaphore_mem>>) src(%dma_wait3A_141 : memref<64xi32, #tpu.memory_space<hbm>>) dst(%dma_wait3A_138 : memref<64xi32, #tpu.memory_space<vmem>>)
      tpu.yield
    }) : () -> ()
    %run_scoped3A_4 = arith.constant 1 : i32
    %run_scoped3A_5 = arith.constant 1 : i32
    "tpu.region"() ({
      %run_scoped3A_117 = tpu.sem_alloc : memref<!tpu.dma_semaphore, #tpu.memory_space<semaphore_mem>>
      %dma_start3A_118 = arith.constant 0 : i32
      %dma_start3A_119 = tpu.memref_slice %arg6[%run_scoped3A_5, %dma_start3A_118] : memref<2x64xi32, #tpu.memory_space<vmem>> -> memref<1x64xi32, #tpu.memory_space<vmem>>
      %dma_start3A_120 = tpu.memref_squeeze %dma_start3A_119 : memref<1x64xi32, #tpu.memory_space<vmem>> -> memref<64xi32, #tpu.memory_space<vmem>>
      %dma_start3A_121 = arith.constant 0 : i32
      %dma_start3A_122 = tpu.memref_slice %arg3[%run_scoped3A_4, %add3A, %dma_start3A_121] : memref<2x32x64xi32, #tpu.memory_space<hbm>> -> memref<1x1x64xi32, #tpu.memory_space<hbm>>
      %dma_start3A_123 = tpu.memref_squeeze %dma_start3A_122 : memref<1x1x64xi32, #tpu.memory_space<hbm>> -> memref<64xi32, #tpu.memory_space<hbm>>
      %dma_start3A_124 = arith.constant 0 : i32
      %dma_start3A_125 = tpu.memref_slice %arg6[%run_scoped3A_5, %dma_start3A_124] : memref<2x64xi32, #tpu.memory_space<vmem>> -> memref<1x64xi32, #tpu.memory_space<vmem>>
      %dma_start3A_126 = tpu.memref_squeeze %dma_start3A_125 : memref<1x64xi32, #tpu.memory_space<vmem>> -> memref<64xi32, #tpu.memory_space<vmem>>
      %dma_start3A_127 = arith.constant 0 : i32
      %dma_start3A_128 = tpu.memref_slice %arg3[%run_scoped3A_4, %add3A, %dma_start3A_127] : memref<2x32x64xi32, #tpu.memory_space<hbm>> -> memref<1x1x64xi32, #tpu.memory_space<hbm>>
      %dma_start3A_129 = tpu.memref_squeeze %dma_start3A_128 : memref<1x1x64xi32, #tpu.memory_space<hbm>> -> memref<64xi32, #tpu.memory_space<hbm>>
      tpu.enqueue_dma source(%dma_start3A_129 : memref<64xi32, #tpu.memory_space<hbm>>) target(%dma_start3A_126 : memref<64xi32, #tpu.memory_space<vmem>>) target_semaphore(%run_scoped3A_117 : memref<!tpu.dma_semaphore, #tpu.memory_space<semaphore_mem>>)
      %dma_wait3A_130 = arith.constant 0 : i32
      %dma_wait3A_131 = tpu.memref_slice %arg6[%run_scoped3A_5, %dma_wait3A_130] : memref<2x64xi32, #tpu.memory_space<vmem>> -> memref<1x64xi32, #tpu.memory_space<vmem>>
      %dma_wait3A_132 = tpu.memref_squeeze %dma_wait3A_131 : memref<1x64xi32, #tpu.memory_space<vmem>> -> memref<64xi32, #tpu.memory_space<vmem>>
      %dma_wait3A_133 = arith.constant 0 : i32
      %dma_wait3A_134 = tpu.memref_slice %arg3[%run_scoped3A_4, %add3A, %dma_wait3A_133] : memref<2x32x64xi32, #tpu.memory_space<hbm>> -> memref<1x1x64xi32, #tpu.memory_space<hbm>>
      %dma_wait3A_135 = tpu.memref_squeeze %dma_wait3A_134 : memref<1x1x64xi32, #tpu.memory_space<hbm>> -> memref<64xi32, #tpu.memory_space<hbm>>
      %dma_wait3A_136 = arith.constant 0 : i32
      %dma_wait3A_137 = tpu.memref_slice %arg6[%run_scoped3A_5, %dma_wait3A_136] : memref<2x64xi32, #tpu.memory_space<vmem>> -> memref<1x64xi32, #tpu.memory_space<vmem>>
      %dma_wait3A_138 = tpu.memref_squeeze %dma_wait3A_137 : memref<1x64xi32, #tpu.memory_space<vmem>> -> memref<64xi32, #tpu.memory_space<vmem>>
      %dma_wait3A_139 = arith.constant 0 : i32
      %dma_wait3A_140 = tpu.memref_slice %arg3[%run_scoped3A_4, %add3A, %dma_wait3A_139] : memref<2x32x64xi32, #tpu.memory_space<hbm>> -> memref<1x1x64xi32, #tpu.memory_space<hbm>>
      %dma_wait3A_141 = tpu.memref_squeeze %dma_wait3A_140 : memref<1x1x64xi32, #tpu.memory_space<hbm>> -> memref<64xi32, #tpu.memory_space<hbm>>
      tpu.wait_dma2 semaphore(%run_scoped3A_117 : memref<!tpu.dma_semaphore, #tpu.memory_space<semaphore_mem>>) src(%dma_wait3A_141 : memref<64xi32, #tpu.memory_space<hbm>>) dst(%dma_wait3A_138 : memref<64xi32, #tpu.memory_space<vmem>>)
      tpu.yield
    }) : () -> ()
    "tpu.region"() ({
      %run_scoped3A_117 = tpu.sem_alloc : memref<!tpu.dma_semaphore, #tpu.memory_space<semaphore_mem>>
      %dma_start3A_118 = arith.constant 0 : i32
      %dma_start3A_119 = arith.constant 0 : i32
      %dma_start3A_120 = tpu.memref_slice %arg4[%mul3A_2, %dma_start3A_118, %dma_start3A_119] : memref<2048x2x16xf32, #tpu.memory_space<hbm>> -> memref<64x2x16xf32, #tpu.memory_space<hbm>>
      %dma_start3A_121 = arith.constant 0 : i32
      %dma_start3A_122 = arith.constant 0 : i32
      %dma_start3A_123 = tpu.memref_slice %arg4[%mul3A_2, %dma_start3A_121, %dma_start3A_122] : memref<2048x2x16xf32, #tpu.memory_space<hbm>> -> memref<64x2x16xf32, #tpu.memory_space<hbm>>
      tpu.enqueue_dma source(%dma_start3A_123 : memref<64x2x16xf32, #tpu.memory_space<hbm>>) target(%arg7 : memref<64x2x16xf32, #tpu.memory_space<vmem>>) target_semaphore(%run_scoped3A_117 : memref<!tpu.dma_semaphore, #tpu.memory_space<semaphore_mem>>)
      %dma_wait3A_124 = arith.constant 0 : i32
      %dma_wait3A_125 = arith.constant 0 : i32
      %dma_wait3A_126 = tpu.memref_slice %arg4[%mul3A_2, %dma_wait3A_124, %dma_wait3A_125] : memref<2048x2x16xf32, #tpu.memory_space<hbm>> -> memref<64x2x16xf32, #tpu.memory_space<hbm>>
      %dma_wait3A_127 = arith.constant 0 : i32
      %dma_wait3A_128 = arith.constant 0 : i32
      %dma_wait3A_129 = tpu.memref_slice %arg4[%mul3A_2, %dma_wait3A_127, %dma_wait3A_128] : memref<2048x2x16xf32, #tpu.memory_space<hbm>> -> memref<64x2x16xf32, #tpu.memory_space<hbm>>
      tpu.wait_dma2 semaphore(%run_scoped3A_117 : memref<!tpu.dma_semaphore, #tpu.memory_space<semaphore_mem>>) src(%dma_wait3A_129 : memref<64x2x16xf32, #tpu.memory_space<hbm>>) dst(%arg7 : memref<64x2x16xf32, #tpu.memory_space<vmem>>)
      tpu.yield
    }) : () -> ()
    %dma_start3A = arith.constant 0 : i32
    %dma_start3A_6 = arith.constant 0 : i32
    %dma_start3A_7 = arith.constant 0 : i32
    %dma_start3A_8 = tpu.memref_slice %arg8[%dma_start3A_6, %dma_start3A_7] : memref<64x768xf32, #tpu.memory_space<vmem>> -> memref<32x768xf32, #tpu.memory_space<vmem>>
    %dma_start3A_9 = arith.constant 0 : i32
    %dma_start3A_10 = tpu.memref_slice %arg6[%dma_start3A, %dma_start3A_9] : memref<2x64xi32, #tpu.memory_space<vmem>> -> memref<1x32xi32, #tpu.memory_space<vmem>>
    %dma_start3A_11 = tpu.memref_squeeze %dma_start3A_10 : memref<1x32xi32, #tpu.memory_space<vmem>> -> memref<32xi32, #tpu.memory_space<vmem>>
    %dma_start3A_12 = arith.constant 0 : i32
    %dma_start3A_13 = arith.constant 0 : i32
    %dma_start3A_14 = tpu.memref_slice %arg2[%dma_start3A_12, %dma_start3A_13] : memref<8192x768xf32, #tpu.memory_space<hbm>> -> memref<8192x768xf32, #tpu.memory_space<hbm>>
    tpu.enqueue_indirect_dma source(%dma_start3A_14 : memref<8192x768xf32, #tpu.memory_space<hbm>>) target(%dma_start3A_8 : memref<32x768xf32, #tpu.memory_space<vmem>>) offsets(%dma_start3A_11 : memref<32xi32, #tpu.memory_space<vmem>>) semaphore(%arg10 : memref<!tpu.dma_semaphore, #tpu.memory_space<semaphore_mem>>)
    %dma_start3A_15 = arith.constant 1 : i32
    %dma_start3A_16 = arith.constant 0 : i32
    %dma_start3A_17 = arith.constant 0 : i32
    %dma_start3A_18 = tpu.memref_slice %arg9[%dma_start3A_16, %dma_start3A_17] : memref<64x768xf32, #tpu.memory_space<vmem>> -> memref<32x768xf32, #tpu.memory_space<vmem>>
    %dma_start3A_19 = arith.constant 0 : i32
    %dma_start3A_20 = tpu.memref_slice %arg6[%dma_start3A_15, %dma_start3A_19] : memref<2x64xi32, #tpu.memory_space<vmem>> -> memref<1x32xi32, #tpu.memory_space<vmem>>
    %dma_start3A_21 = tpu.memref_squeeze %dma_start3A_20 : memref<1x32xi32, #tpu.memory_space<vmem>> -> memref<32xi32, #tpu.memory_space<vmem>>
    %dma_start3A_22 = arith.constant 0 : i32
    %dma_start3A_23 = arith.constant 0 : i32
    %dma_start3A_24 = tpu.memref_slice %arg2[%dma_start3A_22, %dma_start3A_23] : memref<8192x768xf32, #tpu.memory_space<hbm>> -> memref<8192x768xf32, #tpu.memory_space<hbm>>
    tpu.enqueue_indirect_dma source(%dma_start3A_24 : memref<8192x768xf32, #tpu.memory_space<hbm>>) target(%dma_start3A_18 : memref<32x768xf32, #tpu.memory_space<vmem>>) offsets(%dma_start3A_21 : memref<32xi32, #tpu.memory_space<vmem>>) semaphore(%arg10 : memref<!tpu.dma_semaphore, #tpu.memory_space<semaphore_mem>>)
    %dma_start3A_25 = arith.constant 0 : i32
    %dma_start3A_26 = arith.constant 32 : i32
    %dma_start3A_27 = arith.constant 0 : i32
    %dma_start3A_28 = tpu.memref_slice %arg8[%dma_start3A_26, %dma_start3A_27] : memref<64x768xf32, #tpu.memory_space<vmem>> -> memref<32x768xf32, #tpu.memory_space<vmem>>
    %dma_start3A_29 = arith.constant 32 : i32
    %dma_start3A_30 = tpu.memref_slice %arg6[%dma_start3A_25, %dma_start3A_29] : memref<2x64xi32, #tpu.memory_space<vmem>> -> memref<1x32xi32, #tpu.memory_space<vmem>>
    %dma_start3A_31 = tpu.memref_squeeze %dma_start3A_30 : memref<1x32xi32, #tpu.memory_space<vmem>> -> memref<32xi32, #tpu.memory_space<vmem>>
    %dma_start3A_32 = arith.constant 0 : i32
    %dma_start3A_33 = arith.constant 0 : i32
    %dma_start3A_34 = tpu.memref_slice %arg2[%dma_start3A_32, %dma_start3A_33] : memref<8192x768xf32, #tpu.memory_space<hbm>> -> memref<8192x768xf32, #tpu.memory_space<hbm>>
    tpu.enqueue_indirect_dma source(%dma_start3A_34 : memref<8192x768xf32, #tpu.memory_space<hbm>>) target(%dma_start3A_28 : memref<32x768xf32, #tpu.memory_space<vmem>>) offsets(%dma_start3A_31 : memref<32xi32, #tpu.memory_space<vmem>>) semaphore(%arg10 : memref<!tpu.dma_semaphore, #tpu.memory_space<semaphore_mem>>)
    %dma_start3A_35 = arith.constant 1 : i32
    %dma_start3A_36 = arith.constant 32 : i32
    %dma_start3A_37 = arith.constant 0 : i32
    %dma_start3A_38 = tpu.memref_slice %arg9[%dma_start3A_36, %dma_start3A_37] : memref<64x768xf32, #tpu.memory_space<vmem>> -> memref<32x768xf32, #tpu.memory_space<vmem>>
    %dma_start3A_39 = arith.constant 32 : i32
    %dma_start3A_40 = tpu.memref_slice %arg6[%dma_start3A_35, %dma_start3A_39] : memref<2x64xi32, #tpu.memory_space<vmem>> -> memref<1x32xi32, #tpu.memory_space<vmem>>
    %dma_start3A_41 = tpu.memref_squeeze %dma_start3A_40 : memref<1x32xi32, #tpu.memory_space<vmem>> -> memref<32xi32, #tpu.memory_space<vmem>>
    %dma_start3A_42 = arith.constant 0 : i32
    %dma_start3A_43 = arith.constant 0 : i32
    %dma_start3A_44 = tpu.memref_slice %arg2[%dma_start3A_42, %dma_start3A_43] : memref<8192x768xf32, #tpu.memory_space<hbm>> -> memref<8192x768xf32, #tpu.memory_space<hbm>>
    tpu.enqueue_indirect_dma source(%dma_start3A_44 : memref<8192x768xf32, #tpu.memory_space<hbm>>) target(%dma_start3A_38 : memref<32x768xf32, #tpu.memory_space<vmem>>) offsets(%dma_start3A_41 : memref<32xi32, #tpu.memory_space<vmem>>) semaphore(%arg10 : memref<!tpu.dma_semaphore, #tpu.memory_space<semaphore_mem>>)
    %dma_wait3A = arith.constant 0 : i32
    %dma_wait3A_45 = arith.constant 0 : i32
    %dma_wait3A_46 = arith.constant 0 : i32
    %dma_wait3A_47 = tpu.memref_slice %arg8[%dma_wait3A_45, %dma_wait3A_46] : memref<64x768xf32, #tpu.memory_space<vmem>> -> memref<32x768xf32, #tpu.memory_space<vmem>>
    %dma_wait3A_48 = arith.constant 0 : i32
    %dma_wait3A_49 = tpu.memref_slice %arg6[%dma_wait3A, %dma_wait3A_48] : memref<2x64xi32, #tpu.memory_space<vmem>> -> memref<1x32xi32, #tpu.memory_space<vmem>>
    %dma_wait3A_50 = tpu.memref_squeeze %dma_wait3A_49 : memref<1x32xi32, #tpu.memory_space<vmem>> -> memref<32xi32, #tpu.memory_space<vmem>>
    %dma_wait3A_51 = arith.constant 0 : i32
    %dma_wait3A_52 = arith.constant 0 : i32
    %dma_wait3A_53 = tpu.memref_slice %arg2[%dma_wait3A_51, %dma_wait3A_52] : memref<8192x768xf32, #tpu.memory_space<hbm>> -> memref<8192x768xf32, #tpu.memory_space<hbm>>
    tpu.wait_indirect_dma semaphore(%arg10 : memref<!tpu.dma_semaphore, #tpu.memory_space<semaphore_mem>>) src(%dma_wait3A_53 : memref<8192x768xf32, #tpu.memory_space<hbm>>) dst(%dma_wait3A_47 : memref<32x768xf32, #tpu.memory_space<vmem>>)
    %dma_wait3A_54 = arith.constant 1 : i32
    %dma_wait3A_55 = arith.constant 0 : i32
    %dma_wait3A_56 = arith.constant 0 : i32
    %dma_wait3A_57 = tpu.memref_slice %arg9[%dma_wait3A_55, %dma_wait3A_56] : memref<64x768xf32, #tpu.memory_space<vmem>> -> memref<32x768xf32, #tpu.memory_space<vmem>>
    %dma_wait3A_58 = arith.constant 0 : i32
    %dma_wait3A_59 = tpu.memref_slice %arg6[%dma_wait3A_54, %dma_wait3A_58] : memref<2x64xi32, #tpu.memory_space<vmem>> -> memref<1x32xi32, #tpu.memory_space<vmem>>
    %dma_wait3A_60 = tpu.memref_squeeze %dma_wait3A_59 : memref<1x32xi32, #tpu.memory_space<vmem>> -> memref<32xi32, #tpu.memory_space<vmem>>
    %dma_wait3A_61 = arith.constant 0 : i32
    %dma_wait3A_62 = arith.constant 0 : i32
    %dma_wait3A_63 = tpu.memref_slice %arg2[%dma_wait3A_61, %dma_wait3A_62] : memref<8192x768xf32, #tpu.memory_space<hbm>> -> memref<8192x768xf32, #tpu.memory_space<hbm>>
    tpu.wait_indirect_dma semaphore(%arg10 : memref<!tpu.dma_semaphore, #tpu.memory_space<semaphore_mem>>) src(%dma_wait3A_63 : memref<8192x768xf32, #tpu.memory_space<hbm>>) dst(%dma_wait3A_57 : memref<32x768xf32, #tpu.memory_space<vmem>>)
    %scan3A = arith.constant 0 : i32
    %scan3A_64 = arith.constant 0 : i32
    %scan3A_65 = arith.constant 32 : i32
    %scan3A_66 = arith.addi %scan3A_64, %scan3A_65 : i32
    %scan3A_67 = arith.constant 1 : i32
    scf.for %scan3A_117 = %scan3A_64 to %scan3A_66 step %scan3A_67  : i32 {
      %get3A = arith.constant 0 : i32
      %get3A_118 = arith.index_cast %scan3A_117 : i32 to index
      %get3A_119 = arith.index_cast %get3A : i32 to index
      %get3A_120 = arith.constant 0 : index
      %get3A_121 = tpu.vector_load %arg7[%get3A_118, %get3A_119, %get3A_120] {strides = array<i32>} : memref<64x2x16xf32, #tpu.memory_space<vmem>>, vector<1x1x16xf32>,
      %get3A_122 = vector.shape_cast %get3A_121 : vector<1x1x16xf32> to vector<16xf32>
      %get3A_123 = arith.constant 1 : i32
      %get3A_124 = arith.index_cast %scan3A_117 : i32 to index
      %get3A_125 = arith.index_cast %get3A_123 : i32 to index
      %get3A_126 = arith.constant 0 : index
      %get3A_127 = tpu.vector_load %arg7[%get3A_124, %get3A_125, %get3A_126] {strides = array<i32>} : memref<64x2x16xf32, #tpu.memory_space<vmem>>, vector<1x1x16xf32>,
      %get3A_128 = vector.shape_cast %get3A_127 : vector<1x1x16xf32> to vector<16xf32>
      %get3A_129 = arith.index_cast %scan3A_117 : i32 to index
      %get3A_130 = arith.constant 0 : index
      %get3A_131 = tpu.vector_load %arg8[%get3A_129, %get3A_130] {strides = array<i32>} : memref<64x768xf32, #tpu.memory_space<vmem>>, vector<1x16xf32>,
      %get3A_132 = vector.shape_cast %get3A_131 : vector<1x16xf32> to vector<16xf32>
      %mul3A_133 = arith.mulf %get3A_132, %get3A_122 : vector<16xf32>
      %get3A_134 = arith.index_cast %scan3A_117 : i32 to index
      %get3A_135 = arith.constant 0 : index
      %get3A_136 = tpu.vector_load %arg9[%get3A_134, %get3A_135] {strides = array<i32>} : memref<64x768xf32, #tpu.memory_space<vmem>>, vector<1x16xf32>,
      %get3A_137 = vector.shape_cast %get3A_136 : vector<1x16xf32> to vector<16xf32>
      %mul3A_138 = arith.mulf %get3A_137, %get3A_128 : vector<16xf32>
      %add3A_139 = arith.addf %mul3A_133, %mul3A_138 : vector<16xf32>
      %swap3A = arith.index_cast %scan3A_117 : i32 to index
      %swap3A_140 = arith.constant 0 : index
      %swap3A_141 = tpu.vector_load %arg8[%swap3A, %swap3A_140] {strides = array<i32>} : memref<64x768xf32, #tpu.memory_space<vmem>>, vector<1x16xf32>,
      %swap3A_142 = vector.shape_cast %swap3A_141 : vector<1x16xf32> to vector<16xf32>
      %swap3A_143 = vector.shape_cast %add3A_139 : vector<16xf32> to vector<1x16xf32>
      tpu.vector_store %arg8[%swap3A, %swap3A_140], %swap3A_143 {strides = array<i32>} : memref<64x768xf32, #tpu.memory_space<vmem>>, vector<1x16xf32>,
      %get3A_144 = arith.index_cast %scan3A_117 : i32 to index
      %get3A_145 = arith.constant 16 : index
      %get3A_146 = tpu.vector_load %arg8[%get3A_144, %get3A_145] {strides = array<i32>} : memref<64x768xf32, #tpu.memory_space<vmem>>, vector<1x16xf32>,
      %get3A_147 = vector.shape_cast %get3A_146 : vector<1x16xf32> to vector<16xf32>
      %mul3A_148 = arith.mulf %get3A_147, %get3A_122 : vector<16xf32>
      %get3A_149 = arith.index_cast %scan3A_117 : i32 to index
      %get3A_150 = arith.constant 16 : index
      %get3A_151 = tpu.vector_load %arg9[%get3A_149, %get3A_150] {strides = array<i32>} : memref<64x768xf32, #tpu.memory_space<vmem>>, vector<1x16xf32>,
      %get3A_152 = vector.shape_cast %get3A_151 : vector<1x16xf32> to vector<16xf32>
      %mul3A_153 = arith.mulf %get3A_152, %get3A_128 : vector<16xf32>
      %add3A_154 = arith.addf %mul3A_148, %mul3A_153 : vector<16xf32>
      %swap3A_155 = arith.index_cast %scan3A_117 : i32 to index
      %swap3A_156 = arith.constant 16 : index
      %swap3A_157 = tpu.vector_load %arg8[%swap3A_155, %swap3A_156] {strides = array<i32>} : memref<64x768xf32, #tpu.memory_space<vmem>>, vector<1x16xf32>,
      %swap3A_158 = vector.shape_cast %swap3A_157 : vector<1x16xf32> to vector<16xf32>
      %swap3A_159 = vector.shape_cast %add3A_154 : vector<16xf32> to vector<1x16xf32>
      tpu.vector_store %arg8[%swap3A_155, %swap3A_156], %swap3A_159 {strides = array<i32>} : memref<64x768xf32, #tpu.memory_space<vmem>>, vector<1x16xf32>,
      %get3A_160 = arith.index_cast %scan3A_117 : i32 to index
      %get3A_161 = arith.constant 32 : index
      %get3A_162 = tpu.vector_load %arg8[%get3A_160, %get3A_161] {strides = array<i32>} : memref<64x768xf32, #tpu.memory_space<vmem>>, vector<1x16xf32>,
      %get3A_163 = vector.shape_cast %get3A_162 : vector<1x16xf32> to vector<16xf32>
      %mul3A_164 = arith.mulf %get3A_163, %get3A_122 : vector<16xf32>
      %get3A_165 = arith.index_cast %scan3A_117 : i32 to index
      %get3A_166 = arith.constant 32 : index
      %get3A_167 = tpu.vector_load %arg9[%get3A_165, %get3A_166] {strides = array<i32>} : memref<64x768xf32, #tpu.memory_space<vmem>>, vector<1x16xf32>,
      %get3A_168 = vector.shape_cast %get3A_167 : vector<1x16xf32> to vector<16xf32>
      %mul3A_169 = arith.mulf %get3A_168, %get3A_128 : vector<16xf32>
      %add3A_170 = arith.addf %mul3A_164, %mul3A_169 : vector<16xf32>
      %swap3A_171 = arith.index_cast %scan3A_117 : i32 to index
      %swap3A_172 = arith.constant 32 : index
      %swap3A_173 = tpu.vector_load %arg8[%swap3A_171, %swap3A_172] {strides = array<i32>} : memref<64x768xf32, #tpu.memory_space<vmem>>, vector<1x16xf32>,
      %swap3A_174 = vector.shape_cast %swap3A_173 : vector<1x16xf32> to vector<16xf32>
      %swap3A_175 = vector.shape_cast %add3A_170 : vector<16xf32> to vector<1x16xf32>
      tpu.vector_store %arg8[%swap3A_171, %swap3A_172], %swap3A_175 {strides = array<i32>} : memref<64x768xf32, #tpu.memory_space<vmem>>, vector<1x16xf32>,
      %get3A_176 = arith.index_cast %scan3A_117 : i32 to index
      %get3A_177 = arith.constant 48 : index
      %get3A_178 = tpu.vector_load %arg8[%get3A_176, %get3A_177] {strides = array<i32>} : memref<64x768xf32, #tpu.memory_space<vmem>>, vector<1x16xf32>,
      %get3A_179 = vector.shape_cast %get3A_178 : vector<1x16xf32> to vector<16xf32>
      %mul3A_180 = arith.mulf %get3A_179, %get3A_122 : vector<16xf32>
      %get3A_181 = arith.index_cast %scan3A_117 : i32 to index
      %get3A_182 = arith.constant 48 : index
      %get3A_183 = tpu.vector_load %arg9[%get3A_181, %get3A_182] {strides = array<i32>} : memref<64x768xf32, #tpu.memory_space<vmem>>, vector<1x16xf32>,
      %get3A_184 = vector.shape_cast %get3A_183 : vector<1x16xf32> to vector<16xf32>
      %mul3A_185 = arith.mulf %get3A_184, %get3A_128 : vector<16xf32>
      %add3A_186 = arith.addf %mul3A_180, %mul3A_185 : vector<16xf32>
      %swap3A_187 = arith.index_cast %scan3A_117 : i32 to index
      %swap3A_188 = arith.constant 48 : index
      %swap3A_189 = tpu.vector_load %arg8[%swap3A_187, %swap3A_188] {strides = array<i32>} : memref<64x768xf32, #tpu.memory_space<vmem>>, vector<1x16xf32>,
      %swap3A_190 = vector.shape_cast %swap3A_189 : vector<1x16xf32> to vector<16xf32>
      %swap3A_191 = vector.shape_cast %add3A_186 : vector<16xf32> to vector<1x16xf32>
      tpu.vector_store %arg8[%swap3A_187, %swap3A_188], %swap3A_191 {strides = array<i32>} : memref<64x768xf32, #tpu.memory_space<vmem>>, vector<1x16xf32>,
      %get3A_192 = arith.index_cast %scan3A_117 : i32 to index
      %get3A_193 = arith.constant 64 : index
      %get3A_194 = tpu.vector_load %arg8[%get3A_192, %get3A_193] {strides = array<i32>} : memref<64x768xf32, #tpu.memory_space<vmem>>, vector<1x16xf32>,
      %get3A_195 = vector.shape_cast %get3A_194 : vector<1x16xf32> to vector<16xf32>
      %mul3A_196 = arith.mulf %get3A_195, %get3A_122 : vector<16xf32>
      %get3A_197 = arith.index_cast %scan3A_117 : i32 to index
      %get3A_198 = arith.constant 64 : index
      %get3A_199 = tpu.vector_load %arg9[%get3A_197, %get3A_198] {strides = array<i32>} : memref<64x768xf32, #tpu.memory_space<vmem>>, vector<1x16xf32>,
      %get3A_200 = vector.shape_cast %get3A_199 : vector<1x16xf32> to vector<16xf32>
      %mul3A_201 = arith.mulf %get3A_200, %get3A_128 : vector<16xf32>
      %add3A_202 = arith.addf %mul3A_196, %mul3A_201 : vector<16xf32>
      %swap3A_203 = arith.index_cast %scan3A_117 : i32 to index
      %swap3A_204 = arith.constant 64 : index
      %swap3A_205 = tpu.vector_load %arg8[%swap3A_203, %swap3A_204] {strides = array<i32>} : memref<64x768xf32, #tpu.memory_space<vmem>>, vector<1x16xf32>,
      %swap3A_206 = vector.shape_cast %swap3A_205 : vector<1x16xf32> to vector<16xf32>
      %swap3A_207 = vector.shape_cast %add3A_202 : vector<16xf32> to vector<1x16xf32>
      tpu.vector_store %arg8[%swap3A_203, %swap3A_204], %swap3A_207 {strides = array<i32>} : memref<64x768xf32, #tpu.memory_space<vmem>>, vector<1x16xf32>,
      %get3A_208 = arith.index_cast %scan3A_117 : i32 to index
      %get3A_209 = arith.constant 80 : index
      %get3A_210 = tpu.vector_load %arg8[%get3A_208, %get3A_209] {strides = array<i32>} : memref<64x768xf32, #tpu.memory_space<vmem>>, vector<1x16xf32>,
      %get3A_211 = vector.shape_cast %get3A_210 : vector<1x16xf32> to vector<16xf32>
      %mul3A_212 = arith.mulf %get3A_211, %get3A_122 : vector<16xf32>
      %get3A_213 = arith.index_cast %scan3A_117 : i32 to index
      %get3A_214 = arith.constant 80 : index
      %get3A_215 = tpu.vector_load %arg9[%get3A_213, %get3A_214] {strides = array<i32>} : memref<64x768xf32, #tpu.memory_space<vmem>>, vector<1x16xf32>,
      %get3A_216 = vector.shape_cast %get3A_215 : vector<1x16xf32> to vector<16xf32>
      %mul3A_217 = arith.mulf %get3A_216, %get3A_128 : vector<16xf32>
      %add3A_218 = arith.addf %mul3A_212, %mul3A_217 : vector<16xf32>
      %swap3A_219 = arith.index_cast %scan3A_117 : i32 to index
      %swap3A_220 = arith.constant 80 : index
      %swap3A_221 = tpu.vector_load %arg8[%swap3A_219, %swap3A_220] {strides = array<i32>} : memref<64x768xf32, #tpu.memory_space<vmem>>, vector<1x16xf32>,
      %swap3A_222 = vector.shape_cast %swap3A_221 : vector<1x16xf32> to vector<16xf32>
      %swap3A_223 = vector.shape_cast %add3A_218 : vector<16xf32> to vector<1x16xf32>
      tpu.vector_store %arg8[%swap3A_219, %swap3A_220], %swap3A_223 {strides = array<i32>} : memref<64x768xf32, #tpu.memory_space<vmem>>, vector<1x16xf32>,
      %get3A_224 = arith.index_cast %scan3A_117 : i32 to index
      %get3A_225 = arith.constant 96 : index
      %get3A_226 = tpu.vector_load %arg8[%get3A_224, %get3A_225] {strides = array<i32>} : memref<64x768xf32, #tpu.memory_space<vmem>>, vector<1x16xf32>,
      %get3A_227 = vector.shape_cast %get3A_226 : vector<1x16xf32> to vector<16xf32>
      %mul3A_228 = arith.mulf %get3A_227, %get3A_122 : vector<16xf32>
      %get3A_229 = arith.index_cast %scan3A_117 : i32 to index
      %get3A_230 = arith.constant 96 : index
      %get3A_231 = tpu.vector_load %arg9[%get3A_229, %get3A_230] {strides = array<i32>} : memref<64x768xf32, #tpu.memory_space<vmem>>, vector<1x16xf32>,
      %get3A_232 = vector.shape_cast %get3A_231 : vector<1x16xf32> to vector<16xf32>
      %mul3A_233 = arith.mulf %get3A_232, %get3A_128 : vector<16xf32>
      %add3A_234 = arith.addf %mul3A_228, %mul3A_233 : vector<16xf32>
      %swap3A_235 = arith.index_cast %scan3A_117 : i32 to index
      %swap3A_236 = arith.constant 96 : index
      %swap3A_237 = tpu.vector_load %arg8[%swap3A_235, %swap3A_236] {strides = array<i32>} : memref<64x768xf32, #tpu.memory_space<vmem>>, vector<1x16xf32>,
      %swap3A_238 = vector.shape_cast %swap3A_237 : vector<1x16xf32> to vector<16xf32>
      %swap3A_239 = vector.shape_cast %add3A_234 : vector<16xf32> to vector<1x16xf32>
      tpu.vector_store %arg8[%swap3A_235, %swap3A_236], %swap3A_239 {strides = array<i32>} : memref<64x768xf32, #tpu.memory_space<vmem>>, vector<1x16xf32>,
      %get3A_240 = arith.index_cast %scan3A_117 : i32 to index
      %get3A_241 = arith.constant 112 : index
      %get3A_242 = tpu.vector_load %arg8[%get3A_240, %get3A_241] {strides = array<i32>} : memref<64x768xf32, #tpu.memory_space<vmem>>, vector<1x16xf32>,
      %get3A_243 = vector.shape_cast %get3A_242 : vector<1x16xf32> to vector<16xf32>
      %mul3A_244 = arith.mulf %get3A_243, %get3A_122 : vector<16xf32>
      %get3A_245 = arith.index_cast %scan3A_117 : i32 to index
      %get3A_246 = arith.constant 112 : index
      %get3A_247 = tpu.vector_load %arg9[%get3A_245, %get3A_246] {strides = array<i32>} : memref<64x768xf32, #tpu.memory_space<vmem>>, vector<1x16xf32>,
      %get3A_248 = vector.shape_cast %get3A_247 : vector<1x16xf32> to vector<16xf32>
      %mul3A_249 = arith.mulf %get3A_248, %get3A_128 : vector<16xf32>
      %add3A_250 = arith.addf %mul3A_244, %mul3A_249 : vector<16xf32>
      %swap3A_251 = arith.index_cast %scan3A_117 : i32 to index
      %swap3A_252 = arith.constant 112 : index
      %swap3A_253 = tpu.vector_load %arg8[%swap3A_251, %swap3A_252] {strides = array<i32>} : memref<64x768xf32, #tpu.memory_space<vmem>>, vector<1x16xf32>,
      %swap3A_254 = vector.shape_cast %swap3A_253 : vector<1x16xf32> to vector<16xf32>
      %swap3A_255 = vector.shape_cast %add3A_250 : vector<16xf32> to vector<1x16xf32>
      tpu.vector_store %arg8[%swap3A_251, %swap3A_252], %swap3A_255 {strides = array<i32>} : memref<64x768xf32, #tpu.memory_space<vmem>>, vector<1x16xf32>,
      %get3A_256 = arith.index_cast %scan3A_117 : i32 to index
      %get3A_257 = arith.constant 128 : index
      %get3A_258 = tpu.vector_load %arg8[%get3A_256, %get3A_257] {strides = array<i32>} : memref<64x768xf32, #tpu.memory_space<vmem>>, vector<1x16xf32>,
      %get3A_259 = vector.shape_cast %get3A_258 : vector<1x16xf32> to vector<16xf32>
      %mul3A_260 = arith.mulf %get3A_259, %get3A_122 : vector<16xf32>
      %get3A_261 = arith.index_cast %scan3A_117 : i32 to index
      %get3A_262 = arith.constant 128 : index
      %get3A_263 = tpu.vector_load %arg9[%get3A_261, %get3A_262] {strides = array<i32>} : memref<64x768xf32, #tpu.memory_space<vmem>>, vector<1x16xf32>,
      %get3A_264 = vector.shape_cast %get3A_263 : vector<1x16xf32> to vector<16xf32>
      %mul3A_265 = arith.mulf %get3A_264, %get3A_128 : vector<16xf32>
      %add3A_266 = arith.addf %mul3A_260, %mul3A_265 : vector<16xf32>
      %swap3A_267 = arith.index_cast %scan3A_117 : i32 to index
      %swap3A_268 = arith.constant 128 : index
      %swap3A_269 = tpu.vector_load %arg8[%swap3A_267, %swap3A_268] {strides = array<i32>} : memref<64x768xf32, #tpu.memory_space<vmem>>, vector<1x16xf32>,
      %swap3A_270 = vector.shape_cast %swap3A_269 : vector<1x16xf32> to vector<16xf32>
      %swap3A_271 = vector.shape_cast %add3A_266 : vector<16xf32> to vector<1x16xf32>
      tpu.vector_store %arg8[%swap3A_267, %swap3A_268], %swap3A_271 {strides = array<i32>} : memref<64x768xf32, #tpu.memory_space<vmem>>, vector<1x16xf32>,
      %get3A_272 = arith.index_cast %scan3A_117 : i32 to index
      %get3A_273 = arith.constant 144 : index
      %get3A_274 = tpu.vector_load %arg8[%get3A_272, %get3A_273] {strides = array<i32>} : memref<64x768xf32, #tpu.memory_space<vmem>>, vector<1x16xf32>,
      %get3A_275 = vector.shape_cast %get3A_274 : vector<1x16xf32> to vector<16xf32>
      %mul3A_276 = arith.mulf %get3A_275, %get3A_122 : vector<16xf32>
      %get3A_277 = arith.index_cast %scan3A_117 : i32 to index
      %get3A_278 = arith.constant 144 : index
      %get3A_279 = tpu.vector_load %arg9[%get3A_277, %get3A_278] {strides = array<i32>} : memref<64x768xf32, #tpu.memory_space<vmem>>, vector<1x16xf32>,
      %get3A_280 = vector.shape_cast %get3A_279 : vector<1x16xf32> to vector<16xf32>
      %mul3A_281 = arith.mulf %get3A_280, %get3A_128 : vector<16xf32>
      %add3A_282 = arith.addf %mul3A_276, %mul3A_281 : vector<16xf32>
      %swap3A_283 = arith.index_cast %scan3A_117 : i32 to index
      %swap3A_284 = arith.constant 144 : index
      %swap3A_285 = tpu.vector_load %arg8[%swap3A_283, %swap3A_284] {strides = array<i32>} : memref<64x768xf32, #tpu.memory_space<vmem>>, vector<1x16xf32>,
      %swap3A_286 = vector.shape_cast %swap3A_285 : vector<1x16xf32> to vector<16xf32>
      %swap3A_287 = vector.shape_cast %add3A_282 : vector<16xf32> to vector<1x16xf32>
      tpu.vector_store %arg8[%swap3A_283, %swap3A_284], %swap3A_287 {strides = array<i32>} : memref<64x768xf32, #tpu.memory_space<vmem>>, vector<1x16xf32>,
      %get3A_288 = arith.index_cast %scan3A_117 : i32 to index
      %get3A_289 = arith.constant 160 : index
      %get3A_290 = tpu.vector_load %arg8[%get3A_288, %get3A_289] {strides = array<i32>} : memref<64x768xf32, #tpu.memory_space<vmem>>, vector<1x16xf32>,
      %get3A_291 = vector.shape_cast %get3A_290 : vector<1x16xf32> to vector<16xf32>
      %mul3A_292 = arith.mulf %get3A_291, %get3A_122 : vector<16xf32>
      %get3A_293 = arith.index_cast %scan3A_117 : i32 to index
      %get3A_294 = arith.constant 160 : index
      %get3A_295 = tpu.vector_load %arg9[%get3A_293, %get3A_294] {strides = array<i32>} : memref<64x768xf32, #tpu.memory_space<vmem>>, vector<1x16xf32>,
      %get3A_296 = vector.shape_cast %get3A_295 : vector<1x16xf32> to vector<16xf32>
      %mul3A_297 = arith.mulf %get3A_296, %get3A_128 : vector<16xf32>
      %add3A_298 = arith.addf %mul3A_292, %mul3A_297 : vector<16xf32>
      %swap3A_299 = arith.index_cast %scan3A_117 : i32 to index
      %swap3A_300 = arith.constant 160 : index
      %swap3A_301 = tpu.vector_load %arg8[%swap3A_299, %swap3A_300] {strides = array<i32>} : memref<64x768xf32, #tpu.memory_space<vmem>>, vector<1x16xf32>,
      %swap3A_302 = vector.shape_cast %swap3A_301 : vector<1x16xf32> to vector<16xf32>
      %swap3A_303 = vector.shape_cast %add3A_298 : vector<16xf32> to vector<1x16xf32>
      tpu.vector_store %arg8[%swap3A_299, %swap3A_300], %swap3A_303 {strides = array<i32>} : memref<64x768xf32, #tpu.memory_space<vmem>>, vector<1x16xf32>,
      %get3A_304 = arith.index_cast %scan3A_117 : i32 to index
      %get3A_305 = arith.constant 176 : index
      %get3A_306 = tpu.vector_load %arg8[%get3A_304, %get3A_305] {strides = array<i32>} : memref<64x768xf32, #tpu.memory_space<vmem>>, vector<1x16xf32>,
      %get3A_307 = vector.shape_cast %get3A_306 : vector<1x16xf32> to vector<16xf32>
      %mul3A_308 = arith.mulf %get3A_307, %get3A_122 : vector<16xf32>
      %get3A_309 = arith.index_cast %scan3A_117 : i32 to index
      %get3A_310 = arith.constant 176 : index
      %get3A_311 = tpu.vector_load %arg9[%get3A_309, %get3A_310] {strides = array<i32>} : memref<64x768xf32, #tpu.memory_space<vmem>>, vector<1x16xf32>,
      %get3A_312 = vector.shape_cast %get3A_311 : vector<1x16xf32> to vector<16xf32>
      %mul3A_313 = arith.mulf %get3A_312, %get3A_128 : vector<16xf32>
      %add3A_314 = arith.addf %mul3A_308, %mul3A_313 : vector<16xf32>
      %swap3A_315 = arith.index_cast %scan3A_117 : i32 to index
      %swap3A_316 = arith.constant 176 : index
      %swap3A_317 = tpu.vector_load %arg8[%swap3A_315, %swap3A_316] {strides = array<i32>} : memref<64x768xf32, #tpu.memory_space<vmem>>, vector<1x16xf32>,
      %swap3A_318 = vector.shape_cast %swap3A_317 : vector<1x16xf32> to vector<16xf32>
      %swap3A_319 = vector.shape_cast %add3A_314 : vector<16xf32> to vector<1x16xf32>
      tpu.vector_store %arg8[%swap3A_315, %swap3A_316], %swap3A_319 {strides = array<i32>} : memref<64x768xf32, #tpu.memory_space<vmem>>, vector<1x16xf32>,
      %get3A_320 = arith.index_cast %scan3A_117 : i32 to index
      %get3A_321 = arith.constant 192 : index
      %get3A_322 = tpu.vector_load %arg8[%get3A_320, %get3A_321] {strides = array<i32>} : memref<64x768xf32, #tpu.memory_space<vmem>>, vector<1x16xf32>,
      %get3A_323 = vector.shape_cast %get3A_322 : vector<1x16xf32> to vector<16xf32>
      %mul3A_324 = arith.mulf %get3A_323, %get3A_122 : vector<16xf32>
      %get3A_325 = arith.index_cast %scan3A_117 : i32 to index
      %get3A_326 = arith.constant 192 : index
      %get3A_327 = tpu.vector_load %arg9[%get3A_325, %get3A_326] {strides = array<i32>} : memref<64x768xf32, #tpu.memory_space<vmem>>, vector<1x16xf32>,
      %get3A_328 = vector.shape_cast %get3A_327 : vector<1x16xf32> to vector<16xf32>
      %mul3A_329 = arith.mulf %get3A_328, %get3A_128 : vector<16xf32>
      %add3A_330 = arith.addf %mul3A_324, %mul3A_329 : vector<16xf32>
      %swap3A_331 = arith.index_cast %scan3A_117 : i32 to index
      %swap3A_332 = arith.constant 192 : index
      %swap3A_333 = tpu.vector_load %arg8[%swap3A_331, %swap3A_332] {strides = array<i32>} : memref<64x768xf32, #tpu.memory_space<vmem>>, vector<1x16xf32>,
      %swap3A_334 = vector.shape_cast %swap3A_333 : vector<1x16xf32> to vector<16xf32>
      %swap3A_335 = vector.shape_cast %add3A_330 : vector<16xf32> to vector<1x16xf32>
      tpu.vector_store %arg8[%swap3A_331, %swap3A_332], %swap3A_335 {strides = array<i32>} : memref<64x768xf32, #tpu.memory_space<vmem>>, vector<1x16xf32>,
      %get3A_336 = arith.index_cast %scan3A_117 : i32 to index
      %get3A_337 = arith.constant 208 : index
      %get3A_338 = tpu.vector_load %arg8[%get3A_336, %get3A_337] {strides = array<i32>} : memref<64x768xf32, #tpu.memory_space<vmem>>, vector<1x16xf32>,
      %get3A_339 = vector.shape_cast %get3A_338 : vector<1x16xf32> to vector<16xf32>
      %mul3A_340 = arith.mulf %get3A_339, %get3A_122 : vector<16xf32>
      %get3A_341 = arith.index_cast %scan3A_117 : i32 to index
      %get3A_342 = arith.constant 208 : index
      %get3A_343 = tpu.vector_load %arg9[%get3A_341, %get3A_342] {strides = array<i32>} : memref<64x768xf32, #tpu.memory_space<vmem>>, vector<1x16xf32>,
      %get3A_344 = vector.shape_cast %get3A_343 : vector<1x16xf32> to vector<16xf32>
      %mul3A_345 = arith.mulf %get3A_344, %get3A_128 : vector<16xf32>
      %add3A_346 = arith.addf %mul3A_340, %mul3A_345 : vector<16xf32>
      %swap3A_347 = arith.index_cast %scan3A_117 : i32 to index
      %swap3A_348 = arith.constant 208 : index
      %swap3A_349 = tpu.vector_load %arg8[%swap3A_347, %swap3A_348] {strides = array<i32>} : memref<64x768xf32, #tpu.memory_space<vmem>>, vector<1x16xf32>,
      %swap3A_350 = vector.shape_cast %swap3A_349 : vector<1x16xf32> to vector<16xf32>
      %swap3A_351 = vector.shape_cast %add3A_346 : vector<16xf32> to vector<1x16xf32>
      tpu.vector_store %arg8[%swap3A_347, %swap3A_348], %swap3A_351 {strides = array<i32>} : memref<64x768xf32, #tpu.memory_space<vmem>>, vector<1x16xf32>,
      %get3A_352 = arith.index_cast %scan3A_117 : i32 to index
      %get3A_353 = arith.constant 224 : index
      %get3A_354 = tpu.vector_load %arg8[%get3A_352, %get3A_353] {strides = array<i32>} : memref<64x768xf32, #tpu.memory_space<vmem>>, vector<1x16xf32>,
      %get3A_355 = vector.shape_cast %get3A_354 : vector<1x16xf32> to vector<16xf32>
      %mul3A_356 = arith.mulf %get3A_355, %get3A_122 : vector<16xf32>
      %get3A_357 = arith.index_cast %scan3A_117 : i32 to index
      %get3A_358 = arith.constant 224 : index
      %get3A_359 = tpu.vector_load %arg9[%get3A_357, %get3A_358] {strides = array<i32>} : memref<64x768xf32, #tpu.memory_space<vmem>>, vector<1x16xf32>,
      %get3A_360 = vector.shape_cast %get3A_359 : vector<1x16xf32> to vector<16xf32>
      %mul3A_361 = arith.mulf %get3A_360, %get3A_128 : vector<16xf32>
      %add3A_362 = arith.addf %mul3A_356, %mul3A_361 : vector<16xf32>
      %swap3A_363 = arith.index_cast %scan3A_117 : i32 to index
      %swap3A_364 = arith.constant 224 : index
      %swap3A_365 = tpu.vector_load %arg8[%swap3A_363, %swap3A_364] {strides = array<i32>} : memref<64x768xf32, #tpu.memory_space<vmem>>, vector<1x16xf32>,
      %swap3A_366 = vector.shape_cast %swap3A_365 : vector<1x16xf32> to vector<16xf32>
      %swap3A_367 = vector.shape_cast %add3A_362 : vector<16xf32> to vector<1x16xf32>
      tpu.vector_store %arg8[%swap3A_363, %swap3A_364], %swap3A_367 {strides = array<i32>} : memref<64x768xf32, #tpu.memory_space<vmem>>, vector<1x16xf32>,
      %get3A_368 = arith.index_cast %scan3A_117 : i32 to index
      %get3A_369 = arith.constant 240 : index
      %get3A_370 = tpu.vector_load %arg8[%get3A_368, %get3A_369] {strides = array<i32>} : memref<64x768xf32, #tpu.memory_space<vmem>>, vector<1x16xf32>,
      %get3A_371 = vector.shape_cast %get3A_370 : vector<1x16xf32> to vector<16xf32>
      %mul3A_372 = arith.mulf %get3A_371, %get3A_122 : vector<16xf32>
      %get3A_373 = arith.index_cast %scan3A_117 : i32 to index
      %get3A_374 = arith.constant 240 : index
      %get3A_375 = tpu.vector_load %arg9[%get3A_373, %get3A_374] {strides = array<i32>} : memref<64x768xf32, #tpu.memory_space<vmem>>, vector<1x16xf32>,
      %get3A_376 = vector.shape_cast %get3A_375 : vector<1x16xf32> to vector<16xf32>
      %mul3A_377 = arith.mulf %get3A_376, %get3A_128 : vector<16xf32>
      %add3A_378 = arith.addf %mul3A_372, %mul3A_377 : vector<16xf32>
      %swap3A_379 = arith.index_cast %scan3A_117 : i32 to index
      %swap3A_380 = arith.constant 240 : index
      %swap3A_381 = tpu.vector_load %arg8[%swap3A_379, %swap3A_380] {strides = array<i32>} : memref<64x768xf32, #tpu.memory_space<vmem>>, vector<1x16xf32>,
      %swap3A_382 = vector.shape_cast %swap3A_381 : vector<1x16xf32> to vector<16xf32>
      %swap3A_383 = vector.shape_cast %add3A_378 : vector<16xf32> to vector<1x16xf32>
      tpu.vector_store %arg8[%swap3A_379, %swap3A_380], %swap3A_383 {strides = array<i32>} : memref<64x768xf32, #tpu.memory_space<vmem>>, vector<1x16xf32>,
      %get3A_384 = arith.index_cast %scan3A_117 : i32 to index
      %get3A_385 = arith.constant 256 : index
      %get3A_386 = tpu.vector_load %arg8[%get3A_384, %get3A_385] {strides = array<i32>} : memref<64x768xf32, #tpu.memory_space<vmem>>, vector<1x16xf32>,
      %get3A_387 = vector.shape_cast %get3A_386 : vector<1x16xf32> to vector<16xf32>
      %mul3A_388 = arith.mulf %get3A_387, %get3A_122 : vector<16xf32>
      %get3A_389 = arith.index_cast %scan3A_117 : i32 to index
      %get3A_390 = arith.constant 256 : index
      %get3A_391 = tpu.vector_load %arg9[%get3A_389, %get3A_390] {strides = array<i32>} : memref<64x768xf32, #tpu.memory_space<vmem>>, vector<1x16xf32>,
      %get3A_392 = vector.shape_cast %get3A_391 : vector<1x16xf32> to vector<16xf32>
      %mul3A_393 = arith.mulf %get3A_392, %get3A_128 : vector<16xf32>
      %add3A_394 = arith.addf %mul3A_388, %mul3A_393 : vector<16xf32>
      %swap3A_395 = arith.index_cast %scan3A_117 : i32 to index
      %swap3A_396 = arith.constant 256 : index
      %swap3A_397 = tpu.vector_load %arg8[%swap3A_395, %swap3A_396] {strides = array<i32>} : memref<64x768xf32, #tpu.memory_space<vmem>>, vector<1x16xf32>,
      %swap3A_398 = vector.shape_cast %swap3A_397 : vector<1x16xf32> to vector<16xf32>
      %swap3A_399 = vector.shape_cast %add3A_394 : vector<16xf32> to vector<1x16xf32>
      tpu.vector_store %arg8[%swap3A_395, %swap3A_396], %swap3A_399 {strides = array<i32>} : memref<64x768xf32, #tpu.memory_space<vmem>>, vector<1x16xf32>,
      %get3A_400 = arith.index_cast %scan3A_117 : i32 to index
      %get3A_401 = arith.constant 272 : index
      %get3A_402 = tpu.vector_load %arg8[%get3A_400, %get3A_401] {strides = array<i32>} : memref<64x768xf32, #tpu.memory_space<vmem>>, vector<1x16xf32>,
      %get3A_403 = vector.shape_cast %get3A_402 : vector<1x16xf32> to vector<16xf32>
      %mul3A_404 = arith.mulf %get3A_403, %get3A_122 : vector<16xf32>
      %get3A_405 = arith.index_cast %scan3A_117 : i32 to index
      %get3A_406 = arith.constant 272 : index
      %get3A_407 = tpu.vector_load %arg9[%get3A_405, %get3A_406] {strides = array<i32>} : memref<64x768xf32, #tpu.memory_space<vmem>>, vector<1x16xf32>,
      %get3A_408 = vector.shape_cast %get3A_407 : vector<1x16xf32> to vector<16xf32>
      %mul3A_409 = arith.mulf %get3A_408, %get3A_128 : vector<16xf32>
      %add3A_410 = arith.addf %mul3A_404, %mul3A_409 : vector<16xf32>
      %swap3A_411 = arith.index_cast %scan3A_117 : i32 to index
      %swap3A_412 = arith.constant 272 : index
      %swap3A_413 = tpu.vector_load %arg8[%swap3A_411, %swap3A_412] {strides = array<i32>} : memref<64x768xf32, #tpu.memory_space<vmem>>, vector<1x16xf32>,
      %swap3A_414 = vector.shape_cast %swap3A_413 : vector<1x16xf32> to vector<16xf32>
      %swap3A_415 = vector.shape_cast %add3A_410 : vector<16xf32> to vector<1x16xf32>
      tpu.vector_store %arg8[%swap3A_411, %swap3A_412], %swap3A_415 {strides = array<i32>} : memref<64x768xf32, #tpu.memory_space<vmem>>, vector<1x16xf32>,
      %get3A_416 = arith.index_cast %scan3A_117 : i32 to index
      %get3A_417 = arith.constant 288 : index
      %get3A_418 = tpu.vector_load %arg8[%get3A_416, %get3A_417] {strides = array<i32>} : memref<64x768xf32, #tpu.memory_space<vmem>>, vector<1x16xf32>,
      %get3A_419 = vector.shape_cast %get3A_418 : vector<1x16xf32> to vector<16xf32>
      %mul3A_420 = arith.mulf %get3A_419, %get3A_122 : vector<16xf32>
      %get3A_421 = arith.index_cast %scan3A_117 : i32 to index
      %get3A_422 = arith.constant 288 : index
      %get3A_423 = tpu.vector_load %arg9[%get3A_421, %get3A_422] {strides = array<i32>} : memref<64x768xf32, #tpu.memory_space<vmem>>, vector<1x16xf32>,
      %get3A_424 = vector.shape_cast %get3A_423 : vector<1x16xf32> to vector<16xf32>
      %mul3A_425 = arith.mulf %get3A_424, %get3A_128 : vector<16xf32>
      %add3A_426 = arith.addf %mul3A_420, %mul3A_425 : vector<16xf32>
      %swap3A_427 = arith.index_cast %scan3A_117 : i32 to index
      %swap3A_428 = arith.constant 288 : index
      %swap3A_429 = tpu.vector_load %arg8[%swap3A_427, %swap3A_428] {strides = array<i32>} : memref<64x768xf32, #tpu.memory_space<vmem>>, vector<1x16xf32>,
      %swap3A_430 = vector.shape_cast %swap3A_429 : vector<1x16xf32> to vector<16xf32>
      %swap3A_431 = vector.shape_cast %add3A_426 : vector<16xf32> to vector<1x16xf32>
      tpu.vector_store %arg8[%swap3A_427, %swap3A_428], %swap3A_431 {strides = array<i32>} : memref<64x768xf32, #tpu.memory_space<vmem>>, vector<1x16xf32>,
      %get3A_432 = arith.index_cast %scan3A_117 : i32 to index
      %get3A_433 = arith.constant 304 : index
      %get3A_434 = tpu.vector_load %arg8[%get3A_432, %get3A_433] {strides = array<i32>} : memref<64x768xf32, #tpu.memory_space<vmem>>, vector<1x16xf32>,
      %get3A_435 = vector.shape_cast %get3A_434 : vector<1x16xf32> to vector<16xf32>
      %mul3A_436 = arith.mulf %get3A_435, %get3A_122 : vector<16xf32>
      %get3A_437 = arith.index_cast %scan3A_117 : i32 to index
      %get3A_438 = arith.constant 304 : index
      %get3A_439 = tpu.vector_load %arg9[%get3A_437, %get3A_438] {strides = array<i32>} : memref<64x768xf32, #tpu.memory_space<vmem>>, vector<1x16xf32>,
      %get3A_440 = vector.shape_cast %get3A_439 : vector<1x16xf32> to vector<16xf32>
      %mul3A_441 = arith.mulf %get3A_440, %get3A_128 : vector<16xf32>
      %add3A_442 = arith.addf %mul3A_436, %mul3A_441 : vector<16xf32>
      %swap3A_443 = arith.index_cast %scan3A_117 : i32 to index
      %swap3A_444 = arith.constant 304 : index
      %swap3A_445 = tpu.vector_load %arg8[%swap3A_443, %swap3A_444] {strides = array<i32>} : memref<64x768xf32, #tpu.memory_space<vmem>>, vector<1x16xf32>,
      %swap3A_446 = vector.shape_cast %swap3A_445 : vector<1x16xf32> to vector<16xf32>
      %swap3A_447 = vector.shape_cast %add3A_442 : vector<16xf32> to vector<1x16xf32>
      tpu.vector_store %arg8[%swap3A_443, %swap3A_444], %swap3A_447 {strides = array<i32>} : memref<64x768xf32, #tpu.memory_space<vmem>>, vector<1x16xf32>,
      %get3A_448 = arith.index_cast %scan3A_117 : i32 to index
      %get3A_449 = arith.constant 320 : index
      %get3A_450 = tpu.vector_load %arg8[%get3A_448, %get3A_449] {strides = array<i32>} : memref<64x768xf32, #tpu.memory_space<vmem>>, vector<1x16xf32>,
      %get3A_451 = vector.shape_cast %get3A_450 : vector<1x16xf32> to vector<16xf32>
      %mul3A_452 = arith.mulf %get3A_451, %get3A_122 : vector<16xf32>
      %get3A_453 = arith.index_cast %scan3A_117 : i32 to index
      %get3A_454 = arith.constant 320 : index
      %get3A_455 = tpu.vector_load %arg9[%get3A_453, %get3A_454] {strides = array<i32>} : memref<64x768xf32, #tpu.memory_space<vmem>>, vector<1x16xf32>,
      %get3A_456 = vector.shape_cast %get3A_455 : vector<1x16xf32> to vector<16xf32>
      %mul3A_457 = arith.mulf %get3A_456, %get3A_128 : vector<16xf32>
      %add3A_458 = arith.addf %mul3A_452, %mul3A_457 : vector<16xf32>
      %swap3A_459 = arith.index_cast %scan3A_117 : i32 to index
      %swap3A_460 = arith.constant 320 : index
      %swap3A_461 = tpu.vector_load %arg8[%swap3A_459, %swap3A_460] {strides = array<i32>} : memref<64x768xf32, #tpu.memory_space<vmem>>, vector<1x16xf32>,
      %swap3A_462 = vector.shape_cast %swap3A_461 : vector<1x16xf32> to vector<16xf32>
      %swap3A_463 = vector.shape_cast %add3A_458 : vector<16xf32> to vector<1x16xf32>
      tpu.vector_store %arg8[%swap3A_459, %swap3A_460], %swap3A_463 {strides = array<i32>} : memref<64x768xf32, #tpu.memory_space<vmem>>, vector<1x16xf32>,
      %get3A_464 = arith.index_cast %scan3A_117 : i32 to index
      %get3A_465 = arith.constant 336 : index
      %get3A_466 = tpu.vector_load %arg8[%get3A_464, %get3A_465] {strides = array<i32>} : memref<64x768xf32, #tpu.memory_space<vmem>>, vector<1x16xf32>,
      %get3A_467 = vector.shape_cast %get3A_466 : vector<1x16xf32> to vector<16xf32>
      %mul3A_468 = arith.mulf %get3A_467, %get3A_122 : vector<16xf32>
      %get3A_469 = arith.index_cast %scan3A_117 : i32 to index
      %get3A_470 = arith.constant 336 : index
      %get3A_471 = tpu.vector_load %arg9[%get3A_469, %get3A_470] {strides = array<i32>} : memref<64x768xf32, #tpu.memory_space<vmem>>, vector<1x16xf32>,
      %get3A_472 = vector.shape_cast %get3A_471 : vector<1x16xf32> to vector<16xf32>
      %mul3A_473 = arith.mulf %get3A_472, %get3A_128 : vector<16xf32>
      %add3A_474 = arith.addf %mul3A_468, %mul3A_473 : vector<16xf32>
      %swap3A_475 = arith.index_cast %scan3A_117 : i32 to index
      %swap3A_476 = arith.constant 336 : index
      %swap3A_477 = tpu.vector_load %arg8[%swap3A_475, %swap3A_476] {strides = array<i32>} : memref<64x768xf32, #tpu.memory_space<vmem>>, vector<1x16xf32>,
      %swap3A_478 = vector.shape_cast %swap3A_477 : vector<1x16xf32> to vector<16xf32>
      %swap3A_479 = vector.shape_cast %add3A_474 : vector<16xf32> to vector<1x16xf32>
      tpu.vector_store %arg8[%swap3A_475, %swap3A_476], %swap3A_479 {strides = array<i32>} : memref<64x768xf32, #tpu.memory_space<vmem>>, vector<1x16xf32>,
      %get3A_480 = arith.index_cast %scan3A_117 : i32 to index
      %get3A_481 = arith.constant 352 : index
      %get3A_482 = tpu.vector_load %arg8[%get3A_480, %get3A_481] {strides = array<i32>} : memref<64x768xf32, #tpu.memory_space<vmem>>, vector<1x16xf32>,
      %get3A_483 = vector.shape_cast %get3A_482 : vector<1x16xf32> to vector<16xf32>
      %mul3A_484 = arith.mulf %get3A_483, %get3A_122 : vector<16xf32>
      %get3A_485 = arith.index_cast %scan3A_117 : i32 to index
      %get3A_486 = arith.constant 352 : index
      %get3A_487 = tpu.vector_load %arg9[%get3A_485, %get3A_486] {strides = array<i32>} : memref<64x768xf32, #tpu.memory_space<vmem>>, vector<1x16xf32>,
      %get3A_488 = vector.shape_cast %get3A_487 : vector<1x16xf32> to vector<16xf32>
      %mul3A_489 = arith.mulf %get3A_488, %get3A_128 : vector<16xf32>
      %add3A_490 = arith.addf %mul3A_484, %mul3A_489 : vector<16xf32>
      %swap3A_491 = arith.index_cast %scan3A_117 : i32 to index
      %swap3A_492 = arith.constant 352 : index
      %swap3A_493 = tpu.vector_load %arg8[%swap3A_491, %swap3A_492] {strides = array<i32>} : memref<64x768xf32, #tpu.memory_space<vmem>>, vector<1x16xf32>,
      %swap3A_494 = vector.shape_cast %swap3A_493 : vector<1x16xf32> to vector<16xf32>
      %swap3A_495 = vector.shape_cast %add3A_490 : vector<16xf32> to vector<1x16xf32>
      tpu.vector_store %arg8[%swap3A_491, %swap3A_492], %swap3A_495 {strides = array<i32>} : memref<64x768xf32, #tpu.memory_space<vmem>>, vector<1x16xf32>,
      %get3A_496 = arith.index_cast %scan3A_117 : i32 to index
      %get3A_497 = arith.constant 368 : index
      %get3A_498 = tpu.vector_load %arg8[%get3A_496, %get3A_497] {strides = array<i32>} : memref<64x768xf32, #tpu.memory_space<vmem>>, vector<1x16xf32>,
      %get3A_499 = vector.shape_cast %get3A_498 : vector<1x16xf32> to vector<16xf32>
      %mul3A_500 = arith.mulf %get3A_499, %get3A_122 : vector<16xf32>
      %get3A_501 = arith.index_cast %scan3A_117 : i32 to index
      %get3A_502 = arith.constant 368 : index
      %get3A_503 = tpu.vector_load %arg9[%get3A_501, %get3A_502] {strides = array<i32>} : memref<64x768xf32, #tpu.memory_space<vmem>>, vector<1x16xf32>,
      %get3A_504 = vector.shape_cast %get3A_503 : vector<1x16xf32> to vector<16xf32>
      %mul3A_505 = arith.mulf %get3A_504, %get3A_128 : vector<16xf32>
      %add3A_506 = arith.addf %mul3A_500, %mul3A_505 : vector<16xf32>
      %swap3A_507 = arith.index_cast %scan3A_117 : i32 to index
      %swap3A_508 = arith.constant 368 : index
      %swap3A_509 = tpu.vector_load %arg8[%swap3A_507, %swap3A_508] {strides = array<i32>} : memref<64x768xf32, #tpu.memory_space<vmem>>, vector<1x16xf32>,
      %swap3A_510 = vector.shape_cast %swap3A_509 : vector<1x16xf32> to vector<16xf32>
      %swap3A_511 = vector.shape_cast %add3A_506 : vector<16xf32> to vector<1x16xf32>
      tpu.vector_store %arg8[%swap3A_507, %swap3A_508], %swap3A_511 {strides = array<i32>} : memref<64x768xf32, #tpu.memory_space<vmem>>, vector<1x16xf32>,
      %get3A_512 = arith.index_cast %scan3A_117 : i32 to index
      %get3A_513 = arith.constant 384 : index
      %get3A_514 = tpu.vector_load %arg8[%get3A_512, %get3A_513] {strides = array<i32>} : memref<64x768xf32, #tpu.memory_space<vmem>>, vector<1x16xf32>,
      %get3A_515 = vector.shape_cast %get3A_514 : vector<1x16xf32> to vector<16xf32>
      %mul3A_516 = arith.mulf %get3A_515, %get3A_122 : vector<16xf32>
      %get3A_517 = arith.index_cast %scan3A_117 : i32 to index
      %get3A_518 = arith.constant 384 : index
      %get3A_519 = tpu.vector_load %arg9[%get3A_517, %get3A_518] {strides = array<i32>} : memref<64x768xf32, #tpu.memory_space<vmem>>, vector<1x16xf32>,
      %get3A_520 = vector.shape_cast %get3A_519 : vector<1x16xf32> to vector<16xf32>
      %mul3A_521 = arith.mulf %get3A_520, %get3A_128 : vector<16xf32>
      %add3A_522 = arith.addf %mul3A_516, %mul3A_521 : vector<16xf32>
      %swap3A_523 = arith.index_cast %scan3A_117 : i32 to index
      %swap3A_524 = arith.constant 384 : index
      %swap3A_525 = tpu.vector_load %arg8[%swap3A_523, %swap3A_524] {strides = array<i32>} : memref<64x768xf32, #tpu.memory_space<vmem>>, vector<1x16xf32>,
      %swap3A_526 = vector.shape_cast %swap3A_525 : vector<1x16xf32> to vector<16xf32>
      %swap3A_527 = vector.shape_cast %add3A_522 : vector<16xf32> to vector<1x16xf32>
      tpu.vector_store %arg8[%swap3A_523, %swap3A_524], %swap3A_527 {strides = array<i32>} : memref<64x768xf32, #tpu.memory_space<vmem>>, vector<1x16xf32>,
      %get3A_528 = arith.index_cast %scan3A_117 : i32 to index
      %get3A_529 = arith.constant 400 : index
      %get3A_530 = tpu.vector_load %arg8[%get3A_528, %get3A_529] {strides = array<i32>} : memref<64x768xf32, #tpu.memory_space<vmem>>, vector<1x16xf32>,
      %get3A_531 = vector.shape_cast %get3A_530 : vector<1x16xf32> to vector<16xf32>
      %mul3A_532 = arith.mulf %get3A_531, %get3A_122 : vector<16xf32>
      %get3A_533 = arith.index_cast %scan3A_117 : i32 to index
      %get3A_534 = arith.constant 400 : index
      %get3A_535 = tpu.vector_load %arg9[%get3A_533, %get3A_534] {strides = array<i32>} : memref<64x768xf32, #tpu.memory_space<vmem>>, vector<1x16xf32>,
      %get3A_536 = vector.shape_cast %get3A_535 : vector<1x16xf32> to vector<16xf32>
      %mul3A_537 = arith.mulf %get3A_536, %get3A_128 : vector<16xf32>
      %add3A_538 = arith.addf %mul3A_532, %mul3A_537 : vector<16xf32>
      %swap3A_539 = arith.index_cast %scan3A_117 : i32 to index
      %swap3A_540 = arith.constant 400 : index
      %swap3A_541 = tpu.vector_load %arg8[%swap3A_539, %swap3A_540] {strides = array<i32>} : memref<64x768xf32, #tpu.memory_space<vmem>>, vector<1x16xf32>,
      %swap3A_542 = vector.shape_cast %swap3A_541 : vector<1x16xf32> to vector<16xf32>
      %swap3A_543 = vector.shape_cast %add3A_538 : vector<16xf32> to vector<1x16xf32>
      tpu.vector_store %arg8[%swap3A_539, %swap3A_540], %swap3A_543 {strides = array<i32>} : memref<64x768xf32, #tpu.memory_space<vmem>>, vector<1x16xf32>,
      %get3A_544 = arith.index_cast %scan3A_117 : i32 to index
      %get3A_545 = arith.constant 416 : index
      %get3A_546 = tpu.vector_load %arg8[%get3A_544, %get3A_545] {strides = array<i32>} : memref<64x768xf32, #tpu.memory_space<vmem>>, vector<1x16xf32>,
      %get3A_547 = vector.shape_cast %get3A_546 : vector<1x16xf32> to vector<16xf32>
      %mul3A_548 = arith.mulf %get3A_547, %get3A_122 : vector<16xf32>
      %get3A_549 = arith.index_cast %scan3A_117 : i32 to index
      %get3A_550 = arith.constant 416 : index
      %get3A_551 = tpu.vector_load %arg9[%get3A_549, %get3A_550] {strides = array<i32>} : memref<64x768xf32, #tpu.memory_space<vmem>>, vector<1x16xf32>,
      %get3A_552 = vector.shape_cast %get3A_551 : vector<1x16xf32> to vector<16xf32>
      %mul3A_553 = arith.mulf %get3A_552, %get3A_128 : vector<16xf32>
      %add3A_554 = arith.addf %mul3A_548, %mul3A_553 : vector<16xf32>
      %swap3A_555 = arith.index_cast %scan3A_117 : i32 to index
      %swap3A_556 = arith.constant 416 : index
      %swap3A_557 = tpu.vector_load %arg8[%swap3A_555, %swap3A_556] {strides = array<i32>} : memref<64x768xf32, #tpu.memory_space<vmem>>, vector<1x16xf32>,
      %swap3A_558 = vector.shape_cast %swap3A_557 : vector<1x16xf32> to vector<16xf32>
      %swap3A_559 = vector.shape_cast %add3A_554 : vector<16xf32> to vector<1x16xf32>
      tpu.vector_store %arg8[%swap3A_555, %swap3A_556], %swap3A_559 {strides = array<i32>} : memref<64x768xf32, #tpu.memory_space<vmem>>, vector<1x16xf32>,
      %get3A_560 = arith.index_cast %scan3A_117 : i32 to index
      %get3A_561 = arith.constant 432 : index
      %get3A_562 = tpu.vector_load %arg8[%get3A_560, %get3A_561] {strides = array<i32>} : memref<64x768xf32, #tpu.memory_space<vmem>>, vector<1x16xf32>,
      %get3A_563 = vector.shape_cast %get3A_562 : vector<1x16xf32> to vector<16xf32>
      %mul3A_564 = arith.mulf %get3A_563, %get3A_122 : vector<16xf32>
      %get3A_565 = arith.index_cast %scan3A_117 : i32 to index
      %get3A_566 = arith.constant 432 : index
      %get3A_567 = tpu.vector_load %arg9[%get3A_565, %get3A_566] {strides = array<i32>} : memref<64x768xf32, #tpu.memory_space<vmem>>, vector<1x16xf32>,
      %get3A_568 = vector.shape_cast %get3A_567 : vector<1x16xf32> to vector<16xf32>
      %mul3A_569 = arith.mulf %get3A_568, %get3A_128 : vector<16xf32>
      %add3A_570 = arith.addf %mul3A_564, %mul3A_569 : vector<16xf32>
      %swap3A_571 = arith.index_cast %scan3A_117 : i32 to index
      %swap3A_572 = arith.constant 432 : index
      %swap3A_573 = tpu.vector_load %arg8[%swap3A_571, %swap3A_572] {strides = array<i32>} : memref<64x768xf32, #tpu.memory_space<vmem>>, vector<1x16xf32>,
      %swap3A_574 = vector.shape_cast %swap3A_573 : vector<1x16xf32> to vector<16xf32>
      %swap3A_575 = vector.shape_cast %add3A_570 : vector<16xf32> to vector<1x16xf32>
      tpu.vector_store %arg8[%swap3A_571, %swap3A_572], %swap3A_575 {strides = array<i32>} : memref<64x768xf32, #tpu.memory_space<vmem>>, vector<1x16xf32>,
      %get3A_576 = arith.index_cast %scan3A_117 : i32 to index
      %get3A_577 = arith.constant 448 : index
      %get3A_578 = tpu.vector_load %arg8[%get3A_576, %get3A_577] {strides = array<i32>} : memref<64x768xf32, #tpu.memory_space<vmem>>, vector<1x16xf32>,
      %get3A_579 = vector.shape_cast %get3A_578 : vector<1x16xf32> to vector<16xf32>
      %mul3A_580 = arith.mulf %get3A_579, %get3A_122 : vector<16xf32>
      %get3A_581 = arith.index_cast %scan3A_117 : i32 to index
      %get3A_582 = arith.constant 448 : index
      %get3A_583 = tpu.vector_load %arg9[%get3A_581, %get3A_582] {strides = array<i32>} : memref<64x768xf32, #tpu.memory_space<vmem>>, vector<1x16xf32>,
      %get3A_584 = vector.shape_cast %get3A_583 : vector<1x16xf32> to vector<16xf32>
      %mul3A_585 = arith.mulf %get3A_584, %get3A_128 : vector<16xf32>
      %add3A_586 = arith.addf %mul3A_580, %mul3A_585 : vector<16xf32>
      %swap3A_587 = arith.index_cast %scan3A_117 : i32 to index
      %swap3A_588 = arith.constant 448 : index
      %swap3A_589 = tpu.vector_load %arg8[%swap3A_587, %swap3A_588] {strides = array<i32>} : memref<64x768xf32, #tpu.memory_space<vmem>>, vector<1x16xf32>,
      %swap3A_590 = vector.shape_cast %swap3A_589 : vector<1x16xf32> to vector<16xf32>
      %swap3A_591 = vector.shape_cast %add3A_586 : vector<16xf32> to vector<1x16xf32>
      tpu.vector_store %arg8[%swap3A_587, %swap3A_588], %swap3A_591 {strides = array<i32>} : memref<64x768xf32, #tpu.memory_space<vmem>>, vector<1x16xf32>,
      %get3A_592 = arith.index_cast %scan3A_117 : i32 to index
      %get3A_593 = arith.constant 464 : index
      %get3A_594 = tpu.vector_load %arg8[%get3A_592, %get3A_593] {strides = array<i32>} : memref<64x768xf32, #tpu.memory_space<vmem>>, vector<1x16xf32>,
      %get3A_595 = vector.shape_cast %get3A_594 : vector<1x16xf32> to vector<16xf32>
      %mul3A_596 = arith.mulf %get3A_595, %get3A_122 : vector<16xf32>
      %get3A_597 = arith.index_cast %scan3A_117 : i32 to index
      %get3A_598 = arith.constant 464 : index
      %get3A_599 = tpu.vector_load %arg9[%get3A_597, %get3A_598] {strides = array<i32>} : memref<64x768xf32, #tpu.memory_space<vmem>>, vector<1x16xf32>,
      %get3A_600 = vector.shape_cast %get3A_599 : vector<1x16xf32> to vector<16xf32>
      %mul3A_601 = arith.mulf %get3A_600, %get3A_128 : vector<16xf32>
      %add3A_602 = arith.addf %mul3A_596, %mul3A_601 : vector<16xf32>
      %swap3A_603 = arith.index_cast %scan3A_117 : i32 to index
      %swap3A_604 = arith.constant 464 : index
      %swap3A_605 = tpu.vector_load %arg8[%swap3A_603, %swap3A_604] {strides = array<i32>} : memref<64x768xf32, #tpu.memory_space<vmem>>, vector<1x16xf32>,
      %swap3A_606 = vector.shape_cast %swap3A_605 : vector<1x16xf32> to vector<16xf32>
      %swap3A_607 = vector.shape_cast %add3A_602 : vector<16xf32> to vector<1x16xf32>
      tpu.vector_store %arg8[%swap3A_603, %swap3A_604], %swap3A_607 {strides = array<i32>} : memref<64x768xf32, #tpu.memory_space<vmem>>, vector<1x16xf32>,
      %get3A_608 = arith.index_cast %scan3A_117 : i32 to index
      %get3A_609 = arith.constant 480 : index
      %get3A_610 = tpu.vector_load %arg8[%get3A_608, %get3A_609] {strides = array<i32>} : memref<64x768xf32, #tpu.memory_space<vmem>>, vector<1x16xf32>,
      %get3A_611 = vector.shape_cast %get3A_610 : vector<1x16xf32> to vector<16xf32>
      %mul3A_612 = arith.mulf %get3A_611, %get3A_122 : vector<16xf32>
      %get3A_613 = arith.index_cast %scan3A_117 : i32 to index
      %get3A_614 = arith.constant 480 : index
      %get3A_615 = tpu.vector_load %arg9[%get3A_613, %get3A_614] {strides = array<i32>} : memref<64x768xf32, #tpu.memory_space<vmem>>, vector<1x16xf32>,
      %get3A_616 = vector.shape_cast %get3A_615 : vector<1x16xf32> to vector<16xf32>
      %mul3A_617 = arith.mulf %get3A_616, %get3A_128 : vector<16xf32>
      %add3A_618 = arith.addf %mul3A_612, %mul3A_617 : vector<16xf32>
      %swap3A_619 = arith.index_cast %scan3A_117 : i32 to index
      %swap3A_620 = arith.constant 480 : index
      %swap3A_621 = tpu.vector_load %arg8[%swap3A_619, %swap3A_620] {strides = array<i32>} : memref<64x768xf32, #tpu.memory_space<vmem>>, vector<1x16xf32>,
      %swap3A_622 = vector.shape_cast %swap3A_621 : vector<1x16xf32> to vector<16xf32>
      %swap3A_623 = vector.shape_cast %add3A_618 : vector<16xf32> to vector<1x16xf32>
      tpu.vector_store %arg8[%swap3A_619, %swap3A_620], %swap3A_623 {strides = array<i32>} : memref<64x768xf32, #tpu.memory_space<vmem>>, vector<1x16xf32>,
      %get3A_624 = arith.index_cast %scan3A_117 : i32 to index
      %get3A_625 = arith.constant 496 : index
      %get3A_626 = tpu.vector_load %arg8[%get3A_624, %get3A_625] {strides = array<i32>} : memref<64x768xf32, #tpu.memory_space<vmem>>, vector<1x16xf32>,
      %get3A_627 = vector.shape_cast %get3A_626 : vector<1x16xf32> to vector<16xf32>
      %mul3A_628 = arith.mulf %get3A_627, %get3A_122 : vector<16xf32>
      %get3A_629 = arith.index_cast %scan3A_117 : i32 to index
      %get3A_630 = arith.constant 496 : index
      %get3A_631 = tpu.vector_load %arg9[%get3A_629, %get3A_630] {strides = array<i32>} : memref<64x768xf32, #tpu.memory_space<vmem>>, vector<1x16xf32>,
      %get3A_632 = vector.shape_cast %get3A_631 : vector<1x16xf32> to vector<16xf32>
      %mul3A_633 = arith.mulf %get3A_632, %get3A_128 : vector<16xf32>
      %add3A_634 = arith.addf %mul3A_628, %mul3A_633 : vector<16xf32>
      %swap3A_635 = arith.index_cast %scan3A_117 : i32 to index
      %swap3A_636 = arith.constant 496 : index
      %swap3A_637 = tpu.vector_load %arg8[%swap3A_635, %swap3A_636] {strides = array<i32>} : memref<64x768xf32, #tpu.memory_space<vmem>>, vector<1x16xf32>,
      %swap3A_638 = vector.shape_cast %swap3A_637 : vector<1x16xf32> to vector<16xf32>
      %swap3A_639 = vector.shape_cast %add3A_634 : vector<16xf32> to vector<1x16xf32>
      tpu.vector_store %arg8[%swap3A_635, %swap3A_636], %swap3A_639 {strides = array<i32>} : memref<64x768xf32, #tpu.memory_space<vmem>>, vector<1x16xf32>,
      %get3A_640 = arith.index_cast %scan3A_117 : i32 to index
      %get3A_641 = arith.constant 512 : index
      %get3A_642 = tpu.vector_load %arg8[%get3A_640, %get3A_641] {strides = array<i32>} : memref<64x768xf32, #tpu.memory_space<vmem>>, vector<1x16xf32>,
      %get3A_643 = vector.shape_cast %get3A_642 : vector<1x16xf32> to vector<16xf32>
      %mul3A_644 = arith.mulf %get3A_643, %get3A_122 : vector<16xf32>
      %get3A_645 = arith.index_cast %scan3A_117 : i32 to index
      %get3A_646 = arith.constant 512 : index
      %get3A_647 = tpu.vector_load %arg9[%get3A_645, %get3A_646] {strides = array<i32>} : memref<64x768xf32, #tpu.memory_space<vmem>>, vector<1x16xf32>,
      %get3A_648 = vector.shape_cast %get3A_647 : vector<1x16xf32> to vector<16xf32>
      %mul3A_649 = arith.mulf %get3A_648, %get3A_128 : vector<16xf32>
      %add3A_650 = arith.addf %mul3A_644, %mul3A_649 : vector<16xf32>
      %swap3A_651 = arith.index_cast %scan3A_117 : i32 to index
      %swap3A_652 = arith.constant 512 : index
      %swap3A_653 = tpu.vector_load %arg8[%swap3A_651, %swap3A_652] {strides = array<i32>} : memref<64x768xf32, #tpu.memory_space<vmem>>, vector<1x16xf32>,
      %swap3A_654 = vector.shape_cast %swap3A_653 : vector<1x16xf32> to vector<16xf32>
      %swap3A_655 = vector.shape_cast %add3A_650 : vector<16xf32> to vector<1x16xf32>
      tpu.vector_store %arg8[%swap3A_651, %swap3A_652], %swap3A_655 {strides = array<i32>} : memref<64x768xf32, #tpu.memory_space<vmem>>, vector<1x16xf32>,
      %get3A_656 = arith.index_cast %scan3A_117 : i32 to index
      %get3A_657 = arith.constant 528 : index
      %get3A_658 = tpu.vector_load %arg8[%get3A_656, %get3A_657] {strides = array<i32>} : memref<64x768xf32, #tpu.memory_space<vmem>>, vector<1x16xf32>,
      %get3A_659 = vector.shape_cast %get3A_658 : vector<1x16xf32> to vector<16xf32>
      %mul3A_660 = arith.mulf %get3A_659, %get3A_122 : vector<16xf32>
      %get3A_661 = arith.index_cast %scan3A_117 : i32 to index
      %get3A_662 = arith.constant 528 : index
      %get3A_663 = tpu.vector_load %arg9[%get3A_661, %get3A_662] {strides = array<i32>} : memref<64x768xf32, #tpu.memory_space<vmem>>, vector<1x16xf32>,
      %get3A_664 = vector.shape_cast %get3A_663 : vector<1x16xf32> to vector<16xf32>
      %mul3A_665 = arith.mulf %get3A_664, %get3A_128 : vector<16xf32>
      %add3A_666 = arith.addf %mul3A_660, %mul3A_665 : vector<16xf32>
      %swap3A_667 = arith.index_cast %scan3A_117 : i32 to index
      %swap3A_668 = arith.constant 528 : index
      %swap3A_669 = tpu.vector_load %arg8[%swap3A_667, %swap3A_668] {strides = array<i32>} : memref<64x768xf32, #tpu.memory_space<vmem>>, vector<1x16xf32>,
      %swap3A_670 = vector.shape_cast %swap3A_669 : vector<1x16xf32> to vector<16xf32>
      %swap3A_671 = vector.shape_cast %add3A_666 : vector<16xf32> to vector<1x16xf32>
      tpu.vector_store %arg8[%swap3A_667, %swap3A_668], %swap3A_671 {strides = array<i32>} : memref<64x768xf32, #tpu.memory_space<vmem>>, vector<1x16xf32>,
      %get3A_672 = arith.index_cast %scan3A_117 : i32 to index
      %get3A_673 = arith.constant 544 : index
      %get3A_674 = tpu.vector_load %arg8[%get3A_672, %get3A_673] {strides = array<i32>} : memref<64x768xf32, #tpu.memory_space<vmem>>, vector<1x16xf32>,
      %get3A_675 = vector.shape_cast %get3A_674 : vector<1x16xf32> to vector<16xf32>
      %mul3A_676 = arith.mulf %get3A_675, %get3A_122 : vector<16xf32>
      %get3A_677 = arith.index_cast %scan3A_117 : i32 to index
      %get3A_678 = arith.constant 544 : index
      %get3A_679 = tpu.vector_load %arg9[%get3A_677, %get3A_678] {strides = array<i32>} : memref<64x768xf32, #tpu.memory_space<vmem>>, vector<1x16xf32>,
      %get3A_680 = vector.shape_cast %get3A_679 : vector<1x16xf32> to vector<16xf32>
      %mul3A_681 = arith.mulf %get3A_680, %get3A_128 : vector<16xf32>
      %add3A_682 = arith.addf %mul3A_676, %mul3A_681 : vector<16xf32>
      %swap3A_683 = arith.index_cast %scan3A_117 : i32 to index
      %swap3A_684 = arith.constant 544 : index
      %swap3A_685 = tpu.vector_load %arg8[%swap3A_683, %swap3A_684] {strides = array<i32>} : memref<64x768xf32, #tpu.memory_space<vmem>>, vector<1x16xf32>,
      %swap3A_686 = vector.shape_cast %swap3A_685 : vector<1x16xf32> to vector<16xf32>
      %swap3A_687 = vector.shape_cast %add3A_682 : vector<16xf32> to vector<1x16xf32>
      tpu.vector_store %arg8[%swap3A_683, %swap3A_684], %swap3A_687 {strides = array<i32>} : memref<64x768xf32, #tpu.memory_space<vmem>>, vector<1x16xf32>,
      %get3A_688 = arith.index_cast %scan3A_117 : i32 to index
      %get3A_689 = arith.constant 560 : index
      %get3A_690 = tpu.vector_load %arg8[%get3A_688, %get3A_689] {strides = array<i32>} : memref<64x768xf32, #tpu.memory_space<vmem>>, vector<1x16xf32>,
      %get3A_691 = vector.shape_cast %get3A_690 : vector<1x16xf32> to vector<16xf32>
      %mul3A_692 = arith.mulf %get3A_691, %get3A_122 : vector<16xf32>
      %get3A_693 = arith.index_cast %scan3A_117 : i32 to index
      %get3A_694 = arith.constant 560 : index
      %get3A_695 = tpu.vector_load %arg9[%get3A_693, %get3A_694] {strides = array<i32>} : memref<64x768xf32, #tpu.memory_space<vmem>>, vector<1x16xf32>,
      %get3A_696 = vector.shape_cast %get3A_695 : vector<1x16xf32> to vector<16xf32>
      %mul3A_697 = arith.mulf %get3A_696, %get3A_128 : vector<16xf32>
      %add3A_698 = arith.addf %mul3A_692, %mul3A_697 : vector<16xf32>
      %swap3A_699 = arith.index_cast %scan3A_117 : i32 to index
      %swap3A_700 = arith.constant 560 : index
      %swap3A_701 = tpu.vector_load %arg8[%swap3A_699, %swap3A_700] {strides = array<i32>} : memref<64x768xf32, #tpu.memory_space<vmem>>, vector<1x16xf32>,
      %swap3A_702 = vector.shape_cast %swap3A_701 : vector<1x16xf32> to vector<16xf32>
      %swap3A_703 = vector.shape_cast %add3A_698 : vector<16xf32> to vector<1x16xf32>
      tpu.vector_store %arg8[%swap3A_699, %swap3A_700], %swap3A_703 {strides = array<i32>} : memref<64x768xf32, #tpu.memory_space<vmem>>, vector<1x16xf32>,
      %get3A_704 = arith.index_cast %scan3A_117 : i32 to index
      %get3A_705 = arith.constant 576 : index
      %get3A_706 = tpu.vector_load %arg8[%get3A_704, %get3A_705] {strides = array<i32>} : memref<64x768xf32, #tpu.memory_space<vmem>>, vector<1x16xf32>,
      %get3A_707 = vector.shape_cast %get3A_706 : vector<1x16xf32> to vector<16xf32>
      %mul3A_708 = arith.mulf %get3A_707, %get3A_122 : vector<16xf32>
      %get3A_709 = arith.index_cast %scan3A_117 : i32 to index
      %get3A_710 = arith.constant 576 : index
      %get3A_711 = tpu.vector_load %arg9[%get3A_709, %get3A_710] {strides = array<i32>} : memref<64x768xf32, #tpu.memory_space<vmem>>, vector<1x16xf32>,
      %get3A_712 = vector.shape_cast %get3A_711 : vector<1x16xf32> to vector<16xf32>
      %mul3A_713 = arith.mulf %get3A_712, %get3A_128 : vector<16xf32>
      %add3A_714 = arith.addf %mul3A_708, %mul3A_713 : vector<16xf32>
      %swap3A_715 = arith.index_cast %scan3A_117 : i32 to index
      %swap3A_716 = arith.constant 576 : index
      %swap3A_717 = tpu.vector_load %arg8[%swap3A_715, %swap3A_716] {strides = array<i32>} : memref<64x768xf32, #tpu.memory_space<vmem>>, vector<1x16xf32>,
      %swap3A_718 = vector.shape_cast %swap3A_717 : vector<1x16xf32> to vector<16xf32>
      %swap3A_719 = vector.shape_cast %add3A_714 : vector<16xf32> to vector<1x16xf32>
      tpu.vector_store %arg8[%swap3A_715, %swap3A_716], %swap3A_719 {strides = array<i32>} : memref<64x768xf32, #tpu.memory_space<vmem>>, vector<1x16xf32>,
      %get3A_720 = arith.index_cast %scan3A_117 : i32 to index
      %get3A_721 = arith.constant 592 : index
      %get3A_722 = tpu.vector_load %arg8[%get3A_720, %get3A_721] {strides = array<i32>} : memref<64x768xf32, #tpu.memory_space<vmem>>, vector<1x16xf32>,
      %get3A_723 = vector.shape_cast %get3A_722 : vector<1x16xf32> to vector<16xf32>
      %mul3A_724 = arith.mulf %get3A_723, %get3A_122 : vector<16xf32>
      %get3A_725 = arith.index_cast %scan3A_117 : i32 to index
      %get3A_726 = arith.constant 592 : index
      %get3A_727 = tpu.vector_load %arg9[%get3A_725, %get3A_726] {strides = array<i32>} : memref<64x768xf32, #tpu.memory_space<vmem>>, vector<1x16xf32>,
      %get3A_728 = vector.shape_cast %get3A_727 : vector<1x16xf32> to vector<16xf32>
      %mul3A_729 = arith.mulf %get3A_728, %get3A_128 : vector<16xf32>
      %add3A_730 = arith.addf %mul3A_724, %mul3A_729 : vector<16xf32>
      %swap3A_731 = arith.index_cast %scan3A_117 : i32 to index
      %swap3A_732 = arith.constant 592 : index
      %swap3A_733 = tpu.vector_load %arg8[%swap3A_731, %swap3A_732] {strides = array<i32>} : memref<64x768xf32, #tpu.memory_space<vmem>>, vector<1x16xf32>,
      %swap3A_734 = vector.shape_cast %swap3A_733 : vector<1x16xf32> to vector<16xf32>
      %swap3A_735 = vector.shape_cast %add3A_730 : vector<16xf32> to vector<1x16xf32>
      tpu.vector_store %arg8[%swap3A_731, %swap3A_732], %swap3A_735 {strides = array<i32>} : memref<64x768xf32, #tpu.memory_space<vmem>>, vector<1x16xf32>,
      %get3A_736 = arith.index_cast %scan3A_117 : i32 to index
      %get3A_737 = arith.constant 608 : index
      %get3A_738 = tpu.vector_load %arg8[%get3A_736, %get3A_737] {strides = array<i32>} : memref<64x768xf32, #tpu.memory_space<vmem>>, vector<1x16xf32>,
      %get3A_739 = vector.shape_cast %get3A_738 : vector<1x16xf32> to vector<16xf32>
      %mul3A_740 = arith.mulf %get3A_739, %get3A_122 : vector<16xf32>
      %get3A_741 = arith.index_cast %scan3A_117 : i32 to index
      %get3A_742 = arith.constant 608 : index
      %get3A_743 = tpu.vector_load %arg9[%get3A_741, %get3A_742] {strides = array<i32>} : memref<64x768xf32, #tpu.memory_space<vmem>>, vector<1x16xf32>,
      %get3A_744 = vector.shape_cast %get3A_743 : vector<1x16xf32> to vector<16xf32>
      %mul3A_745 = arith.mulf %get3A_744, %get3A_128 : vector<16xf32>
      %add3A_746 = arith.addf %mul3A_740, %mul3A_745 : vector<16xf32>
      %swap3A_747 = arith.index_cast %scan3A_117 : i32 to index
      %swap3A_748 = arith.constant 608 : index
      %swap3A_749 = tpu.vector_load %arg8[%swap3A_747, %swap3A_748] {strides = array<i32>} : memref<64x768xf32, #tpu.memory_space<vmem>>, vector<1x16xf32>,
      %swap3A_750 = vector.shape_cast %swap3A_749 : vector<1x16xf32> to vector<16xf32>
      %swap3A_751 = vector.shape_cast %add3A_746 : vector<16xf32> to vector<1x16xf32>
      tpu.vector_store %arg8[%swap3A_747, %swap3A_748], %swap3A_751 {strides = array<i32>} : memref<64x768xf32, #tpu.memory_space<vmem>>, vector<1x16xf32>,
      %get3A_752 = arith.index_cast %scan3A_117 : i32 to index
      %get3A_753 = arith.constant 624 : index
      %get3A_754 = tpu.vector_load %arg8[%get3A_752, %get3A_753] {strides = array<i32>} : memref<64x768xf32, #tpu.memory_space<vmem>>, vector<1x16xf32>,
      %get3A_755 = vector.shape_cast %get3A_754 : vector<1x16xf32> to vector<16xf32>
      %mul3A_756 = arith.mulf %get3A_755, %get3A_122 : vector<16xf32>
      %get3A_757 = arith.index_cast %scan3A_117 : i32 to index
      %get3A_758 = arith.constant 624 : index
      %get3A_759 = tpu.vector_load %arg9[%get3A_757, %get3A_758] {strides = array<i32>} : memref<64x768xf32, #tpu.memory_space<vmem>>, vector<1x16xf32>,
      %get3A_760 = vector.shape_cast %get3A_759 : vector<1x16xf32> to vector<16xf32>
      %mul3A_761 = arith.mulf %get3A_760, %get3A_128 : vector<16xf32>
      %add3A_762 = arith.addf %mul3A_756, %mul3A_761 : vector<16xf32>
      %swap3A_763 = arith.index_cast %scan3A_117 : i32 to index
      %swap3A_764 = arith.constant 624 : index
      %swap3A_765 = tpu.vector_load %arg8[%swap3A_763, %swap3A_764] {strides = array<i32>} : memref<64x768xf32, #tpu.memory_space<vmem>>, vector<1x16xf32>,
      %swap3A_766 = vector.shape_cast %swap3A_765 : vector<1x16xf32> to vector<16xf32>
      %swap3A_767 = vector.shape_cast %add3A_762 : vector<16xf32> to vector<1x16xf32>
      tpu.vector_store %arg8[%swap3A_763, %swap3A_764], %swap3A_767 {strides = array<i32>} : memref<64x768xf32, #tpu.memory_space<vmem>>, vector<1x16xf32>,
      %get3A_768 = arith.index_cast %scan3A_117 : i32 to index
      %get3A_769 = arith.constant 640 : index
      %get3A_770 = tpu.vector_load %arg8[%get3A_768, %get3A_769] {strides = array<i32>} : memref<64x768xf32, #tpu.memory_space<vmem>>, vector<1x16xf32>,
      %get3A_771 = vector.shape_cast %get3A_770 : vector<1x16xf32> to vector<16xf32>
      %mul3A_772 = arith.mulf %get3A_771, %get3A_122 : vector<16xf32>
      %get3A_773 = arith.index_cast %scan3A_117 : i32 to index
      %get3A_774 = arith.constant 640 : index
      %get3A_775 = tpu.vector_load %arg9[%get3A_773, %get3A_774] {strides = array<i32>} : memref<64x768xf32, #tpu.memory_space<vmem>>, vector<1x16xf32>,
      %get3A_776 = vector.shape_cast %get3A_775 : vector<1x16xf32> to vector<16xf32>
      %mul3A_777 = arith.mulf %get3A_776, %get3A_128 : vector<16xf32>
      %add3A_778 = arith.addf %mul3A_772, %mul3A_777 : vector<16xf32>
      %swap3A_779 = arith.index_cast %scan3A_117 : i32 to index
      %swap3A_780 = arith.constant 640 : index
      %swap3A_781 = tpu.vector_load %arg8[%swap3A_779, %swap3A_780] {strides = array<i32>} : memref<64x768xf32, #tpu.memory_space<vmem>>, vector<1x16xf32>,
      %swap3A_782 = vector.shape_cast %swap3A_781 : vector<1x16xf32> to vector<16xf32>
      %swap3A_783 = vector.shape_cast %add3A_778 : vector<16xf32> to vector<1x16xf32>
      tpu.vector_store %arg8[%swap3A_779, %swap3A_780], %swap3A_783 {strides = array<i32>} : memref<64x768xf32, #tpu.memory_space<vmem>>, vector<1x16xf32>,
      %get3A_784 = arith.index_cast %scan3A_117 : i32 to index
      %get3A_785 = arith.constant 656 : index
      %get3A_786 = tpu.vector_load %arg8[%get3A_784, %get3A_785] {strides = array<i32>} : memref<64x768xf32, #tpu.memory_space<vmem>>, vector<1x16xf32>,
      %get3A_787 = vector.shape_cast %get3A_786 : vector<1x16xf32> to vector<16xf32>
      %mul3A_788 = arith.mulf %get3A_787, %get3A_122 : vector<16xf32>
      %get3A_789 = arith.index_cast %scan3A_117 : i32 to index
      %get3A_790 = arith.constant 656 : index
      %get3A_791 = tpu.vector_load %arg9[%get3A_789, %get3A_790] {strides = array<i32>} : memref<64x768xf32, #tpu.memory_space<vmem>>, vector<1x16xf32>,
      %get3A_792 = vector.shape_cast %get3A_791 : vector<1x16xf32> to vector<16xf32>
      %mul3A_793 = arith.mulf %get3A_792, %get3A_128 : vector<16xf32>
      %add3A_794 = arith.addf %mul3A_788, %mul3A_793 : vector<16xf32>
      %swap3A_795 = arith.index_cast %scan3A_117 : i32 to index
      %swap3A_796 = arith.constant 656 : index
      %swap3A_797 = tpu.vector_load %arg8[%swap3A_795, %swap3A_796] {strides = array<i32>} : memref<64x768xf32, #tpu.memory_space<vmem>>, vector<1x16xf32>,
      %swap3A_798 = vector.shape_cast %swap3A_797 : vector<1x16xf32> to vector<16xf32>
      %swap3A_799 = vector.shape_cast %add3A_794 : vector<16xf32> to vector<1x16xf32>
      tpu.vector_store %arg8[%swap3A_795, %swap3A_796], %swap3A_799 {strides = array<i32>} : memref<64x768xf32, #tpu.memory_space<vmem>>, vector<1x16xf32>,
      %get3A_800 = arith.index_cast %scan3A_117 : i32 to index
      %get3A_801 = arith.constant 672 : index
      %get3A_802 = tpu.vector_load %arg8[%get3A_800, %get3A_801] {strides = array<i32>} : memref<64x768xf32, #tpu.memory_space<vmem>>, vector<1x16xf32>,
      %get3A_803 = vector.shape_cast %get3A_802 : vector<1x16xf32> to vector<16xf32>
      %mul3A_804 = arith.mulf %get3A_803, %get3A_122 : vector<16xf32>
      %get3A_805 = arith.index_cast %scan3A_117 : i32 to index
      %get3A_806 = arith.constant 672 : index
      %get3A_807 = tpu.vector_load %arg9[%get3A_805, %get3A_806] {strides = array<i32>} : memref<64x768xf32, #tpu.memory_space<vmem>>, vector<1x16xf32>,
      %get3A_808 = vector.shape_cast %get3A_807 : vector<1x16xf32> to vector<16xf32>
      %mul3A_809 = arith.mulf %get3A_808, %get3A_128 : vector<16xf32>
      %add3A_810 = arith.addf %mul3A_804, %mul3A_809 : vector<16xf32>
      %swap3A_811 = arith.index_cast %scan3A_117 : i32 to index
      %swap3A_812 = arith.constant 672 : index
      %swap3A_813 = tpu.vector_load %arg8[%swap3A_811, %swap3A_812] {strides = array<i32>} : memref<64x768xf32, #tpu.memory_space<vmem>>, vector<1x16xf32>,
      %swap3A_814 = vector.shape_cast %swap3A_813 : vector<1x16xf32> to vector<16xf32>
      %swap3A_815 = vector.shape_cast %add3A_810 : vector<16xf32> to vector<1x16xf32>
      tpu.vector_store %arg8[%swap3A_811, %swap3A_812], %swap3A_815 {strides = array<i32>} : memref<64x768xf32, #tpu.memory_space<vmem>>, vector<1x16xf32>,
      %get3A_816 = arith.index_cast %scan3A_117 : i32 to index
      %get3A_817 = arith.constant 688 : index
      %get3A_818 = tpu.vector_load %arg8[%get3A_816, %get3A_817] {strides = array<i32>} : memref<64x768xf32, #tpu.memory_space<vmem>>, vector<1x16xf32>,
      %get3A_819 = vector.shape_cast %get3A_818 : vector<1x16xf32> to vector<16xf32>
      %mul3A_820 = arith.mulf %get3A_819, %get3A_122 : vector<16xf32>
      %get3A_821 = arith.index_cast %scan3A_117 : i32 to index
      %get3A_822 = arith.constant 688 : index
      %get3A_823 = tpu.vector_load %arg9[%get3A_821, %get3A_822] {strides = array<i32>} : memref<64x768xf32, #tpu.memory_space<vmem>>, vector<1x16xf32>,
      %get3A_824 = vector.shape_cast %get3A_823 : vector<1x16xf32> to vector<16xf32>
      %mul3A_825 = arith.mulf %get3A_824, %get3A_128 : vector<16xf32>
      %add3A_826 = arith.addf %mul3A_820, %mul3A_825 : vector<16xf32>
      %swap3A_827 = arith.index_cast %scan3A_117 : i32 to index
      %swap3A_828 = arith.constant 688 : index
      %swap3A_829 = tpu.vector_load %arg8[%swap3A_827, %swap3A_828] {strides = array<i32>} : memref<64x768xf32, #tpu.memory_space<vmem>>, vector<1x16xf32>,
      %swap3A_830 = vector.shape_cast %swap3A_829 : vector<1x16xf32> to vector<16xf32>
      %swap3A_831 = vector.shape_cast %add3A_826 : vector<16xf32> to vector<1x16xf32>
      tpu.vector_store %arg8[%swap3A_827, %swap3A_828], %swap3A_831 {strides = array<i32>} : memref<64x768xf32, #tpu.memory_space<vmem>>, vector<1x16xf32>,
      %get3A_832 = arith.index_cast %scan3A_117 : i32 to index
      %get3A_833 = arith.constant 704 : index
      %get3A_834 = tpu.vector_load %arg8[%get3A_832, %get3A_833] {strides = array<i32>} : memref<64x768xf32, #tpu.memory_space<vmem>>, vector<1x16xf32>,
      %get3A_835 = vector.shape_cast %get3A_834 : vector<1x16xf32> to vector<16xf32>
      %mul3A_836 = arith.mulf %get3A_835, %get3A_122 : vector<16xf32>
      %get3A_837 = arith.index_cast %scan3A_117 : i32 to index
      %get3A_838 = arith.constant 704 : index
      %get3A_839 = tpu.vector_load %arg9[%get3A_837, %get3A_838] {strides = array<i32>} : memref<64x768xf32, #tpu.memory_space<vmem>>, vector<1x16xf32>,
      %get3A_840 = vector.shape_cast %get3A_839 : vector<1x16xf32> to vector<16xf32>
      %mul3A_841 = arith.mulf %get3A_840, %get3A_128 : vector<16xf32>
      %add3A_842 = arith.addf %mul3A_836, %mul3A_841 : vector<16xf32>
      %swap3A_843 = arith.index_cast %scan3A_117 : i32 to index
      %swap3A_844 = arith.constant 704 : index
      %swap3A_845 = tpu.vector_load %arg8[%swap3A_843, %swap3A_844] {strides = array<i32>} : memref<64x768xf32, #tpu.memory_space<vmem>>, vector<1x16xf32>,
      %swap3A_846 = vector.shape_cast %swap3A_845 : vector<1x16xf32> to vector<16xf32>
      %swap3A_847 = vector.shape_cast %add3A_842 : vector<16xf32> to vector<1x16xf32>
      tpu.vector_store %arg8[%swap3A_843, %swap3A_844], %swap3A_847 {strides = array<i32>} : memref<64x768xf32, #tpu.memory_space<vmem>>, vector<1x16xf32>,
      %get3A_848 = arith.index_cast %scan3A_117 : i32 to index
      %get3A_849 = arith.constant 720 : index
      %get3A_850 = tpu.vector_load %arg8[%get3A_848, %get3A_849] {strides = array<i32>} : memref<64x768xf32, #tpu.memory_space<vmem>>, vector<1x16xf32>,
      %get3A_851 = vector.shape_cast %get3A_850 : vector<1x16xf32> to vector<16xf32>
      %mul3A_852 = arith.mulf %get3A_851, %get3A_122 : vector<16xf32>
      %get3A_853 = arith.index_cast %scan3A_117 : i32 to index
      %get3A_854 = arith.constant 720 : index
      %get3A_855 = tpu.vector_load %arg9[%get3A_853, %get3A_854] {strides = array<i32>} : memref<64x768xf32, #tpu.memory_space<vmem>>, vector<1x16xf32>,
      %get3A_856 = vector.shape_cast %get3A_855 : vector<1x16xf32> to vector<16xf32>
      %mul3A_857 = arith.mulf %get3A_856, %get3A_128 : vector<16xf32>
      %add3A_858 = arith.addf %mul3A_852, %mul3A_857 : vector<16xf32>
      %swap3A_859 = arith.index_cast %scan3A_117 : i32 to index
      %swap3A_860 = arith.constant 720 : index
      %swap3A_861 = tpu.vector_load %arg8[%swap3A_859, %swap3A_860] {strides = array<i32>} : memref<64x768xf32, #tpu.memory_space<vmem>>, vector<1x16xf32>,
      %swap3A_862 = vector.shape_cast %swap3A_861 : vector<1x16xf32> to vector<16xf32>
      %swap3A_863 = vector.shape_cast %add3A_858 : vector<16xf32> to vector<1x16xf32>
      tpu.vector_store %arg8[%swap3A_859, %swap3A_860], %swap3A_863 {strides = array<i32>} : memref<64x768xf32, #tpu.memory_space<vmem>>, vector<1x16xf32>,
      %get3A_864 = arith.index_cast %scan3A_117 : i32 to index
      %get3A_865 = arith.constant 736 : index
      %get3A_866 = tpu.vector_load %arg8[%get3A_864, %get3A_865] {strides = array<i32>} : memref<64x768xf32, #tpu.memory_space<vmem>>, vector<1x16xf32>,
      %get3A_867 = vector.shape_cast %get3A_866 : vector<1x16xf32> to vector<16xf32>
      %mul3A_868 = arith.mulf %get3A_867, %get3A_122 : vector<16xf32>
      %get3A_869 = arith.index_cast %scan3A_117 : i32 to index
      %get3A_870 = arith.constant 736 : index
      %get3A_871 = tpu.vector_load %arg9[%get3A_869, %get3A_870] {strides = array<i32>} : memref<64x768xf32, #tpu.memory_space<vmem>>, vector<1x16xf32>,
      %get3A_872 = vector.shape_cast %get3A_871 : vector<1x16xf32> to vector<16xf32>
      %mul3A_873 = arith.mulf %get3A_872, %get3A_128 : vector<16xf32>
      %add3A_874 = arith.addf %mul3A_868, %mul3A_873 : vector<16xf32>
      %swap3A_875 = arith.index_cast %scan3A_117 : i32 to index
      %swap3A_876 = arith.constant 736 : index
      %swap3A_877 = tpu.vector_load %arg8[%swap3A_875, %swap3A_876] {strides = array<i32>} : memref<64x768xf32, #tpu.memory_space<vmem>>, vector<1x16xf32>,
      %swap3A_878 = vector.shape_cast %swap3A_877 : vector<1x16xf32> to vector<16xf32>
      %swap3A_879 = vector.shape_cast %add3A_874 : vector<16xf32> to vector<1x16xf32>
      tpu.vector_store %arg8[%swap3A_875, %swap3A_876], %swap3A_879 {strides = array<i32>} : memref<64x768xf32, #tpu.memory_space<vmem>>, vector<1x16xf32>,
      %get3A_880 = arith.index_cast %scan3A_117 : i32 to index
      %get3A_881 = arith.constant 752 : index
      %get3A_882 = tpu.vector_load %arg8[%get3A_880, %get3A_881] {strides = array<i32>} : memref<64x768xf32, #tpu.memory_space<vmem>>, vector<1x16xf32>,
      %get3A_883 = vector.shape_cast %get3A_882 : vector<1x16xf32> to vector<16xf32>
      %mul3A_884 = arith.mulf %get3A_883, %get3A_122 : vector<16xf32>
      %get3A_885 = arith.index_cast %scan3A_117 : i32 to index
      %get3A_886 = arith.constant 752 : index
      %get3A_887 = tpu.vector_load %arg9[%get3A_885, %get3A_886] {strides = array<i32>} : memref<64x768xf32, #tpu.memory_space<vmem>>, vector<1x16xf32>,
      %get3A_888 = vector.shape_cast %get3A_887 : vector<1x16xf32> to vector<16xf32>
      %mul3A_889 = arith.mulf %get3A_888, %get3A_128 : vector<16xf32>
      %add3A_890 = arith.addf %mul3A_884, %mul3A_889 : vector<16xf32>
      %swap3A_891 = arith.index_cast %scan3A_117 : i32 to index
      %swap3A_892 = arith.constant 752 : index
      %swap3A_893 = tpu.vector_load %arg8[%swap3A_891, %swap3A_892] {strides = array<i32>} : memref<64x768xf32, #tpu.memory_space<vmem>>, vector<1x16xf32>,
      %swap3A_894 = vector.shape_cast %swap3A_893 : vector<1x16xf32> to vector<16xf32>
      %swap3A_895 = vector.shape_cast %add3A_890 : vector<16xf32> to vector<1x16xf32>
      tpu.vector_store %arg8[%swap3A_891, %swap3A_892], %swap3A_895 {strides = array<i32>} : memref<64x768xf32, #tpu.memory_space<vmem>>, vector<1x16xf32>,
    }
    %scan3A_68 = arith.constant 32 : i32
    %dma_start3A_69 = arith.constant 0 : i32
    %dma_start3A_70 = arith.constant 0 : i32
    %dma_start3A_71 = tpu.memref_slice %arg8[%dma_start3A_69, %dma_start3A_70] : memref<64x768xf32, #tpu.memory_space<vmem>> -> memref<32x768xf32, #tpu.memory_space<vmem>>
    %dma_start3A_72 = arith.constant 0 : i32
    %dma_start3A_73 = tpu.memref_slice %arg5[%mul3A_2, %dma_start3A_72] : memref<2048x768xf32, #tpu.memory_space<hbm>> -> memref<32x768xf32, #tpu.memory_space<hbm>>
    %dma_start3A_74 = arith.constant 0 : i32
    %dma_start3A_75 = tpu.memref_slice %arg5[%mul3A_2, %dma_start3A_74] : memref<2048x768xf32, #tpu.memory_space<hbm>> -> memref<32x768xf32, #tpu.memory_space<hbm>>
    %dma_start3A_76 = arith.constant 0 : i32
    %dma_start3A_77 = arith.constant 0 : i32
    %dma_start3A_78 = tpu.memref_slice %arg8[%dma_start3A_76, %dma_start3A_77] : memref<64x768xf32, #tpu.memory_space<vmem>> -> memref<32x768xf32, #tpu.memory_space<vmem>>
    tpu.enqueue_dma source(%dma_start3A_78 : memref<32x768xf32, #tpu.memory_space<vmem>>) target(%dma_start3A_75 : memref<32x768xf32, #tpu.memory_space<hbm>>) target_semaphore(%arg10 : memref<!tpu.dma_semaphore, #tpu.memory_space<semaphore_mem>>)
    %dma_wait3A_79 = arith.constant 0 : i32
    %dma_wait3A_80 = arith.constant 32 : i32
    %dma_wait3A_81 = arith.constant 0 : i32
    %dma_wait3A_82 = tpu.memref_slice %arg8[%dma_wait3A_80, %dma_wait3A_81] : memref<64x768xf32, #tpu.memory_space<vmem>> -> memref<32x768xf32, #tpu.memory_space<vmem>>
    %dma_wait3A_83 = arith.constant 32 : i32
    %dma_wait3A_84 = tpu.memref_slice %arg6[%dma_wait3A_79, %dma_wait3A_83] : memref<2x64xi32, #tpu.memory_space<vmem>> -> memref<1x32xi32, #tpu.memory_space<vmem>>
    %dma_wait3A_85 = tpu.memref_squeeze %dma_wait3A_84 : memref<1x32xi32, #tpu.memory_space<vmem>> -> memref<32xi32, #tpu.memory_space<vmem>>
    %dma_wait3A_86 = arith.constant 0 : i32
    %dma_wait3A_87 = arith.constant 0 : i32
    %dma_wait3A_88 = tpu.memref_slice %arg2[%dma_wait3A_86, %dma_wait3A_87] : memref<8192x768xf32, #tpu.memory_space<hbm>> -> memref<8192x768xf32, #tpu.memory_space<hbm>>
    tpu.wait_indirect_dma semaphore(%arg10 : memref<!tpu.dma_semaphore, #tpu.memory_space<semaphore_mem>>) src(%dma_wait3A_88 : memref<8192x768xf32, #tpu.memory_space<hbm>>) dst(%dma_wait3A_82 : memref<32x768xf32, #tpu.memory_space<vmem>>)
    %dma_wait3A_89 = arith.constant 1 : i32
    %dma_wait3A_90 = arith.constant 32 : i32
    %dma_wait3A_91 = arith.constant 0 : i32
    %dma_wait3A_92 = tpu.memref_slice %arg9[%dma_wait3A_90, %dma_wait3A_91] : memref<64x768xf32, #tpu.memory_space<vmem>> -> memref<32x768xf32, #tpu.memory_space<vmem>>
    %dma_wait3A_93 = arith.constant 32 : i32
    %dma_wait3A_94 = tpu.memref_slice %arg6[%dma_wait3A_89, %dma_wait3A_93] : memref<2x64xi32, #tpu.memory_space<vmem>> -> memref<1x32xi32, #tpu.memory_space<vmem>>
    %dma_wait3A_95 = tpu.memref_squeeze %dma_wait3A_94 : memref<1x32xi32, #tpu.memory_space<vmem>> -> memref<32xi32, #tpu.memory_space<vmem>>
    %dma_wait3A_96 = arith.constant 0 : i32
    %dma_wait3A_97 = arith.constant 0 : i32
    %dma_wait3A_98 = tpu.memref_slice %arg2[%dma_wait3A_96, %dma_wait3A_97] : memref<8192x768xf32, #tpu.memory_space<hbm>> -> memref<8192x768xf32, #tpu.memory_space<hbm>>
    tpu.wait_indirect_dma semaphore(%arg10 : memref<!tpu.dma_semaphore, #tpu.memory_space<semaphore_mem>>) src(%dma_wait3A_98 : memref<8192x768xf32, #tpu.memory_space<hbm>>) dst(%dma_wait3A_92 : memref<32x768xf32, #tpu.memory_space<vmem>>)
    %scan3A_99 = arith.constant 0 : i32
    %scan3A_100 = arith.constant 32 : i32
    %scan3A_101 = arith.constant 32 : i32
    %scan3A_102 = arith.addi %scan3A_100, %scan3A_101 : i32
    %scan3A_103 = arith.constant 1 : i32
    scf.for %scan3A_117 = %scan3A_100 to %scan3A_102 step %scan3A_103  : i32 {
      %get3A = arith.constant 0 : i32
      %get3A_118 = arith.index_cast %scan3A_117 : i32 to index
      %get3A_119 = arith.index_cast %get3A : i32 to index
      %get3A_120 = arith.constant 0 : index
      %get3A_121 = tpu.vector_load %arg7[%get3A_118, %get3A_119, %get3A_120] {strides = array<i32>} : memref<64x2x16xf32, #tpu.memory_space<vmem>>, vector<1x1x16xf32>,
      %get3A_122 = vector.shape_cast %get3A_121 : vector<1x1x16xf32> to vector<16xf32>
      %get3A_123 = arith.constant 1 : i32
      %get3A_124 = arith.index_cast %scan3A_117 : i32 to index
      %get3A_125 = arith.index_cast %get3A_123 : i32 to index
      %get3A_126 = arith.constant 0 : index
      %get3A_127 = tpu.vector_load %arg7[%get3A_124, %get3A_125, %get3A_126] {strides = array<i32>} : memref<64x2x16xf32, #tpu.memory_space<vmem>>, vector<1x1x16xf32>,
      %get3A_128 = vector.shape_cast %get3A_127 : vector<1x1x16xf32> to vector<16xf32>
      %get3A_129 = arith.index_cast %scan3A_117 : i32 to index
      %get3A_130 = arith.constant 0 : index
      %get3A_131 = tpu.vector_load %arg8[%get3A_129, %get3A_130] {strides = array<i32>} : memref<64x768xf32, #tpu.memory_space<vmem>>, vector<1x16xf32>,
      %get3A_132 = vector.shape_cast %get3A_131 : vector<1x16xf32> to vector<16xf32>
      %mul3A_133 = arith.mulf %get3A_132, %get3A_122 : vector<16xf32>
      %get3A_134 = arith.index_cast %scan3A_117 : i32 to index
      %get3A_135 = arith.constant 0 : index
      %get3A_136 = tpu.vector_load %arg9[%get3A_134, %get3A_135] {strides = array<i32>} : memref<64x768xf32, #tpu.memory_space<vmem>>, vector<1x16xf32>,
      %get3A_137 = vector.shape_cast %get3A_136 : vector<1x16xf32> to vector<16xf32>
      %mul3A_138 = arith.mulf %get3A_137, %get3A_128 : vector<16xf32>
      %add3A_139 = arith.addf %mul3A_133, %mul3A_138 : vector<16xf32>
      %swap3A = arith.index_cast %scan3A_117 : i32 to index
      %swap3A_140 = arith.constant 0 : index
      %swap3A_141 = tpu.vector_load %arg8[%swap3A, %swap3A_140] {strides = array<i32>} : memref<64x768xf32, #tpu.memory_space<vmem>>, vector<1x16xf32>,
      %swap3A_142 = vector.shape_cast %swap3A_141 : vector<1x16xf32> to vector<16xf32>
      %swap3A_143 = vector.shape_cast %add3A_139 : vector<16xf32> to vector<1x16xf32>
      tpu.vector_store %arg8[%swap3A, %swap3A_140], %swap3A_143 {strides = array<i32>} : memref<64x768xf32, #tpu.memory_space<vmem>>, vector<1x16xf32>,
      %get3A_144 = arith.index_cast %scan3A_117 : i32 to index
      %get3A_145 = arith.constant 16 : index
      %get3A_146 = tpu.vector_load %arg8[%get3A_144, %get3A_145] {strides = array<i32>} : memref<64x768xf32, #tpu.memory_space<vmem>>, vector<1x16xf32>,
      %get3A_147 = vector.shape_cast %get3A_146 : vector<1x16xf32> to vector<16xf32>
      %mul3A_148 = arith.mulf %get3A_147, %get3A_122 : vector<16xf32>
      %get3A_149 = arith.index_cast %scan3A_117 : i32 to index
      %get3A_150 = arith.constant 16 : index
      %get3A_151 = tpu.vector_load %arg9[%get3A_149, %get3A_150] {strides = array<i32>} : memref<64x768xf32, #tpu.memory_space<vmem>>, vector<1x16xf32>,
      %get3A_152 = vector.shape_cast %get3A_151 : vector<1x16xf32> to vector<16xf32>
      %mul3A_153 = arith.mulf %get3A_152, %get3A_128 : vector<16xf32>
      %add3A_154 = arith.addf %mul3A_148, %mul3A_153 : vector<16xf32>
      %swap3A_155 = arith.index_cast %scan3A_117 : i32 to index
      %swap3A_156 = arith.constant 16 : index
      %swap3A_157 = tpu.vector_load %arg8[%swap3A_155, %swap3A_156] {strides = array<i32>} : memref<64x768xf32, #tpu.memory_space<vmem>>, vector<1x16xf32>,
      %swap3A_158 = vector.shape_cast %swap3A_157 : vector<1x16xf32> to vector<16xf32>
      %swap3A_159 = vector.shape_cast %add3A_154 : vector<16xf32> to vector<1x16xf32>
      tpu.vector_store %arg8[%swap3A_155, %swap3A_156], %swap3A_159 {strides = array<i32>} : memref<64x768xf32, #tpu.memory_space<vmem>>, vector<1x16xf32>,
      %get3A_160 = arith.index_cast %scan3A_117 : i32 to index
      %get3A_161 = arith.constant 32 : index
      %get3A_162 = tpu.vector_load %arg8[%get3A_160, %get3A_161] {strides = array<i32>} : memref<64x768xf32, #tpu.memory_space<vmem>>, vector<1x16xf32>,
      %get3A_163 = vector.shape_cast %get3A_162 : vector<1x16xf32> to vector<16xf32>
      %mul3A_164 = arith.mulf %get3A_163, %get3A_122 : vector<16xf32>
      %get3A_165 = arith.index_cast %scan3A_117 : i32 to index
      %get3A_166 = arith.constant 32 : index
      %get3A_167 = tpu.vector_load %arg9[%get3A_165, %get3A_166] {strides = array<i32>} : memref<64x768xf32, #tpu.memory_space<vmem>>, vector<1x16xf32>,
      %get3A_168 = vector.shape_cast %get3A_167 : vector<1x16xf32> to vector<16xf32>
      %mul3A_169 = arith.mulf %get3A_168, %get3A_128 : vector<16xf32>
      %add3A_170 = arith.addf %mul3A_164, %mul3A_169 : vector<16xf32>
      %swap3A_171 = arith.index_cast %scan3A_117 : i32 to index
      %swap3A_172 = arith.constant 32 : index
      %swap3A_173 = tpu.vector_load %arg8[%swap3A_171, %swap3A_172] {strides = array<i32>} : memref<64x768xf32, #tpu.memory_space<vmem>>, vector<1x16xf32>,
      %swap3A_174 = vector.shape_cast %swap3A_173 : vector<1x16xf32> to vector<16xf32>
      %swap3A_175 = vector.shape_cast %add3A_170 : vector<16xf32> to vector<1x16xf32>
      tpu.vector_store %arg8[%swap3A_171, %swap3A_172], %swap3A_175 {strides = array<i32>} : memref<64x768xf32, #tpu.memory_space<vmem>>, vector<1x16xf32>,
      %get3A_176 = arith.index_cast %scan3A_117 : i32 to index
      %get3A_177 = arith.constant 48 : index
      %get3A_178 = tpu.vector_load %arg8[%get3A_176, %get3A_177] {strides = array<i32>} : memref<64x768xf32, #tpu.memory_space<vmem>>, vector<1x16xf32>,
      %get3A_179 = vector.shape_cast %get3A_178 : vector<1x16xf32> to vector<16xf32>
      %mul3A_180 = arith.mulf %get3A_179, %get3A_122 : vector<16xf32>
      %get3A_181 = arith.index_cast %scan3A_117 : i32 to index
      %get3A_182 = arith.constant 48 : index
      %get3A_183 = tpu.vector_load %arg9[%get3A_181, %get3A_182] {strides = array<i32>} : memref<64x768xf32, #tpu.memory_space<vmem>>, vector<1x16xf32>,
      %get3A_184 = vector.shape_cast %get3A_183 : vector<1x16xf32> to vector<16xf32>
      %mul3A_185 = arith.mulf %get3A_184, %get3A_128 : vector<16xf32>
      %add3A_186 = arith.addf %mul3A_180, %mul3A_185 : vector<16xf32>
      %swap3A_187 = arith.index_cast %scan3A_117 : i32 to index
      %swap3A_188 = arith.constant 48 : index
      %swap3A_189 = tpu.vector_load %arg8[%swap3A_187, %swap3A_188] {strides = array<i32>} : memref<64x768xf32, #tpu.memory_space<vmem>>, vector<1x16xf32>,
      %swap3A_190 = vector.shape_cast %swap3A_189 : vector<1x16xf32> to vector<16xf32>
      %swap3A_191 = vector.shape_cast %add3A_186 : vector<16xf32> to vector<1x16xf32>
      tpu.vector_store %arg8[%swap3A_187, %swap3A_188], %swap3A_191 {strides = array<i32>} : memref<64x768xf32, #tpu.memory_space<vmem>>, vector<1x16xf32>,
      %get3A_192 = arith.index_cast %scan3A_117 : i32 to index
      %get3A_193 = arith.constant 64 : index
      %get3A_194 = tpu.vector_load %arg8[%get3A_192, %get3A_193] {strides = array<i32>} : memref<64x768xf32, #tpu.memory_space<vmem>>, vector<1x16xf32>,
      %get3A_195 = vector.shape_cast %get3A_194 : vector<1x16xf32> to vector<16xf32>
      %mul3A_196 = arith.mulf %get3A_195, %get3A_122 : vector<16xf32>
      %get3A_197 = arith.index_cast %scan3A_117 : i32 to index
      %get3A_198 = arith.constant 64 : index
      %get3A_199 = tpu.vector_load %arg9[%get3A_197, %get3A_198] {strides = array<i32>} : memref<64x768xf32, #tpu.memory_space<vmem>>, vector<1x16xf32>,
      %get3A_200 = vector.shape_cast %get3A_199 : vector<1x16xf32> to vector<16xf32>
      %mul3A_201 = arith.mulf %get3A_200, %get3A_128 : vector<16xf32>
      %add3A_202 = arith.addf %mul3A_196, %mul3A_201 : vector<16xf32>
      %swap3A_203 = arith.index_cast %scan3A_117 : i32 to index
      %swap3A_204 = arith.constant 64 : index
      %swap3A_205 = tpu.vector_load %arg8[%swap3A_203, %swap3A_204] {strides = array<i32>} : memref<64x768xf32, #tpu.memory_space<vmem>>, vector<1x16xf32>,
      %swap3A_206 = vector.shape_cast %swap3A_205 : vector<1x16xf32> to vector<16xf32>
      %swap3A_207 = vector.shape_cast %add3A_202 : vector<16xf32> to vector<1x16xf32>
      tpu.vector_store %arg8[%swap3A_203, %swap3A_204], %swap3A_207 {strides = array<i32>} : memref<64x768xf32, #tpu.memory_space<vmem>>, vector<1x16xf32>,
      %get3A_208 = arith.index_cast %scan3A_117 : i32 to index
      %get3A_209 = arith.constant 80 : index
      %get3A_210 = tpu.vector_load %arg8[%get3A_208, %get3A_209] {strides = array<i32>} : memref<64x768xf32, #tpu.memory_space<vmem>>, vector<1x16xf32>,
      %get3A_211 = vector.shape_cast %get3A_210 : vector<1x16xf32> to vector<16xf32>
      %mul3A_212 = arith.mulf %get3A_211, %get3A_122 : vector<16xf32>
      %get3A_213 = arith.index_cast %scan3A_117 : i32 to index
      %get3A_214 = arith.constant 80 : index
      %get3A_215 = tpu.vector_load %arg9[%get3A_213, %get3A_214] {strides = array<i32>} : memref<64x768xf32, #tpu.memory_space<vmem>>, vector<1x16xf32>,
      %get3A_216 = vector.shape_cast %get3A_215 : vector<1x16xf32> to vector<16xf32>
      %mul3A_217 = arith.mulf %get3A_216, %get3A_128 : vector<16xf32>
      %add3A_218 = arith.addf %mul3A_212, %mul3A_217 : vector<16xf32>
      %swap3A_219 = arith.index_cast %scan3A_117 : i32 to index
      %swap3A_220 = arith.constant 80 : index
      %swap3A_221 = tpu.vector_load %arg8[%swap3A_219, %swap3A_220] {strides = array<i32>} : memref<64x768xf32, #tpu.memory_space<vmem>>, vector<1x16xf32>,
      %swap3A_222 = vector.shape_cast %swap3A_221 : vector<1x16xf32> to vector<16xf32>
      %swap3A_223 = vector.shape_cast %add3A_218 : vector<16xf32> to vector<1x16xf32>
      tpu.vector_store %arg8[%swap3A_219, %swap3A_220], %swap3A_223 {strides = array<i32>} : memref<64x768xf32, #tpu.memory_space<vmem>>, vector<1x16xf32>,
      %get3A_224 = arith.index_cast %scan3A_117 : i32 to index
      %get3A_225 = arith.constant 96 : index
      %get3A_226 = tpu.vector_load %arg8[%get3A_224, %get3A_225] {strides = array<i32>} : memref<64x768xf32, #tpu.memory_space<vmem>>, vector<1x16xf32>,
      %get3A_227 = vector.shape_cast %get3A_226 : vector<1x16xf32> to vector<16xf32>
      %mul3A_228 = arith.mulf %get3A_227, %get3A_122 : vector<16xf32>
      %get3A_229 = arith.index_cast %scan3A_117 : i32 to index
      %get3A_230 = arith.constant 96 : index
      %get3A_231 = tpu.vector_load %arg9[%get3A_229, %get3A_230] {strides = array<i32>} : memref<64x768xf32, #tpu.memory_space<vmem>>, vector<1x16xf32>,
      %get3A_232 = vector.shape_cast %get3A_231 : vector<1x16xf32> to vector<16xf32>
      %mul3A_233 = arith.mulf %get3A_232, %get3A_128 : vector<16xf32>
      %add3A_234 = arith.addf %mul3A_228, %mul3A_233 : vector<16xf32>
      %swap3A_235 = arith.index_cast %scan3A_117 : i32 to index
      %swap3A_236 = arith.constant 96 : index
      %swap3A_237 = tpu.vector_load %arg8[%swap3A_235, %swap3A_236] {strides = array<i32>} : memref<64x768xf32, #tpu.memory_space<vmem>>, vector<1x16xf32>,
      %swap3A_238 = vector.shape_cast %swap3A_237 : vector<1x16xf32> to vector<16xf32>
      %swap3A_239 = vector.shape_cast %add3A_234 : vector<16xf32> to vector<1x16xf32>
      tpu.vector_store %arg8[%swap3A_235, %swap3A_236], %swap3A_239 {strides = array<i32>} : memref<64x768xf32, #tpu.memory_space<vmem>>, vector<1x16xf32>,
      %get3A_240 = arith.index_cast %scan3A_117 : i32 to index
      %get3A_241 = arith.constant 112 : index
      %get3A_242 = tpu.vector_load %arg8[%get3A_240, %get3A_241] {strides = array<i32>} : memref<64x768xf32, #tpu.memory_space<vmem>>, vector<1x16xf32>,
      %get3A_243 = vector.shape_cast %get3A_242 : vector<1x16xf32> to vector<16xf32>
      %mul3A_244 = arith.mulf %get3A_243, %get3A_122 : vector<16xf32>
      %get3A_245 = arith.index_cast %scan3A_117 : i32 to index
      %get3A_246 = arith.constant 112 : index
      %get3A_247 = tpu.vector_load %arg9[%get3A_245, %get3A_246] {strides = array<i32>} : memref<64x768xf32, #tpu.memory_space<vmem>>, vector<1x16xf32>,
      %get3A_248 = vector.shape_cast %get3A_247 : vector<1x16xf32> to vector<16xf32>
      %mul3A_249 = arith.mulf %get3A_248, %get3A_128 : vector<16xf32>
      %add3A_250 = arith.addf %mul3A_244, %mul3A_249 : vector<16xf32>
      %swap3A_251 = arith.index_cast %scan3A_117 : i32 to index
      %swap3A_252 = arith.constant 112 : index
      %swap3A_253 = tpu.vector_load %arg8[%swap3A_251, %swap3A_252] {strides = array<i32>} : memref<64x768xf32, #tpu.memory_space<vmem>>, vector<1x16xf32>,
      %swap3A_254 = vector.shape_cast %swap3A_253 : vector<1x16xf32> to vector<16xf32>
      %swap3A_255 = vector.shape_cast %add3A_250 : vector<16xf32> to vector<1x16xf32>
      tpu.vector_store %arg8[%swap3A_251, %swap3A_252], %swap3A_255 {strides = array<i32>} : memref<64x768xf32, #tpu.memory_space<vmem>>, vector<1x16xf32>,
      %get3A_256 = arith.index_cast %scan3A_117 : i32 to index
      %get3A_257 = arith.constant 128 : index
      %get3A_258 = tpu.vector_load %arg8[%get3A_256, %get3A_257] {strides = array<i32>} : memref<64x768xf32, #tpu.memory_space<vmem>>, vector<1x16xf32>,
      %get3A_259 = vector.shape_cast %get3A_258 : vector<1x16xf32> to vector<16xf32>
      %mul3A_260 = arith.mulf %get3A_259, %get3A_122 : vector<16xf32>
      %get3A_261 = arith.index_cast %scan3A_117 : i32 to index
      %get3A_262 = arith.constant 128 : index
      %get3A_263 = tpu.vector_load %arg9[%get3A_261, %get3A_262] {strides = array<i32>} : memref<64x768xf32, #tpu.memory_space<vmem>>, vector<1x16xf32>,
      %get3A_264 = vector.shape_cast %get3A_263 : vector<1x16xf32> to vector<16xf32>
      %mul3A_265 = arith.mulf %get3A_264, %get3A_128 : vector<16xf32>
      %add3A_266 = arith.addf %mul3A_260, %mul3A_265 : vector<16xf32>
      %swap3A_267 = arith.index_cast %scan3A_117 : i32 to index
      %swap3A_268 = arith.constant 128 : index
      %swap3A_269 = tpu.vector_load %arg8[%swap3A_267, %swap3A_268] {strides = array<i32>} : memref<64x768xf32, #tpu.memory_space<vmem>>, vector<1x16xf32>,
      %swap3A_270 = vector.shape_cast %swap3A_269 : vector<1x16xf32> to vector<16xf32>
      %swap3A_271 = vector.shape_cast %add3A_266 : vector<16xf32> to vector<1x16xf32>
      tpu.vector_store %arg8[%swap3A_267, %swap3A_268], %swap3A_271 {strides = array<i32>} : memref<64x768xf32, #tpu.memory_space<vmem>>, vector<1x16xf32>,
      %get3A_272 = arith.index_cast %scan3A_117 : i32 to index
      %get3A_273 = arith.constant 144 : index
      %get3A_274 = tpu.vector_load %arg8[%get3A_272, %get3A_273] {strides = array<i32>} : memref<64x768xf32, #tpu.memory_space<vmem>>, vector<1x16xf32>,
      %get3A_275 = vector.shape_cast %get3A_274 : vector<1x16xf32> to vector<16xf32>
      %mul3A_276 = arith.mulf %get3A_275, %get3A_122 : vector<16xf32>
      %get3A_277 = arith.index_cast %scan3A_117 : i32 to index
      %get3A_278 = arith.constant 144 : index
      %get3A_279 = tpu.vector_load %arg9[%get3A_277, %get3A_278] {strides = array<i32>} : memref<64x768xf32, #tpu.memory_space<vmem>>, vector<1x16xf32>,
      %get3A_280 = vector.shape_cast %get3A_279 : vector<1x16xf32> to vector<16xf32>
      %mul3A_281 = arith.mulf %get3A_280, %get3A_128 : vector<16xf32>
      %add3A_282 = arith.addf %mul3A_276, %mul3A_281 : vector<16xf32>
      %swap3A_283 = arith.index_cast %scan3A_117 : i32 to index
      %swap3A_284 = arith.constant 144 : index
      %swap3A_285 = tpu.vector_load %arg8[%swap3A_283, %swap3A_284] {strides = array<i32>} : memref<64x768xf32, #tpu.memory_space<vmem>>, vector<1x16xf32>,
      %swap3A_286 = vector.shape_cast %swap3A_285 : vector<1x16xf32> to vector<16xf32>
      %swap3A_287 = vector.shape_cast %add3A_282 : vector<16xf32> to vector<1x16xf32>
      tpu.vector_store %arg8[%swap3A_283, %swap3A_284], %swap3A_287 {strides = array<i32>} : memref<64x768xf32, #tpu.memory_space<vmem>>, vector<1x16xf32>,
      %get3A_288 = arith.index_cast %scan3A_117 : i32 to index
      %get3A_289 = arith.constant 160 : index
      %get3A_290 = tpu.vector_load %arg8[%get3A_288, %get3A_289] {strides = array<i32>} : memref<64x768xf32, #tpu.memory_space<vmem>>, vector<1x16xf32>,
      %get3A_291 = vector.shape_cast %get3A_290 : vector<1x16xf32> to vector<16xf32>
      %mul3A_292 = arith.mulf %get3A_291, %get3A_122 : vector<16xf32>
      %get3A_293 = arith.index_cast %scan3A_117 : i32 to index
      %get3A_294 = arith.constant 160 : index
      %get3A_295 = tpu.vector_load %arg9[%get3A_293, %get3A_294] {strides = array<i32>} : memref<64x768xf32, #tpu.memory_space<vmem>>, vector<1x16xf32>,
      %get3A_296 = vector.shape_cast %get3A_295 : vector<1x16xf32> to vector<16xf32>
      %mul3A_297 = arith.mulf %get3A_296, %get3A_128 : vector<16xf32>
      %add3A_298 = arith.addf %mul3A_292, %mul3A_297 : vector<16xf32>
      %swap3A_299 = arith.index_cast %scan3A_117 : i32 to index
      %swap3A_300 = arith.constant 160 : index
      %swap3A_301 = tpu.vector_load %arg8[%swap3A_299, %swap3A_300] {strides = array<i32>} : memref<64x768xf32, #tpu.memory_space<vmem>>, vector<1x16xf32>,
      %swap3A_302 = vector.shape_cast %swap3A_301 : vector<1x16xf32> to vector<16xf32>
      %swap3A_303 = vector.shape_cast %add3A_298 : vector<16xf32> to vector<1x16xf32>
      tpu.vector_store %arg8[%swap3A_299, %swap3A_300], %swap3A_303 {strides = array<i32>} : memref<64x768xf32, #tpu.memory_space<vmem>>, vector<1x16xf32>,
      %get3A_304 = arith.index_cast %scan3A_117 : i32 to index
      %get3A_305 = arith.constant 176 : index
      %get3A_306 = tpu.vector_load %arg8[%get3A_304, %get3A_305] {strides = array<i32>} : memref<64x768xf32, #tpu.memory_space<vmem>>, vector<1x16xf32>,
      %get3A_307 = vector.shape_cast %get3A_306 : vector<1x16xf32> to vector<16xf32>
      %mul3A_308 = arith.mulf %get3A_307, %get3A_122 : vector<16xf32>
      %get3A_309 = arith.index_cast %scan3A_117 : i32 to index
      %get3A_310 = arith.constant 176 : index
      %get3A_311 = tpu.vector_load %arg9[%get3A_309, %get3A_310] {strides = array<i32>} : memref<64x768xf32, #tpu.memory_space<vmem>>, vector<1x16xf32>,
      %get3A_312 = vector.shape_cast %get3A_311 : vector<1x16xf32> to vector<16xf32>
      %mul3A_313 = arith.mulf %get3A_312, %get3A_128 : vector<16xf32>
      %add3A_314 = arith.addf %mul3A_308, %mul3A_313 : vector<16xf32>
      %swap3A_315 = arith.index_cast %scan3A_117 : i32 to index
      %swap3A_316 = arith.constant 176 : index
      %swap3A_317 = tpu.vector_load %arg8[%swap3A_315, %swap3A_316] {strides = array<i32>} : memref<64x768xf32, #tpu.memory_space<vmem>>, vector<1x16xf32>,
      %swap3A_318 = vector.shape_cast %swap3A_317 : vector<1x16xf32> to vector<16xf32>
      %swap3A_319 = vector.shape_cast %add3A_314 : vector<16xf32> to vector<1x16xf32>
      tpu.vector_store %arg8[%swap3A_315, %swap3A_316], %swap3A_319 {strides = array<i32>} : memref<64x768xf32, #tpu.memory_space<vmem>>, vector<1x16xf32>,
      %get3A_320 = arith.index_cast %scan3A_117 : i32 to index
      %get3A_321 = arith.constant 192 : index
      %get3A_322 = tpu.vector_load %arg8[%get3A_320, %get3A_321] {strides = array<i32>} : memref<64x768xf32, #tpu.memory_space<vmem>>, vector<1x16xf32>,
      %get3A_323 = vector.shape_cast %get3A_322 : vector<1x16xf32> to vector<16xf32>
      %mul3A_324 = arith.mulf %get3A_323, %get3A_122 : vector<16xf32>
      %get3A_325 = arith.index_cast %scan3A_117 : i32 to index
      %get3A_326 = arith.constant 192 : index
      %get3A_327 = tpu.vector_load %arg9[%get3A_325, %get3A_326] {strides = array<i32>} : memref<64x768xf32, #tpu.memory_space<vmem>>, vector<1x16xf32>,
      %get3A_328 = vector.shape_cast %get3A_327 : vector<1x16xf32> to vector<16xf32>
      %mul3A_329 = arith.mulf %get3A_328, %get3A_128 : vector<16xf32>
      %add3A_330 = arith.addf %mul3A_324, %mul3A_329 : vector<16xf32>
      %swap3A_331 = arith.index_cast %scan3A_117 : i32 to index
      %swap3A_332 = arith.constant 192 : index
      %swap3A_333 = tpu.vector_load %arg8[%swap3A_331, %swap3A_332] {strides = array<i32>} : memref<64x768xf32, #tpu.memory_space<vmem>>, vector<1x16xf32>,
      %swap3A_334 = vector.shape_cast %swap3A_333 : vector<1x16xf32> to vector<16xf32>
      %swap3A_335 = vector.shape_cast %add3A_330 : vector<16xf32> to vector<1x16xf32>
      tpu.vector_store %arg8[%swap3A_331, %swap3A_332], %swap3A_335 {strides = array<i32>} : memref<64x768xf32, #tpu.memory_space<vmem>>, vector<1x16xf32>,
      %get3A_336 = arith.index_cast %scan3A_117 : i32 to index
      %get3A_337 = arith.constant 208 : index
      %get3A_338 = tpu.vector_load %arg8[%get3A_336, %get3A_337] {strides = array<i32>} : memref<64x768xf32, #tpu.memory_space<vmem>>, vector<1x16xf32>,
      %get3A_339 = vector.shape_cast %get3A_338 : vector<1x16xf32> to vector<16xf32>
      %mul3A_340 = arith.mulf %get3A_339, %get3A_122 : vector<16xf32>
      %get3A_341 = arith.index_cast %scan3A_117 : i32 to index
      %get3A_342 = arith.constant 208 : index
      %get3A_343 = tpu.vector_load %arg9[%get3A_341, %get3A_342] {strides = array<i32>} : memref<64x768xf32, #tpu.memory_space<vmem>>, vector<1x16xf32>,
      %get3A_344 = vector.shape_cast %get3A_343 : vector<1x16xf32> to vector<16xf32>
      %mul3A_345 = arith.mulf %get3A_344, %get3A_128 : vector<16xf32>
      %add3A_346 = arith.addf %mul3A_340, %mul3A_345 : vector<16xf32>
      %swap3A_347 = arith.index_cast %scan3A_117 : i32 to index
      %swap3A_348 = arith.constant 208 : index
      %swap3A_349 = tpu.vector_load %arg8[%swap3A_347, %swap3A_348] {strides = array<i32>} : memref<64x768xf32, #tpu.memory_space<vmem>>, vector<1x16xf32>,
      %swap3A_350 = vector.shape_cast %swap3A_349 : vector<1x16xf32> to vector<16xf32>
      %swap3A_351 = vector.shape_cast %add3A_346 : vector<16xf32> to vector<1x16xf32>
      tpu.vector_store %arg8[%swap3A_347, %swap3A_348], %swap3A_351 {strides = array<i32>} : memref<64x768xf32, #tpu.memory_space<vmem>>, vector<1x16xf32>,
      %get3A_352 = arith.index_cast %scan3A_117 : i32 to index
      %get3A_353 = arith.constant 224 : index
      %get3A_354 = tpu.vector_load %arg8[%get3A_352, %get3A_353] {strides = array<i32>} : memref<64x768xf32, #tpu.memory_space<vmem>>, vector<1x16xf32>,
      %get3A_355 = vector.shape_cast %get3A_354 : vector<1x16xf32> to vector<16xf32>
      %mul3A_356 = arith.mulf %get3A_355, %get3A_122 : vector<16xf32>
      %get3A_357 = arith.index_cast %scan3A_117 : i32 to index
      %get3A_358 = arith.constant 224 : index
      %get3A_359 = tpu.vector_load %arg9[%get3A_357, %get3A_358] {strides = array<i32>} : memref<64x768xf32, #tpu.memory_space<vmem>>, vector<1x16xf32>,
      %get3A_360 = vector.shape_cast %get3A_359 : vector<1x16xf32> to vector<16xf32>
      %mul3A_361 = arith.mulf %get3A_360, %get3A_128 : vector<16xf32>
      %add3A_362 = arith.addf %mul3A_356, %mul3A_361 : vector<16xf32>
      %swap3A_363 = arith.index_cast %scan3A_117 : i32 to index
      %swap3A_364 = arith.constant 224 : index
      %swap3A_365 = tpu.vector_load %arg8[%swap3A_363, %swap3A_364] {strides = array<i32>} : memref<64x768xf32, #tpu.memory_space<vmem>>, vector<1x16xf32>,
      %swap3A_366 = vector.shape_cast %swap3A_365 : vector<1x16xf32> to vector<16xf32>
      %swap3A_367 = vector.shape_cast %add3A_362 : vector<16xf32> to vector<1x16xf32>
      tpu.vector_store %arg8[%swap3A_363, %swap3A_364], %swap3A_367 {strides = array<i32>} : memref<64x768xf32, #tpu.memory_space<vmem>>, vector<1x16xf32>,
      %get3A_368 = arith.index_cast %scan3A_117 : i32 to index
      %get3A_369 = arith.constant 240 : index
      %get3A_370 = tpu.vector_load %arg8[%get3A_368, %get3A_369] {strides = array<i32>} : memref<64x768xf32, #tpu.memory_space<vmem>>, vector<1x16xf32>,
      %get3A_371 = vector.shape_cast %get3A_370 : vector<1x16xf32> to vector<16xf32>
      %mul3A_372 = arith.mulf %get3A_371, %get3A_122 : vector<16xf32>
      %get3A_373 = arith.index_cast %scan3A_117 : i32 to index
      %get3A_374 = arith.constant 240 : index
      %get3A_375 = tpu.vector_load %arg9[%get3A_373, %get3A_374] {strides = array<i32>} : memref<64x768xf32, #tpu.memory_space<vmem>>, vector<1x16xf32>,
      %get3A_376 = vector.shape_cast %get3A_375 : vector<1x16xf32> to vector<16xf32>
      %mul3A_377 = arith.mulf %get3A_376, %get3A_128 : vector<16xf32>
      %add3A_378 = arith.addf %mul3A_372, %mul3A_377 : vector<16xf32>
      %swap3A_379 = arith.index_cast %scan3A_117 : i32 to index
      %swap3A_380 = arith.constant 240 : index
      %swap3A_381 = tpu.vector_load %arg8[%swap3A_379, %swap3A_380] {strides = array<i32>} : memref<64x768xf32, #tpu.memory_space<vmem>>, vector<1x16xf32>,
      %swap3A_382 = vector.shape_cast %swap3A_381 : vector<1x16xf32> to vector<16xf32>
      %swap3A_383 = vector.shape_cast %add3A_378 : vector<16xf32> to vector<1x16xf32>
      tpu.vector_store %arg8[%swap3A_379, %swap3A_380], %swap3A_383 {strides = array<i32>} : memref<64x768xf32, #tpu.memory_space<vmem>>, vector<1x16xf32>,
      %get3A_384 = arith.index_cast %scan3A_117 : i32 to index
      %get3A_385 = arith.constant 256 : index
      %get3A_386 = tpu.vector_load %arg8[%get3A_384, %get3A_385] {strides = array<i32>} : memref<64x768xf32, #tpu.memory_space<vmem>>, vector<1x16xf32>,
      %get3A_387 = vector.shape_cast %get3A_386 : vector<1x16xf32> to vector<16xf32>
      %mul3A_388 = arith.mulf %get3A_387, %get3A_122 : vector<16xf32>
      %get3A_389 = arith.index_cast %scan3A_117 : i32 to index
      %get3A_390 = arith.constant 256 : index
      %get3A_391 = tpu.vector_load %arg9[%get3A_389, %get3A_390] {strides = array<i32>} : memref<64x768xf32, #tpu.memory_space<vmem>>, vector<1x16xf32>,
      %get3A_392 = vector.shape_cast %get3A_391 : vector<1x16xf32> to vector<16xf32>
      %mul3A_393 = arith.mulf %get3A_392, %get3A_128 : vector<16xf32>
      %add3A_394 = arith.addf %mul3A_388, %mul3A_393 : vector<16xf32>
      %swap3A_395 = arith.index_cast %scan3A_117 : i32 to index
      %swap3A_396 = arith.constant 256 : index
      %swap3A_397 = tpu.vector_load %arg8[%swap3A_395, %swap3A_396] {strides = array<i32>} : memref<64x768xf32, #tpu.memory_space<vmem>>, vector<1x16xf32>,
      %swap3A_398 = vector.shape_cast %swap3A_397 : vector<1x16xf32> to vector<16xf32>
      %swap3A_399 = vector.shape_cast %add3A_394 : vector<16xf32> to vector<1x16xf32>
      tpu.vector_store %arg8[%swap3A_395, %swap3A_396], %swap3A_399 {strides = array<i32>} : memref<64x768xf32, #tpu.memory_space<vmem>>, vector<1x16xf32>,
      %get3A_400 = arith.index_cast %scan3A_117 : i32 to index
      %get3A_401 = arith.constant 272 : index
      %get3A_402 = tpu.vector_load %arg8[%get3A_400, %get3A_401] {strides = array<i32>} : memref<64x768xf32, #tpu.memory_space<vmem>>, vector<1x16xf32>,
      %get3A_403 = vector.shape_cast %get3A_402 : vector<1x16xf32> to vector<16xf32>
      %mul3A_404 = arith.mulf %get3A_403, %get3A_122 : vector<16xf32>
      %get3A_405 = arith.index_cast %scan3A_117 : i32 to index
      %get3A_406 = arith.constant 272 : index
      %get3A_407 = tpu.vector_load %arg9[%get3A_405, %get3A_406] {strides = array<i32>} : memref<64x768xf32, #tpu.memory_space<vmem>>, vector<1x16xf32>,
      %get3A_408 = vector.shape_cast %get3A_407 : vector<1x16xf32> to vector<16xf32>
      %mul3A_409 = arith.mulf %get3A_408, %get3A_128 : vector<16xf32>
      %add3A_410 = arith.addf %mul3A_404, %mul3A_409 : vector<16xf32>
      %swap3A_411 = arith.index_cast %scan3A_117 : i32 to index
      %swap3A_412 = arith.constant 272 : index
      %swap3A_413 = tpu.vector_load %arg8[%swap3A_411, %swap3A_412] {strides = array<i32>} : memref<64x768xf32, #tpu.memory_space<vmem>>, vector<1x16xf32>,
      %swap3A_414 = vector.shape_cast %swap3A_413 : vector<1x16xf32> to vector<16xf32>
      %swap3A_415 = vector.shape_cast %add3A_410 : vector<16xf32> to vector<1x16xf32>
      tpu.vector_store %arg8[%swap3A_411, %swap3A_412], %swap3A_415 {strides = array<i32>} : memref<64x768xf32, #tpu.memory_space<vmem>>, vector<1x16xf32>,
      %get3A_416 = arith.index_cast %scan3A_117 : i32 to index
      %get3A_417 = arith.constant 288 : index
      %get3A_418 = tpu.vector_load %arg8[%get3A_416, %get3A_417] {strides = array<i32>} : memref<64x768xf32, #tpu.memory_space<vmem>>, vector<1x16xf32>,
      %get3A_419 = vector.shape_cast %get3A_418 : vector<1x16xf32> to vector<16xf32>
      %mul3A_420 = arith.mulf %get3A_419, %get3A_122 : vector<16xf32>
      %get3A_421 = arith.index_cast %scan3A_117 : i32 to index
      %get3A_422 = arith.constant 288 : index
      %get3A_423 = tpu.vector_load %arg9[%get3A_421, %get3A_422] {strides = array<i32>} : memref<64x768xf32, #tpu.memory_space<vmem>>, vector<1x16xf32>,
      %get3A_424 = vector.shape_cast %get3A_423 : vector<1x16xf32> to vector<16xf32>
      %mul3A_425 = arith.mulf %get3A_424, %get3A_128 : vector<16xf32>
      %add3A_426 = arith.addf %mul3A_420, %mul3A_425 : vector<16xf32>
      %swap3A_427 = arith.index_cast %scan3A_117 : i32 to index
      %swap3A_428 = arith.constant 288 : index
      %swap3A_429 = tpu.vector_load %arg8[%swap3A_427, %swap3A_428] {strides = array<i32>} : memref<64x768xf32, #tpu.memory_space<vmem>>, vector<1x16xf32>,
      %swap3A_430 = vector.shape_cast %swap3A_429 : vector<1x16xf32> to vector<16xf32>
      %swap3A_431 = vector.shape_cast %add3A_426 : vector<16xf32> to vector<1x16xf32>
      tpu.vector_store %arg8[%swap3A_427, %swap3A_428], %swap3A_431 {strides = array<i32>} : memref<64x768xf32, #tpu.memory_space<vmem>>, vector<1x16xf32>,
      %get3A_432 = arith.index_cast %scan3A_117 : i32 to index
      %get3A_433 = arith.constant 304 : index
      %get3A_434 = tpu.vector_load %arg8[%get3A_432, %get3A_433] {strides = array<i32>} : memref<64x768xf32, #tpu.memory_space<vmem>>, vector<1x16xf32>,
      %get3A_435 = vector.shape_cast %get3A_434 : vector<1x16xf32> to vector<16xf32>
      %mul3A_436 = arith.mulf %get3A_435, %get3A_122 : vector<16xf32>
      %get3A_437 = arith.index_cast %scan3A_117 : i32 to index
      %get3A_438 = arith.constant 304 : index
      %get3A_439 = tpu.vector_load %arg9[%get3A_437, %get3A_438] {strides = array<i32>} : memref<64x768xf32, #tpu.memory_space<vmem>>, vector<1x16xf32>,
      %get3A_440 = vector.shape_cast %get3A_439 : vector<1x16xf32> to vector<16xf32>
      %mul3A_441 = arith.mulf %get3A_440, %get3A_128 : vector<16xf32>
      %add3A_442 = arith.addf %mul3A_436, %mul3A_441 : vector<16xf32>
      %swap3A_443 = arith.index_cast %scan3A_117 : i32 to index
      %swap3A_444 = arith.constant 304 : index
      %swap3A_445 = tpu.vector_load %arg8[%swap3A_443, %swap3A_444] {strides = array<i32>} : memref<64x768xf32, #tpu.memory_space<vmem>>, vector<1x16xf32>,
      %swap3A_446 = vector.shape_cast %swap3A_445 : vector<1x16xf32> to vector<16xf32>
      %swap3A_447 = vector.shape_cast %add3A_442 : vector<16xf32> to vector<1x16xf32>
      tpu.vector_store %arg8[%swap3A_443, %swap3A_444], %swap3A_447 {strides = array<i32>} : memref<64x768xf32, #tpu.memory_space<vmem>>, vector<1x16xf32>,
      %get3A_448 = arith.index_cast %scan3A_117 : i32 to index
      %get3A_449 = arith.constant 320 : index
      %get3A_450 = tpu.vector_load %arg8[%get3A_448, %get3A_449] {strides = array<i32>} : memref<64x768xf32, #tpu.memory_space<vmem>>, vector<1x16xf32>,
      %get3A_451 = vector.shape_cast %get3A_450 : vector<1x16xf32> to vector<16xf32>
      %mul3A_452 = arith.mulf %get3A_451, %get3A_122 : vector<16xf32>
      %get3A_453 = arith.index_cast %scan3A_117 : i32 to index
      %get3A_454 = arith.constant 320 : index
      %get3A_455 = tpu.vector_load %arg9[%get3A_453, %get3A_454] {strides = array<i32>} : memref<64x768xf32, #tpu.memory_space<vmem>>, vector<1x16xf32>,
      %get3A_456 = vector.shape_cast %get3A_455 : vector<1x16xf32> to vector<16xf32>
      %mul3A_457 = arith.mulf %get3A_456, %get3A_128 : vector<16xf32>
      %add3A_458 = arith.addf %mul3A_452, %mul3A_457 : vector<16xf32>
      %swap3A_459 = arith.index_cast %scan3A_117 : i32 to index
      %swap3A_460 = arith.constant 320 : index
      %swap3A_461 = tpu.vector_load %arg8[%swap3A_459, %swap3A_460] {strides = array<i32>} : memref<64x768xf32, #tpu.memory_space<vmem>>, vector<1x16xf32>,
      %swap3A_462 = vector.shape_cast %swap3A_461 : vector<1x16xf32> to vector<16xf32>
      %swap3A_463 = vector.shape_cast %add3A_458 : vector<16xf32> to vector<1x16xf32>
      tpu.vector_store %arg8[%swap3A_459, %swap3A_460], %swap3A_463 {strides = array<i32>} : memref<64x768xf32, #tpu.memory_space<vmem>>, vector<1x16xf32>,
      %get3A_464 = arith.index_cast %scan3A_117 : i32 to index
      %get3A_465 = arith.constant 336 : index
      %get3A_466 = tpu.vector_load %arg8[%get3A_464, %get3A_465] {strides = array<i32>} : memref<64x768xf32, #tpu.memory_space<vmem>>, vector<1x16xf32>,
      %get3A_467 = vector.shape_cast %get3A_466 : vector<1x16xf32> to vector<16xf32>
      %mul3A_468 = arith.mulf %get3A_467, %get3A_122 : vector<16xf32>
      %get3A_469 = arith.index_cast %scan3A_117 : i32 to index
      %get3A_470 = arith.constant 336 : index
      %get3A_471 = tpu.vector_load %arg9[%get3A_469, %get3A_470] {strides = array<i32>} : memref<64x768xf32, #tpu.memory_space<vmem>>, vector<1x16xf32>,
      %get3A_472 = vector.shape_cast %get3A_471 : vector<1x16xf32> to vector<16xf32>
      %mul3A_473 = arith.mulf %get3A_472, %get3A_128 : vector<16xf32>
      %add3A_474 = arith.addf %mul3A_468, %mul3A_473 : vector<16xf32>
      %swap3A_475 = arith.index_cast %scan3A_117 : i32 to index
      %swap3A_476 = arith.constant 336 : index
      %swap3A_477 = tpu.vector_load %arg8[%swap3A_475, %swap3A_476] {strides = array<i32>} : memref<64x768xf32, #tpu.memory_space<vmem>>, vector<1x16xf32>,
      %swap3A_478 = vector.shape_cast %swap3A_477 : vector<1x16xf32> to vector<16xf32>
      %swap3A_479 = vector.shape_cast %add3A_474 : vector<16xf32> to vector<1x16xf32>
      tpu.vector_store %arg8[%swap3A_475, %swap3A_476], %swap3A_479 {strides = array<i32>} : memref<64x768xf32, #tpu.memory_space<vmem>>, vector<1x16xf32>,
      %get3A_480 = arith.index_cast %scan3A_117 : i32 to index
      %get3A_481 = arith.constant 352 : index
      %get3A_482 = tpu.vector_load %arg8[%get3A_480, %get3A_481] {strides = array<i32>} : memref<64x768xf32, #tpu.memory_space<vmem>>, vector<1x16xf32>,
      %get3A_483 = vector.shape_cast %get3A_482 : vector<1x16xf32> to vector<16xf32>
      %mul3A_484 = arith.mulf %get3A_483, %get3A_122 : vector<16xf32>
      %get3A_485 = arith.index_cast %scan3A_117 : i32 to index
      %get3A_486 = arith.constant 352 : index
      %get3A_487 = tpu.vector_load %arg9[%get3A_485, %get3A_486] {strides = array<i32>} : memref<64x768xf32, #tpu.memory_space<vmem>>, vector<1x16xf32>,
      %get3A_488 = vector.shape_cast %get3A_487 : vector<1x16xf32> to vector<16xf32>
      %mul3A_489 = arith.mulf %get3A_488, %get3A_128 : vector<16xf32>
      %add3A_490 = arith.addf %mul3A_484, %mul3A_489 : vector<16xf32>
      %swap3A_491 = arith.index_cast %scan3A_117 : i32 to index
      %swap3A_492 = arith.constant 352 : index
      %swap3A_493 = tpu.vector_load %arg8[%swap3A_491, %swap3A_492] {strides = array<i32>} : memref<64x768xf32, #tpu.memory_space<vmem>>, vector<1x16xf32>,
      %swap3A_494 = vector.shape_cast %swap3A_493 : vector<1x16xf32> to vector<16xf32>
      %swap3A_495 = vector.shape_cast %add3A_490 : vector<16xf32> to vector<1x16xf32>
      tpu.vector_store %arg8[%swap3A_491, %swap3A_492], %swap3A_495 {strides = array<i32>} : memref<64x768xf32, #tpu.memory_space<vmem>>, vector<1x16xf32>,
      %get3A_496 = arith.index_cast %scan3A_117 : i32 to index
      %get3A_497 = arith.constant 368 : index
      %get3A_498 = tpu.vector_load %arg8[%get3A_496, %get3A_497] {strides = array<i32>} : memref<64x768xf32, #tpu.memory_space<vmem>>, vector<1x16xf32>,
      %get3A_499 = vector.shape_cast %get3A_498 : vector<1x16xf32> to vector<16xf32>
      %mul3A_500 = arith.mulf %get3A_499, %get3A_122 : vector<16xf32>
      %get3A_501 = arith.index_cast %scan3A_117 : i32 to index
      %get3A_502 = arith.constant 368 : index
      %get3A_503 = tpu.vector_load %arg9[%get3A_501, %get3A_502] {strides = array<i32>} : memref<64x768xf32, #tpu.memory_space<vmem>>, vector<1x16xf32>,
      %get3A_504 = vector.shape_cast %get3A_503 : vector<1x16xf32> to vector<16xf32>
      %mul3A_505 = arith.mulf %get3A_504, %get3A_128 : vector<16xf32>
      %add3A_506 = arith.addf %mul3A_500, %mul3A_505 : vector<16xf32>
      %swap3A_507 = arith.index_cast %scan3A_117 : i32 to index
      %swap3A_508 = arith.constant 368 : index
      %swap3A_509 = tpu.vector_load %arg8[%swap3A_507, %swap3A_508] {strides = array<i32>} : memref<64x768xf32, #tpu.memory_space<vmem>>, vector<1x16xf32>,
      %swap3A_510 = vector.shape_cast %swap3A_509 : vector<1x16xf32> to vector<16xf32>
      %swap3A_511 = vector.shape_cast %add3A_506 : vector<16xf32> to vector<1x16xf32>
      tpu.vector_store %arg8[%swap3A_507, %swap3A_508], %swap3A_511 {strides = array<i32>} : memref<64x768xf32, #tpu.memory_space<vmem>>, vector<1x16xf32>,
      %get3A_512 = arith.index_cast %scan3A_117 : i32 to index
      %get3A_513 = arith.constant 384 : index
      %get3A_514 = tpu.vector_load %arg8[%get3A_512, %get3A_513] {strides = array<i32>} : memref<64x768xf32, #tpu.memory_space<vmem>>, vector<1x16xf32>,
      %get3A_515 = vector.shape_cast %get3A_514 : vector<1x16xf32> to vector<16xf32>
      %mul3A_516 = arith.mulf %get3A_515, %get3A_122 : vector<16xf32>
      %get3A_517 = arith.index_cast %scan3A_117 : i32 to index
      %get3A_518 = arith.constant 384 : index
      %get3A_519 = tpu.vector_load %arg9[%get3A_517, %get3A_518] {strides = array<i32>} : memref<64x768xf32, #tpu.memory_space<vmem>>, vector<1x16xf32>,
      %get3A_520 = vector.shape_cast %get3A_519 : vector<1x16xf32> to vector<16xf32>
      %mul3A_521 = arith.mulf %get3A_520, %get3A_128 : vector<16xf32>
      %add3A_522 = arith.addf %mul3A_516, %mul3A_521 : vector<16xf32>
      %swap3A_523 = arith.index_cast %scan3A_117 : i32 to index
      %swap3A_524 = arith.constant 384 : index
      %swap3A_525 = tpu.vector_load %arg8[%swap3A_523, %swap3A_524] {strides = array<i32>} : memref<64x768xf32, #tpu.memory_space<vmem>>, vector<1x16xf32>,
      %swap3A_526 = vector.shape_cast %swap3A_525 : vector<1x16xf32> to vector<16xf32>
      %swap3A_527 = vector.shape_cast %add3A_522 : vector<16xf32> to vector<1x16xf32>
      tpu.vector_store %arg8[%swap3A_523, %swap3A_524], %swap3A_527 {strides = array<i32>} : memref<64x768xf32, #tpu.memory_space<vmem>>, vector<1x16xf32>,
      %get3A_528 = arith.index_cast %scan3A_117 : i32 to index
      %get3A_529 = arith.constant 400 : index
      %get3A_530 = tpu.vector_load %arg8[%get3A_528, %get3A_529] {strides = array<i32>} : memref<64x768xf32, #tpu.memory_space<vmem>>, vector<1x16xf32>,
      %get3A_531 = vector.shape_cast %get3A_530 : vector<1x16xf32> to vector<16xf32>
      %mul3A_532 = arith.mulf %get3A_531, %get3A_122 : vector<16xf32>
      %get3A_533 = arith.index_cast %scan3A_117 : i32 to index
      %get3A_534 = arith.constant 400 : index
      %get3A_535 = tpu.vector_load %arg9[%get3A_533, %get3A_534] {strides = array<i32>} : memref<64x768xf32, #tpu.memory_space<vmem>>, vector<1x16xf32>,
      %get3A_536 = vector.shape_cast %get3A_535 : vector<1x16xf32> to vector<16xf32>
      %mul3A_537 = arith.mulf %get3A_536, %get3A_128 : vector<16xf32>
      %add3A_538 = arith.addf %mul3A_532, %mul3A_537 : vector<16xf32>
      %swap3A_539 = arith.index_cast %scan3A_117 : i32 to index
      %swap3A_540 = arith.constant 400 : index
      %swap3A_541 = tpu.vector_load %arg8[%swap3A_539, %swap3A_540] {strides = array<i32>} : memref<64x768xf32, #tpu.memory_space<vmem>>, vector<1x16xf32>,
      %swap3A_542 = vector.shape_cast %swap3A_541 : vector<1x16xf32> to vector<16xf32>
      %swap3A_543 = vector.shape_cast %add3A_538 : vector<16xf32> to vector<1x16xf32>
      tpu.vector_store %arg8[%swap3A_539, %swap3A_540], %swap3A_543 {strides = array<i32>} : memref<64x768xf32, #tpu.memory_space<vmem>>, vector<1x16xf32>,
      %get3A_544 = arith.index_cast %scan3A_117 : i32 to index
      %get3A_545 = arith.constant 416 : index
      %get3A_546 = tpu.vector_load %arg8[%get3A_544, %get3A_545] {strides = array<i32>} : memref<64x768xf32, #tpu.memory_space<vmem>>, vector<1x16xf32>,
      %get3A_547 = vector.shape_cast %get3A_546 : vector<1x16xf32> to vector<16xf32>
      %mul3A_548 = arith.mulf %get3A_547, %get3A_122 : vector<16xf32>
      %get3A_549 = arith.index_cast %scan3A_117 : i32 to index
      %get3A_550 = arith.constant 416 : index
      %get3A_551 = tpu.vector_load %arg9[%get3A_549, %get3A_550] {strides = array<i32>} : memref<64x768xf32, #tpu.memory_space<vmem>>, vector<1x16xf32>,
      %get3A_552 = vector.shape_cast %get3A_551 : vector<1x16xf32> to vector<16xf32>
      %mul3A_553 = arith.mulf %get3A_552, %get3A_128 : vector<16xf32>
      %add3A_554 = arith.addf %mul3A_548, %mul3A_553 : vector<16xf32>
      %swap3A_555 = arith.index_cast %scan3A_117 : i32 to index
      %swap3A_556 = arith.constant 416 : index
      %swap3A_557 = tpu.vector_load %arg8[%swap3A_555, %swap3A_556] {strides = array<i32>} : memref<64x768xf32, #tpu.memory_space<vmem>>, vector<1x16xf32>,
      %swap3A_558 = vector.shape_cast %swap3A_557 : vector<1x16xf32> to vector<16xf32>
      %swap3A_559 = vector.shape_cast %add3A_554 : vector<16xf32> to vector<1x16xf32>
      tpu.vector_store %arg8[%swap3A_555, %swap3A_556], %swap3A_559 {strides = array<i32>} : memref<64x768xf32, #tpu.memory_space<vmem>>, vector<1x16xf32>,
      %get3A_560 = arith.index_cast %scan3A_117 : i32 to index
      %get3A_561 = arith.constant 432 : index
      %get3A_562 = tpu.vector_load %arg8[%get3A_560, %get3A_561] {strides = array<i32>} : memref<64x768xf32, #tpu.memory_space<vmem>>, vector<1x16xf32>,
      %get3A_563 = vector.shape_cast %get3A_562 : vector<1x16xf32> to vector<16xf32>
      %mul3A_564 = arith.mulf %get3A_563, %get3A_122 : vector<16xf32>
      %get3A_565 = arith.index_cast %scan3A_117 : i32 to index
      %get3A_566 = arith.constant 432 : index
      %get3A_567 = tpu.vector_load %arg9[%get3A_565, %get3A_566] {strides = array<i32>} : memref<64x768xf32, #tpu.memory_space<vmem>>, vector<1x16xf32>,
      %get3A_568 = vector.shape_cast %get3A_567 : vector<1x16xf32> to vector<16xf32>
      %mul3A_569 = arith.mulf %get3A_568, %get3A_128 : vector<16xf32>
      %add3A_570 = arith.addf %mul3A_564, %mul3A_569 : vector<16xf32>
      %swap3A_571 = arith.index_cast %scan3A_117 : i32 to index
      %swap3A_572 = arith.constant 432 : index
      %swap3A_573 = tpu.vector_load %arg8[%swap3A_571, %swap3A_572] {strides = array<i32>} : memref<64x768xf32, #tpu.memory_space<vmem>>, vector<1x16xf32>,
      %swap3A_574 = vector.shape_cast %swap3A_573 : vector<1x16xf32> to vector<16xf32>
      %swap3A_575 = vector.shape_cast %add3A_570 : vector<16xf32> to vector<1x16xf32>
      tpu.vector_store %arg8[%swap3A_571, %swap3A_572], %swap3A_575 {strides = array<i32>} : memref<64x768xf32, #tpu.memory_space<vmem>>, vector<1x16xf32>,
      %get3A_576 = arith.index_cast %scan3A_117 : i32 to index
      %get3A_577 = arith.constant 448 : index
      %get3A_578 = tpu.vector_load %arg8[%get3A_576, %get3A_577] {strides = array<i32>} : memref<64x768xf32, #tpu.memory_space<vmem>>, vector<1x16xf32>,
      %get3A_579 = vector.shape_cast %get3A_578 : vector<1x16xf32> to vector<16xf32>
      %mul3A_580 = arith.mulf %get3A_579, %get3A_122 : vector<16xf32>
      %get3A_581 = arith.index_cast %scan3A_117 : i32 to index
      %get3A_582 = arith.constant 448 : index
      %get3A_583 = tpu.vector_load %arg9[%get3A_581, %get3A_582] {strides = array<i32>} : memref<64x768xf32, #tpu.memory_space<vmem>>, vector<1x16xf32>,
      %get3A_584 = vector.shape_cast %get3A_583 : vector<1x16xf32> to vector<16xf32>
      %mul3A_585 = arith.mulf %get3A_584, %get3A_128 : vector<16xf32>
      %add3A_586 = arith.addf %mul3A_580, %mul3A_585 : vector<16xf32>
      %swap3A_587 = arith.index_cast %scan3A_117 : i32 to index
      %swap3A_588 = arith.constant 448 : index
      %swap3A_589 = tpu.vector_load %arg8[%swap3A_587, %swap3A_588] {strides = array<i32>} : memref<64x768xf32, #tpu.memory_space<vmem>>, vector<1x16xf32>,
      %swap3A_590 = vector.shape_cast %swap3A_589 : vector<1x16xf32> to vector<16xf32>
      %swap3A_591 = vector.shape_cast %add3A_586 : vector<16xf32> to vector<1x16xf32>
      tpu.vector_store %arg8[%swap3A_587, %swap3A_588], %swap3A_591 {strides = array<i32>} : memref<64x768xf32, #tpu.memory_space<vmem>>, vector<1x16xf32>,
      %get3A_592 = arith.index_cast %scan3A_117 : i32 to index
      %get3A_593 = arith.constant 464 : index
      %get3A_594 = tpu.vector_load %arg8[%get3A_592, %get3A_593] {strides = array<i32>} : memref<64x768xf32, #tpu.memory_space<vmem>>, vector<1x16xf32>,
      %get3A_595 = vector.shape_cast %get3A_594 : vector<1x16xf32> to vector<16xf32>
      %mul3A_596 = arith.mulf %get3A_595, %get3A_122 : vector<16xf32>
      %get3A_597 = arith.index_cast %scan3A_117 : i32 to index
      %get3A_598 = arith.constant 464 : index
      %get3A_599 = tpu.vector_load %arg9[%get3A_597, %get3A_598] {strides = array<i32>} : memref<64x768xf32, #tpu.memory_space<vmem>>, vector<1x16xf32>,
      %get3A_600 = vector.shape_cast %get3A_599 : vector<1x16xf32> to vector<16xf32>
      %mul3A_601 = arith.mulf %get3A_600, %get3A_128 : vector<16xf32>
      %add3A_602 = arith.addf %mul3A_596, %mul3A_601 : vector<16xf32>
      %swap3A_603 = arith.index_cast %scan3A_117 : i32 to index
      %swap3A_604 = arith.constant 464 : index
      %swap3A_605 = tpu.vector_load %arg8[%swap3A_603, %swap3A_604] {strides = array<i32>} : memref<64x768xf32, #tpu.memory_space<vmem>>, vector<1x16xf32>,
      %swap3A_606 = vector.shape_cast %swap3A_605 : vector<1x16xf32> to vector<16xf32>
      %swap3A_607 = vector.shape_cast %add3A_602 : vector<16xf32> to vector<1x16xf32>
      tpu.vector_store %arg8[%swap3A_603, %swap3A_604], %swap3A_607 {strides = array<i32>} : memref<64x768xf32, #tpu.memory_space<vmem>>, vector<1x16xf32>,
      %get3A_608 = arith.index_cast %scan3A_117 : i32 to index
      %get3A_609 = arith.constant 480 : index
      %get3A_610 = tpu.vector_load %arg8[%get3A_608, %get3A_609] {strides = array<i32>} : memref<64x768xf32, #tpu.memory_space<vmem>>, vector<1x16xf32>,
      %get3A_611 = vector.shape_cast %get3A_610 : vector<1x16xf32> to vector<16xf32>
      %mul3A_612 = arith.mulf %get3A_611, %get3A_122 : vector<16xf32>
      %get3A_613 = arith.index_cast %scan3A_117 : i32 to index
      %get3A_614 = arith.constant 480 : index
      %get3A_615 = tpu.vector_load %arg9[%get3A_613, %get3A_614] {strides = array<i32>} : memref<64x768xf32, #tpu.memory_space<vmem>>, vector<1x16xf32>,
      %get3A_616 = vector.shape_cast %get3A_615 : vector<1x16xf32> to vector<16xf32>
      %mul3A_617 = arith.mulf %get3A_616, %get3A_128 : vector<16xf32>
      %add3A_618 = arith.addf %mul3A_612, %mul3A_617 : vector<16xf32>
      %swap3A_619 = arith.index_cast %scan3A_117 : i32 to index
      %swap3A_620 = arith.constant 480 : index
      %swap3A_621 = tpu.vector_load %arg8[%swap3A_619, %swap3A_620] {strides = array<i32>} : memref<64x768xf32, #tpu.memory_space<vmem>>, vector<1x16xf32>,
      %swap3A_622 = vector.shape_cast %swap3A_621 : vector<1x16xf32> to vector<16xf32>
      %swap3A_623 = vector.shape_cast %add3A_618 : vector<16xf32> to vector<1x16xf32>
      tpu.vector_store %arg8[%swap3A_619, %swap3A_620], %swap3A_623 {strides = array<i32>} : memref<64x768xf32, #tpu.memory_space<vmem>>, vector<1x16xf32>,
      %get3A_624 = arith.index_cast %scan3A_117 : i32 to index
      %get3A_625 = arith.constant 496 : index
      %get3A_626 = tpu.vector_load %arg8[%get3A_624, %get3A_625] {strides = array<i32>} : memref<64x768xf32, #tpu.memory_space<vmem>>, vector<1x16xf32>,
      %get3A_627 = vector.shape_cast %get3A_626 : vector<1x16xf32> to vector<16xf32>
      %mul3A_628 = arith.mulf %get3A_627, %get3A_122 : vector<16xf32>
      %get3A_629 = arith.index_cast %scan3A_117 : i32 to index
      %get3A_630 = arith.constant 496 : index
      %get3A_631 = tpu.vector_load %arg9[%get3A_629, %get3A_630] {strides = array<i32>} : memref<64x768xf32, #tpu.memory_space<vmem>>, vector<1x16xf32>,
      %get3A_632 = vector.shape_cast %get3A_631 : vector<1x16xf32> to vector<16xf32>
      %mul3A_633 = arith.mulf %get3A_632, %get3A_128 : vector<16xf32>
      %add3A_634 = arith.addf %mul3A_628, %mul3A_633 : vector<16xf32>
      %swap3A_635 = arith.index_cast %scan3A_117 : i32 to index
      %swap3A_636 = arith.constant 496 : index
      %swap3A_637 = tpu.vector_load %arg8[%swap3A_635, %swap3A_636] {strides = array<i32>} : memref<64x768xf32, #tpu.memory_space<vmem>>, vector<1x16xf32>,
      %swap3A_638 = vector.shape_cast %swap3A_637 : vector<1x16xf32> to vector<16xf32>
      %swap3A_639 = vector.shape_cast %add3A_634 : vector<16xf32> to vector<1x16xf32>
      tpu.vector_store %arg8[%swap3A_635, %swap3A_636], %swap3A_639 {strides = array<i32>} : memref<64x768xf32, #tpu.memory_space<vmem>>, vector<1x16xf32>,
      %get3A_640 = arith.index_cast %scan3A_117 : i32 to index
      %get3A_641 = arith.constant 512 : index
      %get3A_642 = tpu.vector_load %arg8[%get3A_640, %get3A_641] {strides = array<i32>} : memref<64x768xf32, #tpu.memory_space<vmem>>, vector<1x16xf32>,
      %get3A_643 = vector.shape_cast %get3A_642 : vector<1x16xf32> to vector<16xf32>
      %mul3A_644 = arith.mulf %get3A_643, %get3A_122 : vector<16xf32>
      %get3A_645 = arith.index_cast %scan3A_117 : i32 to index
      %get3A_646 = arith.constant 512 : index
      %get3A_647 = tpu.vector_load %arg9[%get3A_645, %get3A_646] {strides = array<i32>} : memref<64x768xf32, #tpu.memory_space<vmem>>, vector<1x16xf32>,
      %get3A_648 = vector.shape_cast %get3A_647 : vector<1x16xf32> to vector<16xf32>
      %mul3A_649 = arith.mulf %get3A_648, %get3A_128 : vector<16xf32>
      %add3A_650 = arith.addf %mul3A_644, %mul3A_649 : vector<16xf32>
      %swap3A_651 = arith.index_cast %scan3A_117 : i32 to index
      %swap3A_652 = arith.constant 512 : index
      %swap3A_653 = tpu.vector_load %arg8[%swap3A_651, %swap3A_652] {strides = array<i32>} : memref<64x768xf32, #tpu.memory_space<vmem>>, vector<1x16xf32>,
      %swap3A_654 = vector.shape_cast %swap3A_653 : vector<1x16xf32> to vector<16xf32>
      %swap3A_655 = vector.shape_cast %add3A_650 : vector<16xf32> to vector<1x16xf32>
      tpu.vector_store %arg8[%swap3A_651, %swap3A_652], %swap3A_655 {strides = array<i32>} : memref<64x768xf32, #tpu.memory_space<vmem>>, vector<1x16xf32>,
      %get3A_656 = arith.index_cast %scan3A_117 : i32 to index
      %get3A_657 = arith.constant 528 : index
      %get3A_658 = tpu.vector_load %arg8[%get3A_656, %get3A_657] {strides = array<i32>} : memref<64x768xf32, #tpu.memory_space<vmem>>, vector<1x16xf32>,
      %get3A_659 = vector.shape_cast %get3A_658 : vector<1x16xf32> to vector<16xf32>
      %mul3A_660 = arith.mulf %get3A_659, %get3A_122 : vector<16xf32>
      %get3A_661 = arith.index_cast %scan3A_117 : i32 to index
      %get3A_662 = arith.constant 528 : index
      %get3A_663 = tpu.vector_load %arg9[%get3A_661, %get3A_662] {strides = array<i32>} : memref<64x768xf32, #tpu.memory_space<vmem>>, vector<1x16xf32>,
      %get3A_664 = vector.shape_cast %get3A_663 : vector<1x16xf32> to vector<16xf32>
      %mul3A_665 = arith.mulf %get3A_664, %get3A_128 : vector<16xf32>
      %add3A_666 = arith.addf %mul3A_660, %mul3A_665 : vector<16xf32>
      %swap3A_667 = arith.index_cast %scan3A_117 : i32 to index
      %swap3A_668 = arith.constant 528 : index
      %swap3A_669 = tpu.vector_load %arg8[%swap3A_667, %swap3A_668] {strides = array<i32>} : memref<64x768xf32, #tpu.memory_space<vmem>>, vector<1x16xf32>,
      %swap3A_670 = vector.shape_cast %swap3A_669 : vector<1x16xf32> to vector<16xf32>
      %swap3A_671 = vector.shape_cast %add3A_666 : vector<16xf32> to vector<1x16xf32>
      tpu.vector_store %arg8[%swap3A_667, %swap3A_668], %swap3A_671 {strides = array<i32>} : memref<64x768xf32, #tpu.memory_space<vmem>>, vector<1x16xf32>,
      %get3A_672 = arith.index_cast %scan3A_117 : i32 to index
      %get3A_673 = arith.constant 544 : index
      %get3A_674 = tpu.vector_load %arg8[%get3A_672, %get3A_673] {strides = array<i32>} : memref<64x768xf32, #tpu.memory_space<vmem>>, vector<1x16xf32>,
      %get3A_675 = vector.shape_cast %get3A_674 : vector<1x16xf32> to vector<16xf32>
      %mul3A_676 = arith.mulf %get3A_675, %get3A_122 : vector<16xf32>
      %get3A_677 = arith.index_cast %scan3A_117 : i32 to index
      %get3A_678 = arith.constant 544 : index
      %get3A_679 = tpu.vector_load %arg9[%get3A_677, %get3A_678] {strides = array<i32>} : memref<64x768xf32, #tpu.memory_space<vmem>>, vector<1x16xf32>,
      %get3A_680 = vector.shape_cast %get3A_679 : vector<1x16xf32> to vector<16xf32>
      %mul3A_681 = arith.mulf %get3A_680, %get3A_128 : vector<16xf32>
      %add3A_682 = arith.addf %mul3A_676, %mul3A_681 : vector<16xf32>
      %swap3A_683 = arith.index_cast %scan3A_117 : i32 to index
      %swap3A_684 = arith.constant 544 : index
      %swap3A_685 = tpu.vector_load %arg8[%swap3A_683, %swap3A_684] {strides = array<i32>} : memref<64x768xf32, #tpu.memory_space<vmem>>, vector<1x16xf32>,
      %swap3A_686 = vector.shape_cast %swap3A_685 : vector<1x16xf32> to vector<16xf32>
      %swap3A_687 = vector.shape_cast %add3A_682 : vector<16xf32> to vector<1x16xf32>
      tpu.vector_store %arg8[%swap3A_683, %swap3A_684], %swap3A_687 {strides = array<i32>} : memref<64x768xf32, #tpu.memory_space<vmem>>, vector<1x16xf32>,
      %get3A_688 = arith.index_cast %scan3A_117 : i32 to index
      %get3A_689 = arith.constant 560 : index
      %get3A_690 = tpu.vector_load %arg8[%get3A_688, %get3A_689] {strides = array<i32>} : memref<64x768xf32, #tpu.memory_space<vmem>>, vector<1x16xf32>,
      %get3A_691 = vector.shape_cast %get3A_690 : vector<1x16xf32> to vector<16xf32>
      %mul3A_692 = arith.mulf %get3A_691, %get3A_122 : vector<16xf32>
      %get3A_693 = arith.index_cast %scan3A_117 : i32 to index
      %get3A_694 = arith.constant 560 : index
      %get3A_695 = tpu.vector_load %arg9[%get3A_693, %get3A_694] {strides = array<i32>} : memref<64x768xf32, #tpu.memory_space<vmem>>, vector<1x16xf32>,
      %get3A_696 = vector.shape_cast %get3A_695 : vector<1x16xf32> to vector<16xf32>
      %mul3A_697 = arith.mulf %get3A_696, %get3A_128 : vector<16xf32>
      %add3A_698 = arith.addf %mul3A_692, %mul3A_697 : vector<16xf32>
      %swap3A_699 = arith.index_cast %scan3A_117 : i32 to index
      %swap3A_700 = arith.constant 560 : index
      %swap3A_701 = tpu.vector_load %arg8[%swap3A_699, %swap3A_700] {strides = array<i32>} : memref<64x768xf32, #tpu.memory_space<vmem>>, vector<1x16xf32>,
      %swap3A_702 = vector.shape_cast %swap3A_701 : vector<1x16xf32> to vector<16xf32>
      %swap3A_703 = vector.shape_cast %add3A_698 : vector<16xf32> to vector<1x16xf32>
      tpu.vector_store %arg8[%swap3A_699, %swap3A_700], %swap3A_703 {strides = array<i32>} : memref<64x768xf32, #tpu.memory_space<vmem>>, vector<1x16xf32>,
      %get3A_704 = arith.index_cast %scan3A_117 : i32 to index
      %get3A_705 = arith.constant 576 : index
      %get3A_706 = tpu.vector_load %arg8[%get3A_704, %get3A_705] {strides = array<i32>} : memref<64x768xf32, #tpu.memory_space<vmem>>, vector<1x16xf32>,
      %get3A_707 = vector.shape_cast %get3A_706 : vector<1x16xf32> to vector<16xf32>
      %mul3A_708 = arith.mulf %get3A_707, %get3A_122 : vector<16xf32>
      %get3A_709 = arith.index_cast %scan3A_117 : i32 to index
      %get3A_710 = arith.constant 576 : index
      %get3A_711 = tpu.vector_load %arg9[%get3A_709, %get3A_710] {strides = array<i32>} : memref<64x768xf32, #tpu.memory_space<vmem>>, vector<1x16xf32>,
      %get3A_712 = vector.shape_cast %get3A_711 : vector<1x16xf32> to vector<16xf32>
      %mul3A_713 = arith.mulf %get3A_712, %get3A_128 : vector<16xf32>
      %add3A_714 = arith.addf %mul3A_708, %mul3A_713 : vector<16xf32>
      %swap3A_715 = arith.index_cast %scan3A_117 : i32 to index
      %swap3A_716 = arith.constant 576 : index
      %swap3A_717 = tpu.vector_load %arg8[%swap3A_715, %swap3A_716] {strides = array<i32>} : memref<64x768xf32, #tpu.memory_space<vmem>>, vector<1x16xf32>,
      %swap3A_718 = vector.shape_cast %swap3A_717 : vector<1x16xf32> to vector<16xf32>
      %swap3A_719 = vector.shape_cast %add3A_714 : vector<16xf32> to vector<1x16xf32>
      tpu.vector_store %arg8[%swap3A_715, %swap3A_716], %swap3A_719 {strides = array<i32>} : memref<64x768xf32, #tpu.memory_space<vmem>>, vector<1x16xf32>,
      %get3A_720 = arith.index_cast %scan3A_117 : i32 to index
      %get3A_721 = arith.constant 592 : index
      %get3A_722 = tpu.vector_load %arg8[%get3A_720, %get3A_721] {strides = array<i32>} : memref<64x768xf32, #tpu.memory_space<vmem>>, vector<1x16xf32>,
      %get3A_723 = vector.shape_cast %get3A_722 : vector<1x16xf32> to vector<16xf32>
      %mul3A_724 = arith.mulf %get3A_723, %get3A_122 : vector<16xf32>
      %get3A_725 = arith.index_cast %scan3A_117 : i32 to index
      %get3A_726 = arith.constant 592 : index
      %get3A_727 = tpu.vector_load %arg9[%get3A_725, %get3A_726] {strides = array<i32>} : memref<64x768xf32, #tpu.memory_space<vmem>>, vector<1x16xf32>,
      %get3A_728 = vector.shape_cast %get3A_727 : vector<1x16xf32> to vector<16xf32>
      %mul3A_729 = arith.mulf %get3A_728, %get3A_128 : vector<16xf32>
      %add3A_730 = arith.addf %mul3A_724, %mul3A_729 : vector<16xf32>
      %swap3A_731 = arith.index_cast %scan3A_117 : i32 to index
      %swap3A_732 = arith.constant 592 : index
      %swap3A_733 = tpu.vector_load %arg8[%swap3A_731, %swap3A_732] {strides = array<i32>} : memref<64x768xf32, #tpu.memory_space<vmem>>, vector<1x16xf32>,
      %swap3A_734 = vector.shape_cast %swap3A_733 : vector<1x16xf32> to vector<16xf32>
      %swap3A_735 = vector.shape_cast %add3A_730 : vector<16xf32> to vector<1x16xf32>
      tpu.vector_store %arg8[%swap3A_731, %swap3A_732], %swap3A_735 {strides = array<i32>} : memref<64x768xf32, #tpu.memory_space<vmem>>, vector<1x16xf32>,
      %get3A_736 = arith.index_cast %scan3A_117 : i32 to index
      %get3A_737 = arith.constant 608 : index
      %get3A_738 = tpu.vector_load %arg8[%get3A_736, %get3A_737] {strides = array<i32>} : memref<64x768xf32, #tpu.memory_space<vmem>>, vector<1x16xf32>,
      %get3A_739 = vector.shape_cast %get3A_738 : vector<1x16xf32> to vector<16xf32>
      %mul3A_740 = arith.mulf %get3A_739, %get3A_122 : vector<16xf32>
      %get3A_741 = arith.index_cast %scan3A_117 : i32 to index
      %get3A_742 = arith.constant 608 : index
      %get3A_743 = tpu.vector_load %arg9[%get3A_741, %get3A_742] {strides = array<i32>} : memref<64x768xf32, #tpu.memory_space<vmem>>, vector<1x16xf32>,
      %get3A_744 = vector.shape_cast %get3A_743 : vector<1x16xf32> to vector<16xf32>
      %mul3A_745 = arith.mulf %get3A_744, %get3A_128 : vector<16xf32>
      %add3A_746 = arith.addf %mul3A_740, %mul3A_745 : vector<16xf32>
      %swap3A_747 = arith.index_cast %scan3A_117 : i32 to index
      %swap3A_748 = arith.constant 608 : index
      %swap3A_749 = tpu.vector_load %arg8[%swap3A_747, %swap3A_748] {strides = array<i32>} : memref<64x768xf32, #tpu.memory_space<vmem>>, vector<1x16xf32>,
      %swap3A_750 = vector.shape_cast %swap3A_749 : vector<1x16xf32> to vector<16xf32>
      %swap3A_751 = vector.shape_cast %add3A_746 : vector<16xf32> to vector<1x16xf32>
      tpu.vector_store %arg8[%swap3A_747, %swap3A_748], %swap3A_751 {strides = array<i32>} : memref<64x768xf32, #tpu.memory_space<vmem>>, vector<1x16xf32>,
      %get3A_752 = arith.index_cast %scan3A_117 : i32 to index
      %get3A_753 = arith.constant 624 : index
      %get3A_754 = tpu.vector_load %arg8[%get3A_752, %get3A_753] {strides = array<i32>} : memref<64x768xf32, #tpu.memory_space<vmem>>, vector<1x16xf32>,
      %get3A_755 = vector.shape_cast %get3A_754 : vector<1x16xf32> to vector<16xf32>
      %mul3A_756 = arith.mulf %get3A_755, %get3A_122 : vector<16xf32>
      %get3A_757 = arith.index_cast %scan3A_117 : i32 to index
      %get3A_758 = arith.constant 624 : index
      %get3A_759 = tpu.vector_load %arg9[%get3A_757, %get3A_758] {strides = array<i32>} : memref<64x768xf32, #tpu.memory_space<vmem>>, vector<1x16xf32>,
      %get3A_760 = vector.shape_cast %get3A_759 : vector<1x16xf32> to vector<16xf32>
      %mul3A_761 = arith.mulf %get3A_760, %get3A_128 : vector<16xf32>
      %add3A_762 = arith.addf %mul3A_756, %mul3A_761 : vector<16xf32>
      %swap3A_763 = arith.index_cast %scan3A_117 : i32 to index
      %swap3A_764 = arith.constant 624 : index
      %swap3A_765 = tpu.vector_load %arg8[%swap3A_763, %swap3A_764] {strides = array<i32>} : memref<64x768xf32, #tpu.memory_space<vmem>>, vector<1x16xf32>,
      %swap3A_766 = vector.shape_cast %swap3A_765 : vector<1x16xf32> to vector<16xf32>
      %swap3A_767 = vector.shape_cast %add3A_762 : vector<16xf32> to vector<1x16xf32>
      tpu.vector_store %arg8[%swap3A_763, %swap3A_764], %swap3A_767 {strides = array<i32>} : memref<64x768xf32, #tpu.memory_space<vmem>>, vector<1x16xf32>,
      %get3A_768 = arith.index_cast %scan3A_117 : i32 to index
      %get3A_769 = arith.constant 640 : index
      %get3A_770 = tpu.vector_load %arg8[%get3A_768, %get3A_769] {strides = array<i32>} : memref<64x768xf32, #tpu.memory_space<vmem>>, vector<1x16xf32>,
      %get3A_771 = vector.shape_cast %get3A_770 : vector<1x16xf32> to vector<16xf32>
      %mul3A_772 = arith.mulf %get3A_771, %get3A_122 : vector<16xf32>
      %get3A_773 = arith.index_cast %scan3A_117 : i32 to index
      %get3A_774 = arith.constant 640 : index
      %get3A_775 = tpu.vector_load %arg9[%get3A_773, %get3A_774] {strides = array<i32>} : memref<64x768xf32, #tpu.memory_space<vmem>>, vector<1x16xf32>,
      %get3A_776 = vector.shape_cast %get3A_775 : vector<1x16xf32> to vector<16xf32>
      %mul3A_777 = arith.mulf %get3A_776, %get3A_128 : vector<16xf32>
      %add3A_778 = arith.addf %mul3A_772, %mul3A_777 : vector<16xf32>
      %swap3A_779 = arith.index_cast %scan3A_117 : i32 to index
      %swap3A_780 = arith.constant 640 : index
      %swap3A_781 = tpu.vector_load %arg8[%swap3A_779, %swap3A_780] {strides = array<i32>} : memref<64x768xf32, #tpu.memory_space<vmem>>, vector<1x16xf32>,
      %swap3A_782 = vector.shape_cast %swap3A_781 : vector<1x16xf32> to vector<16xf32>
      %swap3A_783 = vector.shape_cast %add3A_778 : vector<16xf32> to vector<1x16xf32>
      tpu.vector_store %arg8[%swap3A_779, %swap3A_780], %swap3A_783 {strides = array<i32>} : memref<64x768xf32, #tpu.memory_space<vmem>>, vector<1x16xf32>,
      %get3A_784 = arith.index_cast %scan3A_117 : i32 to index
      %get3A_785 = arith.constant 656 : index
      %get3A_786 = tpu.vector_load %arg8[%get3A_784, %get3A_785] {strides = array<i32>} : memref<64x768xf32, #tpu.memory_space<vmem>>, vector<1x16xf32>,
      %get3A_787 = vector.shape_cast %get3A_786 : vector<1x16xf32> to vector<16xf32>
      %mul3A_788 = arith.mulf %get3A_787, %get3A_122 : vector<16xf32>
      %get3A_789 = arith.index_cast %scan3A_117 : i32 to index
      %get3A_790 = arith.constant 656 : index
      %get3A_791 = tpu.vector_load %arg9[%get3A_789, %get3A_790] {strides = array<i32>} : memref<64x768xf32, #tpu.memory_space<vmem>>, vector<1x16xf32>,
      %get3A_792 = vector.shape_cast %get3A_791 : vector<1x16xf32> to vector<16xf32>
      %mul3A_793 = arith.mulf %get3A_792, %get3A_128 : vector<16xf32>
      %add3A_794 = arith.addf %mul3A_788, %mul3A_793 : vector<16xf32>
      %swap3A_795 = arith.index_cast %scan3A_117 : i32 to index
      %swap3A_796 = arith.constant 656 : index
      %swap3A_797 = tpu.vector_load %arg8[%swap3A_795, %swap3A_796] {strides = array<i32>} : memref<64x768xf32, #tpu.memory_space<vmem>>, vector<1x16xf32>,
      %swap3A_798 = vector.shape_cast %swap3A_797 : vector<1x16xf32> to vector<16xf32>
      %swap3A_799 = vector.shape_cast %add3A_794 : vector<16xf32> to vector<1x16xf32>
      tpu.vector_store %arg8[%swap3A_795, %swap3A_796], %swap3A_799 {strides = array<i32>} : memref<64x768xf32, #tpu.memory_space<vmem>>, vector<1x16xf32>,
      %get3A_800 = arith.index_cast %scan3A_117 : i32 to index
      %get3A_801 = arith.constant 672 : index
      %get3A_802 = tpu.vector_load %arg8[%get3A_800, %get3A_801] {strides = array<i32>} : memref<64x768xf32, #tpu.memory_space<vmem>>, vector<1x16xf32>,
      %get3A_803 = vector.shape_cast %get3A_802 : vector<1x16xf32> to vector<16xf32>
      %mul3A_804 = arith.mulf %get3A_803, %get3A_122 : vector<16xf32>
      %get3A_805 = arith.index_cast %scan3A_117 : i32 to index
      %get3A_806 = arith.constant 672 : index
      %get3A_807 = tpu.vector_load %arg9[%get3A_805, %get3A_806] {strides = array<i32>} : memref<64x768xf32, #tpu.memory_space<vmem>>, vector<1x16xf32>,
      %get3A_808 = vector.shape_cast %get3A_807 : vector<1x16xf32> to vector<16xf32>
      %mul3A_809 = arith.mulf %get3A_808, %get3A_128 : vector<16xf32>
      %add3A_810 = arith.addf %mul3A_804, %mul3A_809 : vector<16xf32>
      %swap3A_811 = arith.index_cast %scan3A_117 : i32 to index
      %swap3A_812 = arith.constant 672 : index
      %swap3A_813 = tpu.vector_load %arg8[%swap3A_811, %swap3A_812] {strides = array<i32>} : memref<64x768xf32, #tpu.memory_space<vmem>>, vector<1x16xf32>,
      %swap3A_814 = vector.shape_cast %swap3A_813 : vector<1x16xf32> to vector<16xf32>
      %swap3A_815 = vector.shape_cast %add3A_810 : vector<16xf32> to vector<1x16xf32>
      tpu.vector_store %arg8[%swap3A_811, %swap3A_812], %swap3A_815 {strides = array<i32>} : memref<64x768xf32, #tpu.memory_space<vmem>>, vector<1x16xf32>,
      %get3A_816 = arith.index_cast %scan3A_117 : i32 to index
      %get3A_817 = arith.constant 688 : index
      %get3A_818 = tpu.vector_load %arg8[%get3A_816, %get3A_817] {strides = array<i32>} : memref<64x768xf32, #tpu.memory_space<vmem>>, vector<1x16xf32>,
      %get3A_819 = vector.shape_cast %get3A_818 : vector<1x16xf32> to vector<16xf32>
      %mul3A_820 = arith.mulf %get3A_819, %get3A_122 : vector<16xf32>
      %get3A_821 = arith.index_cast %scan3A_117 : i32 to index
      %get3A_822 = arith.constant 688 : index
      %get3A_823 = tpu.vector_load %arg9[%get3A_821, %get3A_822] {strides = array<i32>} : memref<64x768xf32, #tpu.memory_space<vmem>>, vector<1x16xf32>,
      %get3A_824 = vector.shape_cast %get3A_823 : vector<1x16xf32> to vector<16xf32>
      %mul3A_825 = arith.mulf %get3A_824, %get3A_128 : vector<16xf32>
      %add3A_826 = arith.addf %mul3A_820, %mul3A_825 : vector<16xf32>
      %swap3A_827 = arith.index_cast %scan3A_117 : i32 to index
      %swap3A_828 = arith.constant 688 : index
      %swap3A_829 = tpu.vector_load %arg8[%swap3A_827, %swap3A_828] {strides = array<i32>} : memref<64x768xf32, #tpu.memory_space<vmem>>, vector<1x16xf32>,
      %swap3A_830 = vector.shape_cast %swap3A_829 : vector<1x16xf32> to vector<16xf32>
      %swap3A_831 = vector.shape_cast %add3A_826 : vector<16xf32> to vector<1x16xf32>
      tpu.vector_store %arg8[%swap3A_827, %swap3A_828], %swap3A_831 {strides = array<i32>} : memref<64x768xf32, #tpu.memory_space<vmem>>, vector<1x16xf32>,
      %get3A_832 = arith.index_cast %scan3A_117 : i32 to index
      %get3A_833 = arith.constant 704 : index
      %get3A_834 = tpu.vector_load %arg8[%get3A_832, %get3A_833] {strides = array<i32>} : memref<64x768xf32, #tpu.memory_space<vmem>>, vector<1x16xf32>,
      %get3A_835 = vector.shape_cast %get3A_834 : vector<1x16xf32> to vector<16xf32>
      %mul3A_836 = arith.mulf %get3A_835, %get3A_122 : vector<16xf32>
      %get3A_837 = arith.index_cast %scan3A_117 : i32 to index
      %get3A_838 = arith.constant 704 : index
      %get3A_839 = tpu.vector_load %arg9[%get3A_837, %get3A_838] {strides = array<i32>} : memref<64x768xf32, #tpu.memory_space<vmem>>, vector<1x16xf32>,
      %get3A_840 = vector.shape_cast %get3A_839 : vector<1x16xf32> to vector<16xf32>
      %mul3A_841 = arith.mulf %get3A_840, %get3A_128 : vector<16xf32>
      %add3A_842 = arith.addf %mul3A_836, %mul3A_841 : vector<16xf32>
      %swap3A_843 = arith.index_cast %scan3A_117 : i32 to index
      %swap3A_844 = arith.constant 704 : index
      %swap3A_845 = tpu.vector_load %arg8[%swap3A_843, %swap3A_844] {strides = array<i32>} : memref<64x768xf32, #tpu.memory_space<vmem>>, vector<1x16xf32>,
      %swap3A_846 = vector.shape_cast %swap3A_845 : vector<1x16xf32> to vector<16xf32>
      %swap3A_847 = vector.shape_cast %add3A_842 : vector<16xf32> to vector<1x16xf32>
      tpu.vector_store %arg8[%swap3A_843, %swap3A_844], %swap3A_847 {strides = array<i32>} : memref<64x768xf32, #tpu.memory_space<vmem>>, vector<1x16xf32>,
      %get3A_848 = arith.index_cast %scan3A_117 : i32 to index
      %get3A_849 = arith.constant 720 : index
      %get3A_850 = tpu.vector_load %arg8[%get3A_848, %get3A_849] {strides = array<i32>} : memref<64x768xf32, #tpu.memory_space<vmem>>, vector<1x16xf32>,
      %get3A_851 = vector.shape_cast %get3A_850 : vector<1x16xf32> to vector<16xf32>
      %mul3A_852 = arith.mulf %get3A_851, %get3A_122 : vector<16xf32>
      %get3A_853 = arith.index_cast %scan3A_117 : i32 to index
      %get3A_854 = arith.constant 720 : index
      %get3A_855 = tpu.vector_load %arg9[%get3A_853, %get3A_854] {strides = array<i32>} : memref<64x768xf32, #tpu.memory_space<vmem>>, vector<1x16xf32>,
      %get3A_856 = vector.shape_cast %get3A_855 : vector<1x16xf32> to vector<16xf32>
      %mul3A_857 = arith.mulf %get3A_856, %get3A_128 : vector<16xf32>
      %add3A_858 = arith.addf %mul3A_852, %mul3A_857 : vector<16xf32>
      %swap3A_859 = arith.index_cast %scan3A_117 : i32 to index
      %swap3A_860 = arith.constant 720 : index
      %swap3A_861 = tpu.vector_load %arg8[%swap3A_859, %swap3A_860] {strides = array<i32>} : memref<64x768xf32, #tpu.memory_space<vmem>>, vector<1x16xf32>,
      %swap3A_862 = vector.shape_cast %swap3A_861 : vector<1x16xf32> to vector<16xf32>
      %swap3A_863 = vector.shape_cast %add3A_858 : vector<16xf32> to vector<1x16xf32>
      tpu.vector_store %arg8[%swap3A_859, %swap3A_860], %swap3A_863 {strides = array<i32>} : memref<64x768xf32, #tpu.memory_space<vmem>>, vector<1x16xf32>,
      %get3A_864 = arith.index_cast %scan3A_117 : i32 to index
      %get3A_865 = arith.constant 736 : index
      %get3A_866 = tpu.vector_load %arg8[%get3A_864, %get3A_865] {strides = array<i32>} : memref<64x768xf32, #tpu.memory_space<vmem>>, vector<1x16xf32>,
      %get3A_867 = vector.shape_cast %get3A_866 : vector<1x16xf32> to vector<16xf32>
      %mul3A_868 = arith.mulf %get3A_867, %get3A_122 : vector<16xf32>
      %get3A_869 = arith.index_cast %scan3A_117 : i32 to index
      %get3A_870 = arith.constant 736 : index
      %get3A_871 = tpu.vector_load %arg9[%get3A_869, %get3A_870] {strides = array<i32>} : memref<64x768xf32, #tpu.memory_space<vmem>>, vector<1x16xf32>,
      %get3A_872 = vector.shape_cast %get3A_871 : vector<1x16xf32> to vector<16xf32>
      %mul3A_873 = arith.mulf %get3A_872, %get3A_128 : vector<16xf32>
      %add3A_874 = arith.addf %mul3A_868, %mul3A_873 : vector<16xf32>
      %swap3A_875 = arith.index_cast %scan3A_117 : i32 to index
      %swap3A_876 = arith.constant 736 : index
      %swap3A_877 = tpu.vector_load %arg8[%swap3A_875, %swap3A_876] {strides = array<i32>} : memref<64x768xf32, #tpu.memory_space<vmem>>, vector<1x16xf32>,
      %swap3A_878 = vector.shape_cast %swap3A_877 : vector<1x16xf32> to vector<16xf32>
      %swap3A_879 = vector.shape_cast %add3A_874 : vector<16xf32> to vector<1x16xf32>
      tpu.vector_store %arg8[%swap3A_875, %swap3A_876], %swap3A_879 {strides = array<i32>} : memref<64x768xf32, #tpu.memory_space<vmem>>, vector<1x16xf32>,
      %get3A_880 = arith.index_cast %scan3A_117 : i32 to index
      %get3A_881 = arith.constant 752 : index
      %get3A_882 = tpu.vector_load %arg8[%get3A_880, %get3A_881] {strides = array<i32>} : memref<64x768xf32, #tpu.memory_space<vmem>>, vector<1x16xf32>,
      %get3A_883 = vector.shape_cast %get3A_882 : vector<1x16xf32> to vector<16xf32>
      %mul3A_884 = arith.mulf %get3A_883, %get3A_122 : vector<16xf32>
      %get3A_885 = arith.index_cast %scan3A_117 : i32 to index
      %get3A_886 = arith.constant 752 : index
      %get3A_887 = tpu.vector_load %arg9[%get3A_885, %get3A_886] {strides = array<i32>} : memref<64x768xf32, #tpu.memory_space<vmem>>, vector<1x16xf32>,
      %get3A_888 = vector.shape_cast %get3A_887 : vector<1x16xf32> to vector<16xf32>
      %mul3A_889 = arith.mulf %get3A_888, %get3A_128 : vector<16xf32>
      %add3A_890 = arith.addf %mul3A_884, %mul3A_889 : vector<16xf32>
      %swap3A_891 = arith.index_cast %scan3A_117 : i32 to index
      %swap3A_892 = arith.constant 752 : index
      %swap3A_893 = tpu.vector_load %arg8[%swap3A_891, %swap3A_892] {strides = array<i32>} : memref<64x768xf32, #tpu.memory_space<vmem>>, vector<1x16xf32>,
      %swap3A_894 = vector.shape_cast %swap3A_893 : vector<1x16xf32> to vector<16xf32>
      %swap3A_895 = vector.shape_cast %add3A_890 : vector<16xf32> to vector<1x16xf32>
      tpu.vector_store %arg8[%swap3A_891, %swap3A_892], %swap3A_895 {strides = array<i32>} : memref<64x768xf32, #tpu.memory_space<vmem>>, vector<1x16xf32>,
    }
    %scan3A_104 = arith.constant 32 : i32
    %dma_wait3A_105 = arith.constant 0 : i32
    %dma_wait3A_106 = arith.constant 0 : i32
    %dma_wait3A_107 = tpu.memref_slice %arg8[%dma_wait3A_105, %dma_wait3A_106] : memref<64x768xf32, #tpu.memory_space<vmem>> -> memref<32x768xf32, #tpu.memory_space<vmem>>
    %dma_wait3A_108 = arith.constant 0 : i32
    %dma_wait3A_109 = tpu.memref_slice %arg5[%mul3A_2, %dma_wait3A_108] : memref<2048x768xf32, #tpu.memory_space<hbm>> -> memref<32x768xf32, #tpu.memory_space<hbm>>
    %dma_wait3A_110 = arith.constant 0 : i32
    %dma_wait3A_111 = tpu.memref_slice %arg5[%mul3A_2, %dma_wait3A_110] : memref<2048x768xf32, #tpu.memory_space<hbm>> -> memref<32x768xf32, #tpu.memory_space<hbm>>
    %dma_wait3A_112 = arith.constant 0 : i32
    %dma_wait3A_113 = arith.constant 0 : i32
    %dma_wait3A_114 = tpu.memref_slice %arg8[%dma_wait3A_112, %dma_wait3A_113] : memref<64x768xf32, #tpu.memory_space<vmem>> -> memref<32x768xf32, #tpu.memory_space<vmem>>
    tpu.wait_dma2 semaphore(%arg10 : memref<!tpu.dma_semaphore, #tpu.memory_space<semaphore_mem>>) src(%dma_wait3A_114 : memref<32x768xf32, #tpu.memory_space<vmem>>) dst(%dma_wait3A_111 : memref<32x768xf32, #tpu.memory_space<hbm>>)
    %add3A_115 = arith.constant 32 : i32
    %add3A_116 = arith.addi %mul3A_2, %add3A_115 : i32
    "tpu.region"() ({
      %run_scoped3A_117 = tpu.sem_alloc : memref<!tpu.dma_semaphore, #tpu.memory_space<semaphore_mem>>
      %dma_start3A_118 = arith.constant 32 : i32
      %dma_start3A_119 = arith.constant 0 : i32
      %dma_start3A_120 = tpu.memref_slice %arg8[%dma_start3A_118, %dma_start3A_119] : memref<64x768xf32, #tpu.memory_space<vmem>> -> memref<32x768xf32, #tpu.memory_space<vmem>>
      %dma_start3A_121 = arith.constant 0 : i32
      %dma_start3A_122 = tpu.memref_slice %arg5[%add3A_116, %dma_start3A_121] : memref<2048x768xf32, #tpu.memory_space<hbm>> -> memref<32x768xf32, #tpu.memory_space<hbm>>
      %dma_start3A_123 = arith.constant 0 : i32
      %dma_start3A_124 = tpu.memref_slice %arg5[%add3A_116, %dma_start3A_123] : memref<2048x768xf32, #tpu.memory_space<hbm>> -> memref<32x768xf32, #tpu.memory_space<hbm>>
      %dma_start3A_125 = arith.constant 32 : i32
      %dma_start3A_126 = arith.constant 0 : i32
      %dma_start3A_127 = tpu.memref_slice %arg8[%dma_start3A_125, %dma_start3A_126] : memref<64x768xf32, #tpu.memory_space<vmem>> -> memref<32x768xf32, #tpu.memory_space<vmem>>
      tpu.enqueue_dma source(%dma_start3A_127 : memref<32x768xf32, #tpu.memory_space<vmem>>) target(%dma_start3A_124 : memref<32x768xf32, #tpu.memory_space<hbm>>) target_semaphore(%run_scoped3A_117 : memref<!tpu.dma_semaphore, #tpu.memory_space<semaphore_mem>>)
      %dma_wait3A_128 = arith.constant 32 : i32
      %dma_wait3A_129 = arith.constant 0 : i32
      %dma_wait3A_130 = tpu.memref_slice %arg8[%dma_wait3A_128, %dma_wait3A_129] : memref<64x768xf32, #tpu.memory_space<vmem>> -> memref<32x768xf32, #tpu.memory_space<vmem>>
      %dma_wait3A_131 = arith.constant 0 : i32
      %dma_wait3A_132 = tpu.memref_slice %arg5[%add3A_116, %dma_wait3A_131] : memref<2048x768xf32, #tpu.memory_space<hbm>> -> memref<32x768xf32, #tpu.memory_space<hbm>>
      %dma_wait3A_133 = arith.constant 0 : i32
      %dma_wait3A_134 = tpu.memref_slice %arg5[%add3A_116, %dma_wait3A_133] : memref<2048x768xf32, #tpu.memory_space<hbm>> -> memref<32x768xf32, #tpu.memory_space<hbm>>
      %dma_wait3A_135 = arith.constant 32 : i32
      %dma_wait3A_136 = arith.constant 0 : i32
      %dma_wait3A_137 = tpu.memref_slice %arg8[%dma_wait3A_135, %dma_wait3A_136] : memref<64x768xf32, #tpu.memory_space<vmem>> -> memref<32x768xf32, #tpu.memory_space<vmem>>
      tpu.wait_dma2 semaphore(%run_scoped3A_117 : memref<!tpu.dma_semaphore, #tpu.memory_space<semaphore_mem>>) src(%dma_wait3A_137 : memref<32x768xf32, #tpu.memory_space<vmem>>) dst(%dma_wait3A_134 : memref<32x768xf32, #tpu.memory_space<hbm>>)
      tpu.yield
    }) : () -> ()
    return
  }
}

#map = affine_map<(d0, d1) -> (0, 0)>
#map1 = affine_map<(d0, d1) -> (0, 0, 0)>
module attributes {stable_mosaic.version = 14 : i64} {
  func.func @_dispatch_body(%arg0: i32, %arg1: i32, %arg2: memref<2048x768xf32, #tpu.memory_space<hbm>>, %arg3: memref<2x32x64xi32, #tpu.memory_space<hbm>>, %arg4: memref<8192x768xf32, #tpu.memory_space<hbm>>, %arg5: memref<64x768xf32, #tpu.memory_space<vmem>>, %arg6: memref<2x64xi32, #tpu.memory_space<vmem>>, %arg7: memref<!tpu.dma_semaphore, #tpu.memory_space<semaphore_mem>>) attributes {dimension_semantics = [#tpu.dimension_semantics<core_parallel>, #tpu.dimension_semantics<subcore_parallel>], iteration_bounds = array<i64: 2, 16>, scalar_prefetch = 0 : i64, scratch_operands = 3 : i64, tpu.core_type = #tpu.core_type<sc_vector_subcore>, window_params = [{transform_indices = #map}, {transform_indices = #map1}, {transform_indices = #map}]} {
    %mul3A = arith.constant 2 : i32
    %mul3A_0 = arith.muli %arg1, %mul3A : i32
    %add3A = arith.addi %mul3A_0, %arg0 : i32
    %mul3A_1 = arith.constant 64 : i32
    %mul3A_2 = arith.muli %add3A, %mul3A_1 : i32
    %run_scoped3A = arith.constant 0 : i32
    %run_scoped3A_3 = arith.constant 0 : i32
    "tpu.region"() ({
      %run_scoped3A_32 = tpu.sem_alloc : memref<!tpu.dma_semaphore, #tpu.memory_space<semaphore_mem>>
      %dma_start3A_33 = arith.constant 0 : i32
      %dma_start3A_34 = tpu.memref_slice %arg6[%run_scoped3A_3, %dma_start3A_33] : memref<2x64xi32, #tpu.memory_space<vmem>> -> memref<1x64xi32, #tpu.memory_space<vmem>>
      %dma_start3A_35 = tpu.memref_squeeze %dma_start3A_34 : memref<1x64xi32, #tpu.memory_space<vmem>> -> memref<64xi32, #tpu.memory_space<vmem>>
      %dma_start3A_36 = arith.constant 0 : i32
      %dma_start3A_37 = tpu.memref_slice %arg3[%run_scoped3A, %add3A, %dma_start3A_36] : memref<2x32x64xi32, #tpu.memory_space<hbm>> -> memref<1x1x64xi32, #tpu.memory_space<hbm>>
      %dma_start3A_38 = tpu.memref_squeeze %dma_start3A_37 : memref<1x1x64xi32, #tpu.memory_space<hbm>> -> memref<64xi32, #tpu.memory_space<hbm>>
      %dma_start3A_39 = arith.constant 0 : i32
      %dma_start3A_40 = tpu.memref_slice %arg6[%run_scoped3A_3, %dma_start3A_39] : memref<2x64xi32, #tpu.memory_space<vmem>> -> memref<1x64xi32, #tpu.memory_space<vmem>>
      %dma_start3A_41 = tpu.memref_squeeze %dma_start3A_40 : memref<1x64xi32, #tpu.memory_space<vmem>> -> memref<64xi32, #tpu.memory_space<vmem>>
      %dma_start3A_42 = arith.constant 0 : i32
      %dma_start3A_43 = tpu.memref_slice %arg3[%run_scoped3A, %add3A, %dma_start3A_42] : memref<2x32x64xi32, #tpu.memory_space<hbm>> -> memref<1x1x64xi32, #tpu.memory_space<hbm>>
      %dma_start3A_44 = tpu.memref_squeeze %dma_start3A_43 : memref<1x1x64xi32, #tpu.memory_space<hbm>> -> memref<64xi32, #tpu.memory_space<hbm>>
      tpu.enqueue_dma source(%dma_start3A_44 : memref<64xi32, #tpu.memory_space<hbm>>) target(%dma_start3A_41 : memref<64xi32, #tpu.memory_space<vmem>>) target_semaphore(%run_scoped3A_32 : memref<!tpu.dma_semaphore, #tpu.memory_space<semaphore_mem>>)
      %dma_wait3A_45 = arith.constant 0 : i32
      %dma_wait3A_46 = tpu.memref_slice %arg6[%run_scoped3A_3, %dma_wait3A_45] : memref<2x64xi32, #tpu.memory_space<vmem>> -> memref<1x64xi32, #tpu.memory_space<vmem>>
      %dma_wait3A_47 = tpu.memref_squeeze %dma_wait3A_46 : memref<1x64xi32, #tpu.memory_space<vmem>> -> memref<64xi32, #tpu.memory_space<vmem>>
      %dma_wait3A_48 = arith.constant 0 : i32
      %dma_wait3A_49 = tpu.memref_slice %arg3[%run_scoped3A, %add3A, %dma_wait3A_48] : memref<2x32x64xi32, #tpu.memory_space<hbm>> -> memref<1x1x64xi32, #tpu.memory_space<hbm>>
      %dma_wait3A_50 = tpu.memref_squeeze %dma_wait3A_49 : memref<1x1x64xi32, #tpu.memory_space<hbm>> -> memref<64xi32, #tpu.memory_space<hbm>>
      %dma_wait3A_51 = arith.constant 0 : i32
      %dma_wait3A_52 = tpu.memref_slice %arg6[%run_scoped3A_3, %dma_wait3A_51] : memref<2x64xi32, #tpu.memory_space<vmem>> -> memref<1x64xi32, #tpu.memory_space<vmem>>
      %dma_wait3A_53 = tpu.memref_squeeze %dma_wait3A_52 : memref<1x64xi32, #tpu.memory_space<vmem>> -> memref<64xi32, #tpu.memory_space<vmem>>
      %dma_wait3A_54 = arith.constant 0 : i32
      %dma_wait3A_55 = tpu.memref_slice %arg3[%run_scoped3A, %add3A, %dma_wait3A_54] : memref<2x32x64xi32, #tpu.memory_space<hbm>> -> memref<1x1x64xi32, #tpu.memory_space<hbm>>
      %dma_wait3A_56 = tpu.memref_squeeze %dma_wait3A_55 : memref<1x1x64xi32, #tpu.memory_space<hbm>> -> memref<64xi32, #tpu.memory_space<hbm>>
      tpu.wait_dma2 semaphore(%run_scoped3A_32 : memref<!tpu.dma_semaphore, #tpu.memory_space<semaphore_mem>>) src(%dma_wait3A_56 : memref<64xi32, #tpu.memory_space<hbm>>) dst(%dma_wait3A_53 : memref<64xi32, #tpu.memory_space<vmem>>)
      tpu.yield
    }) : () -> ()
    %run_scoped3A_4 = arith.constant 1 : i32
    %run_scoped3A_5 = arith.constant 1 : i32
    "tpu.region"() ({
      %run_scoped3A_32 = tpu.sem_alloc : memref<!tpu.dma_semaphore, #tpu.memory_space<semaphore_mem>>
      %dma_start3A_33 = arith.constant 0 : i32
      %dma_start3A_34 = tpu.memref_slice %arg6[%run_scoped3A_5, %dma_start3A_33] : memref<2x64xi32, #tpu.memory_space<vmem>> -> memref<1x64xi32, #tpu.memory_space<vmem>>
      %dma_start3A_35 = tpu.memref_squeeze %dma_start3A_34 : memref<1x64xi32, #tpu.memory_space<vmem>> -> memref<64xi32, #tpu.memory_space<vmem>>
      %dma_start3A_36 = arith.constant 0 : i32
      %dma_start3A_37 = tpu.memref_slice %arg3[%run_scoped3A_4, %add3A, %dma_start3A_36] : memref<2x32x64xi32, #tpu.memory_space<hbm>> -> memref<1x1x64xi32, #tpu.memory_space<hbm>>
      %dma_start3A_38 = tpu.memref_squeeze %dma_start3A_37 : memref<1x1x64xi32, #tpu.memory_space<hbm>> -> memref<64xi32, #tpu.memory_space<hbm>>
      %dma_start3A_39 = arith.constant 0 : i32
      %dma_start3A_40 = tpu.memref_slice %arg6[%run_scoped3A_5, %dma_start3A_39] : memref<2x64xi32, #tpu.memory_space<vmem>> -> memref<1x64xi32, #tpu.memory_space<vmem>>
      %dma_start3A_41 = tpu.memref_squeeze %dma_start3A_40 : memref<1x64xi32, #tpu.memory_space<vmem>> -> memref<64xi32, #tpu.memory_space<vmem>>
      %dma_start3A_42 = arith.constant 0 : i32
      %dma_start3A_43 = tpu.memref_slice %arg3[%run_scoped3A_4, %add3A, %dma_start3A_42] : memref<2x32x64xi32, #tpu.memory_space<hbm>> -> memref<1x1x64xi32, #tpu.memory_space<hbm>>
      %dma_start3A_44 = tpu.memref_squeeze %dma_start3A_43 : memref<1x1x64xi32, #tpu.memory_space<hbm>> -> memref<64xi32, #tpu.memory_space<hbm>>
      tpu.enqueue_dma source(%dma_start3A_44 : memref<64xi32, #tpu.memory_space<hbm>>) target(%dma_start3A_41 : memref<64xi32, #tpu.memory_space<vmem>>) target_semaphore(%run_scoped3A_32 : memref<!tpu.dma_semaphore, #tpu.memory_space<semaphore_mem>>)
      %dma_wait3A_45 = arith.constant 0 : i32
      %dma_wait3A_46 = tpu.memref_slice %arg6[%run_scoped3A_5, %dma_wait3A_45] : memref<2x64xi32, #tpu.memory_space<vmem>> -> memref<1x64xi32, #tpu.memory_space<vmem>>
      %dma_wait3A_47 = tpu.memref_squeeze %dma_wait3A_46 : memref<1x64xi32, #tpu.memory_space<vmem>> -> memref<64xi32, #tpu.memory_space<vmem>>
      %dma_wait3A_48 = arith.constant 0 : i32
      %dma_wait3A_49 = tpu.memref_slice %arg3[%run_scoped3A_4, %add3A, %dma_wait3A_48] : memref<2x32x64xi32, #tpu.memory_space<hbm>> -> memref<1x1x64xi32, #tpu.memory_space<hbm>>
      %dma_wait3A_50 = tpu.memref_squeeze %dma_wait3A_49 : memref<1x1x64xi32, #tpu.memory_space<hbm>> -> memref<64xi32, #tpu.memory_space<hbm>>
      %dma_wait3A_51 = arith.constant 0 : i32
      %dma_wait3A_52 = tpu.memref_slice %arg6[%run_scoped3A_5, %dma_wait3A_51] : memref<2x64xi32, #tpu.memory_space<vmem>> -> memref<1x64xi32, #tpu.memory_space<vmem>>
      %dma_wait3A_53 = tpu.memref_squeeze %dma_wait3A_52 : memref<1x64xi32, #tpu.memory_space<vmem>> -> memref<64xi32, #tpu.memory_space<vmem>>
      %dma_wait3A_54 = arith.constant 0 : i32
      %dma_wait3A_55 = tpu.memref_slice %arg3[%run_scoped3A_4, %add3A, %dma_wait3A_54] : memref<2x32x64xi32, #tpu.memory_space<hbm>> -> memref<1x1x64xi32, #tpu.memory_space<hbm>>
      %dma_wait3A_56 = tpu.memref_squeeze %dma_wait3A_55 : memref<1x1x64xi32, #tpu.memory_space<hbm>> -> memref<64xi32, #tpu.memory_space<hbm>>
      tpu.wait_dma2 semaphore(%run_scoped3A_32 : memref<!tpu.dma_semaphore, #tpu.memory_space<semaphore_mem>>) src(%dma_wait3A_56 : memref<64xi32, #tpu.memory_space<hbm>>) dst(%dma_wait3A_53 : memref<64xi32, #tpu.memory_space<vmem>>)
      tpu.yield
    }) : () -> ()
    "tpu.region"() ({
      %run_scoped3A_32 = tpu.sem_alloc : memref<!tpu.dma_semaphore, #tpu.memory_space<semaphore_mem>>
      %dma_start3A_33 = arith.constant 0 : i32
      %dma_start3A_34 = tpu.memref_slice %arg2[%mul3A_2, %dma_start3A_33] : memref<2048x768xf32, #tpu.memory_space<hbm>> -> memref<64x768xf32, #tpu.memory_space<hbm>>
      %dma_start3A_35 = arith.constant 0 : i32
      %dma_start3A_36 = tpu.memref_slice %arg2[%mul3A_2, %dma_start3A_35] : memref<2048x768xf32, #tpu.memory_space<hbm>> -> memref<64x768xf32, #tpu.memory_space<hbm>>
      tpu.enqueue_dma source(%dma_start3A_36 : memref<64x768xf32, #tpu.memory_space<hbm>>) target(%arg5 : memref<64x768xf32, #tpu.memory_space<vmem>>) target_semaphore(%run_scoped3A_32 : memref<!tpu.dma_semaphore, #tpu.memory_space<semaphore_mem>>)
      %dma_wait3A_37 = arith.constant 0 : i32
      %dma_wait3A_38 = tpu.memref_slice %arg2[%mul3A_2, %dma_wait3A_37] : memref<2048x768xf32, #tpu.memory_space<hbm>> -> memref<64x768xf32, #tpu.memory_space<hbm>>
      %dma_wait3A_39 = arith.constant 0 : i32
      %dma_wait3A_40 = tpu.memref_slice %arg2[%mul3A_2, %dma_wait3A_39] : memref<2048x768xf32, #tpu.memory_space<hbm>> -> memref<64x768xf32, #tpu.memory_space<hbm>>
      tpu.wait_dma2 semaphore(%run_scoped3A_32 : memref<!tpu.dma_semaphore, #tpu.memory_space<semaphore_mem>>) src(%dma_wait3A_40 : memref<64x768xf32, #tpu.memory_space<hbm>>) dst(%arg5 : memref<64x768xf32, #tpu.memory_space<vmem>>)
      tpu.yield
    }) : () -> ()
    %dma_start3A = arith.constant 0 : i32
    %dma_start3A_6 = arith.constant 0 : i32
    %dma_start3A_7 = tpu.memref_slice %arg6[%dma_start3A, %dma_start3A_6] : memref<2x64xi32, #tpu.memory_space<vmem>> -> memref<1x64xi32, #tpu.memory_space<vmem>>
    %dma_start3A_8 = tpu.memref_squeeze %dma_start3A_7 : memref<1x64xi32, #tpu.memory_space<vmem>> -> memref<64xi32, #tpu.memory_space<vmem>>
    %dma_start3A_9 = arith.constant 0 : i32
    %dma_start3A_10 = arith.constant 0 : i32
    %dma_start3A_11 = tpu.memref_slice %arg4[%dma_start3A_9, %dma_start3A_10] : memref<8192x768xf32, #tpu.memory_space<hbm>> -> memref<8192x768xf32, #tpu.memory_space<hbm>>
    tpu.enqueue_indirect_dma source(%arg5 : memref<64x768xf32, #tpu.memory_space<vmem>>) target(%dma_start3A_11 : memref<8192x768xf32, #tpu.memory_space<hbm>>) offsets(%dma_start3A_8 : memref<64xi32, #tpu.memory_space<vmem>>) semaphore(%arg7 : memref<!tpu.dma_semaphore, #tpu.memory_space<semaphore_mem>>)
    %dma_start3A_12 = arith.constant 1 : i32
    %dma_start3A_13 = arith.constant 0 : i32
    %dma_start3A_14 = tpu.memref_slice %arg6[%dma_start3A_12, %dma_start3A_13] : memref<2x64xi32, #tpu.memory_space<vmem>> -> memref<1x64xi32, #tpu.memory_space<vmem>>
    %dma_start3A_15 = tpu.memref_squeeze %dma_start3A_14 : memref<1x64xi32, #tpu.memory_space<vmem>> -> memref<64xi32, #tpu.memory_space<vmem>>
    %dma_start3A_16 = arith.constant 0 : i32
    %dma_start3A_17 = arith.constant 0 : i32
    %dma_start3A_18 = tpu.memref_slice %arg4[%dma_start3A_16, %dma_start3A_17] : memref<8192x768xf32, #tpu.memory_space<hbm>> -> memref<8192x768xf32, #tpu.memory_space<hbm>>
    tpu.enqueue_indirect_dma source(%arg5 : memref<64x768xf32, #tpu.memory_space<vmem>>) target(%dma_start3A_18 : memref<8192x768xf32, #tpu.memory_space<hbm>>) offsets(%dma_start3A_15 : memref<64xi32, #tpu.memory_space<vmem>>) semaphore(%arg7 : memref<!tpu.dma_semaphore, #tpu.memory_space<semaphore_mem>>)
    %dma_wait3A = arith.constant 0 : i32
    %dma_wait3A_19 = arith.constant 0 : i32
    %dma_wait3A_20 = tpu.memref_slice %arg6[%dma_wait3A, %dma_wait3A_19] : memref<2x64xi32, #tpu.memory_space<vmem>> -> memref<1x64xi32, #tpu.memory_space<vmem>>
    %dma_wait3A_21 = tpu.memref_squeeze %dma_wait3A_20 : memref<1x64xi32, #tpu.memory_space<vmem>> -> memref<64xi32, #tpu.memory_space<vmem>>
    %dma_wait3A_22 = arith.constant 0 : i32
    %dma_wait3A_23 = arith.constant 0 : i32
    %dma_wait3A_24 = tpu.memref_slice %arg4[%dma_wait3A_22, %dma_wait3A_23] : memref<8192x768xf32, #tpu.memory_space<hbm>> -> memref<8192x768xf32, #tpu.memory_space<hbm>>
    tpu.wait_indirect_dma semaphore(%arg7 : memref<!tpu.dma_semaphore, #tpu.memory_space<semaphore_mem>>) src(%arg5 : memref<64x768xf32, #tpu.memory_space<vmem>>) dst(%dma_wait3A_24 : memref<8192x768xf32, #tpu.memory_space<hbm>>)
    %dma_wait3A_25 = arith.constant 1 : i32
    %dma_wait3A_26 = arith.constant 0 : i32
    %dma_wait3A_27 = tpu.memref_slice %arg6[%dma_wait3A_25, %dma_wait3A_26] : memref<2x64xi32, #tpu.memory_space<vmem>> -> memref<1x64xi32, #tpu.memory_space<vmem>>
    %dma_wait3A_28 = tpu.memref_squeeze %dma_wait3A_27 : memref<1x64xi32, #tpu.memory_space<vmem>> -> memref<64xi32, #tpu.memory_space<vmem>>
    %dma_wait3A_29 = arith.constant 0 : i32
    %dma_wait3A_30 = arith.constant 0 : i32
    %dma_wait3A_31 = tpu.memref_slice %arg4[%dma_wait3A_29, %dma_wait3A_30] : memref<8192x768xf32, #tpu.memory_space<hbm>> -> memref<8192x768xf32, #tpu.memory_space<hbm>>
    tpu.wait_indirect_dma semaphore(%arg7 : memref<!tpu.dma_semaphore, #tpu.memory_space<semaphore_mem>>) src(%arg5 : memref<64x768xf32, #tpu.memory_space<vmem>>) dst(%dma_wait3A_31 : memref<8192x768xf32, #tpu.memory_space<hbm>>)
    return
  }
}

module attributes {stable_mosaic.version = 14 : i64} {
  func.func @_route_body(%arg0: memref<32x128xi32, #tpu.memory_space<vmem>>, %arg1: memref<32x128xi32, #tpu.memory_space<vmem>>, %arg2: memref<1x128xi32, #tpu.memory_space<vmem>>) attributes {dimension_semantics = [], scalar_prefetch = 0 : i64, scratch_operands = 0 : i64, tpu.core_type = #tpu.core_type<tc>} {
    %iota3A = tpu.iota {dimensions = array<i32: 0>} : vector<8x1xi32>
    %convert_element_type3A = arith.sitofp %iota3A : vector<8x1xi32> to vector<8x1xf32>
    %iota3A_0 = tpu.iota {dimensions = array<i32: 0>} : vector<128x128xi32>
    %iota3A_1 = tpu.iota {dimensions = array<i32: 1>} : vector<128x128xi32>
    %lt3A = arith.cmpi slt, %iota3A_1, %iota3A_0 : vector<128x128xi32>
    %convert_element_type3A_2 = arith.extui %lt3A : vector<128x128xi1> to vector<128x128xi32>
    %convert_element_type3A_3 = arith.sitofp %convert_element_type3A_2 : vector<128x128xi32> to vector<128x128xf32>
    %broadcast_in_dim3A = arith.constant 0.000000e+00 : f32
    %broadcast_in_dim3A_4 = vector.broadcast %broadcast_in_dim3A : f32 to vector<8x1xf32>
    %scan3A = arith.constant 0 : i32
    %scan3A_5 = arith.constant 32 : i32
    %scan3A_6 = arith.addi %scan3A, %scan3A_5 : i32
    %scan3A_7 = arith.constant 1 : i32
    %scan3A_8 = scf.for %scan3A_105 = %scan3A to %scan3A_6 step %scan3A_7 iter_args(%scan3A_106 = %broadcast_in_dim3A_4) -> (vector<8x1xf32>)  : i32 {
      %get3A = arith.index_cast %scan3A_105 : i32 to index
      %get3A_107 = arith.constant 0 : index
      %get3A_108 = vector.load %arg0[%get3A, %get3A_107] : memref<32x128xi32, #tpu.memory_space<vmem>>, vector<1x128xi32>
      %convert_element_type3A_109 = arith.sitofp %get3A_108 : vector<1x128xi32> to vector<1x128xf32>
      %eq3A_110 = vector.broadcast %convert_element_type3A_109 : vector<1x128xf32> to vector<8x128xf32>
      %eq3A_111 = vector.broadcast %convert_element_type3A : vector<8x1xf32> to vector<8x128xf32>
      %eq3A_112 = arith.cmpf oeq, %eq3A_110, %eq3A_111 : vector<8x128xf32>
      %convert_element_type3A_113 = arith.extui %eq3A_112 : vector<8x128xi1> to vector<8x128xi32>
      %convert_element_type3A_114 = arith.sitofp %convert_element_type3A_113 : vector<8x128xi32> to vector<8x128xf32>
      %dot_general3A_115 = arith.constant dense<0.000000e+00> : vector<8x128xf32>
      %dot_general3A_116 = tpu.matmul %convert_element_type3A_114, %convert_element_type3A_3, %dot_general3A_115 {dimension_numbers = #tpu.dot_dimension_numbers<[1], [1], [0], [0], [0, 0, 1, 0], [], []>, transpose_lhs_hint = false} : vector<8x128xf32>, vector<128x128xf32>, vector<8x128xf32> -> vector<8x128xf32>
      %add3A_117 = vector.broadcast %scan3A_106 : vector<8x1xf32> to vector<8x128xf32>
      %add3A_118 = arith.addf %dot_general3A_116, %add3A_117 : vector<8x128xf32>
      %mul3A_119 = arith.mulf %convert_element_type3A_114, %add3A_118 : vector<8x128xf32>
      %reduce_sum3A_120 = arith.constant dense<0.000000e+00> : vector<128xf32>
      %reduce_sum3A_121 = vector.multi_reduction <add>, %mul3A_119, %reduce_sum3A_120 [0] : vector<8x128xf32> to vector<128xf32>
      %broadcast_in_dim3A_122 = vector.shape_cast %reduce_sum3A_121 : vector<128xf32> to vector<1x128xf32>
      %convert_element_type3A_123 = arith.fptosi %broadcast_in_dim3A_122 : vector<1x128xf32> to vector<1x128xi32>
      %swap3A_124 = arith.index_cast %scan3A_105 : i32 to index
      %swap3A_125 = arith.constant 0 : index
      %swap3A_126 = vector.load %arg1[%swap3A_124, %swap3A_125] : memref<32x128xi32, #tpu.memory_space<vmem>>, vector<1x128xi32>
      tpu.vector_store %arg1[%swap3A_124, %swap3A_125], %convert_element_type3A_123 {strides = array<i32>} : memref<32x128xi32, #tpu.memory_space<vmem>>, vector<1x128xi32>,
      %reduce_sum3A_127 = arith.constant dense<0.000000e+00> : vector<8xf32>
      %reduce_sum3A_128 = vector.multi_reduction <add>, %convert_element_type3A_114, %reduce_sum3A_127 [1] : vector<8x128xf32> to vector<8xf32>
      %broadcast_in_dim3A_129 = vector.shape_cast %reduce_sum3A_128 : vector<8xf32> to vector<8x1xf32>
      %add3A_130 = arith.addf %scan3A_106, %broadcast_in_dim3A_129 : vector<8x1xf32>
      scf.yield %add3A_130 : vector<8x1xf32>
    }
    %scan3A_9 = arith.constant 32 : i32
    %add3A = arith.constant 5.110000e+02 : f32
    %add3A_10 = vector.broadcast %add3A : f32 to vector<8x1xf32>
    %add3A_11 = arith.addf %scan3A_8, %add3A_10 : vector<8x1xf32>
    %div3A = arith.constant 5.120000e+02 : f32
    %div3A_12 = vector.broadcast %div3A : f32 to vector<8x1xf32>
    %div3A_13 = arith.divf %add3A_11, %div3A_12 : vector<8x1xf32>
    %floor3A = math.floor %div3A_13 : vector<8x1xf32>
    %iota3A_14 = tpu.iota {dimensions = array<i32: 0>} : vector<8x8xi32>
    %iota3A_15 = tpu.iota {dimensions = array<i32: 1>} : vector<8x8xi32>
    %le3A = arith.cmpi sle, %iota3A_15, %iota3A_14 : vector<8x8xi32>
    %convert_element_type3A_16 = arith.extui %le3A : vector<8x8xi1> to vector<8x8xi32>
    %convert_element_type3A_17 = arith.sitofp %convert_element_type3A_16 : vector<8x8xi32> to vector<8x8xf32>
    %dot_general3A = arith.constant dense<0.000000e+00> : vector<8x1xf32>
    %dot_general3A_18 = tpu.matmul %convert_element_type3A_17, %floor3A, %dot_general3A {dimension_numbers = #tpu.dot_dimension_numbers<[1], [0], [0], [1], [0, 0, 1, 1], [], []>, transpose_lhs_hint = false} : vector<8x8xf32>, vector<8x1xf32>, vector<8x1xf32> -> vector<8x1xf32>
    %sub3A = arith.subf %dot_general3A_18, %floor3A : vector<8x1xf32>
    %mul3A = arith.constant 5.120000e+02 : f32
    %mul3A_19 = vector.broadcast %mul3A : f32 to vector<8x1xf32>
    %mul3A_20 = arith.mulf %sub3A, %mul3A_19 : vector<8x1xf32>
    %scan3A_21 = arith.constant 0 : i32
    %scan3A_22 = arith.constant 32 : i32
    %scan3A_23 = arith.addi %scan3A_21, %scan3A_22 : i32
    %scan3A_24 = arith.constant 1 : i32
    scf.for %scan3A_105 = %scan3A_21 to %scan3A_23 step %scan3A_24  : i32 {
      %get3A = arith.index_cast %scan3A_105 : i32 to index
      %get3A_106 = arith.constant 0 : index
      %get3A_107 = vector.load %arg0[%get3A, %get3A_106] : memref<32x128xi32, #tpu.memory_space<vmem>>, vector<1x128xi32>
      %convert_element_type3A_108 = arith.sitofp %get3A_107 : vector<1x128xi32> to vector<1x128xf32>
      %broadcast_in_dim3A_109 = arith.constant 0.000000e+00 : f32
      %broadcast_in_dim3A_110 = vector.broadcast %broadcast_in_dim3A_109 : f32 to vector<1x128xf32>
      %eq3A_111 = arith.constant 0.000000e+00 : f32
      %eq3A_112 = vector.broadcast %eq3A_111 : f32 to vector<1x128xf32>
      %eq3A_113 = arith.cmpf oeq, %convert_element_type3A_108, %eq3A_112 : vector<1x128xf32>
      %slice3A_114 = vector.extract_strided_slice %mul3A_20 {offsets = [0, 0], sizes = [1, 1], strides = [1, 1]} : vector<8x1xf32> to vector<1x1xf32>
      %squeeze3A_115 = vector.extract %slice3A_114[0, 0] : f32 from vector<1x1xf32>
      %jit3A_116 = arith.constant 0.000000e+00 : f32
      %broadcast_in_dim3A_117 = vector.broadcast %squeeze3A_115 : f32 to vector<1x128xf32>
      %broadcast_in_dim3A_118 = vector.broadcast %jit3A_116 : f32 to vector<1x128xf32>
      %select_n3A_119 = arith.select %eq3A_113, %broadcast_in_dim3A_117, %broadcast_in_dim3A_118 : vector<1x128xi1>, vector<1x128xf32>
      %add3A_120 = arith.addf %broadcast_in_dim3A_110, %select_n3A_119 : vector<1x128xf32>
      %eq3A_121 = arith.constant 1.000000e+00 : f32
      %eq3A_122 = vector.broadcast %eq3A_121 : f32 to vector<1x128xf32>
      %eq3A_123 = arith.cmpf oeq, %convert_element_type3A_108, %eq3A_122 : vector<1x128xf32>
      %slice3A_124 = vector.extract_strided_slice %mul3A_20 {offsets = [1, 0], sizes = [1, 1], strides = [1, 1]} : vector<8x1xf32> to vector<1x1xf32>
      %squeeze3A_125 = vector.extract %slice3A_124[0, 0] : f32 from vector<1x1xf32>
      %jit3A_126 = arith.constant 0.000000e+00 : f32
      %broadcast_in_dim3A_127 = vector.broadcast %squeeze3A_125 : f32 to vector<1x128xf32>
      %broadcast_in_dim3A_128 = vector.broadcast %jit3A_126 : f32 to vector<1x128xf32>
      %select_n3A_129 = arith.select %eq3A_123, %broadcast_in_dim3A_127, %broadcast_in_dim3A_128 : vector<1x128xi1>, vector<1x128xf32>
      %add3A_130 = arith.addf %add3A_120, %select_n3A_129 : vector<1x128xf32>
      %eq3A_131 = arith.constant 2.000000e+00 : f32
      %eq3A_132 = vector.broadcast %eq3A_131 : f32 to vector<1x128xf32>
      %eq3A_133 = arith.cmpf oeq, %convert_element_type3A_108, %eq3A_132 : vector<1x128xf32>
      %slice3A_134 = vector.extract_strided_slice %mul3A_20 {offsets = [2, 0], sizes = [1, 1], strides = [1, 1]} : vector<8x1xf32> to vector<1x1xf32>
      %squeeze3A_135 = vector.extract %slice3A_134[0, 0] : f32 from vector<1x1xf32>
      %jit3A_136 = arith.constant 0.000000e+00 : f32
      %broadcast_in_dim3A_137 = vector.broadcast %squeeze3A_135 : f32 to vector<1x128xf32>
      %broadcast_in_dim3A_138 = vector.broadcast %jit3A_136 : f32 to vector<1x128xf32>
      %select_n3A_139 = arith.select %eq3A_133, %broadcast_in_dim3A_137, %broadcast_in_dim3A_138 : vector<1x128xi1>, vector<1x128xf32>
      %add3A_140 = arith.addf %add3A_130, %select_n3A_139 : vector<1x128xf32>
      %eq3A_141 = arith.constant 3.000000e+00 : f32
      %eq3A_142 = vector.broadcast %eq3A_141 : f32 to vector<1x128xf32>
      %eq3A_143 = arith.cmpf oeq, %convert_element_type3A_108, %eq3A_142 : vector<1x128xf32>
      %slice3A_144 = vector.extract_strided_slice %mul3A_20 {offsets = [3, 0], sizes = [1, 1], strides = [1, 1]} : vector<8x1xf32> to vector<1x1xf32>
      %squeeze3A_145 = vector.extract %slice3A_144[0, 0] : f32 from vector<1x1xf32>
      %jit3A_146 = arith.constant 0.000000e+00 : f32
      %broadcast_in_dim3A_147 = vector.broadcast %squeeze3A_145 : f32 to vector<1x128xf32>
      %broadcast_in_dim3A_148 = vector.broadcast %jit3A_146 : f32 to vector<1x128xf32>
      %select_n3A_149 = arith.select %eq3A_143, %broadcast_in_dim3A_147, %broadcast_in_dim3A_148 : vector<1x128xi1>, vector<1x128xf32>
      %add3A_150 = arith.addf %add3A_140, %select_n3A_149 : vector<1x128xf32>
      %eq3A_151 = arith.constant 4.000000e+00 : f32
      %eq3A_152 = vector.broadcast %eq3A_151 : f32 to vector<1x128xf32>
      %eq3A_153 = arith.cmpf oeq, %convert_element_type3A_108, %eq3A_152 : vector<1x128xf32>
      %slice3A_154 = vector.extract_strided_slice %mul3A_20 {offsets = [4, 0], sizes = [1, 1], strides = [1, 1]} : vector<8x1xf32> to vector<1x1xf32>
      %squeeze3A_155 = vector.extract %slice3A_154[0, 0] : f32 from vector<1x1xf32>
      %jit3A_156 = arith.constant 0.000000e+00 : f32
      %broadcast_in_dim3A_157 = vector.broadcast %squeeze3A_155 : f32 to vector<1x128xf32>
      %broadcast_in_dim3A_158 = vector.broadcast %jit3A_156 : f32 to vector<1x128xf32>
      %select_n3A_159 = arith.select %eq3A_153, %broadcast_in_dim3A_157, %broadcast_in_dim3A_158 : vector<1x128xi1>, vector<1x128xf32>
      %add3A_160 = arith.addf %add3A_150, %select_n3A_159 : vector<1x128xf32>
      %eq3A_161 = arith.constant 5.000000e+00 : f32
      %eq3A_162 = vector.broadcast %eq3A_161 : f32 to vector<1x128xf32>
      %eq3A_163 = arith.cmpf oeq, %convert_element_type3A_108, %eq3A_162 : vector<1x128xf32>
      %slice3A_164 = vector.extract_strided_slice %mul3A_20 {offsets = [5, 0], sizes = [1, 1], strides = [1, 1]} : vector<8x1xf32> to vector<1x1xf32>
      %squeeze3A_165 = vector.extract %slice3A_164[0, 0] : f32 from vector<1x1xf32>
      %jit3A_166 = arith.constant 0.000000e+00 : f32
      %broadcast_in_dim3A_167 = vector.broadcast %squeeze3A_165 : f32 to vector<1x128xf32>
      %broadcast_in_dim3A_168 = vector.broadcast %jit3A_166 : f32 to vector<1x128xf32>
      %select_n3A_169 = arith.select %eq3A_163, %broadcast_in_dim3A_167, %broadcast_in_dim3A_168 : vector<1x128xi1>, vector<1x128xf32>
      %add3A_170 = arith.addf %add3A_160, %select_n3A_169 : vector<1x128xf32>
      %eq3A_171 = arith.constant 6.000000e+00 : f32
      %eq3A_172 = vector.broadcast %eq3A_171 : f32 to vector<1x128xf32>
      %eq3A_173 = arith.cmpf oeq, %convert_element_type3A_108, %eq3A_172 : vector<1x128xf32>
      %slice3A_174 = vector.extract_strided_slice %mul3A_20 {offsets = [6, 0], sizes = [1, 1], strides = [1, 1]} : vector<8x1xf32> to vector<1x1xf32>
      %squeeze3A_175 = vector.extract %slice3A_174[0, 0] : f32 from vector<1x1xf32>
      %jit3A_176 = arith.constant 0.000000e+00 : f32
      %broadcast_in_dim3A_177 = vector.broadcast %squeeze3A_175 : f32 to vector<1x128xf32>
      %broadcast_in_dim3A_178 = vector.broadcast %jit3A_176 : f32 to vector<1x128xf32>
      %select_n3A_179 = arith.select %eq3A_173, %broadcast_in_dim3A_177, %broadcast_in_dim3A_178 : vector<1x128xi1>, vector<1x128xf32>
      %add3A_180 = arith.addf %add3A_170, %select_n3A_179 : vector<1x128xf32>
      %eq3A_181 = arith.constant 7.000000e+00 : f32
      %eq3A_182 = vector.broadcast %eq3A_181 : f32 to vector<1x128xf32>
      %eq3A_183 = arith.cmpf oeq, %convert_element_type3A_108, %eq3A_182 : vector<1x128xf32>
      %slice3A_184 = vector.extract_strided_slice %mul3A_20 {offsets = [7, 0], sizes = [1, 1], strides = [1, 1]} : vector<8x1xf32> to vector<1x1xf32>
      %squeeze3A_185 = vector.extract %slice3A_184[0, 0] : f32 from vector<1x1xf32>
      %jit3A_186 = arith.constant 0.000000e+00 : f32
      %broadcast_in_dim3A_187 = vector.broadcast %squeeze3A_185 : f32 to vector<1x128xf32>
      %broadcast_in_dim3A_188 = vector.broadcast %jit3A_186 : f32 to vector<1x128xf32>
      %select_n3A_189 = arith.select %eq3A_183, %broadcast_in_dim3A_187, %broadcast_in_dim3A_188 : vector<1x128xi1>, vector<1x128xf32>
      %add3A_190 = arith.addf %add3A_180, %select_n3A_189 : vector<1x128xf32>
      %get3A_191 = arith.index_cast %scan3A_105 : i32 to index
      %get3A_192 = arith.constant 0 : index
      %get3A_193 = vector.load %arg1[%get3A_191, %get3A_192] : memref<32x128xi32, #tpu.memory_space<vmem>>, vector<1x128xi32>
      %convert_element_type3A_194 = arith.fptosi %add3A_190 : vector<1x128xf32> to vector<1x128xi32>
      %add3A_195 = arith.addi %get3A_193, %convert_element_type3A_194 : vector<1x128xi32>
      %swap3A_196 = arith.index_cast %scan3A_105 : i32 to index
      %swap3A_197 = arith.constant 0 : index
      %swap3A_198 = vector.load %arg1[%swap3A_196, %swap3A_197] : memref<32x128xi32, #tpu.memory_space<vmem>>, vector<1x128xi32>
      tpu.vector_store %arg1[%swap3A_196, %swap3A_197], %add3A_195 {strides = array<i32>} : memref<32x128xi32, #tpu.memory_space<vmem>>, vector<1x128xi32>,
    }
    %scan3A_25 = arith.constant 32 : i32
    %slice3A = vector.extract_strided_slice %dot_general3A_18 {offsets = [7, 0], sizes = [1, 1], strides = [1, 1]} : vector<8x1xf32> to vector<1x1xf32>
    %squeeze3A = vector.extract %slice3A[0, 0] : f32 from vector<1x1xf32>
    %iota3A_26 = tpu.iota {dimensions = array<i32: 1>} : vector<1x128xi32>
    %convert_element_type3A_27 = arith.sitofp %iota3A_26 : vector<1x128xi32> to vector<1x128xf32>
    %broadcast_in_dim3A_28 = arith.constant 0.000000e+00 : f32
    %broadcast_in_dim3A_29 = vector.broadcast %broadcast_in_dim3A_28 : f32 to vector<1x128xf32>
    %slice3A_30 = vector.extract_strided_slice %dot_general3A_18 {offsets = [0, 0], sizes = [1, 1], strides = [1, 1]} : vector<8x1xf32> to vector<1x1xf32>
    %squeeze3A_31 = vector.extract %slice3A_30[0, 0] : f32 from vector<1x1xf32>
    %ge3A = vector.broadcast %squeeze3A_31 : f32 to vector<1x128xf32>
    %ge3A_32 = arith.cmpf oge, %convert_element_type3A_27, %ge3A : vector<1x128xf32>
    %convert_element_type3A_33 = arith.extui %ge3A_32 : vector<1x128xi1> to vector<1x128xi32>
    %convert_element_type3A_34 = arith.sitofp %convert_element_type3A_33 : vector<1x128xi32> to vector<1x128xf32>
    %add3A_35 = arith.addf %broadcast_in_dim3A_29, %convert_element_type3A_34 : vector<1x128xf32>
    %slice3A_36 = vector.extract_strided_slice %dot_general3A_18 {offsets = [1, 0], sizes = [1, 1], strides = [1, 1]} : vector<8x1xf32> to vector<1x1xf32>
    %squeeze3A_37 = vector.extract %slice3A_36[0, 0] : f32 from vector<1x1xf32>
    %ge3A_38 = vector.broadcast %squeeze3A_37 : f32 to vector<1x128xf32>
    %ge3A_39 = arith.cmpf oge, %convert_element_type3A_27, %ge3A_38 : vector<1x128xf32>
    %convert_element_type3A_40 = arith.extui %ge3A_39 : vector<1x128xi1> to vector<1x128xi32>
    %convert_element_type3A_41 = arith.sitofp %convert_element_type3A_40 : vector<1x128xi32> to vector<1x128xf32>
    %add3A_42 = arith.addf %add3A_35, %convert_element_type3A_41 : vector<1x128xf32>
    %slice3A_43 = vector.extract_strided_slice %dot_general3A_18 {offsets = [2, 0], sizes = [1, 1], strides = [1, 1]} : vector<8x1xf32> to vector<1x1xf32>
    %squeeze3A_44 = vector.extract %slice3A_43[0, 0] : f32 from vector<1x1xf32>
    %ge3A_45 = vector.broadcast %squeeze3A_44 : f32 to vector<1x128xf32>
    %ge3A_46 = arith.cmpf oge, %convert_element_type3A_27, %ge3A_45 : vector<1x128xf32>
    %convert_element_type3A_47 = arith.extui %ge3A_46 : vector<1x128xi1> to vector<1x128xi32>
    %convert_element_type3A_48 = arith.sitofp %convert_element_type3A_47 : vector<1x128xi32> to vector<1x128xf32>
    %add3A_49 = arith.addf %add3A_42, %convert_element_type3A_48 : vector<1x128xf32>
    %slice3A_50 = vector.extract_strided_slice %dot_general3A_18 {offsets = [3, 0], sizes = [1, 1], strides = [1, 1]} : vector<8x1xf32> to vector<1x1xf32>
    %squeeze3A_51 = vector.extract %slice3A_50[0, 0] : f32 from vector<1x1xf32>
    %ge3A_52 = vector.broadcast %squeeze3A_51 : f32 to vector<1x128xf32>
    %ge3A_53 = arith.cmpf oge, %convert_element_type3A_27, %ge3A_52 : vector<1x128xf32>
    %convert_element_type3A_54 = arith.extui %ge3A_53 : vector<1x128xi1> to vector<1x128xi32>
    %convert_element_type3A_55 = arith.sitofp %convert_element_type3A_54 : vector<1x128xi32> to vector<1x128xf32>
    %add3A_56 = arith.addf %add3A_49, %convert_element_type3A_55 : vector<1x128xf32>
    %slice3A_57 = vector.extract_strided_slice %dot_general3A_18 {offsets = [4, 0], sizes = [1, 1], strides = [1, 1]} : vector<8x1xf32> to vector<1x1xf32>
    %squeeze3A_58 = vector.extract %slice3A_57[0, 0] : f32 from vector<1x1xf32>
    %ge3A_59 = vector.broadcast %squeeze3A_58 : f32 to vector<1x128xf32>
    %ge3A_60 = arith.cmpf oge, %convert_element_type3A_27, %ge3A_59 : vector<1x128xf32>
    %convert_element_type3A_61 = arith.extui %ge3A_60 : vector<1x128xi1> to vector<1x128xi32>
    %convert_element_type3A_62 = arith.sitofp %convert_element_type3A_61 : vector<1x128xi32> to vector<1x128xf32>
    %add3A_63 = arith.addf %add3A_56, %convert_element_type3A_62 : vector<1x128xf32>
    %slice3A_64 = vector.extract_strided_slice %dot_general3A_18 {offsets = [5, 0], sizes = [1, 1], strides = [1, 1]} : vector<8x1xf32> to vector<1x1xf32>
    %squeeze3A_65 = vector.extract %slice3A_64[0, 0] : f32 from vector<1x1xf32>
    %ge3A_66 = vector.broadcast %squeeze3A_65 : f32 to vector<1x128xf32>
    %ge3A_67 = arith.cmpf oge, %convert_element_type3A_27, %ge3A_66 : vector<1x128xf32>
    %convert_element_type3A_68 = arith.extui %ge3A_67 : vector<1x128xi1> to vector<1x128xi32>
    %convert_element_type3A_69 = arith.sitofp %convert_element_type3A_68 : vector<1x128xi32> to vector<1x128xf32>
    %add3A_70 = arith.addf %add3A_63, %convert_element_type3A_69 : vector<1x128xf32>
    %slice3A_71 = vector.extract_strided_slice %dot_general3A_18 {offsets = [6, 0], sizes = [1, 1], strides = [1, 1]} : vector<8x1xf32> to vector<1x1xf32>
    %squeeze3A_72 = vector.extract %slice3A_71[0, 0] : f32 from vector<1x1xf32>
    %ge3A_73 = vector.broadcast %squeeze3A_72 : f32 to vector<1x128xf32>
    %ge3A_74 = arith.cmpf oge, %convert_element_type3A_27, %ge3A_73 : vector<1x128xf32>
    %convert_element_type3A_75 = arith.extui %ge3A_74 : vector<1x128xi1> to vector<1x128xi32>
    %convert_element_type3A_76 = arith.sitofp %convert_element_type3A_75 : vector<1x128xi32> to vector<1x128xf32>
    %add3A_77 = arith.addf %add3A_70, %convert_element_type3A_76 : vector<1x128xf32>
    %slice3A_78 = vector.extract_strided_slice %dot_general3A_18 {offsets = [7, 0], sizes = [1, 1], strides = [1, 1]} : vector<8x1xf32> to vector<1x1xf32>
    %squeeze3A_79 = vector.extract %slice3A_78[0, 0] : f32 from vector<1x1xf32>
    %ge3A_80 = vector.broadcast %squeeze3A_79 : f32 to vector<1x128xf32>
    %ge3A_81 = arith.cmpf oge, %convert_element_type3A_27, %ge3A_80 : vector<1x128xf32>
    %convert_element_type3A_82 = arith.extui %ge3A_81 : vector<1x128xi1> to vector<1x128xi32>
    %convert_element_type3A_83 = arith.sitofp %convert_element_type3A_82 : vector<1x128xi32> to vector<1x128xf32>
    %add3A_84 = arith.addf %add3A_77, %convert_element_type3A_83 : vector<1x128xf32>
    %sub3A_85 = arith.constant 1.000000e+00 : f32
    %sub3A_86 = arith.subf %squeeze3A, %sub3A_85 : f32
    %eq3A = vector.broadcast %sub3A_86 : f32 to vector<1x128xf32>
    %eq3A_87 = arith.cmpf oeq, %convert_element_type3A_27, %eq3A : vector<1x128xf32>
    %jit3A = arith.constant 0.000000e+00 : f32
    %broadcast_in_dim3A_88 = vector.broadcast %jit3A : f32 to vector<1x128xf32>
    %select_n3A = arith.select %eq3A_87, %add3A_84, %broadcast_in_dim3A_88 : vector<1x128xi1>, vector<1x128xf32>
    %reduce_sum3A = vector.shape_cast %select_n3A : vector<1x128xf32> to vector<1x1x128xf32>
    %reduce_sum3A_89 = arith.constant dense<0.000000e+00> : vector<1xf32>
    %reduce_sum3A_90 = vector.multi_reduction <add>, %reduce_sum3A, %reduce_sum3A_89 [1, 2] : vector<1x1x128xf32> to vector<1xf32>
    %reduce_sum3A_91 = vector.shape_cast %reduce_sum3A_90 : vector<1xf32> to vector<1x1x1xf32>
    %reduce_sum3A_92 = vector.extract %reduce_sum3A_91[0, 0, 0] : f32 from vector<1x1x1xf32>
    %lt3A_93 = vector.broadcast %squeeze3A : f32 to vector<1x128xf32>
    %lt3A_94 = arith.cmpf olt, %convert_element_type3A_27, %lt3A_93 : vector<1x128xf32>
    %broadcast_in_dim3A_95 = vector.broadcast %reduce_sum3A_92 : f32 to vector<1x128xf32>
    %select_n3A_96 = arith.select %lt3A_94, %add3A_84, %broadcast_in_dim3A_95 : vector<1x128xi1>, vector<1x128xf32>
    %eq3A_97 = arith.constant 1.270000e+02 : f32
    %eq3A_98 = vector.broadcast %eq3A_97 : f32 to vector<1x128xf32>
    %eq3A_99 = arith.cmpf oeq, %convert_element_type3A_27, %eq3A_98 : vector<1x128xf32>
    %broadcast_in_dim3A_100 = vector.broadcast %squeeze3A : f32 to vector<1x128xf32>
    %select_n3A_101 = arith.select %eq3A_99, %broadcast_in_dim3A_100, %select_n3A_96 : vector<1x128xi1>, vector<1x128xf32>
    %convert_element_type3A_102 = arith.fptosi %select_n3A_101 : vector<1x128xf32> to vector<1x128xi32>
    %swap3A = arith.constant 0 : index
    %swap3A_103 = arith.constant 0 : index
    %swap3A_104 = vector.load %arg2[%swap3A, %swap3A_103] : memref<1x128xi32, #tpu.memory_space<vmem>>, vector<1x128xi32>
    tpu.vector_store %arg2[%swap3A, %swap3A_103], %convert_element_type3A_102 {strides = array<i32>} : memref<1x128xi32, #tpu.memory_space<vmem>>, vector<1x128xi32>,
    return
  }
}

module attributes {stable_mosaic.version = 14 : i64} {
  func.func @_gmm_body(%arg0: i32, %arg1: memref<16xi32, #tpu.memory_space<smem>>, %arg2: memref<1xi32, #tpu.memory_space<smem>>, %arg3: memref<512x768xf32, #tpu.memory_space<vmem>>, %arg4: memref<1x1536x768xf32, #tpu.memory_space<vmem>>, %arg5: memref<1x6x1536xf32, #tpu.memory_space<vmem>>, %arg6: memref<1x768x768xf32, #tpu.memory_space<vmem>>, %arg7: memref<1x6x768xf32, #tpu.memory_space<vmem>>, %arg8: memref<512x768xf32, #tpu.memory_space<vmem>>, %arg9: memref<1536x768xbf16, #tpu.memory_space<vmem>>, %arg10: memref<768x768xbf16, #tpu.memory_space<vmem>>) attributes {dimension_semantics = [#tpu.dimension_semantics<arbitrary>], iteration_bounds = array<i64: 16>, scalar_prefetch = 2 : i64, scratch_operands = 2 : i64, tpu.core_type = #tpu.core_type<tc>, window_params = [{transform_indices = @transform_0, window_bounds = array<i64: 512, 768>}, {transform_indices = @transform_1, window_bounds = array<i64: 1, 1536, 768>}, {transform_indices = @transform_2, window_bounds = array<i64: 1, 6, 1536>}, {transform_indices = @transform_3, window_bounds = array<i64: 1, 768, 768>}, {transform_indices = @transform_4, window_bounds = array<i64: 1, 6, 768>}, {transform_indices = @transform_5, window_bounds = array<i64: 512, 768>}]} {
    %get3A = arith.constant 0 : index
    %get3A_0 = memref.load %arg2[%get3A] : memref<1xi32, #tpu.memory_space<smem>>
    %lt3A = arith.cmpi slt, %arg0, %get3A_0 : i32
    %convert_element_type3A = arith.extui %lt3A : i1 to i32
    %cond3A = arith.constant 0 : i32
    %cond3A_1 = arith.cmpi ne, %convert_element_type3A, %cond3A : i32
    scf.if %cond3A_1 {
      %eq3A = arith.constant 0 : i32
      %eq3A_2 = arith.cmpi eq, %arg0, %eq3A : i32
      %get3A_3 = arith.index_cast %arg0 : i32 to index
      %get3A_4 = memref.load %arg1[%get3A_3] : memref<16xi32, #tpu.memory_space<smem>>
      %sub3A = arith.constant 1 : i32
      %sub3A_5 = arith.subi %arg0, %sub3A : i32
      %max3A = arith.constant 0 : i32
      %max3A_6 = arith.maxsi %sub3A_5, %max3A : i32
      %get3A_7 = arith.index_cast %max3A_6 : i32 to index
      %get3A_8 = memref.load %arg1[%get3A_7] : memref<16xi32, #tpu.memory_space<smem>>
      %ne3A = arith.cmpi ne, %get3A_4, %get3A_8 : i32
      %or3A = arith.ori %eq3A_2, %ne3A : i1
      %convert_element_type3A_9 = arith.extui %or3A : i1 to i32
      %cond3A_10 = arith.constant 0 : i32
      %cond3A_11 = arith.cmpi ne, %convert_element_type3A_9, %cond3A_10 : i32
      scf.if %cond3A_11 {
        %get3A_33 = arith.constant 0 : index
        %get3A_34 = arith.constant 0 : index
        %get3A_35 = arith.constant 0 : index
        %get3A_36 = vector.load %arg4[%get3A_33, %get3A_34, %get3A_35] : memref<1x1536x768xf32, #tpu.memory_space<vmem>>, vector<1x1536x128xf32>
        %get3A_37 = vector.shape_cast %get3A_36 : vector<1x1536x128xf32> to vector<1536x128xf32>
        %get3A_38 = arith.constant 0 : index
        %get3A_39 = arith.constant 0 : index
        %get3A_40 = arith.constant 0 : index
        %get3A_41 = vector.load %arg5[%get3A_38, %get3A_39, %get3A_40] : memref<1x6x1536xf32, #tpu.memory_space<vmem>>, vector<1x1x1536xf32>
        %get3A_42 = vector.shape_cast %get3A_41 : vector<1x1x1536xf32> to vector<1536xf32>
        %broadcast_in_dim3A = vector.shape_cast %get3A_42 : vector<1536xf32> to vector<1536x1xf32>
        %mul3A_43 = vector.broadcast %broadcast_in_dim3A : vector<1536x1xf32> to vector<1536x128xf32>
        %mul3A_44 = arith.mulf %get3A_37, %mul3A_43 : vector<1536x128xf32>
        %convert_element_type3A_45 = arith.truncf %mul3A_44 : vector<1536x128xf32> to vector<1536x128xbf16>
        %swap3A_46 = arith.constant 0 : index
        %swap3A_47 = arith.constant 0 : index
        %swap3A_48 = vector.load %arg9[%swap3A_46, %swap3A_47] : memref<1536x768xbf16, #tpu.memory_space<vmem>>, vector<1536x128xbf16>
        tpu.vector_store %arg9[%swap3A_46, %swap3A_47], %convert_element_type3A_45 {strides = array<i32>} : memref<1536x768xbf16, #tpu.memory_space<vmem>>, vector<1536x128xbf16>,
        %get3A_49 = arith.constant 0 : index
        %get3A_50 = arith.constant 0 : index
        %get3A_51 = arith.constant 128 : index
        %get3A_52 = vector.load %arg4[%get3A_49, %get3A_50, %get3A_51] : memref<1x1536x768xf32, #tpu.memory_space<vmem>>, vector<1x1536x128xf32>
        %get3A_53 = vector.shape_cast %get3A_52 : vector<1x1536x128xf32> to vector<1536x128xf32>
        %get3A_54 = arith.constant 0 : index
        %get3A_55 = arith.constant 1 : index
        %get3A_56 = arith.constant 0 : index
        %get3A_57 = vector.load %arg5[%get3A_54, %get3A_55, %get3A_56] : memref<1x6x1536xf32, #tpu.memory_space<vmem>>, vector<1x1x1536xf32>
        %get3A_58 = vector.shape_cast %get3A_57 : vector<1x1x1536xf32> to vector<1536xf32>
        %broadcast_in_dim3A_59 = vector.shape_cast %get3A_58 : vector<1536xf32> to vector<1536x1xf32>
        %mul3A_60 = vector.broadcast %broadcast_in_dim3A_59 : vector<1536x1xf32> to vector<1536x128xf32>
        %mul3A_61 = arith.mulf %get3A_53, %mul3A_60 : vector<1536x128xf32>
        %convert_element_type3A_62 = arith.truncf %mul3A_61 : vector<1536x128xf32> to vector<1536x128xbf16>
        %swap3A_63 = arith.constant 0 : index
        %swap3A_64 = arith.constant 128 : index
        %swap3A_65 = vector.load %arg9[%swap3A_63, %swap3A_64] : memref<1536x768xbf16, #tpu.memory_space<vmem>>, vector<1536x128xbf16>
        tpu.vector_store %arg9[%swap3A_63, %swap3A_64], %convert_element_type3A_62 {strides = array<i32>} : memref<1536x768xbf16, #tpu.memory_space<vmem>>, vector<1536x128xbf16>,
        %get3A_66 = arith.constant 0 : index
        %get3A_67 = arith.constant 0 : index
        %get3A_68 = arith.constant 256 : index
        %get3A_69 = vector.load %arg4[%get3A_66, %get3A_67, %get3A_68] : memref<1x1536x768xf32, #tpu.memory_space<vmem>>, vector<1x1536x128xf32>
        %get3A_70 = vector.shape_cast %get3A_69 : vector<1x1536x128xf32> to vector<1536x128xf32>
        %get3A_71 = arith.constant 0 : index
        %get3A_72 = arith.constant 2 : index
        %get3A_73 = arith.constant 0 : index
        %get3A_74 = vector.load %arg5[%get3A_71, %get3A_72, %get3A_73] : memref<1x6x1536xf32, #tpu.memory_space<vmem>>, vector<1x1x1536xf32>
        %get3A_75 = vector.shape_cast %get3A_74 : vector<1x1x1536xf32> to vector<1536xf32>
        %broadcast_in_dim3A_76 = vector.shape_cast %get3A_75 : vector<1536xf32> to vector<1536x1xf32>
        %mul3A_77 = vector.broadcast %broadcast_in_dim3A_76 : vector<1536x1xf32> to vector<1536x128xf32>
        %mul3A_78 = arith.mulf %get3A_70, %mul3A_77 : vector<1536x128xf32>
        %convert_element_type3A_79 = arith.truncf %mul3A_78 : vector<1536x128xf32> to vector<1536x128xbf16>
        %swap3A_80 = arith.constant 0 : index
        %swap3A_81 = arith.constant 256 : index
        %swap3A_82 = vector.load %arg9[%swap3A_80, %swap3A_81] : memref<1536x768xbf16, #tpu.memory_space<vmem>>, vector<1536x128xbf16>
        tpu.vector_store %arg9[%swap3A_80, %swap3A_81], %convert_element_type3A_79 {strides = array<i32>} : memref<1536x768xbf16, #tpu.memory_space<vmem>>, vector<1536x128xbf16>,
        %get3A_83 = arith.constant 0 : index
        %get3A_84 = arith.constant 0 : index
        %get3A_85 = arith.constant 384 : index
        %get3A_86 = vector.load %arg4[%get3A_83, %get3A_84, %get3A_85] : memref<1x1536x768xf32, #tpu.memory_space<vmem>>, vector<1x1536x128xf32>
        %get3A_87 = vector.shape_cast %get3A_86 : vector<1x1536x128xf32> to vector<1536x128xf32>
        %get3A_88 = arith.constant 0 : index
        %get3A_89 = arith.constant 3 : index
        %get3A_90 = arith.constant 0 : index
        %get3A_91 = vector.load %arg5[%get3A_88, %get3A_89, %get3A_90] : memref<1x6x1536xf32, #tpu.memory_space<vmem>>, vector<1x1x1536xf32>
        %get3A_92 = vector.shape_cast %get3A_91 : vector<1x1x1536xf32> to vector<1536xf32>
        %broadcast_in_dim3A_93 = vector.shape_cast %get3A_92 : vector<1536xf32> to vector<1536x1xf32>
        %mul3A_94 = vector.broadcast %broadcast_in_dim3A_93 : vector<1536x1xf32> to vector<1536x128xf32>
        %mul3A_95 = arith.mulf %get3A_87, %mul3A_94 : vector<1536x128xf32>
        %convert_element_type3A_96 = arith.truncf %mul3A_95 : vector<1536x128xf32> to vector<1536x128xbf16>
        %swap3A_97 = arith.constant 0 : index
        %swap3A_98 = arith.constant 384 : index
        %swap3A_99 = vector.load %arg9[%swap3A_97, %swap3A_98] : memref<1536x768xbf16, #tpu.memory_space<vmem>>, vector<1536x128xbf16>
        tpu.vector_store %arg9[%swap3A_97, %swap3A_98], %convert_element_type3A_96 {strides = array<i32>} : memref<1536x768xbf16, #tpu.memory_space<vmem>>, vector<1536x128xbf16>,
        %get3A_100 = arith.constant 0 : index
        %get3A_101 = arith.constant 0 : index
        %get3A_102 = arith.constant 512 : index
        %get3A_103 = vector.load %arg4[%get3A_100, %get3A_101, %get3A_102] : memref<1x1536x768xf32, #tpu.memory_space<vmem>>, vector<1x1536x128xf32>
        %get3A_104 = vector.shape_cast %get3A_103 : vector<1x1536x128xf32> to vector<1536x128xf32>
        %get3A_105 = arith.constant 0 : index
        %get3A_106 = arith.constant 4 : index
        %get3A_107 = arith.constant 0 : index
        %get3A_108 = vector.load %arg5[%get3A_105, %get3A_106, %get3A_107] : memref<1x6x1536xf32, #tpu.memory_space<vmem>>, vector<1x1x1536xf32>
        %get3A_109 = vector.shape_cast %get3A_108 : vector<1x1x1536xf32> to vector<1536xf32>
        %broadcast_in_dim3A_110 = vector.shape_cast %get3A_109 : vector<1536xf32> to vector<1536x1xf32>
        %mul3A_111 = vector.broadcast %broadcast_in_dim3A_110 : vector<1536x1xf32> to vector<1536x128xf32>
        %mul3A_112 = arith.mulf %get3A_104, %mul3A_111 : vector<1536x128xf32>
        %convert_element_type3A_113 = arith.truncf %mul3A_112 : vector<1536x128xf32> to vector<1536x128xbf16>
        %swap3A_114 = arith.constant 0 : index
        %swap3A_115 = arith.constant 512 : index
        %swap3A_116 = vector.load %arg9[%swap3A_114, %swap3A_115] : memref<1536x768xbf16, #tpu.memory_space<vmem>>, vector<1536x128xbf16>
        tpu.vector_store %arg9[%swap3A_114, %swap3A_115], %convert_element_type3A_113 {strides = array<i32>} : memref<1536x768xbf16, #tpu.memory_space<vmem>>, vector<1536x128xbf16>,
        %get3A_117 = arith.constant 0 : index
        %get3A_118 = arith.constant 0 : index
        %get3A_119 = arith.constant 640 : index
        %get3A_120 = vector.load %arg4[%get3A_117, %get3A_118, %get3A_119] : memref<1x1536x768xf32, #tpu.memory_space<vmem>>, vector<1x1536x128xf32>
        %get3A_121 = vector.shape_cast %get3A_120 : vector<1x1536x128xf32> to vector<1536x128xf32>
        %get3A_122 = arith.constant 0 : index
        %get3A_123 = arith.constant 5 : index
        %get3A_124 = arith.constant 0 : index
        %get3A_125 = vector.load %arg5[%get3A_122, %get3A_123, %get3A_124] : memref<1x6x1536xf32, #tpu.memory_space<vmem>>, vector<1x1x1536xf32>
        %get3A_126 = vector.shape_cast %get3A_125 : vector<1x1x1536xf32> to vector<1536xf32>
        %broadcast_in_dim3A_127 = vector.shape_cast %get3A_126 : vector<1536xf32> to vector<1536x1xf32>
        %mul3A_128 = vector.broadcast %broadcast_in_dim3A_127 : vector<1536x1xf32> to vector<1536x128xf32>
        %mul3A_129 = arith.mulf %get3A_121, %mul3A_128 : vector<1536x128xf32>
        %convert_element_type3A_130 = arith.truncf %mul3A_129 : vector<1536x128xf32> to vector<1536x128xbf16>
        %swap3A_131 = arith.constant 0 : index
        %swap3A_132 = arith.constant 640 : index
        %swap3A_133 = vector.load %arg9[%swap3A_131, %swap3A_132] : memref<1536x768xbf16, #tpu.memory_space<vmem>>, vector<1536x128xbf16>
        tpu.vector_store %arg9[%swap3A_131, %swap3A_132], %convert_element_type3A_130 {strides = array<i32>} : memref<1536x768xbf16, #tpu.memory_space<vmem>>, vector<1536x128xbf16>,
        %get3A_134 = arith.constant 0 : index
        %get3A_135 = arith.constant 0 : index
        %get3A_136 = arith.constant 0 : index
        %get3A_137 = vector.load %arg6[%get3A_134, %get3A_135, %get3A_136] : memref<1x768x768xf32, #tpu.memory_space<vmem>>, vector<1x768x128xf32>
        %get3A_138 = vector.shape_cast %get3A_137 : vector<1x768x128xf32> to vector<768x128xf32>
        %get3A_139 = arith.constant 0 : index
        %get3A_140 = arith.constant 0 : index
        %get3A_141 = arith.constant 0 : index
        %get3A_142 = vector.load %arg7[%get3A_139, %get3A_140, %get3A_141] : memref<1x6x768xf32, #tpu.memory_space<vmem>>, vector<1x1x768xf32>
        %get3A_143 = vector.shape_cast %get3A_142 : vector<1x1x768xf32> to vector<768xf32>
        %broadcast_in_dim3A_144 = vector.shape_cast %get3A_143 : vector<768xf32> to vector<768x1xf32>
        %mul3A_145 = vector.broadcast %broadcast_in_dim3A_144 : vector<768x1xf32> to vector<768x128xf32>
        %mul3A_146 = arith.mulf %get3A_138, %mul3A_145 : vector<768x128xf32>
        %convert_element_type3A_147 = arith.truncf %mul3A_146 : vector<768x128xf32> to vector<768x128xbf16>
        %swap3A_148 = arith.constant 0 : index
        %swap3A_149 = arith.constant 0 : index
        %swap3A_150 = vector.load %arg10[%swap3A_148, %swap3A_149] : memref<768x768xbf16, #tpu.memory_space<vmem>>, vector<768x128xbf16>
        tpu.vector_store %arg10[%swap3A_148, %swap3A_149], %convert_element_type3A_147 {strides = array<i32>} : memref<768x768xbf16, #tpu.memory_space<vmem>>, vector<768x128xbf16>,
        %get3A_151 = arith.constant 0 : index
        %get3A_152 = arith.constant 0 : index
        %get3A_153 = arith.constant 128 : index
        %get3A_154 = vector.load %arg6[%get3A_151, %get3A_152, %get3A_153] : memref<1x768x768xf32, #tpu.memory_space<vmem>>, vector<1x768x128xf32>
        %get3A_155 = vector.shape_cast %get3A_154 : vector<1x768x128xf32> to vector<768x128xf32>
        %get3A_156 = arith.constant 0 : index
        %get3A_157 = arith.constant 1 : index
        %get3A_158 = arith.constant 0 : index
        %get3A_159 = vector.load %arg7[%get3A_156, %get3A_157, %get3A_158] : memref<1x6x768xf32, #tpu.memory_space<vmem>>, vector<1x1x768xf32>
        %get3A_160 = vector.shape_cast %get3A_159 : vector<1x1x768xf32> to vector<768xf32>
        %broadcast_in_dim3A_161 = vector.shape_cast %get3A_160 : vector<768xf32> to vector<768x1xf32>
        %mul3A_162 = vector.broadcast %broadcast_in_dim3A_161 : vector<768x1xf32> to vector<768x128xf32>
        %mul3A_163 = arith.mulf %get3A_155, %mul3A_162 : vector<768x128xf32>
        %convert_element_type3A_164 = arith.truncf %mul3A_163 : vector<768x128xf32> to vector<768x128xbf16>
        %swap3A_165 = arith.constant 0 : index
        %swap3A_166 = arith.constant 128 : index
        %swap3A_167 = vector.load %arg10[%swap3A_165, %swap3A_166] : memref<768x768xbf16, #tpu.memory_space<vmem>>, vector<768x128xbf16>
        tpu.vector_store %arg10[%swap3A_165, %swap3A_166], %convert_element_type3A_164 {strides = array<i32>} : memref<768x768xbf16, #tpu.memory_space<vmem>>, vector<768x128xbf16>,
        %get3A_168 = arith.constant 0 : index
        %get3A_169 = arith.constant 0 : index
        %get3A_170 = arith.constant 256 : index
        %get3A_171 = vector.load %arg6[%get3A_168, %get3A_169, %get3A_170] : memref<1x768x768xf32, #tpu.memory_space<vmem>>, vector<1x768x128xf32>
        %get3A_172 = vector.shape_cast %get3A_171 : vector<1x768x128xf32> to vector<768x128xf32>
        %get3A_173 = arith.constant 0 : index
        %get3A_174 = arith.constant 2 : index
        %get3A_175 = arith.constant 0 : index
        %get3A_176 = vector.load %arg7[%get3A_173, %get3A_174, %get3A_175] : memref<1x6x768xf32, #tpu.memory_space<vmem>>, vector<1x1x768xf32>
        %get3A_177 = vector.shape_cast %get3A_176 : vector<1x1x768xf32> to vector<768xf32>
        %broadcast_in_dim3A_178 = vector.shape_cast %get3A_177 : vector<768xf32> to vector<768x1xf32>
        %mul3A_179 = vector.broadcast %broadcast_in_dim3A_178 : vector<768x1xf32> to vector<768x128xf32>
        %mul3A_180 = arith.mulf %get3A_172, %mul3A_179 : vector<768x128xf32>
        %convert_element_type3A_181 = arith.truncf %mul3A_180 : vector<768x128xf32> to vector<768x128xbf16>
        %swap3A_182 = arith.constant 0 : index
        %swap3A_183 = arith.constant 256 : index
        %swap3A_184 = vector.load %arg10[%swap3A_182, %swap3A_183] : memref<768x768xbf16, #tpu.memory_space<vmem>>, vector<768x128xbf16>
        tpu.vector_store %arg10[%swap3A_182, %swap3A_183], %convert_element_type3A_181 {strides = array<i32>} : memref<768x768xbf16, #tpu.memory_space<vmem>>, vector<768x128xbf16>,
        %get3A_185 = arith.constant 0 : index
        %get3A_186 = arith.constant 0 : index
        %get3A_187 = arith.constant 384 : index
        %get3A_188 = vector.load %arg6[%get3A_185, %get3A_186, %get3A_187] : memref<1x768x768xf32, #tpu.memory_space<vmem>>, vector<1x768x128xf32>
        %get3A_189 = vector.shape_cast %get3A_188 : vector<1x768x128xf32> to vector<768x128xf32>
        %get3A_190 = arith.constant 0 : index
        %get3A_191 = arith.constant 3 : index
        %get3A_192 = arith.constant 0 : index
        %get3A_193 = vector.load %arg7[%get3A_190, %get3A_191, %get3A_192] : memref<1x6x768xf32, #tpu.memory_space<vmem>>, vector<1x1x768xf32>
        %get3A_194 = vector.shape_cast %get3A_193 : vector<1x1x768xf32> to vector<768xf32>
        %broadcast_in_dim3A_195 = vector.shape_cast %get3A_194 : vector<768xf32> to vector<768x1xf32>
        %mul3A_196 = vector.broadcast %broadcast_in_dim3A_195 : vector<768x1xf32> to vector<768x128xf32>
        %mul3A_197 = arith.mulf %get3A_189, %mul3A_196 : vector<768x128xf32>
        %convert_element_type3A_198 = arith.truncf %mul3A_197 : vector<768x128xf32> to vector<768x128xbf16>
        %swap3A_199 = arith.constant 0 : index
        %swap3A_200 = arith.constant 384 : index
        %swap3A_201 = vector.load %arg10[%swap3A_199, %swap3A_200] : memref<768x768xbf16, #tpu.memory_space<vmem>>, vector<768x128xbf16>
        tpu.vector_store %arg10[%swap3A_199, %swap3A_200], %convert_element_type3A_198 {strides = array<i32>} : memref<768x768xbf16, #tpu.memory_space<vmem>>, vector<768x128xbf16>,
        %get3A_202 = arith.constant 0 : index
        %get3A_203 = arith.constant 0 : index
        %get3A_204 = arith.constant 512 : index
        %get3A_205 = vector.load %arg6[%get3A_202, %get3A_203, %get3A_204] : memref<1x768x768xf32, #tpu.memory_space<vmem>>, vector<1x768x128xf32>
        %get3A_206 = vector.shape_cast %get3A_205 : vector<1x768x128xf32> to vector<768x128xf32>
        %get3A_207 = arith.constant 0 : index
        %get3A_208 = arith.constant 4 : index
        %get3A_209 = arith.constant 0 : index
        %get3A_210 = vector.load %arg7[%get3A_207, %get3A_208, %get3A_209] : memref<1x6x768xf32, #tpu.memory_space<vmem>>, vector<1x1x768xf32>
        %get3A_211 = vector.shape_cast %get3A_210 : vector<1x1x768xf32> to vector<768xf32>
        %broadcast_in_dim3A_212 = vector.shape_cast %get3A_211 : vector<768xf32> to vector<768x1xf32>
        %mul3A_213 = vector.broadcast %broadcast_in_dim3A_212 : vector<768x1xf32> to vector<768x128xf32>
        %mul3A_214 = arith.mulf %get3A_206, %mul3A_213 : vector<768x128xf32>
        %convert_element_type3A_215 = arith.truncf %mul3A_214 : vector<768x128xf32> to vector<768x128xbf16>
        %swap3A_216 = arith.constant 0 : index
        %swap3A_217 = arith.constant 512 : index
        %swap3A_218 = vector.load %arg10[%swap3A_216, %swap3A_217] : memref<768x768xbf16, #tpu.memory_space<vmem>>, vector<768x128xbf16>
        tpu.vector_store %arg10[%swap3A_216, %swap3A_217], %convert_element_type3A_215 {strides = array<i32>} : memref<768x768xbf16, #tpu.memory_space<vmem>>, vector<768x128xbf16>,
        %get3A_219 = arith.constant 0 : index
        %get3A_220 = arith.constant 0 : index
        %get3A_221 = arith.constant 640 : index
        %get3A_222 = vector.load %arg6[%get3A_219, %get3A_220, %get3A_221] : memref<1x768x768xf32, #tpu.memory_space<vmem>>, vector<1x768x128xf32>
        %get3A_223 = vector.shape_cast %get3A_222 : vector<1x768x128xf32> to vector<768x128xf32>
        %get3A_224 = arith.constant 0 : index
        %get3A_225 = arith.constant 5 : index
        %get3A_226 = arith.constant 0 : index
        %get3A_227 = vector.load %arg7[%get3A_224, %get3A_225, %get3A_226] : memref<1x6x768xf32, #tpu.memory_space<vmem>>, vector<1x1x768xf32>
        %get3A_228 = vector.shape_cast %get3A_227 : vector<1x1x768xf32> to vector<768xf32>
        %broadcast_in_dim3A_229 = vector.shape_cast %get3A_228 : vector<768xf32> to vector<768x1xf32>
        %mul3A_230 = vector.broadcast %broadcast_in_dim3A_229 : vector<768x1xf32> to vector<768x128xf32>
        %mul3A_231 = arith.mulf %get3A_223, %mul3A_230 : vector<768x128xf32>
        %convert_element_type3A_232 = arith.truncf %mul3A_231 : vector<768x128xf32> to vector<768x128xbf16>
        %swap3A_233 = arith.constant 0 : index
        %swap3A_234 = arith.constant 640 : index
        %swap3A_235 = vector.load %arg10[%swap3A_233, %swap3A_234] : memref<768x768xbf16, #tpu.memory_space<vmem>>, vector<768x128xbf16>
        tpu.vector_store %arg10[%swap3A_233, %swap3A_234], %convert_element_type3A_232 {strides = array<i32>} : memref<768x768xbf16, #tpu.memory_space<vmem>>, vector<768x128xbf16>,
      } else {
      }
      %get3A_12 = arith.constant 0 : index
      %get3A_13 = arith.constant 0 : index
      %get3A_14 = vector.load %arg3[%get3A_12, %get3A_13] : memref<512x768xf32, #tpu.memory_space<vmem>>, vector<512x768xf32>
      %convert_element_type3A_15 = arith.truncf %get3A_14 : vector<512x768xf32> to vector<512x768xbf16>
      %get3A_16 = arith.constant 0 : index
      %get3A_17 = arith.constant 0 : index
      %get3A_18 = vector.load %arg9[%get3A_16, %get3A_17] : memref<1536x768xbf16, #tpu.memory_space<vmem>>, vector<1536x768xbf16>
      %dot_general3A = arith.constant dense<0.000000e+00> : vector<512x1536xf32>
      %dot_general3A_19 = tpu.matmul %convert_element_type3A_15, %get3A_18, %dot_general3A {dimension_numbers = #tpu.dot_dimension_numbers<[1], [1], [0], [0], [0, 0, 1, 0], [], []>, transpose_lhs_hint = false} : vector<512x768xbf16>, vector<1536x768xbf16>, vector<512x1536xf32> -> vector<512x1536xf32>
      %slice3A = vector.extract_strided_slice %dot_general3A_19 {offsets = [0, 0], sizes = [512, 768], strides = [1, 1]} : vector<512x1536xf32> to vector<512x768xf32>
      %slice3A_20 = vector.extract_strided_slice %dot_general3A_19 {offsets = [0, 768], sizes = [512, 768], strides = [1, 1]} : vector<512x1536xf32> to vector<512x768xf32>
      %neg3A = arith.constant 0.000000e+00 : f32
      %neg3A_21 = vector.broadcast %neg3A : f32 to vector<512x768xf32>
      %neg3A_22 = arith.subf %neg3A_21, %slice3A : vector<512x768xf32>
      %exp3A = math.exp %neg3A_22 : vector<512x768xf32>
      %add3A = arith.constant 1.000000e+00 : f32
      %add3A_23 = vector.broadcast %add3A : f32 to vector<512x768xf32>
      %add3A_24 = arith.addf %add3A_23, %exp3A : vector<512x768xf32>
      %div3A = arith.divf %slice3A, %add3A_24 : vector<512x768xf32>
      %mul3A = arith.mulf %div3A, %slice3A_20 : vector<512x768xf32>
      %convert_element_type3A_25 = arith.truncf %mul3A : vector<512x768xf32> to vector<512x768xbf16>
      %get3A_26 = arith.constant 0 : index
      %get3A_27 = arith.constant 0 : index
      %get3A_28 = vector.load %arg10[%get3A_26, %get3A_27] : memref<768x768xbf16, #tpu.memory_space<vmem>>, vector<768x768xbf16>
      %dot_general3A_29 = arith.constant dense<0.000000e+00> : vector<512x768xf32>
      %dot_general3A_30 = tpu.matmul %convert_element_type3A_25, %get3A_28, %dot_general3A_29 {dimension_numbers = #tpu.dot_dimension_numbers<[1], [1], [0], [0], [0, 0, 1, 0], [], []>, transpose_lhs_hint = false} : vector<512x768xbf16>, vector<768x768xbf16>, vector<512x768xf32> -> vector<512x768xf32>
      %swap3A = arith.constant 0 : index
      %swap3A_31 = arith.constant 0 : index
      %swap3A_32 = vector.load %arg8[%swap3A, %swap3A_31] : memref<512x768xf32, #tpu.memory_space<vmem>>, vector<512x768xf32>
      tpu.vector_store %arg8[%swap3A, %swap3A_31], %dot_general3A_30 {strides = array<i32>} : memref<512x768xf32, #tpu.memory_space<vmem>>, vector<512x768xf32>,
    } else {
    }
    return
  }
  func.func @transform_0(%arg0: i32, %arg1: memref<16xi32, #tpu.memory_space<smem>>, %arg2: memref<1xi32, #tpu.memory_space<smem>>) -> (i32, i32) {
    %get3A = arith.constant 0 : index
    %get3A_0 = memref.load %arg2[%get3A] : memref<1xi32, #tpu.memory_space<smem>>
    %sub3A = arith.constant 1 : i32
    %sub3A_1 = arith.subi %get3A_0, %sub3A : i32
    %min3A = arith.minsi %arg0, %sub3A_1 : i32
    %c0_i32 = arith.constant 0 : i32
    %c0_i32_2 = arith.constant 0 : i32
    return %min3A, %c0_i32 : i32, i32
  }
  func.func @transform_1(%arg0: i32, %arg1: memref<16xi32, #tpu.memory_space<smem>>, %arg2: memref<1xi32, #tpu.memory_space<smem>>) -> (i32, i32, i32) {
    %get3A = arith.index_cast %arg0 : i32 to index
    %get3A_0 = memref.load %arg1[%get3A] : memref<16xi32, #tpu.memory_space<smem>>
    %c0_i32 = arith.constant 0 : i32
    %c0_i32_1 = arith.constant 0 : i32
    %c0_i32_2 = arith.constant 0 : i32
    return %get3A_0, %c0_i32, %c0_i32_1 : i32, i32, i32
  }
  func.func @transform_2(%arg0: i32, %arg1: memref<16xi32, #tpu.memory_space<smem>>, %arg2: memref<1xi32, #tpu.memory_space<smem>>) -> (i32, i32, i32) {
    %get3A = arith.index_cast %arg0 : i32 to index
    %get3A_0 = memref.load %arg1[%get3A] : memref<16xi32, #tpu.memory_space<smem>>
    %c0_i32 = arith.constant 0 : i32
    %c0_i32_1 = arith.constant 0 : i32
    %c0_i32_2 = arith.constant 0 : i32
    return %get3A_0, %c0_i32, %c0_i32_1 : i32, i32, i32
  }
  func.func @transform_3(%arg0: i32, %arg1: memref<16xi32, #tpu.memory_space<smem>>, %arg2: memref<1xi32, #tpu.memory_space<smem>>) -> (i32, i32, i32) {
    %get3A = arith.index_cast %arg0 : i32 to index
    %get3A_0 = memref.load %arg1[%get3A] : memref<16xi32, #tpu.memory_space<smem>>
    %c0_i32 = arith.constant 0 : i32
    %c0_i32_1 = arith.constant 0 : i32
    %c0_i32_2 = arith.constant 0 : i32
    return %get3A_0, %c0_i32, %c0_i32_1 : i32, i32, i32
  }
  func.func @transform_4(%arg0: i32, %arg1: memref<16xi32, #tpu.memory_space<smem>>, %arg2: memref<1xi32, #tpu.memory_space<smem>>) -> (i32, i32, i32) {
    %get3A = arith.index_cast %arg0 : i32 to index
    %get3A_0 = memref.load %arg1[%get3A] : memref<16xi32, #tpu.memory_space<smem>>
    %c0_i32 = arith.constant 0 : i32
    %c0_i32_1 = arith.constant 0 : i32
    %c0_i32_2 = arith.constant 0 : i32
    return %get3A_0, %c0_i32, %c0_i32_1 : i32, i32, i32
  }
  func.func @transform_5(%arg0: i32, %arg1: memref<16xi32, #tpu.memory_space<smem>>, %arg2: memref<1xi32, #tpu.memory_space<smem>>) -> (i32, i32) {
    %get3A = arith.constant 0 : index
    %get3A_0 = memref.load %arg2[%get3A] : memref<1xi32, #tpu.memory_space<smem>>
    %sub3A = arith.constant 1 : i32
    %sub3A_1 = arith.subi %get3A_0, %sub3A : i32
    %min3A = arith.minsi %arg0, %sub3A_1 : i32
    %c0_i32 = arith.constant 0 : i32
    %c0_i32_2 = arith.constant 0 : i32
    return %min3A, %c0_i32 : i32, i32
  }
}

</mosaic_0001>

<sc_bundles>
// kernel: _moe_routed.6.cloned.1.call-start
scs
__scs_entry_jumppad:
0x0: {  	(pc) =	sbr.rel $0x88, $3  }
0x1: {  	(tag) =	ssettag $0x0;
	lr =	simm.s32 $0x1  }
0x2: {  	[smem:$0x3F9A] =	sst lr;
	_ =	strace $0xD0000000  }
0x3: {  	_ = 	snop  }
0x4: {  	_ = 	snop  }
0x5: {  	_ = 	snop  }
0x6: {  	_ = 	snop  }
0x7: {  	_ = 	snop  }
__scs_overlays_trampoline_lowered:
0x8: {  	[smem:$0x3FA9] =	sst s0  }
0x9: {  	[smem:$0x3FAA] =	sst s1  }
0xa: {  	[smem:$0x3FAB] =	sst s2  }
0xb: {  	[smem:$0x3FAC] =	sst s3  }
0xc: {  	[smem:$0x3FAD] =	sst s4  }
0xd: {  	[smem:$0x3FAE] =	sst s5  }
0xe: {  	[smem:$0x3FAF] =	sst s6  }
0xf: {  	[smem:$0x3FB0] =	sst s7  }
0x10: {  	[smem:$0x3FB1] =	sst s8  }
0x11: {  	[smem:$0x3FB2] =	sst s9;
	s0 =	simm.s32 @!p0 $0x0  }
0x12: {  	s1 =	sld [smem:$0x3F98];
	s0 =	simm.s32 @p0 $0x1  }
0x13: {  	[smem:$0x3FB3] =	sst s0;
	s0 =	simm.s32 @!p1 $0x0  }
0x14: {  	s2 =	sld [smem:$0x3F97];
	s0 =	simm.s32 @p1 $0x1  }
0x15: {  	[smem:$0x3FB4] =	sst s0;
	s0 =	simm.s32 @!p2 $0x0  }
0x16: {  	s3 =	sld [smem:$0x3FDB];
	s0 =	simm.s32 @p2 $0x1  }
0x17: {  	s4 =	simm.s32 $0x1BF5;
	[smem:$0x3FB6] =	sst s0  }
0x18: {  	s0 =	sld [smem:$0x3F99];
	_ =	swait.ge [sflag:s4], $0x0  }
0x19: {  	s7 =	sld [smem:$0x3F9A]  }
0x1a: {  	s8 =	sadd.s32 $0xFFFFE003, lr  }
0x1b: {  	s9 =	sadd.s32 $0xFFFFFEF7, lr;
	s5 =	simm.s32 $0xFFFFFFFF;
	p2 =	slt.u32 s8, $0xFFFFF086  }
0x1c: {  	p1 =	slt.u32 s9, $0xF7A;
	s5 =	simm.s32 @!p2 $0x0  }
0x1d: {  	s5 =	simm.s32 @p1 $0x1;
	p0 =	seq.s32 s7, s2  }
0x1e: {  	s7 =	smul.u32 @!p0 $0xF7A, s2;
	p2 =	seq.s32 @!p0 s5, $0x0  }
0x1f: {  	s9 =	smul.u32 $0xF7A, s1;
	s8 =	simm.s32 @!p0 $0x1BF5;
	p2 =	por !p2, p0  }
0x20: {  	[sflag:s8] =	ssyncset.s32 @!p0 $0xFFFFF086;
	s6 =	sadd.s32 @!p0 s3, s7;
	s7 =	simm.s32 @!p0 $0x108  }
0x21: {  	s3 =	sadd.s32 s3, s9;
	s6 =	sadd.s32 @!p0 $0x88, s6;
	s7 =	simm.s32 @p2 $0x1082  }
0x22: {  	[simem:s7], [sflag:s8] =	dma.local @!p0 [hbm:s6], $0xF7A  }
0x23: {  	s9 =	sor.u32 $0xD0000000, s2;
	s6 =	simm.s32 $0x108;
	_ =	swait.ge @!p0 [sflag:s8], $0x0  }
0x24: {  	s3 =	sadd.s32 $0x88, s3;
	s6 =	simm.s32 @!p1 $0x1082;
	[sflag:s4] =	ssyncset.s32 $0xFFFFF086  }
0x25: {  	[simem:s6], [sflag:s4] =	dma.local [hbm:s3], $0xF7A  }
0x26: {  	[smem:$0x3F9A] =	sst s1;
	(tag) =	ssettag s2;
	_ =	strace s9  }
0x27: {  	s1 =	sld [smem:$0x3FAA]  }
0x28: {  	s2 =	sld [smem:$0x3FAB]  }
0x29: {  	s4 =	sld [smem:$0x3FAD]  }
0x2a: {  	p0 =	seq.s32 s5, $0x0;
	s5 =	sld [smem:$0x3FAE]  }
0x2b: {  	s6 =	sld [smem:$0x3FAF]  }
0x2c: {  	s7 =	sld [smem:$0x3FB0]  }
0x2d: {  	s3 =	simm.s32 $0x108;
	s8 =	sld [smem:$0x3FB1]  }
0x2e: {  	s3 =	simm.s32 @!p0 $0x1082;
	s9 =	sld [smem:$0x3FB2]  }
0x2f: {  	lr =	sadd.s32 s0, s3;
	s0 =	sld [smem:$0x3FA9]  }
0x30: {  	s3 =	sld [smem:$0x3FAC]  }
0x31: {  	[smem:$0x3FB5] =	sst s10  }
0x32: {  	s10 =	sld [smem:$0x3FB3];
	_ =	sdelay $0x3  }
0x33: {  	p0 =	seq.s32 s10, $0x1;
	s10 =	sld [smem:$0x3FB5];
	_ =	sdelay $0x3  }
0x34: {  	[smem:$0x3FB5] =	sst s10  }
0x35: {  	s10 =	sld [smem:$0x3FB4];
	_ =	sdelay $0x3  }
0x36: {  	p1 =	seq.s32 s10, $0x1;
	s10 =	sld [smem:$0x3FB5];
	_ =	sdelay $0x3  }
0x37: {  	[smem:$0x3FB5] =	sst s10  }
0x38: {  	s10 =	sld [smem:$0x3FB6]  }
0x39: {  	_ = 	snop;
	(pc) =	sbr.ind lr, $3  }
0x3a: {  	_ = 	snop  }
0x3b: {  	_ = 	snop  }
0x3c: {  	p2 =	seq.s32 s10, $0x1;
	s10 =	sld [smem:$0x3FB5]  }
0x3d: {  	_ =	shalt  }
0x3e: {  	_ =	shalt  }
0x3f: {  	_ =	shalt  }
0x40: {  	_ =	shalt  }
0x41: {  	_ =	shalt  }
0x42: {  	_ =	shalt  }
0x43: {  	_ =	shalt  }
0x44: {  	_ =	shalt  }
0x45: {  	_ =	shalt  }
0x46: {  	_ =	shalt  }
0x47: {  	_ =	shalt  }
0x48: {  	_ =	shalt  }
0x49: {  	_ =	shalt  }
0x4a: {  	_ =	shalt  }
0x4b: {  	_ =	shalt  }
0x4c: {  	_ =	shalt  }
0x4d: {  	_ =	shalt  }
0x4e: {  	_ =	shalt  }
0x4f: {  	_ =	shalt  }
0x50: {  	_ =	shalt  }
0x51: {  	_ =	shalt  }
0x52: {  	_ =	shalt  }
0x53: {  	_ =	shalt  }
0x54: {  	_ =	shalt  }
0x55: {  	_ =	shalt  }
0x56: {  	_ =	shalt  }
0x57: {  	_ =	shalt  }
0x58: {  	_ =	shalt  }
0x59: {  	_ =	shalt  }
0x5a: {  	_ =	shalt  }
0x5b: {  	_ =	shalt  }
0x5c: {  	_ =	shalt  }
0x5d: {  	_ =	shalt  }
0x5e: {  	_ =	shalt  }
0x5f: {  	_ =	shalt  }
0x60: {  	_ =	shalt  }
0x61: {  	_ =	shalt  }
0x62: {  	_ =	shalt  }
0x63: {  	_ =	shalt  }
0x64: {  	_ =	shalt  }
0x65: {  	_ =	shalt  }
0x66: {  	_ =	shalt  }
0x67: {  	_ =	shalt  }
0x68: {  	_ =	shalt  }
0x69: {  	_ =	shalt  }
0x6a: {  	_ =	shalt  }
0x6b: {  	_ =	shalt  }
0x6c: {  	_ =	shalt  }
0x6d: {  	_ =	shalt  }
0x6e: {  	_ =	shalt  }
0x6f: {  	_ =	shalt  }
0x70: {  	_ =	shalt  }
0x71: {  	_ =	shalt  }
0x72: {  	_ =	shalt  }
0x73: {  	_ =	shalt  }
0x74: {  	_ =	shalt  }
0x75: {  	_ =	shalt  }
0x76: {  	_ =	shalt  }
0x77: {  	_ =	shalt  }
0x78: {  	_ =	shalt  }
0x79: {  	_ =	shalt  }
0x7a: {  	_ =	shalt  }
0x7b: {  	_ =	shalt  }
0x7c: {  	_ =	shalt  }
0x7d: {  	_ =	shalt  }
0x7e: {  	_ =	shalt  }
0x7f: {  	_ =	shalt  }
0x80: {  	_ =	shalt  }
0x81: {  	_ =	shalt  }
0x82: {  	_ =	shalt  }
0x83: {  	_ =	shalt  }
0x84: {  	_ =	shalt  }
0x85: {  	_ =	shalt  }
0x86: {  	_ =	shalt  }
0x87: {  	_ =	shalt  }
.Lfunc_end0:
.L_simem_size_0:
called_computation_lowered:
.L_overlay_start_0:
0x88: {  	s2 =	sld [smem:$0x3FD9]  }
0x89: {  	s3 =	sld [smem:$0x3FFE];
	_ =	sdelay $0x1  }
0x8a: {  	s1 =	srdreg.scid  }
0x8b: {  	s0 =	sand.u32 $0x1, s1  }
0x8c: {  	s17 =	sshll.u32 s0, $0xA;
	s2 =	sadd.s32 s3, s2  }
0x8d: {  	s2 =	sadd.s32 s2, s17  }
0x8e: {  	[smem:$0x3FC1] =	sst s2  }
0x8f: {  	_ = 	snop  }
0x90: {  	s2 =	sld [smem:$0x3FC9];
	(tm) =	ssettm $0x1  }
0x91: {  	s18 =	sld [smem:$0x3FFB];
	_ =	sdelay $0x3  }
0x92: {  	_ =	strace s18  }
0x93: {  	s3 =	sld [smem:$0x3FFC];
	_ =	sdelay $0x3  }
0x94: {  	_ =	strace s3  }
0x95: {  	s3 =	sld [smem:$0x3FFD];
	_ =	sdelay $0x3  }
0x96: {  	_ =	strace s3  }
0x97: {  	_ =	strace $0x8FFFFFFF  }
0x98: {  	s19 =	sld [smem:$0x3FDB];
	_ =	sdelay $0x1  }
0x99: {  	s4 =	simm.s32 $_scs_section_size  }
0x9a: {  	s5 =	simm.s32 $_size__tile_overlayer_lowered;
	s6 =	simm.s32 $_tile_overlayer_lowered  }
0x9b: {  	s22 =	simm.s32 $0x1BFF;
	s21 =	sshll.u32 s6, $0x1;
	s3 =	sadd.s32 s4, s19  }
0x9c: {  	s7 =	simm.s32 $0x0;
	s20 =	sshll.u32 s5, $0x1;
	s5 =	sadd.s32 s21, s3  }
0x9d: {  	[timem:s7], [sflag:s22] =	dma.local [hbm:s5], s20  }
0x9e: {  	_ =	swait.ge [sflag:s22], s20  }
0x9f: {  	s4 =	ssub.s32 $0x0, s20;
	[sflag:s22] =	ssyncset.done $0x0  }
0xa0: {  	[sflag:s22] =	ssyncadd.s32 s4;
	_ =	sdelay $0x1  }
0xa1: {  	s23 =	simm.s32 $0x1B8B  }
0xa2: {  	_ =	swait.ge [sflag:s23], $0x1  }
0xa3: {  	[sflag:s23] =	ssyncset.done $0x0  }
0xa4: {  	s25 =	simm.s32 $0x1B8E;
	s24 =	sld [smem:$0x3FFE];
	[sflag:s23] =	ssyncadd.s32 $0xFFFFFFFF  }
0xa5: {  	s26 =	simm.s32 $execute0_lowered;
	[smem:$0x3FD2] =	sst s25  }
0xa6: {  	s5 =	sshll.u32 s26, $0x1;
	_ =	strace $0x80000046;
	[dreg:$0x1] =	wrdreg $0xFFFFFFFF  }
0xa7: {  	s28 =	simm.s32 $_size_execute0_lowered;
	s3 =	sadd.s32 s3, s5;
	[dreg:$0x0] =	wrdreg $0x0  }
0xa8: {  	s5 =	sshll.u32 s28, $0x1;
	[dreg:$0x2] =	wrdreg s3  }
0xa9: {  	[dreg:$0x3] =	wrdreg s5  }
0xaa: {  	[dreg:$0x4] =	wrdreg $0xC0  }
0xab: {  	_ =	task [dreg:s7], $0x5FFFF  }
0xac: {  	[dreg:$0x1] =	wrdreg $0xFFFFFFFF  }
0xad: {  	[dreg:$0x0] =	wrdreg $0x60  }
0xae: {  	[dreg:$0x2] =	wrdreg s2  }
0xaf: {  	[dreg:$0x3] =	wrdreg s24  }
0xb0: {  	[dreg:$0x4] =	wrdreg $0x9  }
0xb1: {  	_ =	task.clear_ibuf [dreg:s7], $0x5FFFF;
	_ =	strace $0x90000046  }
0xb2: {  	s29 =	simm.s32 $0x9;
	_ =	strace $0x80000048  }
0xb3: {  	_ =	swait.ge [sflag:s29], $0x1  }
0xb4: {  	[sflag:s29] =	ssyncadd.s32 $0xFFFFFFFF  }
0xb5: {  	_ =	strace $0x90000048  }
0xb6: {  	_ =	sfence  }
0xb7: {  	s30 =	sld [smem:$0x0];
	_ =	sdelay $0x2  }
0xb8: {  	s31 =	sshll.u32 s1, $0xD;
	s1 =	sshrl.u32 s1, $0x2  }
0xb9: {  	s3 =	sand.u32 $0x4000, s31;
	s1 =	sadd.s32 s1, s30  }
0xba: {  	s0 =	sor.u32 s3, s0;
	s1 =	sshll.u32 s1, $0x11  }
0xbb: {  	s0 =	sor.u32 s1, s0  }
0xbc: {  	s0 =	sadd.s32 $0x8F2B, s0  }
0xbd: {  	[sflag:s0] =	ssyncadd.remote.s32 $0x1  }
0xbe: {  	_ =	sfence.sel $0xFFFF  }
0xbf: {  	[dreg:$0x0] =	wrdreg $0xFFFFFFFF;
	(pc) =	sbr.abs _section_cstart, $3  }
0xc0: {  	[dreg:$0x1] =	wrdreg $0xFFFFFFFF  }
0xc1: {  	_ =	task.clear_ibuf [dreg:s7], $0x2FFFF;
	_ =	strace $0x9FFFFFFF  }
0xc2: {  	(tm) =	ssettm $0x7FFFFFFF  }
0xc3: {  	_ =	shalt  }
tec
execute0_lowered:
.L_overlay_start_1:
0x0: {  	(tag) =	ssettag $0x1  }
0x1: {  	s1 =	rddreg [dreg:$0x0]  }
0x2: {  	s2 =	srdreg.scid;
	s0 =	stileid.u32  }
0x3: {  	s5 =	rddreg [dreg:$0x1];
	s25 =	simm.s32 $0xC000;
	s26 =	simm.s32 $0xC080  }
0x4: {  	s10 =	simm.s32 $0x1800;
	s11 =	simm.s32 $0x2000;
	s12 =	simm.s32 $0x2800  }
0x5: {  	s13 =	simm.s32 $0x3000;
	s14 =	simm.s32 $0x3800;
	s15 =	simm.s32 $0x4000  }
0x6: {  	s16 =	simm.s32 $0x4800;
	s17 =	simm.s32 $0x5000;
	s18 =	simm.s32 $0x5800  }
0x7: {  	s19 =	simm.s32 $0x6000;
	s20 =	simm.s32 $0x6800;
	s21 =	simm.s32 $0x7000  }
0x8: {  	s22 =	simm.s32 $0x7800;
	s23 =	simm.s32 $0x8000;
	s28 =	simm.s32 $0xA000  }
0x9: {  	s29 =	simm.s32 $0xA800;
	s30 =	simm.s32 $0xB000;
	s31 =	simm.s32 $0xB800  }
0xa: {  	s4 =	sand.u32 $0x1, s2;
	s3 =	sshll.u32 s0, $0x1;
	s2 =	simm.s32 $0x0  }
0xb: {  	s6 =	sor.u32 s4, s3;
	[smem:$0x7FF] =	sst s2;
	s4 =	ssub.s32 $0x2, s4  }
0xc: {  	s3 =	sshll.u32 s6, $0x4;
	_ =	strace $0x80000047;
	[dreg:$0x6] =	wrdreg s25  }
0xd: {  	s6 =	smul.u32 $0x1800, s6;
	s9 =	sshrl.u32 s4, $0x1;
	[dreg:$0x7] =	wrdreg s26  }
0xe: {  	s25 =	simm.s32 $0x9000;
	s26 =	simm.s32 $0x9800;
	s7 =	sadd.s32 s3, s5  }
0xf: {  	s3 =	sadd.s32 $0x1600, s5;
	s24 =	ssub.s32 s4, s9;
	s4 =	sadd.s32 $0x1700, s5  }
0x10: {  	s5 =	sadd.s32 $0x1800, s5;
	s9 =	simm.s32 $0x1000;
	s8 =	sadd.s32 $0x1200, s7  }
0x11: {  	v2 =	vlaneseq.u32;
	s7 =	sadd.s32 $0x1400, s7;
	s1 =	sadd.s32 s1, s6;
	[dreg:$0x3] =	wrdreg s8  }
0x12: {  	vm0 =	vmmov $0xffff;
	v1 =	vshrl.u32 v2, $0x3;
	s6 =	smax.u32 s24, $0x1;
	s24 =	simm.s32 $0x8800;
	[dreg:$0x4] =	wrdreg s7  }
0x13: {  	v0 =	vand.u32 $0x7, v2;
	v2 =	vor.u32 $0x8, v2;
	v1 =	vmul.u32 $0x8, v1;
	[dreg:$0x5] =	wrdreg s1;
	s7 =	simm.s32 $0x2;
	s1 =	simm.s32 $0x1  }
.LBB2_1:
0x14: {  	s0 =	rddreg [dreg:$0x3]  }
0x15: {  	s8 =	rddreg [dreg:$0x6]  }
0x16: {  	[tilespmem:s8], [sflag:$0x2] =	stream.linear.gather [hbm4b:s0+s2], $0x80, $0x38;
	[tilespmem:$0xC100] =	vst v63  }
0x17: {  	_ =	swait.ge [sflag:s7], $0x80  }
0x18: {  	s0 =	rddreg [dreg:$0x4];
	[sflag:s7] =	ssyncset.done $0x0  }
0x19: {  	s8 =	rddreg [dreg:$0x7];
	[sflag:s7] =	ssyncadd.s32 $0xFFFFFF80  }
0x1a: {  	[tilespmem:s8], [sflag:$0x2] =	stream.linear.gather [hbm4b:s0+s2], $0x80, $0x38;
	[tilespmem:$0xC100] =	vst v63  }
0x1b: {  	_ =	swait.ge [sflag:s7], $0x80  }
0x1c: {  	[sflag:s7] =	ssyncset.done $0x0  }
0x1d: {  	s8 =	rddreg [dreg:$0x5];
	[sflag:s7] =	ssyncadd.s32 $0xFFFFFF80  }
0x1e: {  	[tilespmem:s2], [sflag:$0x2] =	stream.linear.gather [hbm4b:s8+s2], $0xC000, $0x38;
	[tilespmem:$0xC100] =	vst v63  }
0x1f: {  	_ =	swait.ge [sflag:s7], $0xC000  }
0x20: {  	[sflag:s7] =	ssyncset.done $0x0  }
0x21: {  	[sflag:s7] =	ssyncadd.s32 $0xFFFF4000  }
0x22: {  	v3 =	vld [tilespmem:$0xC000];
	_ =	sdelay $0x4  }
0x23: {  	v4 =	vshrl.u32 v3, $0x3  }
0x24: {  	v4 =	vmul.u32 $0x30, v4  }
0x25: {  	v3 =	vand.u32 $0x7, v3  }
0x26: {  	v3 =	vor.u32 v3, v4  }
0x27: {  	v4 =	vperm.xlane v3, v0;
	_ =	sdelay $0x1  }
0x28: {  	v4 =	vadd.s32 v1, v4;
	_ =	sdelay $0x3  }
0x29: {  	v3 =	vperm.xlane v3, v2  }
0x2a: {  	[hbm4b:s3+s2] =	stream.indirect_vreg.scatter [tilespmem:s2], [sflag:$0x1], $0x80, v4, vm0, $0xb8;
	[tilespmem:$0xC100] =	vst v63  }
0x2b: {  	s8 =	simm.s32 $0x800;
	v3 =	vadd.s32 v1, v3  }
0x2c: {  	[hbm4b:s4+s2] =	stream.indirect_vreg.scatter [tilespmem:s8], [sflag:$0x1], $0x80, v4, vm0, $0xb8;
	[tilespmem:$0xC100] =	vst v63  }
0x2d: {  	_ = 	snop  }
0x2e: {  	[hbm4b:s5+s2] =	stream.indirect_vreg.scatter [tilespmem:s9], [sflag:$0x1], $0x80, v4, vm0, $0xb8;
	[tilespmem:$0xC100] =	vst v63  }
0x2f: {  	_ = 	snop  }
0x30: {  	[hbm4b:s3+s2] =	stream.indirect_vreg.scatter [tilespmem:s10], [sflag:$0x1], $0x80, v3, vm0, $0xb8;
	[tilespmem:$0xC100] =	vst v63  }
0x31: {  	_ = 	snop  }
0x32: {  	[hbm4b:s4+s2] =	stream.indirect_vreg.scatter [tilespmem:s11], [sflag:$0x1], $0x80, v3, vm0, $0xb8;
	[tilespmem:$0xC100] =	vst v63  }
0x33: {  	_ = 	snop  }
0x34: {  	[hbm4b:s5+s2] =	stream.indirect_vreg.scatter [tilespmem:s12], [sflag:$0x1], $0x80, v3, vm0, $0xb8;
	[tilespmem:$0xC100] =	vst v63  }
0x35: {  	v3 =	vld [tilespmem:$0xC010];
	_ =	sdelay $0x4  }
0x36: {  	v57 =	vshrl.u32 v3, $0x3  }
0x37: {  	v4 =	vmul.u32 $0x30, v57  }
0x38: {  	v3 =	vand.u32 $0x7, v3  }
0x39: {  	v3 =	vor.u32 v3, v4  }
0x3a: {  	v4 =	vperm.xlane v3, v0;
	_ =	sdelay $0x1  }
0x3b: {  	v4 =	vadd.s32 v1, v4;
	_ =	sdelay $0x3  }
0x3c: {  	v3 =	vperm.xlane v3, v2  }
0x3d: {  	[hbm4b:s3+s2] =	stream.indirect_vreg.scatter [tilespmem:s13], [sflag:$0x1], $0x80, v4, vm0, $0xb8;
	[tilespmem:$0xC100] =	vst v63  }
0x3e: {  	v3 =	vadd.s32 v1, v3  }
0x3f: {  	[hbm4b:s4+s2] =	stream.indirect_vreg.scatter [tilespmem:s14], [sflag:$0x1], $0x80, v4, vm0, $0xb8;
	[tilespmem:$0xC100] =	vst v63  }
0x40: {  	_ = 	snop  }
0x41: {  	[hbm4b:s5+s2] =	stream.indirect_vreg.scatter [tilespmem:s15], [sflag:$0x1], $0x80, v4, vm0, $0xb8;
	[tilespmem:$0xC100] =	vst v63  }
0x42: {  	_ = 	snop  }
0x43: {  	[hbm4b:s3+s2] =	stream.indirect_vreg.scatter [tilespmem:s16], [sflag:$0x1], $0x80, v3, vm0, $0xb8;
	[tilespmem:$0xC100] =	vst v63  }
0x44: {  	_ = 	snop  }
0x45: {  	[hbm4b:s4+s2] =	stream.indirect_vreg.scatter [tilespmem:s17], [sflag:$0x1], $0x80, v3, vm0, $0xb8;
	[tilespmem:$0xC100] =	vst v63  }
0x46: {  	_ = 	snop  }
0x47: {  	[hbm4b:s5+s2] =	stream.indirect_vreg.scatter [tilespmem:s18], [sflag:$0x1], $0x80, v3, vm0, $0xb8;
	[tilespmem:$0xC100] =	vst v63  }
0x48: {  	v3 =	vld [tilespmem:$0xC020];
	_ =	sdelay $0x4  }
0x49: {  	v58 =	vshrl.u32 v3, $0x3  }
0x4a: {  	v4 =	vmul.u32 $0x30, v58  }
0x4b: {  	v3 =	vand.u32 $0x7, v3  }
0x4c: {  	v3 =	vor.u32 v3, v4  }
0x4d: {  	v4 =	vperm.xlane v3, v0;
	_ =	sdelay $0x1  }
0x4e: {  	v4 =	vadd.s32 v1, v4;
	_ =	sdelay $0x3  }
0x4f: {  	v3 =	vperm.xlane v3, v2  }
0x50: {  	[hbm4b:s3+s2] =	stream.indirect_vreg.scatter [tilespmem:s19], [sflag:$0x1], $0x80, v4, vm0, $0xb8;
	[tilespmem:$0xC100] =	vst v63  }
0x51: {  	v3 =	vadd.s32 v1, v3  }
0x52: {  	[hbm4b:s4+s2] =	stream.indirect_vreg.scatter [tilespmem:s20], [sflag:$0x1], $0x80, v4, vm0, $0xb8;
	[tilespmem:$0xC100] =	vst v63  }
0x53: {  	_ = 	snop  }
0x54: {  	[hbm4b:s5+s2] =	stream.indirect_vreg.scatter [tilespmem:s21], [sflag:$0x1], $0x80, v4, vm0, $0xb8;
	[tilespmem:$0xC100] =	vst v63  }
0x55: {  	_ = 	snop  }
0x56: {  	[hbm4b:s3+s2] =	stream.indirect_vreg.scatter [tilespmem:s22], [sflag:$0x1], $0x80, v3, vm0, $0xb8;
	[tilespmem:$0xC100] =	vst v63  }
0x57: {  	_ = 	snop  }
0x58: {  	[hbm4b:s4+s2] =	stream.indirect_vreg.scatter [tilespmem:s23], [sflag:$0x1], $0x80, v3, vm0, $0xb8;
	[tilespmem:$0xC100] =	vst v63  }
0x59: {  	_ = 	snop  }
0x5a: {  	[hbm4b:s5+s2] =	stream.indirect_vreg.scatter [tilespmem:s24], [sflag:$0x1], $0x80, v3, vm0, $0xb8;
	[tilespmem:$0xC100] =	vst v63  }
0x5b: {  	v3 =	vld [tilespmem:$0xC030];
	_ =	sdelay $0x4  }
0x5c: {  	v59 =	vshrl.u32 v3, $0x3  }
0x5d: {  	v4 =	vmul.u32 $0x30, v59  }
0x5e: {  	v3 =	vand.u32 $0x7, v3  }
0x5f: {  	v3 =	vor.u32 v3, v4  }
0x60: {  	v4 =	vperm.xlane v3, v0;
	_ =	sdelay $0x1  }
0x61: {  	v4 =	vadd.s32 v1, v4;
	_ =	sdelay $0x3  }
0x62: {  	v3 =	vperm.xlane v3, v2  }
0x63: {  	[hbm4b:s3+s2] =	stream.indirect_vreg.scatter [tilespmem:s25], [sflag:$0x1], $0x80, v4, vm0, $0xb8;
	[tilespmem:$0xC100] =	vst v63  }
0x64: {  	v3 =	vadd.s32 v1, v3  }
0x65: {  	[hbm4b:s4+s2] =	stream.indirect_vreg.scatter [tilespmem:s26], [sflag:$0x1], $0x80, v4, vm0, $0xb8;
	[tilespmem:$0xC100] =	vst v63  }
0x66: {  	_ = 	snop  }
0x67: {  	[hbm4b:s5+s2] =	stream.indirect_vreg.scatter [tilespmem:s28], [sflag:$0x1], $0x80, v4, vm0, $0xb8;
	[tilespmem:$0xC100] =	vst v63  }
0x68: {  	_ = 	snop  }
0x69: {  	[hbm4b:s3+s2] =	stream.indirect_vreg.scatter [tilespmem:s29], [sflag:$0x1], $0x80, v3, vm0, $0xb8;
	[tilespmem:$0xC100] =	vst v63  }
0x6a: {  	_ = 	snop  }
0x6b: {  	[hbm4b:s4+s2] =	stream.indirect_vreg.scatter [tilespmem:s30], [sflag:$0x1], $0x80, v3, vm0, $0xb8;
	[tilespmem:$0xC100] =	vst v63  }
0x6c: {  	_ = 	snop  }
0x6d: {  	[hbm4b:s5+s2] =	stream.indirect_vreg.scatter [tilespmem:s31], [sflag:$0x1], $0x80, v3, vm0, $0xb8;
	[tilespmem:$0xC100] =	vst v63  }
0x6e: {  	v3 =	vld [tilespmem:$0xC080];
	_ =	sdelay $0x4  }
0x6f: {  	v60 =	vshrl.u32 v3, $0x3  }
0x70: {  	v4 =	vmul.u32 $0x30, v60  }
0x71: {  	v3 =	vand.u32 $0x7, v3  }
0x72: {  	v3 =	vor.u32 v3, v4  }
0x73: {  	v4 =	vperm.xlane v3, v0;
	_ =	sdelay $0x1  }
0x74: {  	v4 =	vadd.s32 v1, v4;
	_ =	sdelay $0x3  }
0x75: {  	v3 =	vperm.xlane v3, v2  }
0x76: {  	[hbm4b:s3+s2] =	stream.indirect_vreg.scatter [tilespmem:s2], [sflag:$0x1], $0x80, v4, vm0, $0xb8;
	[tilespmem:$0xC100] =	vst v63  }
0x77: {  	v3 =	vadd.s32 v1, v3  }
0x78: {  	[hbm4b:s4+s2] =	stream.indirect_vreg.scatter [tilespmem:s8], [sflag:$0x1], $0x80, v4, vm0, $0xb8;
	[tilespmem:$0xC100] =	vst v63  }
0x79: {  	_ = 	snop  }
0x7a: {  	[hbm4b:s5+s2] =	stream.indirect_vreg.scatter [tilespmem:s9], [sflag:$0x1], $0x80, v4, vm0, $0xb8;
	[tilespmem:$0xC100] =	vst v63  }
0x7b: {  	_ = 	snop  }
0x7c: {  	[hbm4b:s3+s2] =	stream.indirect_vreg.scatter [tilespmem:s10], [sflag:$0x1], $0x80, v3, vm0, $0xb8;
	[tilespmem:$0xC100] =	vst v63  }
0x7d: {  	_ = 	snop  }
0x7e: {  	[hbm4b:s4+s2] =	stream.indirect_vreg.scatter [tilespmem:s11], [sflag:$0x1], $0x80, v3, vm0, $0xb8;
	[tilespmem:$0xC100] =	vst v63  }
0x7f: {  	_ = 	snop  }
0x80: {  	[hbm4b:s5+s2] =	stream.indirect_vreg.scatter [tilespmem:s12], [sflag:$0x1], $0x80, v3, vm0, $0xb8;
	[tilespmem:$0xC100] =	vst v63  }
0x81: {  	v3 =	vld [tilespmem:$0xC090];
	_ =	sdelay $0x4  }
0x82: {  	v61 =	vshrl.u32 v3, $0x3  }
0x83: {  	v4 =	vmul.u32 $0x30, v61  }
0x84: {  	v3 =	vand.u32 $0x7, v3  }
0x85: {  	v3 =	vor.u32 v3, v4  }
0x86: {  	v4 =	vperm.xlane v3, v0;
	_ =	sdelay $0x1  }
0x87: {  	v4 =	vadd.s32 v1, v4;
	_ =	sdelay $0x3  }
0x88: {  	v3 =	vperm.xlane v3, v2  }
0x89: {  	[hbm4b:s3+s2] =	stream.indirect_vreg.scatter [tilespmem:s13], [sflag:$0x1], $0x80, v4, vm0, $0xb8;
	[tilespmem:$0xC100] =	vst v63  }
0x8a: {  	v3 =	vadd.s32 v1, v3  }
0x8b: {  	[hbm4b:s4+s2] =	stream.indirect_vreg.scatter [tilespmem:s14], [sflag:$0x1], $0x80, v4, vm0, $0xb8;
	[tilespmem:$0xC100] =	vst v63  }
0x8c: {  	_ = 	snop  }
0x8d: {  	[hbm4b:s5+s2] =	stream.indirect_vreg.scatter [tilespmem:s15], [sflag:$0x1], $0x80, v4, vm0, $0xb8;
	[tilespmem:$0xC100] =	vst v63  }
0x8e: {  	_ = 	snop  }
0x8f: {  	[hbm4b:s3+s2] =	stream.indirect_vreg.scatter [tilespmem:s16], [sflag:$0x1], $0x80, v3, vm0, $0xb8;
	[tilespmem:$0xC100] =	vst v63  }
0x90: {  	_ = 	snop  }
0x91: {  	[hbm4b:s4+s2] =	stream.indirect_vreg.scatter [tilespmem:s17], [sflag:$0x1], $0x80, v3, vm0, $0xb8;
	[tilespmem:$0xC100] =	vst v63  }
0x92: {  	_ = 	snop  }
0x93: {  	[hbm4b:s5+s2] =	stream.indirect_vreg.scatter [tilespmem:s18], [sflag:$0x1], $0x80, v3, vm0, $0xb8;
	[tilespmem:$0xC100] =	vst v63  }
0x94: {  	v3 =	vld [tilespmem:$0xC0A0];
	_ =	sdelay $0x4  }
0x95: {  	v62 =	vshrl.u32 v3, $0x3  }
0x96: {  	v4 =	vmul.u32 $0x30, v62  }
0x97: {  	v3 =	vand.u32 $0x7, v3  }
0x98: {  	v3 =	vor.u32 v3, v4  }
0x99: {  	v4 =	vperm.xlane v3, v0;
	_ =	sdelay $0x1  }
0x9a: {  	v4 =	vadd.s32 v1, v4;
	_ =	sdelay $0x3  }
0x9b: {  	v3 =	vperm.xlane v3, v2  }
0x9c: {  	[hbm4b:s3+s2] =	stream.indirect_vreg.scatter [tilespmem:s19], [sflag:$0x1], $0x80, v4, vm0, $0xb8;
	[tilespmem:$0xC100] =	vst v63  }
0x9d: {  	v3 =	vadd.s32 v1, v3  }
0x9e: {  	[hbm4b:s4+s2] =	stream.indirect_vreg.scatter [tilespmem:s20], [sflag:$0x1], $0x80, v4, vm0, $0xb8;
	[tilespmem:$0xC100] =	vst v63  }
0x9f: {  	_ = 	snop  }
0xa0: {  	[hbm4b:s5+s2] =	stream.indirect_vreg.scatter [tilespmem:s21], [sflag:$0x1], $0x80, v4, vm0, $0xb8;
	[tilespmem:$0xC100] =	vst v63  }
0xa1: {  	_ = 	snop  }
0xa2: {  	[hbm4b:s3+s2] =	stream.indirect_vreg.scatter [tilespmem:s22], [sflag:$0x1], $0x80, v3, vm0, $0xb8;
	[tilespmem:$0xC100] =	vst v63  }
0xa3: {  	_ = 	snop  }
0xa4: {  	[hbm4b:s4+s2] =	stream.indirect_vreg.scatter [tilespmem:s23], [sflag:$0x1], $0x80, v3, vm0, $0xb8;
	[tilespmem:$0xC100] =	vst v63  }
0xa5: {  	_ = 	snop  }
0xa6: {  	[hbm4b:s5+s2] =	stream.indirect_vreg.scatter [tilespmem:s24], [sflag:$0x1], $0x80, v3, vm0, $0xb8;
	[tilespmem:$0xC100] =	vst v63  }
0xa7: {  	v3 =	vld [tilespmem:$0xC0B0];
	_ =	sdelay $0x4  }
0xa8: {  	v63 =	vshrl.u32 v3, $0x3  }
0xa9: {  	v4 =	vmul.u32 $0x30, v63  }
0xaa: {  	v3 =	vand.u32 $0x7, v3  }
0xab: {  	v3 =	vor.u32 v3, v4  }
0xac: {  	v4 =	vperm.xlane v3, v0;
	_ =	sdelay $0x1  }
0xad: {  	v4 =	vadd.s32 v1, v4;
	_ =	sdelay $0x3  }
0xae: {  	v3 =	vperm.xlane v3, v2  }
0xaf: {  	[hbm4b:s3+s2] =	stream.indirect_vreg.scatter [tilespmem:s25], [sflag:$0x1], $0x80, v4, vm0, $0xb8;
	[tilespmem:$0xC100] =	vst v63  }
0xb0: {  	v3 =	vadd.s32 v1, v3  }
0xb1: {  	[hbm4b:s4+s2] =	stream.indirect_vreg.scatter [tilespmem:s26], [sflag:$0x1], $0x80, v4, vm0, $0xb8;
	[tilespmem:$0xC100] =	vst v63  }
0xb2: {  	_ = 	snop  }
0xb3: {  	[hbm4b:s5+s2] =	stream.indirect_vreg.scatter [tilespmem:s28], [sflag:$0x1], $0x80, v4, vm0, $0xb8;
	[tilespmem:$0xC100] =	vst v63  }
0xb4: {  	_ = 	snop  }
0xb5: {  	[hbm4b:s3+s2] =	stream.indirect_vreg.scatter [tilespmem:s29], [sflag:$0x1], $0x80, v3, vm0, $0xb8;
	[tilespmem:$0xC100] =	vst v63  }
0xb6: {  	_ = 	snop  }
0xb7: {  	[hbm4b:s4+s2] =	stream.indirect_vreg.scatter [tilespmem:s30], [sflag:$0x1], $0x80, v3, vm0, $0xb8;
	[tilespmem:$0xC100] =	vst v63  }
0xb8: {  	_ = 	snop  }
0xb9: {  	[hbm4b:s5+s2] =	stream.indirect_vreg.scatter [tilespmem:s31], [sflag:$0x1], $0x80, v3, vm0, $0xb8;
	[tilespmem:$0xC100] =	vst v63  }
0xba: {  	p0 =	sne.s32 s6, $0x1;
	_ =	swait.ge [sflag:s1], $0xC000  }
.Ltmp0:
0xbb: {  	[sflag:s1] =	ssyncset.done $0x0;
	(pc) =	sbr.rel @p0 .LBB2_1-.Ltmp0, $4  }
0xbc: {  	[sflag:s1] =	ssyncadd.s32 $0xFFFF4000  }
0xbd: {  	_ =	swait.ge [sflag:s1], $0xC000  }
0xbe: {  	[sflag:s1] =	ssyncset.done $0x0  }
0xbf: {  	s6 =	sadd.s32 $0xFFFFFFFF, s6;
	[sflag:s1] =	ssyncadd.s32 $0xFFFF4000  }
0xc0: {  	_ =	sfence.sel $0x180000  }
0xc1: {  	[bflag:$0x0] =	sbarrier.arrive $0xFFFF  }
0xc2: {  	_ =	strace $0x90000047  }
0xc3: {  	s0 =	stileid.u32;
	[bflag:$0x2] =	sbarrier.arrive $0xFFFF  }
0xc4: {  	p0 =	sne.s32 s0, $0x0;
	s0 =	rddreg [dreg:$0x2]  }
0xc5: {  	s0 =	sadd.s32 @!p0 $0x100000, s0  }
0xc6: {  	[sflag:s0] =	ssyncadd.tile.s32 @!p0 $0x1;
	_ =	shalt  }
.Lfunc_end2:
_tile_overlayer_lowered:
.L_overlay_start_2:
0xc7: {  	(tag) =	ssettag $0x2  }
0xc8: {  	s0 =	rddreg [dreg:$0x0];
	s2 =	stileid.u32  }
0xc9: {  	s1 =	rddreg [dreg:$0x1];
	p0 =	sne.s32 s2, $0x0  }
0xca: {  	s3 =	rddreg [dreg:$0x2];
	[bflag:$0x3] =	sbarrier.arrive $0xFFFF;
	s2 =	simm.s32 @!p0 $0x1C02  }
0xcb: {  	[timem:s3], [sflag:s2] =	dma.local @!p0 [hbm:s0], s1  }
0xcc: {  	s0 =	simm.s32 @!p0 $0x2  }
0xcd: {  	_ =	swait.ge @!p0 [sflag:s0], s1  }
0xce: {  	s1 =	ssub.s32 @!p0 $0x0, s1;
	[sflag:s0] =	ssyncset.done @!p0 $0x0  }
0xcf: {  	[sflag:s0] =	ssyncadd.s32 @!p0 s1  }
0xd0: {  	[bflag:$0x3] =	sbarrier.arrive $0xFFFF  }
0xd1: {  	_ =	shalt  }

// kernel: _moe_routed.9.cloned.1.call-start
scs
__scs_entry_jumppad:
0x0: {  	(pc) =	sbr.rel $0x88, $3  }
0x1: {  	(tag) =	ssettag $0x0;
	lr =	simm.s32 $0x1  }
0x2: {  	[smem:$0x3F9A] =	sst lr;
	_ =	strace $0xD0000000  }
0x3: {  	_ = 	snop  }
0x4: {  	_ = 	snop  }
0x5: {  	_ = 	snop  }
0x6: {  	_ = 	snop  }
0x7: {  	_ = 	snop  }
__scs_overlays_trampoline_lowered:
0x8: {  	[smem:$0x3FA9] =	sst s0  }
0x9: {  	[smem:$0x3FAA] =	sst s1  }
0xa: {  	[smem:$0x3FAB] =	sst s2  }
0xb: {  	[smem:$0x3FAC] =	sst s3  }
0xc: {  	[smem:$0x3FAD] =	sst s4  }
0xd: {  	[smem:$0x3FAE] =	sst s5  }
0xe: {  	[smem:$0x3FAF] =	sst s6  }
0xf: {  	[smem:$0x3FB0] =	sst s7  }
0x10: {  	[smem:$0x3FB1] =	sst s8  }
0x11: {  	[smem:$0x3FB2] =	sst s9;
	s0 =	simm.s32 @!p0 $0x0  }
0x12: {  	s1 =	sld [smem:$0x3F98];
	s0 =	simm.s32 @p0 $0x1  }
0x13: {  	[smem:$0x3FB3] =	sst s0;
	s0 =	simm.s32 @!p1 $0x0  }
0x14: {  	s2 =	sld [smem:$0x3F97];
	s0 =	simm.s32 @p1 $0x1  }
0x15: {  	[smem:$0x3FB4] =	sst s0;
	s0 =	simm.s32 @!p2 $0x0  }
0x16: {  	s3 =	sld [smem:$0x3FDB];
	s0 =	simm.s32 @p2 $0x1  }
0x17: {  	s4 =	simm.s32 $0x1BF5;
	[smem:$0x3FB6] =	sst s0  }
0x18: {  	s0 =	sld [smem:$0x3F99];
	_ =	swait.ge [sflag:s4], $0x0  }
0x19: {  	s7 =	sld [smem:$0x3F9A]  }
0x1a: {  	s8 =	sadd.s32 $0xFFFFE003, lr  }
0x1b: {  	s9 =	sadd.s32 $0xFFFFFEF7, lr;
	s5 =	simm.s32 $0xFFFFFFFF;
	p2 =	slt.u32 s8, $0xFFFFF086  }
0x1c: {  	p1 =	slt.u32 s9, $0xF7A;
	s5 =	simm.s32 @!p2 $0x0  }
0x1d: {  	s5 =	simm.s32 @p1 $0x1;
	p0 =	seq.s32 s7, s2  }
0x1e: {  	s7 =	smul.u32 @!p0 $0xF7A, s2;
	p2 =	seq.s32 @!p0 s5, $0x0  }
0x1f: {  	s9 =	smul.u32 $0xF7A, s1;
	s8 =	simm.s32 @!p0 $0x1BF5;
	p2 =	por !p2, p0  }
0x20: {  	[sflag:s8] =	ssyncset.s32 @!p0 $0xFFFFF086;
	s6 =	sadd.s32 @!p0 s3, s7;
	s7 =	simm.s32 @!p0 $0x108  }
0x21: {  	s3 =	sadd.s32 s3, s9;
	s6 =	sadd.s32 @!p0 $0x88, s6;
	s7 =	simm.s32 @p2 $0x1082  }
0x22: {  	[simem:s7], [sflag:s8] =	dma.local @!p0 [hbm:s6], $0xF7A  }
0x23: {  	s9 =	sor.u32 $0xD0000000, s2;
	s6 =	simm.s32 $0x108;
	_ =	swait.ge @!p0 [sflag:s8], $0x0  }
0x24: {  	s3 =	sadd.s32 $0x88, s3;
	s6 =	simm.s32 @!p1 $0x1082;
	[sflag:s4] =	ssyncset.s32 $0xFFFFF086  }
0x25: {  	[simem:s6], [sflag:s4] =	dma.local [hbm:s3], $0xF7A  }
0x26: {  	[smem:$0x3F9A] =	sst s1;
	(tag) =	ssettag s2;
	_ =	strace s9  }
0x27: {  	s1 =	sld [smem:$0x3FAA]  }
0x28: {  	s2 =	sld [smem:$0x3FAB]  }
0x29: {  	s4 =	sld [smem:$0x3FAD]  }
0x2a: {  	p0 =	seq.s32 s5, $0x0;
	s5 =	sld [smem:$0x3FAE]  }
0x2b: {  	s6 =	sld [smem:$0x3FAF]  }
0x2c: {  	s7 =	sld [smem:$0x3FB0]  }
0x2d: {  	s3 =	simm.s32 $0x108;
	s8 =	sld [smem:$0x3FB1]  }
0x2e: {  	s3 =	simm.s32 @!p0 $0x1082;
	s9 =	sld [smem:$0x3FB2]  }
0x2f: {  	lr =	sadd.s32 s0, s3;
	s0 =	sld [smem:$0x3FA9]  }
0x30: {  	s3 =	sld [smem:$0x3FAC]  }
0x31: {  	[smem:$0x3FB5] =	sst s10  }
0x32: {  	s10 =	sld [smem:$0x3FB3];
	_ =	sdelay $0x3  }
0x33: {  	p0 =	seq.s32 s10, $0x1;
	s10 =	sld [smem:$0x3FB5];
	_ =	sdelay $0x3  }
0x34: {  	[smem:$0x3FB5] =	sst s10  }
0x35: {  	s10 =	sld [smem:$0x3FB4];
	_ =	sdelay $0x3  }
0x36: {  	p1 =	seq.s32 s10, $0x1;
	s10 =	sld [smem:$0x3FB5];
	_ =	sdelay $0x3  }
0x37: {  	[smem:$0x3FB5] =	sst s10  }
0x38: {  	s10 =	sld [smem:$0x3FB6]  }
0x39: {  	_ = 	snop;
	(pc) =	sbr.ind lr, $3  }
0x3a: {  	_ = 	snop  }
0x3b: {  	_ = 	snop  }
0x3c: {  	p2 =	seq.s32 s10, $0x1;
	s10 =	sld [smem:$0x3FB5]  }
0x3d: {  	_ =	shalt  }
0x3e: {  	_ =	shalt  }
0x3f: {  	_ =	shalt  }
0x40: {  	_ =	shalt  }
0x41: {  	_ =	shalt  }
0x42: {  	_ =	shalt  }
0x43: {  	_ =	shalt  }
0x44: {  	_ =	shalt  }
0x45: {  	_ =	shalt  }
0x46: {  	_ =	shalt  }
0x47: {  	_ =	shalt  }
0x48: {  	_ =	shalt  }
0x49: {  	_ =	shalt  }
0x4a: {  	_ =	shalt  }
0x4b: {  	_ =	shalt  }
0x4c: {  	_ =	shalt  }
0x4d: {  	_ =	shalt  }
0x4e: {  	_ =	shalt  }
0x4f: {  	_ =	shalt  }
0x50: {  	_ =	shalt  }
0x51: {  	_ =	shalt  }
0x52: {  	_ =	shalt  }
0x53: {  	_ =	shalt  }
0x54: {  	_ =	shalt  }
0x55: {  	_ =	shalt  }
0x56: {  	_ =	shalt  }
0x57: {  	_ =	shalt  }
0x58: {  	_ =	shalt  }
0x59: {  	_ =	shalt  }
0x5a: {  	_ =	shalt  }
0x5b: {  	_ =	shalt  }
0x5c: {  	_ =	shalt  }
0x5d: {  	_ =	shalt  }
0x5e: {  	_ =	shalt  }
0x5f: {  	_ =	shalt  }
0x60: {  	_ =	shalt  }
0x61: {  	_ =	shalt  }
0x62: {  	_ =	shalt  }
0x63: {  	_ =	shalt  }
0x64: {  	_ =	shalt  }
0x65: {  	_ =	shalt  }
0x66: {  	_ =	shalt  }
0x67: {  	_ =	shalt  }
0x68: {  	_ =	shalt  }
0x69: {  	_ =	shalt  }
0x6a: {  	_ =	shalt  }
0x6b: {  	_ =	shalt  }
0x6c: {  	_ =	shalt  }
0x6d: {  	_ =	shalt  }
0x6e: {  	_ =	shalt  }
0x6f: {  	_ =	shalt  }
0x70: {  	_ =	shalt  }
0x71: {  	_ =	shalt  }
0x72: {  	_ =	shalt  }
0x73: {  	_ =	shalt  }
0x74: {  	_ =	shalt  }
0x75: {  	_ =	shalt  }
0x76: {  	_ =	shalt  }
0x77: {  	_ =	shalt  }
0x78: {  	_ =	shalt  }
0x79: {  	_ =	shalt  }
0x7a: {  	_ =	shalt  }
0x7b: {  	_ =	shalt  }
0x7c: {  	_ =	shalt  }
0x7d: {  	_ =	shalt  }
0x7e: {  	_ =	shalt  }
0x7f: {  	_ =	shalt  }
0x80: {  	_ =	shalt  }
0x81: {  	_ =	shalt  }
0x82: {  	_ =	shalt  }
0x83: {  	_ =	shalt  }
0x84: {  	_ =	shalt  }
0x85: {  	_ =	shalt  }
0x86: {  	_ =	shalt  }
0x87: {  	_ =	shalt  }
.Lfunc_end0:
.L_simem_size_0:
called_computation.1_lowered:
.L_overlay_start_0:
0x88: {  	s2 =	sld [smem:$0x3FD9]  }
0x89: {  	s3 =	sld [smem:$0x3FFE];
	_ =	sdelay $0x1  }
0x8a: {  	s1 =	srdreg.scid  }
0x8b: {  	s0 =	sand.u32 $0x1, s1  }
0x8c: {  	s17 =	sshll.u32 s0, $0xA;
	s2 =	sadd.s32 s3, s2  }
0x8d: {  	s2 =	sadd.s32 s2, s17  }
0x8e: {  	[smem:$0x3FC1] =	sst s2  }
0x8f: {  	_ = 	snop  }
0x90: {  	s2 =	sld [smem:$0x3FD0];
	(tm) =	ssettm $0x1  }
0x91: {  	s18 =	sld [smem:$0x3FFB];
	_ =	sdelay $0x3  }
0x92: {  	_ =	strace s18  }
0x93: {  	s3 =	sld [smem:$0x3FFC];
	_ =	sdelay $0x3  }
0x94: {  	_ =	strace s3  }
0x95: {  	s3 =	sld [smem:$0x3FFD];
	_ =	sdelay $0x3  }
0x96: {  	_ =	strace s3  }
0x97: {  	_ =	strace $0x8FFFFFFF  }
0x98: {  	s19 =	sld [smem:$0x3FDB];
	_ =	sdelay $0x1  }
0x99: {  	s4 =	simm.s32 $_scs_section_size  }
0x9a: {  	s5 =	simm.s32 $_size__tile_overlayer_lowered;
	s6 =	simm.s32 $_tile_overlayer_lowered  }
0x9b: {  	s22 =	simm.s32 $0x1BFF;
	s21 =	sshll.u32 s6, $0x1;
	s3 =	sadd.s32 s4, s19  }
0x9c: {  	s7 =	simm.s32 $0x0;
	s20 =	sshll.u32 s5, $0x1;
	s5 =	sadd.s32 s21, s3  }
0x9d: {  	[timem:s7], [sflag:s22] =	dma.local [hbm:s5], s20  }
0x9e: {  	_ =	swait.ge [sflag:s22], s20  }
0x9f: {  	s4 =	ssub.s32 $0x0, s20;
	[sflag:s22] =	ssyncset.done $0x0  }
0xa0: {  	[sflag:s22] =	ssyncadd.s32 s4;
	_ =	sdelay $0x1  }
0xa1: {  	s23 =	simm.s32 $0x1B8B  }
0xa2: {  	_ =	swait.ge [sflag:s23], $0x1  }
0xa3: {  	[sflag:s23] =	ssyncset.done $0x0  }
0xa4: {  	s25 =	simm.s32 $0x1B8E;
	s24 =	sld [smem:$0x3FFE];
	[sflag:s23] =	ssyncadd.s32 $0xFFFFFFFF  }
0xa5: {  	s26 =	simm.s32 $execute0_lowered;
	[smem:$0x3FD2] =	sst s25  }
0xa6: {  	s5 =	sshll.u32 s26, $0x1;
	_ =	strace $0x80000049;
	[dreg:$0x1] =	wrdreg $0xFFFFFFFF  }
0xa7: {  	s28 =	simm.s32 $_size_execute0_lowered;
	s3 =	sadd.s32 s3, s5;
	[dreg:$0x0] =	wrdreg $0x0  }
0xa8: {  	s5 =	sshll.u32 s28, $0x1;
	[dreg:$0x2] =	wrdreg s3  }
0xa9: {  	[dreg:$0x3] =	wrdreg s5  }
0xaa: {  	[dreg:$0x4] =	wrdreg $0xC0  }
0xab: {  	_ =	task [dreg:s7], $0x5FFFF  }
0xac: {  	[dreg:$0x1] =	wrdreg $0xFFFFFFFF  }
0xad: {  	[dreg:$0x0] =	wrdreg $0x60  }
0xae: {  	[dreg:$0x2] =	wrdreg s24  }
0xaf: {  	[dreg:$0x3] =	wrdreg s2  }
0xb0: {  	[dreg:$0x4] =	wrdreg $0x9  }
0xb1: {  	_ =	task.clear_ibuf [dreg:s7], $0x5FFFF;
	_ =	strace $0x90000049  }
0xb2: {  	s29 =	simm.s32 $0x9;
	_ =	strace $0x8000004B  }
0xb3: {  	_ =	swait.ge [sflag:s29], $0x1  }
0xb4: {  	[sflag:s29] =	ssyncadd.s32 $0xFFFFFFFF  }
0xb5: {  	_ =	strace $0x9000004B  }
0xb6: {  	_ =	sfence  }
0xb7: {  	s30 =	sld [smem:$0x0];
	_ =	sdelay $0x2  }
0xb8: {  	s31 =	sshll.u32 s1, $0xD;
	s1 =	sshrl.u32 s1, $0x2  }
0xb9: {  	s3 =	sand.u32 $0x4000, s31;
	s1 =	sadd.s32 s1, s30  }
0xba: {  	s0 =	sor.u32 s3, s0;
	s1 =	sshll.u32 s1, $0x11  }
0xbb: {  	s0 =	sor.u32 s1, s0  }
0xbc: {  	s0 =	sadd.s32 $0x8F2B, s0  }
0xbd: {  	[sflag:s0] =	ssyncadd.remote.s32 $0x1  }
0xbe: {  	_ =	sfence.sel $0xFFFF  }
0xbf: {  	[dreg:$0x0] =	wrdreg $0xFFFFFFFF;
	(pc) =	sbr.abs _section_cstart, $3  }
0xc0: {  	[dreg:$0x1] =	wrdreg $0xFFFFFFFF  }
0xc1: {  	_ =	task.clear_ibuf [dreg:s7], $0x2FFFF;
	_ =	strace $0x9FFFFFFF  }
0xc2: {  	(tm) =	ssettm $0x7FFFFFFF  }
0xc3: {  	_ =	shalt  }
tec
execute0_lowered:
.L_overlay_start_1:
0x0: {  	(tag) =	ssettag $0x1  }
0x1: {  	s0 =	rddreg [dreg:$0x0]  }
0x2: {  	s1 =	rddreg [dreg:$0x1];
	s3 =	srdreg.scid  }
0x3: {  	s5 =	stileid.u32;
	s2 =	simm.s32 $0x0;
	s15 =	simm.s32 $0x4100  }
0x4: {  	s20 =	simm.s32 $0xA100;
	s14 =	simm.s32 $0x17100;
	s16 =	simm.s32 $0x17900  }
0x5: {  	s17 =	simm.s32 $0x18100;
	s18 =	simm.s32 $0x18900;
	s19 =	simm.s32 $0x19100  }
0x6: {  	s21 =	simm.s32 $0x19900;
	s22 =	simm.s32 $0x1A100;
	s23 =	simm.s32 $0x1A900  }
0x7: {  	s24 =	simm.s32 $0x1B100;
	s25 =	simm.s32 $0x1B900;
	s26 =	simm.s32 $0x1  }
0x8: {  	s28 =	simm.s32 $0x0;
	s4 =	sand.u32 $0x1, s3;
	s29 =	sshll.u32 s5, $0x1  }
0x9: {  	[smem:$0x7FF] =	sst s2;
	s3 =	sadd.s32 $0xC1600, s0;
	s6 =	sor.u32 s4, s29  }
0xa: {  	_ =	strace $0x8000004A;
	s4 =	ssub.s32 $0x2, s4;
	s30 =	sshll.u32 s6, $0x4  }
0xb: {  	s7 =	sshll.u32 s6, $0xB;
	s8 =	sshrl.u32 s4, $0x1;
	s9 =	smul.u32 $0xC000, s6  }
0xc: {  	s10 =	smul.u32 $0x1800, s6;
	s5 =	sadd.s32 s30, s0;
	s7 =	sadd.s32 s7, s0  }
0xd: {  	s11 =	ssub.s32 s4, s8;
	s8 =	sadd.s32 $0xC1800, s0;
	s4 =	sadd.s32 $0x1200, s5  }
0xe: {  	v2 =	vlaneseq.u32;
	s5 =	sadd.s32 $0x1400, s5;
	s31 =	sshrl.u32 s9, $0x3;
	s6 =	sadd.s32 $0x1600, s7  }
0xf: {  	vm0 =	vmmov $0xffff;
	v1 =	vshrl.u32 v2, $0x3;
	s7 =	sadd.s32 $0xC1700, s0;
	s9 =	sadd.s32 s1, s10;
	s12 =	sadd.s32 s1, s31  }
0x10: {  	v0 =	vand.u32 $0x7, v2;
	v2 =	vor.u32 $0x8, v2;
	v1 =	vmul.u32 $0x8, v1;
	s11 =	smax.u32 s11, $0x1;
	s10 =	sadd.s32 $0xC00, s12;
	s12 =	simm.s32 $0x2  }
.LBB2_1:
0x11: {  	[tilespmem:s2], [sflag:$0x2] =	stream.linear.gather [hbm4b:s4+s2], $0x80, $0x38;
	[tilespmem:$0x1C100] =	vst v63  }
0x12: {  	_ =	swait.ge [sflag:s12], $0x80  }
0x13: {  	[sflag:s12] =	ssyncset.done $0x0  }
0x14: {  	s0 =	simm.s32 $0x80;
	[sflag:s12] =	ssyncadd.s32 $0xFFFFFF80  }
0x15: {  	[tilespmem:s0], [sflag:$0x2] =	stream.linear.gather [hbm4b:s5+s2], $0x80, $0x38;
	[tilespmem:$0x1C100] =	vst v63  }
0x16: {  	_ =	swait.ge [sflag:s12], $0x80  }
0x17: {  	[sflag:s12] =	ssyncset.done $0x0  }
0x18: {  	s1 =	simm.s32 $0x100;
	[sflag:s12] =	ssyncadd.s32 $0xFFFFFF80  }
0x19: {  	[tilespmem:s1], [sflag:$0x2] =	stream.linear.gather [hbm4b:s6+s2], $0x4000, $0x38;
	[tilespmem:$0x1C100] =	vst v63  }
0x1a: {  	_ =	swait.ge [sflag:s12], $0x4000  }
0x1b: {  	[sflag:s12] =	ssyncset.done $0x0  }
0x1c: {  	[sflag:s12] =	ssyncadd.s32 $0xFFFFC000  }
0x1d: {  	v3 =	vld [tilespmem:$0x0];
	_ =	sdelay $0x4  }
0x1e: {  	v4 =	vshrl.u32 v3, $0x3  }
0x1f: {  	v4 =	vmul.u32 $0x30, v4  }
0x20: {  	v3 =	vand.u32 $0x7, v3  }
0x21: {  	v3 =	vor.u32 v3, v4  }
0x22: {  	v4 =	vperm.xlane v3, v0;
	_ =	sdelay $0x1  }
0x23: {  	v4 =	vadd.s32 v1, v4;
	_ =	sdelay $0x3  }
0x24: {  	v3 =	vperm.xlane v3, v2  }
0x25: {  	[tilespmem:s15], [sflag:$0x1] =	stream.indirect_vreg.gather [hbm4b:s3+s2], $0x80, v4, vm0, $0xb8;
	[tilespmem:$0x1C100] =	vst v63  }
0x26: {  	s13 =	simm.s32 $0x4900;
	v3 =	vadd.s32 v1, v3  }
0x27: {  	[tilespmem:s13], [sflag:$0x1] =	stream.indirect_vreg.gather [hbm4b:s7+s2], $0x80, v4, vm0, $0xb8;
	[tilespmem:$0x1C100] =	vst v63  }
0x28: {  	s1 =	simm.s32 $0x5100  }
0x29: {  	[tilespmem:s1], [sflag:$0x1] =	stream.indirect_vreg.gather [hbm4b:s8+s2], $0x80, v4, vm0, $0xb8;
	[tilespmem:$0x1C100] =	vst v63  }
0x2a: {  	s13 =	simm.s32 $0x5900  }
0x2b: {  	[tilespmem:s13], [sflag:$0x1] =	stream.indirect_vreg.gather [hbm4b:s3+s2], $0x80, v3, vm0, $0xb8;
	[tilespmem:$0x1C100] =	vst v63  }
0x2c: {  	s1 =	simm.s32 $0x6100  }
0x2d: {  	[tilespmem:s1], [sflag:$0x1] =	stream.indirect_vreg.gather [hbm4b:s7+s2], $0x80, v3, vm0, $0xb8;
	[tilespmem:$0x1C100] =	vst v63  }
0x2e: {  	s13 =	simm.s32 $0x6900  }
0x2f: {  	[tilespmem:s13], [sflag:$0x1] =	stream.indirect_vreg.gather [hbm4b:s8+s2], $0x80, v3, vm0, $0xb8;
	[tilespmem:$0x1C100] =	vst v63  }
0x30: {  	v3 =	vld [tilespmem:$0x10];
	_ =	sdelay $0x4  }
0x31: {  	v4 =	vshrl.u32 v3, $0x3  }
0x32: {  	v4 =	vmul.u32 $0x30, v4  }
0x33: {  	v3 =	vand.u32 $0x7, v3  }
0x34: {  	v3 =	vor.u32 v3, v4  }
0x35: {  	v4 =	vperm.xlane v3, v0;
	_ =	sdelay $0x1  }
0x36: {  	v4 =	vadd.s32 v1, v4;
	_ =	sdelay $0x3  }
0x37: {  	s1 =	simm.s32 $0x7100;
	v3 =	vperm.xlane v3, v2  }
0x38: {  	[tilespmem:s1], [sflag:$0x1] =	stream.indirect_vreg.gather [hbm4b:s3+s2], $0x80, v4, vm0, $0xb8;
	[tilespmem:$0x1C100] =	vst v63  }
0x39: {  	s13 =	simm.s32 $0x7900;
	v3 =	vadd.s32 v1, v3  }
0x3a: {  	[tilespmem:s13], [sflag:$0x1] =	stream.indirect_vreg.gather [hbm4b:s7+s2], $0x80, v4, vm0, $0xb8;
	[tilespmem:$0x1C100] =	vst v63  }
0x3b: {  	s1 =	simm.s32 $0x8100  }
0x3c: {  	[tilespmem:s1], [sflag:$0x1] =	stream.indirect_vreg.gather [hbm4b:s8+s2], $0x80, v4, vm0, $0xb8;
	[tilespmem:$0x1C100] =	vst v63  }
0x3d: {  	s13 =	simm.s32 $0x8900  }
0x3e: {  	[tilespmem:s13], [sflag:$0x1] =	stream.indirect_vreg.gather [hbm4b:s3+s2], $0x80, v3, vm0, $0xb8;
	[tilespmem:$0x1C100] =	vst v63  }
0x3f: {  	s1 =	simm.s32 $0x9100  }
0x40: {  	[tilespmem:s1], [sflag:$0x1] =	stream.indirect_vreg.gather [hbm4b:s7+s2], $0x80, v3, vm0, $0xb8;
	[tilespmem:$0x1C100] =	vst v63  }
0x41: {  	s13 =	simm.s32 $0x9900  }
0x42: {  	[tilespmem:s13], [sflag:$0x1] =	stream.indirect_vreg.gather [hbm4b:s8+s2], $0x80, v3, vm0, $0xb8;
	[tilespmem:$0x1C100] =	vst v63  }
0x43: {  	v3 =	vld [tilespmem:$0x80];
	_ =	sdelay $0x4  }
0x44: {  	v4 =	vshrl.u32 v3, $0x3  }
0x45: {  	v4 =	vmul.u32 $0x30, v4  }
0x46: {  	v3 =	vand.u32 $0x7, v3  }
0x47: {  	v3 =	vor.u32 v3, v4  }
0x48: {  	v4 =	vperm.xlane v3, v0;
	_ =	sdelay $0x1  }
0x49: {  	v4 =	vadd.s32 v1, v4;
	_ =	sdelay $0x3  }
0x4a: {  	s1 =	simm.s32 $0x10100;
	v3 =	vperm.xlane v3, v2  }
0x4b: {  	[tilespmem:s1], [sflag:$0x1] =	stream.indirect_vreg.gather [hbm4b:s3+s2], $0x80, v4, vm0, $0xb8;
	[tilespmem:$0x1C100] =	vst v63  }
0x4c: {  	s13 =	simm.s32 $0x10900;
	v3 =	vadd.s32 v1, v3  }
0x4d: {  	[tilespmem:s13], [sflag:$0x1] =	stream.indirect_vreg.gather [hbm4b:s7+s2], $0x80, v4, vm0, $0xb8;
	[tilespmem:$0x1C100] =	vst v63  }
0x4e: {  	s1 =	simm.s32 $0x11100  }
0x4f: {  	[tilespmem:s1], [sflag:$0x1] =	stream.indirect_vreg.gather [hbm4b:s8+s2], $0x80, v4, vm0, $0xb8;
	[tilespmem:$0x1C100] =	vst v63  }
0x50: {  	s13 =	simm.s32 $0x11900  }
0x51: {  	[tilespmem:s13], [sflag:$0x1] =	stream.indirect_vreg.gather [hbm4b:s3+s2], $0x80, v3, vm0, $0xb8;
	[tilespmem:$0x1C100] =	vst v63  }
0x52: {  	s1 =	simm.s32 $0x12100  }
0x53: {  	[tilespmem:s1], [sflag:$0x1] =	stream.indirect_vreg.gather [hbm4b:s7+s2], $0x80, v3, vm0, $0xb8;
	[tilespmem:$0x1C100] =	vst v63  }
0x54: {  	s13 =	simm.s32 $0x12900  }
0x55: {  	[tilespmem:s13], [sflag:$0x1] =	stream.indirect_vreg.gather [hbm4b:s8+s2], $0x80, v3, vm0, $0xb8;
	[tilespmem:$0x1C100] =	vst v63  }
0x56: {  	v3 =	vld [tilespmem:$0x90];
	_ =	sdelay $0x4  }
0x57: {  	v4 =	vshrl.u32 v3, $0x3  }
0x58: {  	v4 =	vmul.u32 $0x30, v4  }
0x59: {  	v3 =	vand.u32 $0x7, v3  }
0x5a: {  	v3 =	vor.u32 v3, v4  }
0x5b: {  	v4 =	vperm.xlane v3, v0;
	_ =	sdelay $0x1  }
0x5c: {  	v4 =	vadd.s32 v1, v4;
	_ =	sdelay $0x3  }
0x5d: {  	s1 =	simm.s32 $0x13100;
	v3 =	vperm.xlane v3, v2  }
0x5e: {  	[tilespmem:s1], [sflag:$0x1] =	stream.indirect_vreg.gather [hbm4b:s3+s2], $0x80, v4, vm0, $0xb8;
	[tilespmem:$0x1C100] =	vst v63  }
0x5f: {  	s13 =	simm.s32 $0x13900;
	v3 =	vadd.s32 v1, v3  }
0x60: {  	[tilespmem:s13], [sflag:$0x1] =	stream.indirect_vreg.gather [hbm4b:s7+s2], $0x80, v4, vm0, $0xb8;
	[tilespmem:$0x1C100] =	vst v63  }
0x61: {  	s1 =	simm.s32 $0x14100  }
0x62: {  	[tilespmem:s1], [sflag:$0x1] =	stream.indirect_vreg.gather [hbm4b:s8+s2], $0x80, v4, vm0, $0xb8;
	[tilespmem:$0x1C100] =	vst v63  }
0x63: {  	s13 =	simm.s32 $0x14900  }
0x64: {  	[tilespmem:s13], [sflag:$0x1] =	stream.indirect_vreg.gather [hbm4b:s3+s2], $0x80, v3, vm0, $0xb8;
	[tilespmem:$0x1C100] =	vst v63  }
0x65: {  	s1 =	simm.s32 $0x15100  }
0x66: {  	[tilespmem:s1], [sflag:$0x1] =	stream.indirect_vreg.gather [hbm4b:s7+s2], $0x80, v3, vm0, $0xb8;
	[tilespmem:$0x1C100] =	vst v63  }
0x67: {  	s13 =	simm.s32 $0x15900  }
0x68: {  	[tilespmem:s13], [sflag:$0x1] =	stream.indirect_vreg.gather [hbm4b:s8+s2], $0x80, v3, vm0, $0xb8;
	[tilespmem:$0x1C100] =	vst v63  }
0x69: {  	v3 =	vld [tilespmem:$0x20];
	_ =	sdelay $0x4  }
0x6a: {  	v4 =	vshrl.u32 v3, $0x3  }
0x6b: {  	v4 =	vmul.u32 $0x30, v4  }
0x6c: {  	v3 =	vand.u32 $0x7, v3  }
0x6d: {  	v3 =	vor.u32 v3, v4  }
0x6e: {  	v4 =	vperm.xlane v3, v0;
	_ =	sdelay $0x1  }
0x6f: {  	v4 =	vadd.s32 v1, v4;
	_ =	sdelay $0x3  }
0x70: {  	v3 =	vperm.xlane v3, v2  }
0x71: {  	[tilespmem:s20], [sflag:$0x1] =	stream.indirect_vreg.gather [hbm4b:s3+s2], $0x80, v4, vm0, $0xb8;
	[tilespmem:$0x1C100] =	vst v63  }
0x72: {  	s1 =	simm.s32 $0xA900;
	v3 =	vadd.s32 v1, v3  }
0x73: {  	[tilespmem:s1], [sflag:$0x1] =	stream.indirect_vreg.gather [hbm4b:s7+s2], $0x80, v4, vm0, $0xb8;
	[tilespmem:$0x1C100] =	vst v63  }
0x74: {  	s13 =	simm.s32 $0xB100  }
0x75: {  	[tilespmem:s13], [sflag:$0x1] =	stream.indirect_vreg.gather [hbm4b:s8+s2], $0x80, v4, vm0, $0xb8;
	[tilespmem:$0x1C100] =	vst v63  }
0x76: {  	s1 =	simm.s32 $0xB900  }
0x77: {  	[tilespmem:s1], [sflag:$0x1] =	stream.indirect_vreg.gather [hbm4b:s3+s2], $0x80, v3, vm0, $0xb8;
	[tilespmem:$0x1C100] =	vst v63  }
0x78: {  	s13 =	simm.s32 $0xC100  }
0x79: {  	[tilespmem:s13], [sflag:$0x1] =	stream.indirect_vreg.gather [hbm4b:s7+s2], $0x80, v3, vm0, $0xb8;
	[tilespmem:$0x1C100] =	vst v63  }
0x7a: {  	s1 =	simm.s32 $0xC900  }
0x7b: {  	[tilespmem:s1], [sflag:$0x1] =	stream.indirect_vreg.gather [hbm4b:s8+s2], $0x80, v3, vm0, $0xb8;
	[tilespmem:$0x1C100] =	vst v63  }
0x7c: {  	v3 =	vld [tilespmem:$0x30];
	_ =	sdelay $0x4  }
0x7d: {  	v4 =	vshrl.u32 v3, $0x3  }
0x7e: {  	v4 =	vmul.u32 $0x30, v4  }
0x7f: {  	v3 =	vand.u32 $0x7, v3  }
0x80: {  	v3 =	vor.u32 v3, v4  }
0x81: {  	v4 =	vperm.xlane v3, v0;
	_ =	sdelay $0x1  }
0x82: {  	v4 =	vadd.s32 v1, v4;
	_ =	sdelay $0x3  }
0x83: {  	s13 =	simm.s32 $0xD100;
	v3 =	vperm.xlane v3, v2  }
0x84: {  	[tilespmem:s13], [sflag:$0x1] =	stream.indirect_vreg.gather [hbm4b:s3+s2], $0x80, v4, vm0, $0xb8;
	[tilespmem:$0x1C100] =	vst v63  }
0x85: {  	s1 =	simm.s32 $0xD900;
	v3 =	vadd.s32 v1, v3  }
0x86: {  	[tilespmem:s1], [sflag:$0x1] =	stream.indirect_vreg.gather [hbm4b:s7+s2], $0x80, v4, vm0, $0xb8;
	[tilespmem:$0x1C100] =	vst v63  }
0x87: {  	s13 =	simm.s32 $0xE100  }
0x88: {  	[tilespmem:s13], [sflag:$0x1] =	stream.indirect_vreg.gather [hbm4b:s8+s2], $0x80, v4, vm0, $0xb8;
	[tilespmem:$0x1C100] =	vst v63  }
0x89: {  	s1 =	simm.s32 $0xE900  }
0x8a: {  	[tilespmem:s1], [sflag:$0x1] =	stream.indirect_vreg.gather [hbm4b:s3+s2], $0x80, v3, vm0, $0xb8;
	[tilespmem:$0x1C100] =	vst v63  }
0x8b: {  	s13 =	simm.s32 $0xF100  }
0x8c: {  	[tilespmem:s13], [sflag:$0x1] =	stream.indirect_vreg.gather [hbm4b:s7+s2], $0x80, v3, vm0, $0xb8;
	[tilespmem:$0x1C100] =	vst v63  }
0x8d: {  	s1 =	simm.s32 $0xF900  }
0x8e: {  	[tilespmem:s1], [sflag:$0x1] =	stream.indirect_vreg.gather [hbm4b:s8+s2], $0x80, v3, vm0, $0xb8;
	[tilespmem:$0x1C100] =	vst v63  }
0x8f: {  	v3 =	vld [tilespmem:$0xA0];
	_ =	sdelay $0x4  }
0x90: {  	v4 =	vshrl.u32 v3, $0x3  }
0x91: {  	v4 =	vmul.u32 $0x30, v4  }
0x92: {  	v3 =	vand.u32 $0x7, v3  }
0x93: {  	v3 =	vor.u32 v3, v4  }
0x94: {  	v4 =	vperm.xlane v3, v0;
	_ =	sdelay $0x1  }
0x95: {  	v4 =	vadd.s32 v1, v4;
	_ =	sdelay $0x3  }
0x96: {  	s13 =	simm.s32 $0x16100;
	v3 =	vperm.xlane v3, v2  }
0x97: {  	[tilespmem:s13], [sflag:$0x1] =	stream.indirect_vreg.gather [hbm4b:s3+s2], $0x80, v4, vm0, $0xb8;
	[tilespmem:$0x1C100] =	vst v63  }
0x98: {  	s1 =	simm.s32 $0x16900;
	v3 =	vadd.s32 v1, v3  }
0x99: {  	[tilespmem:s1], [sflag:$0x1] =	stream.indirect_vreg.gather [hbm4b:s7+s2], $0x80, v4, vm0, $0xb8;
	[tilespmem:$0x1C100] =	vst v63  }
0x9a: {  	_ = 	snop  }
0x9b: {  	[tilespmem:s14], [sflag:$0x1] =	stream.indirect_vreg.gather [hbm4b:s8+s2], $0x80, v4, vm0, $0xb8;
	[tilespmem:$0x1C100] =	vst v63  }
0x9c: {  	_ = 	snop  }
0x9d: {  	[tilespmem:s16], [sflag:$0x1] =	stream.indirect_vreg.gather [hbm4b:s3+s2], $0x80, v3, vm0, $0xb8;
	[tilespmem:$0x1C100] =	vst v63  }
0x9e: {  	_ = 	snop  }
0x9f: {  	[tilespmem:s17], [sflag:$0x1] =	stream.indirect_vreg.gather [hbm4b:s7+s2], $0x80, v3, vm0, $0xb8;
	[tilespmem:$0x1C100] =	vst v63  }
0xa0: {  	_ = 	snop  }
0xa1: {  	[tilespmem:s18], [sflag:$0x1] =	stream.indirect_vreg.gather [hbm4b:s8+s2], $0x80, v3, vm0, $0xb8;
	[tilespmem:$0x1C100] =	vst v63  }
0xa2: {  	v3 =	vld [tilespmem:$0xB0];
	_ =	sdelay $0x4  }
0xa3: {  	v4 =	vshrl.u32 v3, $0x3  }
0xa4: {  	v4 =	vmul.u32 $0x30, v4  }
0xa5: {  	v3 =	vand.u32 $0x7, v3  }
0xa6: {  	v3 =	vor.u32 v3, v4  }
0xa7: {  	v4 =	vperm.xlane v3, v0;
	_ =	sdelay $0x1  }
0xa8: {  	v4 =	vadd.s32 v1, v4;
	_ =	sdelay $0x3  }
0xa9: {  	v3 =	vperm.xlane v3, v2  }
0xaa: {  	[tilespmem:s19], [sflag:$0x1] =	stream.indirect_vreg.gather [hbm4b:s3+s2], $0x80, v4, vm0, $0xb8;
	[tilespmem:$0x1C100] =	vst v63  }
0xab: {  	v3 =	vadd.s32 v1, v3  }
0xac: {  	[tilespmem:s21], [sflag:$0x1] =	stream.indirect_vreg.gather [hbm4b:s7+s2], $0x80, v4, vm0, $0xb8;
	[tilespmem:$0x1C100] =	vst v63  }
0xad: {  	_ = 	snop  }
0xae: {  	[tilespmem:s22], [sflag:$0x1] =	stream.indirect_vreg.gather [hbm4b:s8+s2], $0x80, v4, vm0, $0xb8;
	[tilespmem:$0x1C100] =	vst v63  }
0xaf: {  	_ = 	snop  }
0xb0: {  	[tilespmem:s23], [sflag:$0x1] =	stream.indirect_vreg.gather [hbm4b:s3+s2], $0x80, v3, vm0, $0xb8;
	[tilespmem:$0x1C100] =	vst v63  }
0xb1: {  	_ = 	snop  }
0xb2: {  	[tilespmem:s24], [sflag:$0x1] =	stream.indirect_vreg.gather [hbm4b:s7+s2], $0x80, v3, vm0, $0xb8;
	[tilespmem:$0x1C100] =	vst v63  }
0xb3: {  	_ = 	snop  }
0xb4: {  	[tilespmem:s25], [sflag:$0x1] =	stream.indirect_vreg.gather [hbm4b:s8+s2], $0x80, v3, vm0, $0xb8;
	[tilespmem:$0x1C100] =	vst v63  }
0xb5: {  	_ =	swait.ge [sflag:s26], $0x6000  }
0xb6: {  	[sflag:s26] =	ssyncset.done $0x0  }
0xb7: {  	s13 =	simm.s32 $0x0;
	[sflag:s26] =	ssyncadd.s32 $0xFFFFA000  }
0xb8: {  	s0 =	smul.u32 $0x1800, s13;
	_ =	swait.ge [sflag:s26], $0x6000  }
0xb9: {  	s29 =	sand.u32 $0x380, s2;
	[sflag:s26] =	ssyncset.done $0x0  }
0xba: {  	s0 =	sor.u32 s29, s0;
	[sflag:s26] =	ssyncadd.s32 $0xFFFFA000  }
0xbb: {  	v4 =	vld [tilespmem:s0+$0x4110]  }
0xbc: {  	v3 =	vld [tilespmem:s0+$0x10110]  }
0xbd: {  	v6 =	vld [tilespmem:s0+$0x4120]  }
0xbe: {  	v5 =	vld [tilespmem:s0+$0x10120]  }
0xbf: {  	v10 =	vld [tilespmem:s0+$0x4130]  }
0xc0: {  	v7 =	vld [tilespmem:s0+$0x10130]  }
0xc1: {  	v12 =	vld [tilespmem:s0+$0x4140]  }
0xc2: {  	v11 =	vld [tilespmem:s0+$0x10140]  }
0xc3: {  	v13 =	vld [tilespmem:s0+$0x4160]  }
0xc4: {  	v14 =	vld [tilespmem:s0+$0x4170]  }
0xc5: {  	v15 =	vld [tilespmem:s0+$0x4500]  }
0xc6: {  	v16 =	vld [tilespmem:s0+$0x4510]  }
0xc7: {  	v17 =	vld [tilespmem:s0+$0x4520]  }
0xc8: {  	v18 =	vld [tilespmem:s0+$0x4530]  }
0xc9: {  	v19 =	vld [tilespmem:s0+$0x4540]  }
0xca: {  	v20 =	vld [tilespmem:s0+$0x4550]  }
0xcb: {  	v21 =	vld [tilespmem:s0+$0x4560]  }
0xcc: {  	v22 =	vld [tilespmem:s0+$0x4570]  }
0xcd: {  	v23 =	vld [tilespmem:s0+$0x4900]  }
0xce: {  	v24 =	vld [tilespmem:s0+$0x4910]  }
0xcf: {  	v25 =	vld [tilespmem:s0+$0x4920]  }
0xd0: {  	v26 =	vld [tilespmem:s0+$0x4930]  }
0xd1: {  	v27 =	vld [tilespmem:s0+$0x4940]  }
0xd2: {  	v28 =	vld [tilespmem:s0+$0x4950]  }
0xd3: {  	v29 =	vld [tilespmem:s0+$0x4960]  }
0xd4: {  	v30 =	vld [tilespmem:s0+$0x4970]  }
0xd5: {  	v31 =	vld [tilespmem:s0+$0x4D00]  }
0xd6: {  	v32 =	vld [tilespmem:s0+$0x4D10]  }
0xd7: {  	v33 =	vld [tilespmem:s0+$0x4D20]  }
0xd8: {  	v34 =	vld [tilespmem:s0+$0x4D30]  }
0xd9: {  	v35 =	vld [tilespmem:s0+$0x4D40]  }
0xda: {  	v36 =	vld [tilespmem:s0+$0x4D50]  }
0xdb: {  	v37 =	vld [tilespmem:s0+$0x4D60]  }
0xdc: {  	v38 =	vld [tilespmem:s0+$0x4D70]  }
0xdd: {  	v39 =	vld [tilespmem:s0+$0x5100]  }
0xde: {  	v40 =	vld [tilespmem:s0+$0x5110]  }
0xdf: {  	v41 =	vld [tilespmem:s0+$0x5120]  }
0xe0: {  	v42 =	vld [tilespmem:s0+$0x5130]  }
0xe1: {  	v43 =	vld [tilespmem:s0+$0x5140]  }
0xe2: {  	v44 =	vld [tilespmem:s0+$0x5150]  }
0xe3: {  	v45 =	vld [tilespmem:s0+$0x5160]  }
0xe4: {  	v46 =	vld [tilespmem:s0+$0x5500]  }
0xe5: {  	v47 =	vld [tilespmem:s0+$0x5510]  }
0xe6: {  	v48 =	vld [tilespmem:s0+$0x11510]  }
0xe7: {  	v49 =	vld [tilespmem:s0+$0x11530]  }
0xe8: {  	v50 =	vld [tilespmem:s0+$0x5530]  }
0xe9: {  	s30 =	simm.s32 $0x180;
	v51 =	vld [tilespmem:s0+$0x5520]  }
0xea: {  	v8 =	vld [tilespmem:s30+$0xFFFFFF80]  }
0xeb: {  	v9 =	vld [tilespmem:s30+$0x0]  }
0xec: {  	v52 =	vld [tilespmem:s0+$0x11520]  }
0xed: {  	v53 =	vld [tilespmem:s0+$0x11500]  }
0xee: {  	v54 =	vld [tilespmem:s0+$0x5170]  }
0xef: {  	v55 =	vld [tilespmem:s0+$0x11170];
	v50 =	vmul.f32 v50, v8  }
0xf0: {  	v56 =	vld [tilespmem:s0+$0x11160];
	v49 =	vmul.f32 v49, v9;
	v51 =	vmul.f32 v51, v8  }
0xf1: {  	v61 =	vld [tilespmem:s0+$0x11100];
	v52 =	vmul.f32 v52, v9;
	v47 =	vmul.f32 v47, v8  }
0xf2: {  	v57 =	vld [tilespmem:s0+$0x11150];
	v48 =	vmul.f32 v48, v9;
	v46 =	vmul.f32 v46, v8;
	v49 =	vadd.f32 v49, v50  }
0xf3: {  	v58 =	vld [tilespmem:s0+$0x11140];
	v62 =	vmul.f32 v53, v9;
	v63 =	vmul.f32 v54, v8;
	v51 =	vadd.f32 v52, v51  }
0xf4: {  	v53 =	vld [tilespmem:s0+$0x11130];
	v59 =	vmul.f32 v55, v9;
	v45 =	vmul.f32 v45, v8;
	v47 =	vadd.f32 v48, v47;
	[tilespmem:s0+$0x5530] =	vst v49  }
0xf5: {  	v60 =	vmul.f32 v56, v9;
	v56 =	vld [tilespmem:s0+$0x10D60];
	v39 =	vmul.f32 v39, v8;
	v46 =	vadd.f32 v62, v46;
	[tilespmem:s0+$0x5520] =	vst v51  }
0xf6: {  	v61 =	vmul.f32 v61, v9;
	v55 =	vld [tilespmem:s0+$0x10970];
	v12 =	vmul.f32 v12, v8;
	v52 =	vadd.f32 v59, v63;
	[tilespmem:s0+$0x5510] =	vst v47  }
0xf7: {  	v11 =	vmul.f32 v11, v9;
	v10 =	vmul.f32 v10, v8;
	v48 =	vld [tilespmem:s0+$0x11120];
	v45 =	vadd.f32 v60, v45;
	[tilespmem:s0+$0x5500] =	vst v46  }
0xf8: {  	v7 =	vmul.f32 v7, v9;
	v63 =	vmul.f32 v58, v9;
	v58 =	vld [tilespmem:s0+$0x10D50];
	v39 =	vadd.f32 v61, v39;
	[tilespmem:s0+$0x5170] =	vst v52  }
0xf9: {  	v44 =	vmul.f32 v44, v8;
	v62 =	vmul.f32 v57, v9;
	v59 =	vld [tilespmem:s0+$0x10D40];
	v11 =	vadd.f32 v11, v12;
	[tilespmem:s0+$0x5160] =	vst v45  }
0xfa: {  	v43 =	vmul.f32 v43, v8;
	v60 =	vld [tilespmem:s0+$0x10D30];
	v7 =	vadd.f32 v7, v10;
	[tilespmem:s0+$0x5100] =	vst v39  }
0xfb: {  	v42 =	vmul.f32 v42, v8;
	v61 =	vld [tilespmem:s0+$0x10910];
	v44 =	vadd.f32 v62, v44;
	[tilespmem:s0+$0x4140] =	vst v11;
	v57 =	vmul.f32 v53, v9  }
0xfc: {  	v37 =	vmul.f32 v37, v8;
	v49 =	vld [tilespmem:s0+$0x11110];
	v43 =	vadd.f32 v63, v43;
	[tilespmem:s0+$0x4130] =	vst v7;
	v46 =	vmul.f32 v56, v9  }
0xfd: {  	v41 =	vmul.f32 v41, v8;
	v47 =	vld [tilespmem:s0+$0x10D70];
	[tilespmem:s0+$0x5150] =	vst v44;
	v48 =	vmul.f32 v48, v9;
	v42 =	vadd.f32 v57, v42  }
0xfe: {  	v36 =	vmul.f32 v36, v8;
	v62 =	vld [tilespmem:s0+$0x10D20];
	[tilespmem:s0+$0x5140] =	vst v43;
	v54 =	vmul.f32 v58, v9;
	v37 =	vadd.f32 v46, v37  }
0xff: {  	v35 =	vmul.f32 v35, v8;
	v63 =	vld [tilespmem:s0+$0x10D10];
	v45 =	vmul.f32 v59, v9;
	v41 =	vadd.f32 v48, v41;
	[tilespmem:s0+$0x5130] =	vst v42  }
0x100: {  	v34 =	vmul.f32 v34, v8;
	v56 =	vld [tilespmem:s0+$0x10960];
	v44 =	vmul.f32 v60, v9;
	v36 =	vadd.f32 v54, v36;
	[tilespmem:s0+$0x4D60] =	vst v37  }
0x101: {  	v40 =	vmul.f32 v40, v8;
	v53 =	vld [tilespmem:s0+$0x10D00];
	v49 =	vmul.f32 v49, v9;
	v35 =	vadd.f32 v45, v35;
	[tilespmem:s0+$0x5120] =	vst v41  }
0x102: {  	v38 =	vmul.f32 v38, v8;
	v12 =	vld [tilespmem:s0+$0x5560];
	v47 =	vmul.f32 v47, v9;
	v34 =	vadd.f32 v44, v34;
	[tilespmem:s0+$0x4D50] =	vst v36  }
0x103: {  	v33 =	vmul.f32 v33, v8;
	v58 =	vld [tilespmem:s0+$0x10940];
	v43 =	vmul.f32 v62, v9;
	v40 =	vadd.f32 v49, v40;
	[tilespmem:s0+$0x4D40] =	vst v35  }
0x104: {  	v32 =	vmul.f32 v32, v8;
	v57 =	vld [tilespmem:s0+$0x10950];
	v42 =	vmul.f32 v63, v9;
	v38 =	vadd.f32 v47, v38;
	[tilespmem:s0+$0x4D30] =	vst v34  }
0x105: {  	v29 =	vmul.f32 v29, v8;
	v60 =	vld [tilespmem:s0+$0x10920];
	v39 =	vmul.f32 v56, v9;
	v33 =	vadd.f32 v43, v33;
	[tilespmem:s0+$0x5110] =	vst v40  }
0x106: {  	v31 =	vmul.f32 v31, v8;
	v59 =	vld [tilespmem:s0+$0x10930];
	v41 =	vmul.f32 v53, v9;
	v32 =	vadd.f32 v42, v32;
	[tilespmem:s0+$0x4D70] =	vst v38  }
0x107: {  	v24 =	vmul.f32 v24, v8;
	v62 =	vld [tilespmem:s0+$0x10900];
	v34 =	vmul.f32 v61, v9;
	v29 =	vadd.f32 v39, v29;
	[tilespmem:s0+$0x4D20] =	vst v33  }
0x108: {  	v27 =	vmul.f32 v27, v8;
	v63 =	vld [tilespmem:s0+$0x10570];
	v37 =	vmul.f32 v58, v9;
	v31 =	vadd.f32 v41, v31;
	[tilespmem:s0+$0x4D10] =	vst v32  }
0x109: {  	v30 =	vmul.f32 v30, v8;
	v40 =	vmul.f32 v55, v9;
	v24 =	vadd.f32 v34, v24;
	[tilespmem:s0+$0x4960] =	vst v29;
	v29 =	vld [tilespmem:s0+$0x10540]  }
0x10a: {  	v25 =	vmul.f32 v25, v8;
	v35 =	vmul.f32 v60, v9;
	v27 =	vadd.f32 v37, v27;
	[tilespmem:s0+$0x4D00] =	vst v31;
	v31 =	vld [tilespmem:s0+$0x10560]  }
0x10b: {  	v28 =	vmul.f32 v28, v8;
	v38 =	vmul.f32 v57, v9;
	v30 =	vadd.f32 v40, v30;
	[tilespmem:s0+$0x4910] =	vst v24;
	v24 =	vld [tilespmem:s0+$0x10170]  }
0x10c: {  	v23 =	vmul.f32 v23, v8;
	v33 =	vmul.f32 v62, v9;
	v25 =	vadd.f32 v35, v25;
	[tilespmem:s0+$0x4940] =	vst v27;
	v27 =	vld [tilespmem:s0+$0x10520]  }
0x10d: {  	v26 =	vmul.f32 v26, v8;
	v36 =	vmul.f32 v59, v9;
	v28 =	vadd.f32 v38, v28;
	[tilespmem:s0+$0x4970] =	vst v30;
	v30 =	vld [tilespmem:s0+$0x10550]  }
0x10e: {  	v22 =	vmul.f32 v22, v8;
	v32 =	vmul.f32 v63, v9;
	v23 =	vadd.f32 v33, v23;
	[tilespmem:s0+$0x4920] =	vst v25;
	v25 =	vld [tilespmem:s0+$0x10500]  }
0x10f: {  	v19 =	vmul.f32 v19, v8;
	v26 =	vadd.f32 v36, v26;
	[tilespmem:s0+$0x4950] =	vst v28;
	v28 =	vld [tilespmem:s0+$0x10530];
	v29 =	vmul.f32 v29, v9  }
0x110: {  	v21 =	vmul.f32 v21, v8;
	v22 =	vadd.f32 v32, v22;
	[tilespmem:s0+$0x4900] =	vst v23;
	v23 =	vld [tilespmem:s0+$0x10160];
	v31 =	vmul.f32 v31, v9  }
0x111: {  	v17 =	vmul.f32 v17, v8;
	[tilespmem:s0+$0x4930] =	vst v26;
	v26 =	vld [tilespmem:s0+$0x10510];
	v27 =	vmul.f32 v27, v9;
	v19 =	vadd.f32 v29, v19  }
0x112: {  	v20 =	vmul.f32 v20, v8;
	[tilespmem:s0+$0x4570] =	vst v22;
	v22 =	vld [tilespmem:s0+$0x4150];
	v30 =	vmul.f32 v30, v9;
	v21 =	vadd.f32 v31, v21  }
0x113: {  	v15 =	vmul.f32 v15, v8;
	v25 =	vmul.f32 v25, v9;
	v17 =	vadd.f32 v27, v17;
	[tilespmem:s0+$0x4540] =	vst v19;
	v19 =	vld [tilespmem:s0+$0x11550]  }
0x114: {  	v18 =	vmul.f32 v18, v8;
	v28 =	vmul.f32 v28, v9;
	v20 =	vadd.f32 v30, v20;
	[tilespmem:s0+$0x4560] =	vst v21;
	v21 =	vld [tilespmem:s0+$0x10150]  }
0x115: {  	v13 =	vmul.f32 v13, v8;
	v23 =	vmul.f32 v23, v9;
	v15 =	vadd.f32 v25, v15;
	[tilespmem:s0+$0x4520] =	vst v17;
	v17 =	vld [tilespmem:s0+$0x5540]  }
0x116: {  	v6 =	vmul.f32 v6, v8;
	v5 =	vmul.f32 v5, v9;
	v18 =	vadd.f32 v28, v18;
	[tilespmem:s0+$0x4550] =	vst v20;
	v20 =	vld [tilespmem:s0+$0x11540]  }
0x117: {  	v14 =	vmul.f32 v14, v8;
	v24 =	vmul.f32 v24, v9;
	v13 =	vadd.f32 v23, v13;
	[tilespmem:s0+$0x4500] =	vst v15;
	v15 =	vld [tilespmem:s0+$0x5550]  }
0x118: {  	v4 =	vmul.f32 v4, v8;
	v3 =	vmul.f32 v3, v9;
	v5 =	vadd.f32 v5, v6;
	[tilespmem:s0+$0x4530] =	vst v18;
	v18 =	vld [tilespmem:s0+$0x11560]  }
0x119: {  	v6 =	vld [tilespmem:s0+$0x4100];
	v14 =	vadd.f32 v24, v14;
	v10 =	vmul.f32 v22, v8;
	[tilespmem:s0+$0x4160] =	vst v13;
	v13 =	vmul.f32 v21, v9  }
0x11a: {  	s29 =	simm.s32 $0x0;
	v16 =	vmul.f32 v16, v8;
	v3 =	vadd.f32 v3, v4;
	v7 =	vld [tilespmem:s0+$0x10100];
	[tilespmem:s0+$0x4120] =	vst v5;
	v26 =	vmul.f32 v26, v9  }
0x11b: {  	s31 =	simm.s32 $0x80;
	s29 =	smul.u32 $0x1800, s29;
	[tilespmem:s0+$0x4170] =	vst v14;
	v14 =	vld [tilespmem:s0+$0x5570];
	v11 =	vmul.f32 v17, v8;
	v17 =	vmul.f32 v20, v9;
	v4 =	vadd.f32 v13, v10  }
0x11c: {  	s1 =	sand.u32 $0x380, s31;
	[tilespmem:s0+$0x4110] =	vst v3;
	v16 =	vadd.f32 v26, v16;
	v5 =	vmul.f32 v15, v8;
	v10 =	vmul.f32 v19, v9  }
0x11d: {  	s29 =	sor.u32 s1, s29;
	v11 =	vadd.f32 v17, v11;
	[tilespmem:s0+$0x4150] =	vst v4;
	v4 =	vmul.f32 v12, v8;
	v12 =	vmul.f32 v18, v9  }
0x11e: {  	v3 =	vld [tilespmem:s29+$0x4110];
	[tilespmem:s0+$0x4510] =	vst v16;
	v5 =	vadd.f32 v10, v5  }
0x11f: {  	v7 =	vmul.f32 v7, v9;
	v16 =	vld [tilespmem:s0+$0x11570];
	[tilespmem:s0+$0x5540] =	vst v11;
	v12 =	vadd.f32 v12, v4  }
0x120: {  	v10 =	vmul.f32 v14, v8;
	v8 =	vmul.f32 v6, v8;
	v4 =	vld [tilespmem:s29+$0x10110];
	[tilespmem:s0+$0x5550] =	vst v5  }
0x121: {  	v6 =	vld [tilespmem:s29+$0x4120];
	[tilespmem:s0+$0x5560] =	vst v12  }
0x122: {  	v7 =	vadd.f32 v7, v8;
	v5 =	vld [tilespmem:s29+$0x10120]  }
0x123: {  	v8 =	vld [tilespmem:s29+$0x4130]  }
0x124: {  	[tilespmem:s0+$0x4100] =	vst v7;
	v18 =	vld [tilespmem:s29+$0x4530]  }
0x125: {  	v11 =	vmul.f32 v16, v9;
	v26 =	vld [tilespmem:s29+$0x4930]  }
0x126: {  	v36 =	vld [tilespmem:s29+$0x4D30]  }
0x127: {  	v9 =	vadd.f32 v11, v10;
	v44 =	vld [tilespmem:s29+$0x5130]  }
0x128: {  	v48 =	vld [tilespmem:s29+$0x5500]  }
0x129: {  	[tilespmem:s0+$0x5570] =	vst v9;
	v50 =	vld [tilespmem:s29+$0x5510]  }
0x12a: {  	v7 =	vld [tilespmem:s29+$0x10130]  }
0x12b: {  	v10 =	vld [tilespmem:s29+$0x4140]  }
0x12c: {  	v9 =	vld [tilespmem:s29+$0x10140]  }
0x12d: {  	v12 =	vld [tilespmem:s29+$0x4150]  }
0x12e: {  	v11 =	vld [tilespmem:s29+$0x10150]  }
0x12f: {  	v13 =	vld [tilespmem:s29+$0x4160]  }
0x130: {  	v14 =	vld [tilespmem:s29+$0x4170]  }
0x131: {  	v15 =	vld [tilespmem:s29+$0x4500]  }
0x132: {  	v16 =	vld [tilespmem:s29+$0x4510]  }
0x133: {  	v17 =	vld [tilespmem:s29+$0x4520]  }
0x134: {  	v19 =	vld [tilespmem:s29+$0x4540]  }
0x135: {  	v20 =	vld [tilespmem:s29+$0x4550]  }
0x136: {  	v21 =	vld [tilespmem:s29+$0x4560]  }
0x137: {  	v22 =	vld [tilespmem:s29+$0x4570]  }
0x138: {  	v23 =	vld [tilespmem:s29+$0x4900]  }
0x139: {  	v24 =	vld [tilespmem:s29+$0x4910]  }
0x13a: {  	v25 =	vld [tilespmem:s29+$0x4920]  }
0x13b: {  	v27 =	vld [tilespmem:s29+$0x4940]  }
0x13c: {  	v28 =	vld [tilespmem:s29+$0x4950]  }
0x13d: {  	v29 =	vld [tilespmem:s29+$0x4960]  }
0x13e: {  	v30 =	vld [tilespmem:s29+$0x4970]  }
0x13f: {  	v32 =	vld [tilespmem:s29+$0x4D00]  }
0x140: {  	v34 =	vld [tilespmem:s29+$0x4D10]  }
0x141: {  	v35 =	vld [tilespmem:s29+$0x4D20]  }
0x142: {  	v37 =	vld [tilespmem:s29+$0x4D40]  }
0x143: {  	v38 =	vld [tilespmem:s29+$0x4D50]  }
0x144: {  	v39 =	vld [tilespmem:s29+$0x4D60]  }
0x145: {  	v40 =	vld [tilespmem:s29+$0x4D70]  }
0x146: {  	v41 =	vld [tilespmem:s29+$0x5100]  }
0x147: {  	v42 =	vld [tilespmem:s29+$0x5110]  }
0x148: {  	v43 =	vld [tilespmem:s29+$0x5120]  }
0x149: {  	v45 =	vld [tilespmem:s29+$0x5140]  }
0x14a: {  	v46 =	vld [tilespmem:s29+$0x5150]  }
0x14b: {  	v47 =	vld [tilespmem:s29+$0x5160]  }
0x14c: {  	v49 =	vld [tilespmem:s29+$0x11510]  }
0x14d: {  	s0 =	simm.s32 $0x2;
	v51 =	vld [tilespmem:s29+$0x11530]  }
.LBB2_2:
0x14e: {  	p0 =	sne.s32 s0, $0x1F;
	v52 =	vld [tilespmem:s29+$0x5530]  }
0x14f: {  	s30 =	sadd.s32 $0x100, s30;
	v53 =	vld [tilespmem:s29+$0x5520]  }
0x150: {  	v33 =	vld [tilespmem:s30+$0xFFFFFF80]  }
0x151: {  	v31 =	vld [tilespmem:s30+$0x0]  }
0x152: {  	v54 =	vld [tilespmem:s29+$0x11520]  }
0x153: {  	v55 =	vld [tilespmem:s29+$0x11500]  }
0x154: {  	v56 =	vld [tilespmem:s29+$0x5170]  }
0x155: {  	v57 =	vld [tilespmem:s29+$0x11170];
	v50 =	vmul.f32 v50, v33;
	v53 =	vmul.f32 v53, v33  }
0x156: {  	v52 =	vmul.f32 v52, v33;
	v58 =	vld [tilespmem:s29+$0x11160];
	v51 =	vmul.f32 v51, v31  }
0x157: {  	v49 =	vmul.f32 v49, v31;
	v59 =	vld [tilespmem:s29+$0x11150];
	v54 =	vmul.f32 v54, v31  }
0x158: {  	v48 =	vmul.f32 v48, v33;
	v60 =	vld [tilespmem:s29+$0x11140];
	v55 =	vmul.f32 v55, v31;
	v51 =	vadd.f32 v51, v52  }
0x159: {  	v49 =	vadd.f32 v49, v50;
	v52 =	vld [tilespmem:s29+$0x11130];
	v56 =	vmul.f32 v56, v33;
	v50 =	vadd.f32 v54, v53  }
0x15a: {  	v47 =	vmul.f32 v47, v33;
	v53 =	vld [tilespmem:s29+$0x11120];
	v54 =	vmul.f32 v57, v31;
	v48 =	vadd.f32 v55, v48;
	[tilespmem:s29+$0x5530] =	vst v51  }
0x15b: {  	v46 =	vmul.f32 v46, v33;
	v51 =	vld [tilespmem:s29+$0x11110];
	v55 =	vmul.f32 v58, v31;
	[tilespmem:s29+$0x5520] =	vst v50  }
0x15c: {  	v45 =	vmul.f32 v45, v33;
	v50 =	vld [tilespmem:s29+$0x11100];
	v57 =	vmul.f32 v59, v31;
	v54 =	vadd.f32 v54, v56;
	[tilespmem:s29+$0x5510] =	vst v49  }
0x15d: {  	v44 =	vmul.f32 v44, v33;
	v49 =	vld [tilespmem:s29+$0x10D70];
	v56 =	vmul.f32 v60, v31;
	v47 =	vadd.f32 v55, v47;
	[tilespmem:s29+$0x5500] =	vst v48  }
0x15e: {  	v43 =	vmul.f32 v43, v33;
	v48 =	vld [tilespmem:s29+$0x10D60];
	v52 =	vmul.f32 v52, v31;
	v46 =	vadd.f32 v57, v46;
	[tilespmem:s29+$0x5170] =	vst v54  }
0x15f: {  	v42 =	vmul.f32 v42, v33;
	v54 =	vld [tilespmem:s29+$0x10D50];
	v53 =	vmul.f32 v53, v31;
	v45 =	vadd.f32 v56, v45;
	[tilespmem:s29+$0x5160] =	vst v47  }
0x160: {  	v41 =	vmul.f32 v41, v33;
	v47 =	vld [tilespmem:s29+$0x10D40];
	v51 =	vmul.f32 v51, v31;
	v44 =	vadd.f32 v52, v44;
	[tilespmem:s29+$0x5150] =	vst v46  }
0x161: {  	v40 =	vmul.f32 v40, v33;
	v46 =	vld [tilespmem:s29+$0x10D30];
	v50 =	vmul.f32 v50, v31;
	v43 =	vadd.f32 v53, v43;
	[tilespmem:s29+$0x5140] =	vst v45  }
0x162: {  	v39 =	vmul.f32 v39, v33;
	v45 =	vld [tilespmem:s29+$0x10D20];
	v49 =	vmul.f32 v49, v31;
	v42 =	vadd.f32 v51, v42;
	[tilespmem:s29+$0x5130] =	vst v44  }
0x163: {  	v38 =	vmul.f32 v38, v33;
	v44 =	vld [tilespmem:s29+$0x10D10];
	v48 =	vmul.f32 v48, v31;
	v41 =	vadd.f32 v50, v41;
	[tilespmem:s29+$0x5120] =	vst v43  }
0x164: {  	v37 =	vmul.f32 v37, v33;
	v43 =	vld [tilespmem:s29+$0x10D00];
	v50 =	vmul.f32 v54, v31;
	v40 =	vadd.f32 v49, v40;
	[tilespmem:s29+$0x5110] =	vst v42  }
0x165: {  	v36 =	vmul.f32 v36, v33;
	v42 =	vld [tilespmem:s29+$0x10970];
	v47 =	vmul.f32 v47, v31;
	v39 =	vadd.f32 v48, v39;
	[tilespmem:s29+$0x5100] =	vst v41  }
0x166: {  	v35 =	vmul.f32 v35, v33;
	v41 =	vld [tilespmem:s29+$0x10960];
	v46 =	vmul.f32 v46, v31;
	v38 =	vadd.f32 v50, v38;
	[tilespmem:s29+$0x4D70] =	vst v40  }
0x167: {  	v34 =	vmul.f32 v34, v33;
	v40 =	vld [tilespmem:s29+$0x10950];
	v45 =	vmul.f32 v45, v31;
	v37 =	vadd.f32 v47, v37;
	[tilespmem:s29+$0x4D60] =	vst v39  }
0x168: {  	v32 =	vmul.f32 v32, v33;
	v39 =	vld [tilespmem:s29+$0x10940];
	v44 =	vmul.f32 v44, v31;
	v36 =	vadd.f32 v46, v36;
	[tilespmem:s29+$0x4D50] =	vst v38  }
0x169: {  	v30 =	vmul.f32 v30, v33;
	v38 =	vld [tilespmem:s29+$0x10930];
	v43 =	vmul.f32 v43, v31;
	v35 =	vadd.f32 v45, v35;
	[tilespmem:s29+$0x4D40] =	vst v37  }
0x16a: {  	v29 =	vmul.f32 v29, v33;
	v37 =	vld [tilespmem:s29+$0x10920];
	v42 =	vmul.f32 v42, v31;
	v34 =	vadd.f32 v44, v34;
	[tilespmem:s29+$0x4D30] =	vst v36  }
0x16b: {  	v28 =	vmul.f32 v28, v33;
	v36 =	vld [tilespmem:s29+$0x10910];
	v41 =	vmul.f32 v41, v31;
	v32 =	vadd.f32 v43, v32;
	[tilespmem:s29+$0x4D20] =	vst v35  }
0x16c: {  	v27 =	vmul.f32 v27, v33;
	v35 =	vld [tilespmem:s29+$0x10900];
	v40 =	vmul.f32 v40, v31;
	v30 =	vadd.f32 v42, v30;
	[tilespmem:s29+$0x4D10] =	vst v34  }
0x16d: {  	v26 =	vmul.f32 v26, v33;
	v34 =	vld [tilespmem:s29+$0x10570];
	v39 =	vmul.f32 v39, v31;
	v29 =	vadd.f32 v41, v29;
	[tilespmem:s29+$0x4D00] =	vst v32  }
0x16e: {  	v25 =	vmul.f32 v25, v33;
	v32 =	vld [tilespmem:s29+$0x10560];
	v38 =	vmul.f32 v38, v31;
	v28 =	vadd.f32 v40, v28;
	[tilespmem:s29+$0x4970] =	vst v30  }
0x16f: {  	v24 =	vmul.f32 v24, v33;
	v30 =	vld [tilespmem:s29+$0x10550];
	v37 =	vmul.f32 v37, v31;
	v27 =	vadd.f32 v39, v27;
	[tilespmem:s29+$0x4960] =	vst v29  }
0x170: {  	v23 =	vmul.f32 v23, v33;
	v29 =	vld [tilespmem:s29+$0x10540];
	v36 =	vmul.f32 v36, v31;
	v26 =	vadd.f32 v38, v26;
	[tilespmem:s29+$0x4950] =	vst v28  }
0x171: {  	v22 =	vmul.f32 v22, v33;
	v28 =	vld [tilespmem:s29+$0x10530];
	v35 =	vmul.f32 v35, v31;
	v25 =	vadd.f32 v37, v25;
	[tilespmem:s29+$0x4940] =	vst v27  }
0x172: {  	v21 =	vmul.f32 v21, v33;
	v27 =	vld [tilespmem:s29+$0x10520];
	v34 =	vmul.f32 v34, v31;
	v24 =	vadd.f32 v36, v24;
	[tilespmem:s29+$0x4930] =	vst v26  }
0x173: {  	v20 =	vmul.f32 v20, v33;
	v26 =	vld [tilespmem:s29+$0x10510];
	v32 =	vmul.f32 v32, v31;
	v23 =	vadd.f32 v35, v23;
	[tilespmem:s29+$0x4920] =	vst v25  }
0x174: {  	v19 =	vmul.f32 v19, v33;
	v25 =	vld [tilespmem:s29+$0x10500];
	v30 =	vmul.f32 v30, v31;
	v22 =	vadd.f32 v34, v22;
	[tilespmem:s29+$0x4910] =	vst v24  }
0x175: {  	v18 =	vmul.f32 v18, v33;
	v24 =	vld [tilespmem:s29+$0x10170];
	v29 =	vmul.f32 v29, v31;
	v21 =	vadd.f32 v32, v21;
	[tilespmem:s29+$0x4900] =	vst v23  }
0x176: {  	v17 =	vmul.f32 v17, v33;
	v23 =	vld [tilespmem:s29+$0x10160];
	v28 =	vmul.f32 v28, v31;
	v20 =	vadd.f32 v30, v20;
	[tilespmem:s29+$0x4570] =	vst v22  }
0x177: {  	v16 =	vmul.f32 v16, v33;
	v22 =	vmul.f32 v27, v31;
	v19 =	vadd.f32 v29, v19;
	[tilespmem:s29+$0x4560] =	vst v21;
	v21 =	vld [tilespmem:s29+$0x11540]  }
0x178: {  	v15 =	vmul.f32 v15, v33;
	v26 =	vmul.f32 v26, v31;
	v18 =	vadd.f32 v28, v18;
	[tilespmem:s29+$0x4550] =	vst v20;
	v20 =	vld [tilespmem:s29+$0x11550]  }
0x179: {  	v14 =	vmul.f32 v14, v33;
	v25 =	vmul.f32 v25, v31;
	v17 =	vadd.f32 v22, v17;
	[tilespmem:s29+$0x4540] =	vst v19;
	v19 =	vld [tilespmem:s29+$0x11560]  }
0x17a: {  	v13 =	vmul.f32 v13, v33;
	v22 =	vmul.f32 v24, v31;
	v16 =	vadd.f32 v26, v16;
	[tilespmem:s29+$0x4530] =	vst v18;
	v18 =	vld [tilespmem:s29+$0x11570]  }
0x17b: {  	v12 =	vmul.f32 v12, v33;
	v23 =	vmul.f32 v23, v31;
	v15 =	vadd.f32 v25, v15;
	[tilespmem:s29+$0x4520] =	vst v17;
	v17 =	vld [tilespmem:s29+$0x5540]  }
0x17c: {  	v10 =	vmul.f32 v10, v33;
	v11 =	vmul.f32 v11, v31;
	v14 =	vadd.f32 v22, v14;
	[tilespmem:s29+$0x4510] =	vst v16;
	v16 =	vld [tilespmem:s29+$0x5550]  }
0x17d: {  	v8 =	vmul.f32 v8, v33;
	v9 =	vmul.f32 v9, v31;
	v13 =	vadd.f32 v23, v13;
	[tilespmem:s29+$0x4500] =	vst v15;
	v15 =	vld [tilespmem:s29+$0x5560]  }
0x17e: {  	v6 =	vmul.f32 v6, v33;
	v7 =	vmul.f32 v7, v31;
	v11 =	vadd.f32 v11, v12;
	[tilespmem:s29+$0x4170] =	vst v14;
	v12 =	vld [tilespmem:s29+$0x5570]  }
0x17f: {  	v3 =	vmul.f32 v3, v33;
	v5 =	vmul.f32 v5, v31;
	v9 =	vadd.f32 v9, v10;
	v14 =	vld [tilespmem:s29+$0x4100];
	[tilespmem:s29+$0x4160] =	vst v13  }
0x180: {  	v4 =	vmul.f32 v4, v31;
	v7 =	vadd.f32 v7, v8;
	v10 =	vld [tilespmem:s29+$0x10100];
	[tilespmem:s29+$0x4150] =	vst v11;
	v8 =	vmul.f32 v17, v33  }
0x181: {  	s1 =	sshrl.u32 s0, $0x3;
	v5 =	vadd.f32 v5, v6;
	v6 =	vmul.f32 v21, v31;
	[tilespmem:s29+$0x4140] =	vst v9;
	v9 =	vmul.f32 v16, v33  }
0x182: {  	s31 =	sadd.s32 $0x80, s31;
	s1 =	smul.u32 $0x1800, s1;
	v3 =	vadd.f32 v4, v3;
	v4 =	vmul.f32 v20, v31;
	[tilespmem:s29+$0x4130] =	vst v7;
	v7 =	vmul.f32 v15, v33  }
0x183: {  	s13 =	sand.u32 $0x380, s31;
	[tilespmem:s29+$0x4120] =	vst v5;
	v5 =	vadd.f32 v6, v8;
	v6 =	vmul.f32 v19, v31;
	v8 =	vmul.f32 v12, v33  }
0x184: {  	s1 =	sor.u32 s13, s1;
	v9 =	vadd.f32 v4, v9;
	v12 =	vmul.f32 v18, v31;
	v11 =	vmul.f32 v14, v33;
	[tilespmem:s29+$0x4110] =	vst v3  }
0x185: {  	v3 =	vld [tilespmem:s1+$0x4110];
	v10 =	vmul.f32 v10, v31;
	[tilespmem:s29+$0x5540] =	vst v5;
	v5 =	vadd.f32 v6, v7  }
0x186: {  	v7 =	vadd.f32 v12, v8;
	v4 =	vld [tilespmem:s1+$0x10110];
	[tilespmem:s29+$0x5550] =	vst v9  }
0x187: {  	v6 =	vld [tilespmem:s1+$0x4120];
	v9 =	vadd.f32 v10, v11;
	[tilespmem:s29+$0x5560] =	vst v5  }
0x188: {  	v5 =	vld [tilespmem:s1+$0x10120];
	[tilespmem:s29+$0x5570] =	vst v7  }
0x189: {  	v8 =	vld [tilespmem:s1+$0x4130];
	[tilespmem:s29+$0x4100] =	vst v9;
	s29 =	smov.u32 s1  }
0x18a: {  	v7 =	vld [tilespmem:s29+$0x10130]  }
0x18b: {  	v10 =	vld [tilespmem:s29+$0x4140]  }
0x18c: {  	v9 =	vld [tilespmem:s29+$0x10140]  }
0x18d: {  	v12 =	vld [tilespmem:s29+$0x4150]  }
0x18e: {  	v11 =	vld [tilespmem:s29+$0x10150]  }
0x18f: {  	v13 =	vld [tilespmem:s29+$0x4160]  }
0x190: {  	v14 =	vld [tilespmem:s29+$0x4170]  }
0x191: {  	v15 =	vld [tilespmem:s29+$0x4500]  }
0x192: {  	v16 =	vld [tilespmem:s29+$0x4510]  }
0x193: {  	v17 =	vld [tilespmem:s29+$0x4520]  }
0x194: {  	v18 =	vld [tilespmem:s29+$0x4530]  }
0x195: {  	v19 =	vld [tilespmem:s29+$0x4540]  }
0x196: {  	v20 =	vld [tilespmem:s29+$0x4550]  }
0x197: {  	v21 =	vld [tilespmem:s29+$0x4560]  }
0x198: {  	v22 =	vld [tilespmem:s29+$0x4570]  }
0x199: {  	v23 =	vld [tilespmem:s29+$0x4900]  }
0x19a: {  	v24 =	vld [tilespmem:s29+$0x4910]  }
0x19b: {  	v25 =	vld [tilespmem:s29+$0x4920]  }
0x19c: {  	v26 =	vld [tilespmem:s29+$0x4930]  }
0x19d: {  	v27 =	vld [tilespmem:s29+$0x4940]  }
0x19e: {  	v28 =	vld [tilespmem:s29+$0x4950]  }
0x19f: {  	v29 =	vld [tilespmem:s29+$0x4960]  }
0x1a0: {  	v30 =	vld [tilespmem:s29+$0x4970]  }
0x1a1: {  	v32 =	vld [tilespmem:s29+$0x4D00]  }
0x1a2: {  	v34 =	vld [tilespmem:s29+$0x4D10]  }
0x1a3: {  	v35 =	vld [tilespmem:s29+$0x4D20]  }
0x1a4: {  	v36 =	vld [tilespmem:s29+$0x4D30]  }
0x1a5: {  	v37 =	vld [tilespmem:s29+$0x4D40]  }
0x1a6: {  	v38 =	vld [tilespmem:s29+$0x4D50]  }
0x1a7: {  	v39 =	vld [tilespmem:s29+$0x4D60]  }
0x1a8: {  	v40 =	vld [tilespmem:s29+$0x4D70]  }
0x1a9: {  	v41 =	vld [tilespmem:s29+$0x5100]  }
0x1aa: {  	v42 =	vld [tilespmem:s29+$0x5110]  }
0x1ab: {  	v43 =	vld [tilespmem:s29+$0x5120]  }
0x1ac: {  	v44 =	vld [tilespmem:s29+$0x5130]  }
0x1ad: {  	v45 =	vld [tilespmem:s29+$0x5140]  }
0x1ae: {  	v46 =	vld [tilespmem:s29+$0x5150]  }
.Ltmp0:
0x1af: {  	v47 =	vld [tilespmem:s29+$0x5160];
	(pc) =	sbr.rel @p0 .LBB2_2-.Ltmp0, $4  }
0x1b0: {  	v48 =	vld [tilespmem:s29+$0x5500]  }
0x1b1: {  	v50 =	vld [tilespmem:s29+$0x5510]  }
0x1b2: {  	v49 =	vld [tilespmem:s29+$0x11510]  }
0x1b3: {  	s0 =	sadd.s32 $0x1, s0;
	v51 =	vld [tilespmem:s29+$0x11530]  }
0x1b4: {  	v52 =	vld [tilespmem:s29+$0x5530]  }
0x1b5: {  	v53 =	vld [tilespmem:s29+$0x5520];
	s0 =	sadd.s32 $0x100, s30  }
0x1b6: {  	v31 =	vld [tilespmem:s0+$0xFFFFFF80]  }
0x1b7: {  	v33 =	vld [tilespmem:s0+$0x0]  }
0x1b8: {  	v54 =	vld [tilespmem:s29+$0x11520]  }
0x1b9: {  	v55 =	vld [tilespmem:s29+$0x11500]  }
0x1ba: {  	v56 =	vld [tilespmem:s29+$0x5170]  }
0x1bb: {  	v57 =	vld [tilespmem:s29+$0x11170];
	v52 =	vmul.f32 v52, v31  }
0x1bc: {  	v58 =	vld [tilespmem:s29+$0x11160];
	v51 =	vmul.f32 v51, v33;
	v53 =	vmul.f32 v53, v31  }
0x1bd: {  	v54 =	vmul.f32 v54, v33;
	v50 =	vmul.f32 v50, v31  }
0x1be: {  	v49 =	vmul.f32 v49, v33;
	v48 =	vmul.f32 v48, v31  }
0x1bf: {  	v59 =	vld [tilespmem:s29+$0x11150];
	v62 =	vmul.f32 v55, v33;
	v63 =	vmul.f32 v56, v31  }
0x1c0: {  	v60 =	vld [tilespmem:s29+$0x11140];
	v57 =	vmul.f32 v57, v33;
	v47 =	vmul.f32 v47, v31;
	v51 =	vadd.f32 v51, v52  }
0x1c1: {  	v61 =	vld [tilespmem:s29+$0x11120];
	v58 =	vmul.f32 v58, v33;
	v46 =	vmul.f32 v46, v31;
	v53 =	vadd.f32 v54, v53  }
0x1c2: {  	v45 =	vmul.f32 v45, v31;
	v44 =	vmul.f32 v44, v31;
	v52 =	vld [tilespmem:s29+$0x11130];
	v49 =	vadd.f32 v49, v50;
	[tilespmem:s29+$0x5530] =	vst v51  }
0x1c3: {  	v43 =	vmul.f32 v43, v31;
	v42 =	vmul.f32 v42, v31;
	v50 =	vld [tilespmem:s29+$0x11100];
	v48 =	vadd.f32 v62, v48;
	[tilespmem:s29+$0x5520] =	vst v53  }
0x1c4: {  	v41 =	vmul.f32 v41, v31;
	v62 =	vmul.f32 v59, v33;
	v47 =	vadd.f32 v58, v47;
	v59 =	vld [tilespmem:s29+$0x10D20];
	[tilespmem:s29+$0x5510] =	vst v49  }
0x1c5: {  	v40 =	vmul.f32 v40, v31;
	v51 =	vld [tilespmem:s29+$0x11110];
	v53 =	vadd.f32 v57, v63;
	[tilespmem:s29+$0x5500] =	vst v48;
	v63 =	vmul.f32 v60, v33  }
0x1c6: {  	v39 =	vmul.f32 v39, v31;
	v58 =	vmul.f32 v61, v33;
	v49 =	vld [tilespmem:s29+$0x10D70];
	v46 =	vadd.f32 v62, v46;
	[tilespmem:s29+$0x5160] =	vst v47  }
0x1c7: {  	v38 =	vmul.f32 v38, v31;
	v48 =	vld [tilespmem:s29+$0x10D60];
	[tilespmem:s29+$0x5170] =	vst v53;
	v45 =	vadd.f32 v63, v45;
	v52 =	vmul.f32 v52, v33  }
0x1c8: {  	v37 =	vmul.f32 v37, v31;
	v47 =	vld [tilespmem:s29+$0x10D40];
	v43 =	vadd.f32 v58, v43;
	[tilespmem:s29+$0x5150] =	vst v46;
	v50 =	vmul.f32 v50, v33  }
0x1c9: {  	v35 =	vmul.f32 v35, v31;
	v57 =	vld [tilespmem:s29+$0x10D30];
	[tilespmem:s29+$0x5140] =	vst v45;
	v45 =	vmul.f32 v59, v33;
	v44 =	vadd.f32 v52, v44  }
0x1ca: {  	v36 =	vmul.f32 v36, v31;
	v53 =	vld [tilespmem:s29+$0x10D50];
	[tilespmem:s29+$0x5120] =	vst v43;
	v51 =	vmul.f32 v51, v33;
	v41 =	vadd.f32 v50, v41  }
0x1cb: {  	v34 =	vmul.f32 v34, v31;
	v60 =	vld [tilespmem:s29+$0x10D10];
	v49 =	vmul.f32 v49, v33;
	v35 =	vadd.f32 v45, v35;
	[tilespmem:s29+$0x5130] =	vst v44  }
0x1cc: {  	v30 =	vmul.f32 v30, v31;
	v63 =	vld [tilespmem:s29+$0x10960];
	v48 =	vmul.f32 v48, v33;
	v42 =	vadd.f32 v51, v42;
	[tilespmem:s29+$0x5100] =	vst v41  }
0x1cd: {  	v29 =	vmul.f32 v29, v31;
	v58 =	vld [tilespmem:s29+$0x10900];
	v47 =	vmul.f32 v47, v33;
	v40 =	vadd.f32 v49, v40;
	[tilespmem:s29+$0x4D20] =	vst v35  }
0x1ce: {  	v28 =	vmul.f32 v28, v31;
	v62 =	vld [tilespmem:s29+$0x10970];
	v46 =	vmul.f32 v57, v33;
	v39 =	vadd.f32 v48, v39;
	[tilespmem:s29+$0x5110] =	vst v42  }
0x1cf: {  	v27 =	vmul.f32 v27, v31;
	v54 =	vld [tilespmem:s29+$0x10940];
	v52 =	vmul.f32 v53, v33;
	v37 =	vadd.f32 v47, v37;
	[tilespmem:s29+$0x4D70] =	vst v40  }
0x1d0: {  	v26 =	vmul.f32 v26, v31;
	v53 =	vld [tilespmem:s29+$0x10950];
	v36 =	vadd.f32 v46, v36;
	v44 =	vmul.f32 v60, v33;
	[tilespmem:s29+$0x4D60] =	vst v39  }
0x1d1: {  	v25 =	vmul.f32 v25, v31;
	v57 =	vld [tilespmem:s29+$0x10910];
	v41 =	vmul.f32 v63, v33;
	v38 =	vadd.f32 v52, v38;
	[tilespmem:s29+$0x4D40] =	vst v37  }
0x1d2: {  	v55 =	vld [tilespmem:s29+$0x10930];
	v23 =	vmul.f32 v23, v31;
	v35 =	vmul.f32 v58, v33;
	[tilespmem:s29+$0x4D30] =	vst v36;
	v34 =	vadd.f32 v44, v34  }
0x1d3: {  	v24 =	vmul.f32 v24, v31;
	v59 =	vld [tilespmem:s29+$0x10570];
	v42 =	vmul.f32 v62, v33;
	v29 =	vadd.f32 v41, v29;
	[tilespmem:s29+$0x4D50] =	vst v38  }
0x1d4: {  	v56 =	vld [tilespmem:s29+$0x10920];
	v22 =	vmul.f32 v22, v31;
	v39 =	vmul.f32 v54, v33;
	v23 =	vadd.f32 v35, v23;
	[tilespmem:s29+$0x4D10] =	vst v34  }
0x1d5: {  	v21 =	vmul.f32 v21, v31;
	v60 =	vld [tilespmem:s29+$0x10560];
	v30 =	vadd.f32 v42, v30;
	[tilespmem:s29+$0x4960] =	vst v29;
	v40 =	vmul.f32 v53, v33  }
0x1d6: {  	v20 =	vmul.f32 v20, v31;
	v36 =	vmul.f32 v57, v33;
	v29 =	vld [tilespmem:s29+$0x10540];
	v27 =	vadd.f32 v39, v27;
	[tilespmem:s29+$0x4900] =	vst v23  }
0x1d7: {  	v19 =	vmul.f32 v19, v31;
	v38 =	vmul.f32 v55, v33;
	[tilespmem:s29+$0x4970] =	vst v30;
	v30 =	vld [tilespmem:s29+$0x10550];
	v28 =	vadd.f32 v40, v28  }
0x1d8: {  	v10 =	vmul.f32 v10, v31;
	v61 =	vld [tilespmem:s29+$0x10D00];
	v34 =	vmul.f32 v59, v33;
	v24 =	vadd.f32 v36, v24;
	[tilespmem:s29+$0x4940] =	vst v27  }
0x1d9: {  	v9 =	vmul.f32 v9, v33;
	v37 =	vmul.f32 v56, v33;
	v26 =	vadd.f32 v38, v26;
	[tilespmem:s29+$0x4950] =	vst v28;
	v28 =	vld [tilespmem:s29+$0x10530]  }
0x1da: {  	v12 =	vmul.f32 v12, v31;
	v11 =	vmul.f32 v11, v33;
	v27 =	vld [tilespmem:s29+$0x10520];
	v22 =	vadd.f32 v34, v22;
	[tilespmem:s29+$0x4910] =	vst v24  }
0x1db: {  	v9 =	vadd.f32 v9, v10;
	v10 =	vld [tilespmem:s29+$0x10100];
	v25 =	vadd.f32 v37, v25;
	v24 =	vmul.f32 v60, v33;
	[tilespmem:s29+$0x4930] =	vst v26  }
0x1dc: {  	v11 =	vadd.f32 v11, v12;
	v26 =	vld [tilespmem:s29+$0x10510];
	[tilespmem:s29+$0x4570] =	vst v22;
	v22 =	vmul.f32 v29, v33;
	v23 =	vmul.f32 v30, v33  }
0x1dd: {  	v18 =	vmul.f32 v18, v31;
	v43 =	vmul.f32 v61, v33;
	[tilespmem:s29+$0x4920] =	vst v25;
	v25 =	vld [tilespmem:s29+$0x10500];
	v21 =	vadd.f32 v24, v21  }
0x1de: {  	[tilespmem:s29+$0x4150] =	vst v11;
	v61 =	vld [tilespmem:s29+$0x10170];
	v19 =	vadd.f32 v22, v19;
	v20 =	vadd.f32 v23, v20;
	v23 =	vmul.f32 v28, v33  }
0x1df: {  	v17 =	vmul.f32 v17, v31;
	v24 =	vld [tilespmem:s29+$0x10160];
	[tilespmem:s29+$0x4560] =	vst v21;
	v22 =	vmul.f32 v27, v33  }
0x1e0: {  	v21 =	vld [tilespmem:s29+$0x11540];
	[tilespmem:s29+$0x4540] =	vst v19;
	v18 =	vadd.f32 v23, v18  }
0x1e1: {  	v16 =	vmul.f32 v16, v31;
	v19 =	vld [tilespmem:s29+$0x11560];
	v17 =	vadd.f32 v22, v17;
	[tilespmem:s29+$0x4550] =	vst v20;
	v23 =	vmul.f32 v26, v33  }
0x1e2: {  	v15 =	vmul.f32 v15, v31;
	v22 =	vld [tilespmem:s29+$0x11570];
	[tilespmem:s29+$0x4530] =	vst v18;
	v18 =	vmul.f32 v25, v33  }
0x1e3: {  	v14 =	vmul.f32 v14, v31;
	v20 =	vld [tilespmem:s29+$0x11550];
	[tilespmem:s29+$0x4520] =	vst v17;
	v17 =	vmul.f32 v61, v33;
	v16 =	vadd.f32 v23, v16  }
0x1e4: {  	v8 =	vmul.f32 v8, v31;
	v7 =	vmul.f32 v7, v33;
	[tilespmem:s29+$0x4140] =	vst v9;
	v15 =	vadd.f32 v18, v15;
	v18 =	vld [tilespmem:s29+$0x5540]  }
0x1e5: {  	v6 =	vmul.f32 v6, v31;
	v5 =	vmul.f32 v5, v33;
	v14 =	vadd.f32 v17, v14;
	[tilespmem:s29+$0x4510] =	vst v16;
	v16 =	vld [tilespmem:s29+$0x5550]  }
0x1e6: {  	v3 =	vmul.f32 v3, v31;
	v4 =	vmul.f32 v4, v33;
	v7 =	vadd.f32 v7, v8;
	[tilespmem:s29+$0x4500] =	vst v15;
	v15 =	vld [tilespmem:s29+$0x5560]  }
0x1e7: {  	v32 =	vmul.f32 v32, v31;
	v5 =	vadd.f32 v5, v6;
	[tilespmem:s29+$0x4170] =	vst v14;
	v14 =	vld [tilespmem:s29+$0x5570]  }
0x1e8: {  	v13 =	vmul.f32 v13, v31;
	v12 =	vld [tilespmem:s29+$0x4100];
	v3 =	vadd.f32 v4, v3;
	[tilespmem:s29+$0x4130] =	vst v7;
	v23 =	vmul.f32 v24, v33  }
0x1e9: {  	[tilespmem:s29+$0x4120] =	vst v5;
	v32 =	vadd.f32 v43, v32;
	v6 =	vmul.f32 v21, v33;
	v8 =	vmul.f32 v18, v31  }
0x1ea: {  	[tilespmem:s29+$0x4110] =	vst v3;
	v13 =	vadd.f32 v23, v13;
	v4 =	vmul.f32 v20, v33;
	v9 =	vmul.f32 v16, v31  }
0x1eb: {  	[tilespmem:s29+$0x4D00] =	vst v32;
	v7 =	vmul.f32 v15, v31;
	v5 =	vadd.f32 v6, v8;
	v6 =	vmul.f32 v19, v33  }
0x1ec: {  	[tilespmem:s29+$0x4160] =	vst v13;
	v8 =	vmul.f32 v14, v31;
	v3 =	vadd.f32 v4, v9;
	v4 =	vmul.f32 v22, v33  }
0x1ed: {  	v10 =	vmul.f32 v10, v33;
	v9 =	vmul.f32 v12, v31;
	[tilespmem:s29+$0x5540] =	vst v5;
	v5 =	vadd.f32 v6, v7  }
0x1ee: {  	[tilespmem:s29+$0x5550] =	vst v3;
	v3 =	vadd.f32 v4, v8  }
0x1ef: {  	v4 =	vadd.f32 v10, v9;
	[tilespmem:s29+$0x5560] =	vst v5  }
0x1f0: {  	[tilespmem:s29+$0x5570] =	vst v3  }
0x1f1: {  	[tilespmem:s29+$0x4100] =	vst v4  }
0x1f2: {  	[hbm4b:s9+s2] =	stream.linear.scatter [tilespmem:s15], [sflag:$0x1], $0x6000, $0x38;
	[tilespmem:$0x1C100] =	vst v63  }
0x1f3: {  	_ =	swait.ge [sflag:s26], $0x6000  }
0x1f4: {  	[sflag:s26] =	ssyncset.done $0x0  }
0x1f5: {  	s13 =	simm.s32 $0x4;
	[sflag:s26] =	ssyncadd.s32 $0xFFFFA000  }
0x1f6: {  	s1 =	simm.s32 $0x1000;
	s0 =	smul.u32 $0x1800, s13;
	_ =	swait.ge [sflag:s26], $0x6000  }
0x1f7: {  	s1 =	sand.u32 $0x380, s1;
	[sflag:s26] =	ssyncset.done $0x0  }
0x1f8: {  	s0 =	sor.u32 s1, s0;
	[sflag:s26] =	ssyncadd.s32 $0xFFFFA000  }
0x1f9: {  	v4 =	vld [tilespmem:s0+$0x4110]  }
0x1fa: {  	v3 =	vld [tilespmem:s0+$0x10110]  }
0x1fb: {  	v6 =	vld [tilespmem:s0+$0x4120]  }
0x1fc: {  	v5 =	vld [tilespmem:s0+$0x10120]  }
0x1fd: {  	v10 =	vld [tilespmem:s0+$0x4130]  }
0x1fe: {  	v7 =	vld [tilespmem:s0+$0x10130]  }
0x1ff: {  	v12 =	vld [tilespmem:s0+$0x4140]  }
0x200: {  	v11 =	vld [tilespmem:s0+$0x10140]  }
0x201: {  	v13 =	vld [tilespmem:s0+$0x4160]  }
0x202: {  	v14 =	vld [tilespmem:s0+$0x4170]  }
0x203: {  	v15 =	vld [tilespmem:s0+$0x4500]  }
0x204: {  	v16 =	vld [tilespmem:s0+$0x4510]  }
0x205: {  	v17 =	vld [tilespmem:s0+$0x4520]  }
0x206: {  	v18 =	vld [tilespmem:s0+$0x4530]  }
0x207: {  	v19 =	vld [tilespmem:s0+$0x4540]  }
0x208: {  	v20 =	vld [tilespmem:s0+$0x4550]  }
0x209: {  	v21 =	vld [tilespmem:s0+$0x4560]  }
0x20a: {  	v22 =	vld [tilespmem:s0+$0x4570]  }
0x20b: {  	v23 =	vld [tilespmem:s0+$0x4900]  }
0x20c: {  	v24 =	vld [tilespmem:s0+$0x4910]  }
0x20d: {  	v25 =	vld [tilespmem:s0+$0x4920]  }
0x20e: {  	v26 =	vld [tilespmem:s0+$0x4930]  }
0x20f: {  	v27 =	vld [tilespmem:s0+$0x4940]  }
0x210: {  	v28 =	vld [tilespmem:s0+$0x4950]  }
0x211: {  	v29 =	vld [tilespmem:s0+$0x4960]  }
0x212: {  	v30 =	vld [tilespmem:s0+$0x4970]  }
0x213: {  	v31 =	vld [tilespmem:s0+$0x4D00]  }
0x214: {  	v32 =	vld [tilespmem:s0+$0x4D10]  }
0x215: {  	v33 =	vld [tilespmem:s0+$0x4D20]  }
0x216: {  	v34 =	vld [tilespmem:s0+$0x4D30]  }
0x217: {  	v35 =	vld [tilespmem:s0+$0x4D40]  }
0x218: {  	v36 =	vld [tilespmem:s0+$0x4D50]  }
0x219: {  	v37 =	vld [tilespmem:s0+$0x4D60]  }
0x21a: {  	v38 =	vld [tilespmem:s0+$0x4D70]  }
0x21b: {  	v39 =	vld [tilespmem:s0+$0x5100]  }
0x21c: {  	v40 =	vld [tilespmem:s0+$0x5110]  }
0x21d: {  	v41 =	vld [tilespmem:s0+$0x5120]  }
0x21e: {  	v42 =	vld [tilespmem:s0+$0x5130]  }
0x21f: {  	v43 =	vld [tilespmem:s0+$0x5140]  }
0x220: {  	v44 =	vld [tilespmem:s0+$0x5150]  }
0x221: {  	v45 =	vld [tilespmem:s0+$0x5160]  }
0x222: {  	v46 =	vld [tilespmem:s0+$0x5500]  }
0x223: {  	v47 =	vld [tilespmem:s0+$0x5510]  }
0x224: {  	v48 =	vld [tilespmem:s0+$0x11510]  }
0x225: {  	v49 =	vld [tilespmem:s0+$0x11530]  }
0x226: {  	v50 =	vld [tilespmem:s0+$0x5530]  }
0x227: {  	s30 =	simm.s32 $0x2180;
	v51 =	vld [tilespmem:s0+$0x5520]  }
0x228: {  	v8 =	vld [tilespmem:s30+$0xFFFFFF80]  }
0x229: {  	v9 =	vld [tilespmem:s30+$0x0]  }
0x22a: {  	v52 =	vld [tilespmem:s0+$0x11520]  }
0x22b: {  	v62 =	vld [tilespmem:s0+$0x11500]  }
0x22c: {  	v63 =	vld [tilespmem:s0+$0x5170]  }
0x22d: {  	v60 =	vld [tilespmem:s0+$0x11170];
	v50 =	vmul.f32 v50, v8  }
0x22e: {  	v61 =	vld [tilespmem:s0+$0x11160];
	v49 =	vmul.f32 v49, v9;
	v51 =	vmul.f32 v51, v8  }
0x22f: {  	v57 =	vld [tilespmem:s0+$0x11150];
	v52 =	vmul.f32 v52, v9;
	v47 =	vmul.f32 v47, v8  }
0x230: {  	v58 =	vld [tilespmem:s0+$0x11140];
	v48 =	vmul.f32 v48, v9;
	v46 =	vmul.f32 v46, v8;
	v49 =	vadd.f32 v49, v50  }
0x231: {  	v53 =	vld [tilespmem:s0+$0x11130];
	v62 =	vmul.f32 v62, v9;
	v63 =	vmul.f32 v63, v8;
	v51 =	vadd.f32 v52, v51  }
0x232: {  	v56 =	vld [tilespmem:s0+$0x10D60];
	v59 =	vmul.f32 v60, v9;
	v45 =	vmul.f32 v45, v8;
	v47 =	vadd.f32 v48, v47;
	[tilespmem:s0+$0x5530] =	vst v49  }
0x233: {  	v55 =	vld [tilespmem:s0+$0x10970];
	v60 =	vmul.f32 v61, v9;
	v44 =	vmul.f32 v44, v8;
	v46 =	vadd.f32 v62, v46;
	[tilespmem:s0+$0x5520] =	vst v51  }
0x234: {  	v61 =	vld [tilespmem:s0+$0x11100];
	v12 =	vmul.f32 v12, v8;
	v11 =	vmul.f32 v11, v9;
	v52 =	vadd.f32 v59, v63;
	[tilespmem:s0+$0x5510] =	vst v47  }
0x235: {  	v10 =	vmul.f32 v10, v8;
	v7 =	vmul.f32 v7, v9;
	v48 =	vld [tilespmem:s0+$0x11120];
	v45 =	vadd.f32 v60, v45;
	[tilespmem:s0+$0x5500] =	vst v46  }
0x236: {  	v62 =	vmul.f32 v57, v9;
	v63 =	vmul.f32 v58, v9;
	v58 =	vld [tilespmem:s0+$0x10D50];
	v11 =	vadd.f32 v11, v12;
	[tilespmem:s0+$0x5170] =	vst v52  }
0x237: {  	v43 =	vmul.f32 v43, v8;
	v59 =	vld [tilespmem:s0+$0x10D40];
	v7 =	vadd.f32 v7, v10;
	[tilespmem:s0+$0x5160] =	vst v45  }
0x238: {  	v42 =	vmul.f32 v42, v8;
	v57 =	vmul.f32 v53, v9;
	v60 =	vld [tilespmem:s0+$0x10D30];
	v44 =	vadd.f32 v62, v44;
	[tilespmem:s0+$0x4140] =	vst v11  }
0x239: {  	v37 =	vmul.f32 v37, v8;
	v53 =	vld [tilespmem:s0+$0x10D00];
	v43 =	vadd.f32 v63, v43;
	v46 =	vmul.f32 v56, v9;
	[tilespmem:s0+$0x4130] =	vst v7  }
0x23a: {  	v39 =	vmul.f32 v39, v8;
	v49 =	vld [tilespmem:s0+$0x11110];
	v42 =	vadd.f32 v57, v42;
	v61 =	vmul.f32 v61, v9;
	[tilespmem:s0+$0x5150] =	vst v44  }
0x23b: {  	v41 =	vmul.f32 v41, v8;
	v47 =	vld [tilespmem:s0+$0x10D70];
	[tilespmem:s0+$0x5140] =	vst v43;
	v37 =	vadd.f32 v46, v37;
	v48 =	vmul.f32 v48, v9  }
0x23c: {  	v36 =	vmul.f32 v36, v8;
	v62 =	vld [tilespmem:s0+$0x10D20];
	[tilespmem:s0+$0x5130] =	vst v42;
	v39 =	vadd.f32 v61, v39;
	v54 =	vmul.f32 v58, v9  }
0x23d: {  	v35 =	vmul.f32 v35, v8;
	v63 =	vld [tilespmem:s0+$0x10D10];
	v45 =	vmul.f32 v59, v9;
	[tilespmem:s0+$0x4D60] =	vst v37;
	v41 =	vadd.f32 v48, v41  }
0x23e: {  	v34 =	vmul.f32 v34, v8;
	v56 =	vld [tilespmem:s0+$0x10960];
	v44 =	vmul.f32 v60, v9;
	[tilespmem:s0+$0x5100] =	vst v39;
	v36 =	vadd.f32 v54, v36  }
0x23f: {  	v40 =	vmul.f32 v40, v8;
	v12 =	vld [tilespmem:s0+$0x5560];
	v49 =	vmul.f32 v49, v9;
	v35 =	vadd.f32 v45, v35;
	[tilespmem:s0+$0x5120] =	vst v41  }
0x240: {  	v38 =	vmul.f32 v38, v8;
	v58 =	vld [tilespmem:s0+$0x10940];
	v47 =	vmul.f32 v47, v9;
	v34 =	vadd.f32 v44, v34;
	[tilespmem:s0+$0x4D50] =	vst v36  }
0x241: {  	v33 =	vmul.f32 v33, v8;
	v59 =	vld [tilespmem:s0+$0x10930];
	v43 =	vmul.f32 v62, v9;
	v40 =	vadd.f32 v49, v40;
	[tilespmem:s0+$0x4D40] =	vst v35  }
0x242: {  	v32 =	vmul.f32 v32, v8;
	v57 =	vld [tilespmem:s0+$0x10950];
	v42 =	vmul.f32 v63, v9;
	v38 =	vadd.f32 v47, v38;
	[tilespmem:s0+$0x4D30] =	vst v34  }
0x243: {  	v29 =	vmul.f32 v29, v8;
	v60 =	vld [tilespmem:s0+$0x10920];
	v39 =	vmul.f32 v56, v9;
	v33 =	vadd.f32 v43, v33;
	[tilespmem:s0+$0x5110] =	vst v40  }
0x244: {  	v31 =	vmul.f32 v31, v8;
	v61 =	vld [tilespmem:s0+$0x10910];
	v41 =	vmul.f32 v53, v9;
	v32 =	vadd.f32 v42, v32;
	[tilespmem:s0+$0x4D70] =	vst v38  }
0x245: {  	v27 =	vmul.f32 v27, v8;
	v62 =	vld [tilespmem:s0+$0x10900];
	v29 =	vadd.f32 v39, v29;
	v37 =	vmul.f32 v58, v9;
	[tilespmem:s0+$0x4D20] =	vst v33  }
0x246: {  	v26 =	vmul.f32 v26, v8;
	v63 =	vld [tilespmem:s0+$0x10570];
	v36 =	vmul.f32 v59, v9;
	v31 =	vadd.f32 v41, v31;
	[tilespmem:s0+$0x4D10] =	vst v32  }
0x247: {  	v30 =	vmul.f32 v30, v8;
	v40 =	vmul.f32 v55, v9;
	[tilespmem:s0+$0x4960] =	vst v29;
	v29 =	vld [tilespmem:s0+$0x10540];
	v27 =	vadd.f32 v37, v27  }
0x248: {  	v25 =	vmul.f32 v25, v8;
	v35 =	vmul.f32 v60, v9;
	v26 =	vadd.f32 v36, v26;
	[tilespmem:s0+$0x4D00] =	vst v31;
	v31 =	vld [tilespmem:s0+$0x10560]  }
0x249: {  	v28 =	vmul.f32 v28, v8;
	v38 =	vmul.f32 v57, v9;
	v30 =	vadd.f32 v40, v30;
	[tilespmem:s0+$0x4940] =	vst v27;
	v27 =	vld [tilespmem:s0+$0x10520]  }
0x24a: {  	v23 =	vmul.f32 v23, v8;
	v33 =	vmul.f32 v62, v9;
	v25 =	vadd.f32 v35, v25;
	[tilespmem:s0+$0x4930] =	vst v26;
	v26 =	vld [tilespmem:s0+$0x10510]  }
0x24b: {  	v24 =	vmul.f32 v24, v8;
	v34 =	vmul.f32 v61, v9;
	v28 =	vadd.f32 v38, v28;
	[tilespmem:s0+$0x4970] =	vst v30;
	v30 =	vld [tilespmem:s0+$0x10550]  }
0x24c: {  	v22 =	vmul.f32 v22, v8;
	v32 =	vmul.f32 v63, v9;
	v23 =	vadd.f32 v33, v23;
	[tilespmem:s0+$0x4920] =	vst v25;
	v25 =	vld [tilespmem:s0+$0x10500]  }
0x24d: {  	v19 =	vmul.f32 v19, v8;
	v24 =	vadd.f32 v34, v24;
	[tilespmem:s0+$0x4950] =	vst v28;
	v28 =	vld [tilespmem:s0+$0x10530];
	v29 =	vmul.f32 v29, v9  }
0x24e: {  	v21 =	vmul.f32 v21, v8;
	v22 =	vadd.f32 v32, v22;
	[tilespmem:s0+$0x4900] =	vst v23;
	v23 =	vld [tilespmem:s0+$0x10160];
	v31 =	vmul.f32 v31, v9  }
0x24f: {  	v17 =	vmul.f32 v17, v8;
	[tilespmem:s0+$0x4910] =	vst v24;
	v24 =	vld [tilespmem:s0+$0x10170];
	v19 =	vadd.f32 v29, v19;
	v27 =	vmul.f32 v27, v9  }
0x250: {  	v20 =	vmul.f32 v20, v8;
	[tilespmem:s0+$0x4570] =	vst v22;
	v22 =	vld [tilespmem:s0+$0x4150];
	v30 =	vmul.f32 v30, v9;
	v21 =	vadd.f32 v31, v21  }
0x251: {  	v15 =	vmul.f32 v15, v8;
	v25 =	vmul.f32 v25, v9;
	[tilespmem:s0+$0x4540] =	vst v19;
	v19 =	vld [tilespmem:s0+$0x11550];
	v17 =	vadd.f32 v27, v17  }
0x252: {  	v18 =	vmul.f32 v18, v8;
	v28 =	vmul.f32 v28, v9;
	v20 =	vadd.f32 v30, v20;
	[tilespmem:s0+$0x4560] =	vst v21;
	v21 =	vld [tilespmem:s0+$0x10150]  }
0x253: {  	v13 =	vmul.f32 v13, v8;
	v23 =	vmul.f32 v23, v9;
	v15 =	vadd.f32 v25, v15;
	[tilespmem:s0+$0x4520] =	vst v17;
	v17 =	vld [tilespmem:s0+$0x5540]  }
0x254: {  	v6 =	vmul.f32 v6, v8;
	v5 =	vmul.f32 v5, v9;
	v18 =	vadd.f32 v28, v18;
	[tilespmem:s0+$0x4550] =	vst v20;
	v20 =	vld [tilespmem:s0+$0x11540]  }
0x255: {  	v14 =	vmul.f32 v14, v8;
	v24 =	vmul.f32 v24, v9;
	v13 =	vadd.f32 v23, v13;
	[tilespmem:s0+$0x4500] =	vst v15;
	v15 =	vld [tilespmem:s0+$0x5550]  }
0x256: {  	v4 =	vmul.f32 v4, v8;
	v3 =	vmul.f32 v3, v9;
	v5 =	vadd.f32 v5, v6;
	[tilespmem:s0+$0x4530] =	vst v18;
	v18 =	vld [tilespmem:s0+$0x11560]  }
0x257: {  	v6 =	vld [tilespmem:s0+$0x4100];
	v14 =	vadd.f32 v24, v14;
	v10 =	vmul.f32 v22, v8;
	[tilespmem:s0+$0x4160] =	vst v13;
	v13 =	vmul.f32 v21, v9  }
0x258: {  	s13 =	simm.s32 $0x4;
	v16 =	vmul.f32 v16, v8;
	v3 =	vadd.f32 v3, v4;
	v7 =	vld [tilespmem:s0+$0x10100];
	[tilespmem:s0+$0x4120] =	vst v5;
	v26 =	vmul.f32 v26, v9  }
0x259: {  	s31 =	simm.s32 $0x1080;
	s1 =	smul.u32 $0x1800, s13;
	[tilespmem:s0+$0x4170] =	vst v14;
	v14 =	vld [tilespmem:s0+$0x5570];
	v11 =	vmul.f32 v17, v8;
	v17 =	vmul.f32 v20, v9;
	v4 =	vadd.f32 v13, v10  }
0x25a: {  	s13 =	sand.u32 $0x380, s31;
	[tilespmem:s0+$0x4110] =	vst v3;
	v16 =	vadd.f32 v26, v16;
	v5 =	vmul.f32 v15, v8;
	v10 =	vmul.f32 v19, v9  }
0x25b: {  	s29 =	sor.u32 s13, s1;
	v11 =	vadd.f32 v17, v11;
	[tilespmem:s0+$0x4150] =	vst v4;
	v4 =	vmul.f32 v12, v8;
	v12 =	vmul.f32 v18, v9  }
0x25c: {  	v3 =	vld [tilespmem:s29+$0x4110];
	[tilespmem:s0+$0x4510] =	vst v16;
	v5 =	vadd.f32 v10, v5  }
0x25d: {  	v7 =	vmul.f32 v7, v9;
	v16 =	vld [tilespmem:s0+$0x11570];
	[tilespmem:s0+$0x5540] =	vst v11;
	v12 =	vadd.f32 v12, v4  }
0x25e: {  	v10 =	vmul.f32 v14, v8;
	v8 =	vmul.f32 v6, v8;
	v4 =	vld [tilespmem:s29+$0x10110];
	[tilespmem:s0+$0x5550] =	vst v5  }
0x25f: {  	v6 =	vld [tilespmem:s29+$0x4120];
	[tilespmem:s0+$0x5560] =	vst v12  }
0x260: {  	v7 =	vadd.f32 v7, v8;
	v5 =	vld [tilespmem:s29+$0x10120]  }
0x261: {  	v8 =	vld [tilespmem:s29+$0x4130]  }
0x262: {  	[tilespmem:s0+$0x4100] =	vst v7;
	v18 =	vld [tilespmem:s29+$0x4530]  }
0x263: {  	v11 =	vmul.f32 v16, v9;
	v26 =	vld [tilespmem:s29+$0x4930]  }
0x264: {  	v36 =	vld [tilespmem:s29+$0x4D30]  }
0x265: {  	v9 =	vadd.f32 v11, v10;
	v44 =	vld [tilespmem:s29+$0x5130]  }
0x266: {  	v48 =	vld [tilespmem:s29+$0x5500]  }
0x267: {  	[tilespmem:s0+$0x5570] =	vst v9;
	v50 =	vld [tilespmem:s29+$0x5510]  }
0x268: {  	v7 =	vld [tilespmem:s29+$0x10130]  }
0x269: {  	v10 =	vld [tilespmem:s29+$0x4140]  }
0x26a: {  	v9 =	vld [tilespmem:s29+$0x10140]  }
0x26b: {  	v12 =	vld [tilespmem:s29+$0x4150]  }
0x26c: {  	v11 =	vld [tilespmem:s29+$0x10150]  }
0x26d: {  	v13 =	vld [tilespmem:s29+$0x4160]  }
0x26e: {  	v14 =	vld [tilespmem:s29+$0x4170]  }
0x26f: {  	v15 =	vld [tilespmem:s29+$0x4500]  }
0x270: {  	v16 =	vld [tilespmem:s29+$0x4510]  }
0x271: {  	v17 =	vld [tilespmem:s29+$0x4520]  }
0x272: {  	v19 =	vld [tilespmem:s29+$0x4540]  }
0x273: {  	v20 =	vld [tilespmem:s29+$0x4550]  }
0x274: {  	v21 =	vld [tilespmem:s29+$0x4560]  }
0x275: {  	v22 =	vld [tilespmem:s29+$0x4570]  }
0x276: {  	v23 =	vld [tilespmem:s29+$0x4900]  }
0x277: {  	v24 =	vld [tilespmem:s29+$0x4910]  }
0x278: {  	v25 =	vld [tilespmem:s29+$0x4920]  }
0x279: {  	v27 =	vld [tilespmem:s29+$0x4940]  }
0x27a: {  	v28 =	vld [tilespmem:s29+$0x4950]  }
0x27b: {  	v29 =	vld [tilespmem:s29+$0x4960]  }
0x27c: {  	v30 =	vld [tilespmem:s29+$0x4970]  }
0x27d: {  	v32 =	vld [tilespmem:s29+$0x4D00]  }
0x27e: {  	v34 =	vld [tilespmem:s29+$0x4D10]  }
0x27f: {  	v35 =	vld [tilespmem:s29+$0x4D20]  }
0x280: {  	v37 =	vld [tilespmem:s29+$0x4D40]  }
0x281: {  	v38 =	vld [tilespmem:s29+$0x4D50]  }
0x282: {  	v39 =	vld [tilespmem:s29+$0x4D60]  }
0x283: {  	v40 =	vld [tilespmem:s29+$0x4D70]  }
0x284: {  	v41 =	vld [tilespmem:s29+$0x5100]  }
0x285: {  	v42 =	vld [tilespmem:s29+$0x5110]  }
0x286: {  	v43 =	vld [tilespmem:s29+$0x5120]  }
0x287: {  	v45 =	vld [tilespmem:s29+$0x5140]  }
0x288: {  	v46 =	vld [tilespmem:s29+$0x5150]  }
0x289: {  	v47 =	vld [tilespmem:s29+$0x5160]  }
0x28a: {  	v49 =	vld [tilespmem:s29+$0x11510]  }
0x28b: {  	s0 =	simm.s32 $0x22;
	v51 =	vld [tilespmem:s29+$0x11530]  }
.LBB2_4:
0x28c: {  	p0 =	sne.s32 s0, $0x3F;
	v52 =	vld [tilespmem:s29+$0x5530]  }
0x28d: {  	s30 =	sadd.s32 $0x100, s30;
	v53 =	vld [tilespmem:s29+$0x5520]  }
0x28e: {  	v33 =	vld [tilespmem:s30+$0xFFFFFF80]  }
0x28f: {  	v31 =	vld [tilespmem:s30+$0x0]  }
0x290: {  	v54 =	vld [tilespmem:s29+$0x11520]  }
0x291: {  	v55 =	vld [tilespmem:s29+$0x11500]  }
0x292: {  	v56 =	vld [tilespmem:s29+$0x5170]  }
0x293: {  	v57 =	vld [tilespmem:s29+$0x11170];
	v50 =	vmul.f32 v50, v33;
	v53 =	vmul.f32 v53, v33  }
0x294: {  	v52 =	vmul.f32 v52, v33;
	v58 =	vld [tilespmem:s29+$0x11160];
	v51 =	vmul.f32 v51, v31  }
0x295: {  	v49 =	vmul.f32 v49, v31;
	v59 =	vld [tilespmem:s29+$0x11150];
	v54 =	vmul.f32 v54, v31  }
0x296: {  	v48 =	vmul.f32 v48, v33;
	v60 =	vld [tilespmem:s29+$0x11140];
	v55 =	vmul.f32 v55, v31;
	v51 =	vadd.f32 v51, v52  }
0x297: {  	v49 =	vadd.f32 v49, v50;
	v52 =	vld [tilespmem:s29+$0x11130];
	v56 =	vmul.f32 v56, v33;
	v50 =	vadd.f32 v54, v53  }
0x298: {  	v47 =	vmul.f32 v47, v33;
	v53 =	vld [tilespmem:s29+$0x11120];
	v54 =	vmul.f32 v57, v31;
	v48 =	vadd.f32 v55, v48;
	[tilespmem:s29+$0x5530] =	vst v51  }
0x299: {  	v46 =	vmul.f32 v46, v33;
	v51 =	vld [tilespmem:s29+$0x11110];
	v55 =	vmul.f32 v58, v31;
	[tilespmem:s29+$0x5520] =	vst v50  }
0x29a: {  	v45 =	vmul.f32 v45, v33;
	v50 =	vld [tilespmem:s29+$0x11100];
	v57 =	vmul.f32 v59, v31;
	v54 =	vadd.f32 v54, v56;
	[tilespmem:s29+$0x5510] =	vst v49  }
0x29b: {  	v44 =	vmul.f32 v44, v33;
	v49 =	vld [tilespmem:s29+$0x10D70];
	v56 =	vmul.f32 v60, v31;
	v47 =	vadd.f32 v55, v47;
	[tilespmem:s29+$0x5500] =	vst v48  }
0x29c: {  	v43 =	vmul.f32 v43, v33;
	v48 =	vld [tilespmem:s29+$0x10D60];
	v52 =	vmul.f32 v52, v31;
	v46 =	vadd.f32 v57, v46;
	[tilespmem:s29+$0x5170] =	vst v54  }
0x29d: {  	v42 =	vmul.f32 v42, v33;
	v54 =	vld [tilespmem:s29+$0x10D50];
	v53 =	vmul.f32 v53, v31;
	v45 =	vadd.f32 v56, v45;
	[tilespmem:s29+$0x5160] =	vst v47  }
0x29e: {  	v41 =	vmul.f32 v41, v33;
	v47 =	vld [tilespmem:s29+$0x10D40];
	v51 =	vmul.f32 v51, v31;
	v44 =	vadd.f32 v52, v44;
	[tilespmem:s29+$0x5150] =	vst v46  }
0x29f: {  	v40 =	vmul.f32 v40, v33;
	v46 =	vld [tilespmem:s29+$0x10D30];
	v50 =	vmul.f32 v50, v31;
	v43 =	vadd.f32 v53, v43;
	[tilespmem:s29+$0x5140] =	vst v45  }
0x2a0: {  	v39 =	vmul.f32 v39, v33;
	v45 =	vld [tilespmem:s29+$0x10D20];
	v49 =	vmul.f32 v49, v31;
	v42 =	vadd.f32 v51, v42;
	[tilespmem:s29+$0x5130] =	vst v44  }
0x2a1: {  	v38 =	vmul.f32 v38, v33;
	v44 =	vld [tilespmem:s29+$0x10D10];
	v48 =	vmul.f32 v48, v31;
	v41 =	vadd.f32 v50, v41;
	[tilespmem:s29+$0x5120] =	vst v43  }
0x2a2: {  	v37 =	vmul.f32 v37, v33;
	v43 =	vld [tilespmem:s29+$0x10D00];
	v50 =	vmul.f32 v54, v31;
	v40 =	vadd.f32 v49, v40;
	[tilespmem:s29+$0x5110] =	vst v42  }
0x2a3: {  	v36 =	vmul.f32 v36, v33;
	v42 =	vld [tilespmem:s29+$0x10970];
	v47 =	vmul.f32 v47, v31;
	v39 =	vadd.f32 v48, v39;
	[tilespmem:s29+$0x5100] =	vst v41  }
0x2a4: {  	v35 =	vmul.f32 v35, v33;
	v41 =	vld [tilespmem:s29+$0x10960];
	v46 =	vmul.f32 v46, v31;
	v38 =	vadd.f32 v50, v38;
	[tilespmem:s29+$0x4D70] =	vst v40  }
0x2a5: {  	v34 =	vmul.f32 v34, v33;
	v40 =	vld [tilespmem:s29+$0x10950];
	v45 =	vmul.f32 v45, v31;
	v37 =	vadd.f32 v47, v37;
	[tilespmem:s29+$0x4D60] =	vst v39  }
0x2a6: {  	v32 =	vmul.f32 v32, v33;
	v39 =	vld [tilespmem:s29+$0x10940];
	v44 =	vmul.f32 v44, v31;
	v36 =	vadd.f32 v46, v36;
	[tilespmem:s29+$0x4D50] =	vst v38  }
0x2a7: {  	v30 =	vmul.f32 v30, v33;
	v38 =	vld [tilespmem:s29+$0x10930];
	v43 =	vmul.f32 v43, v31;
	v35 =	vadd.f32 v45, v35;
	[tilespmem:s29+$0x4D40] =	vst v37  }
0x2a8: {  	v29 =	vmul.f32 v29, v33;
	v37 =	vld [tilespmem:s29+$0x10920];
	v42 =	vmul.f32 v42, v31;
	v34 =	vadd.f32 v44, v34;
	[tilespmem:s29+$0x4D30] =	vst v36  }
0x2a9: {  	v28 =	vmul.f32 v28, v33;
	v36 =	vld [tilespmem:s29+$0x10910];
	v41 =	vmul.f32 v41, v31;
	v32 =	vadd.f32 v43, v32;
	[tilespmem:s29+$0x4D20] =	vst v35  }
0x2aa: {  	v27 =	vmul.f32 v27, v33;
	v35 =	vld [tilespmem:s29+$0x10900];
	v40 =	vmul.f32 v40, v31;
	v30 =	vadd.f32 v42, v30;
	[tilespmem:s29+$0x4D10] =	vst v34  }
0x2ab: {  	v26 =	vmul.f32 v26, v33;
	v34 =	vld [tilespmem:s29+$0x10570];
	v39 =	vmul.f32 v39, v31;
	v29 =	vadd.f32 v41, v29;
	[tilespmem:s29+$0x4D00] =	vst v32  }
0x2ac: {  	v25 =	vmul.f32 v25, v33;
	v32 =	vld [tilespmem:s29+$0x10560];
	v38 =	vmul.f32 v38, v31;
	v28 =	vadd.f32 v40, v28;
	[tilespmem:s29+$0x4970] =	vst v30  }
0x2ad: {  	v24 =	vmul.f32 v24, v33;
	v30 =	vld [tilespmem:s29+$0x10550];
	v37 =	vmul.f32 v37, v31;
	v27 =	vadd.f32 v39, v27;
	[tilespmem:s29+$0x4960] =	vst v29  }
0x2ae: {  	v23 =	vmul.f32 v23, v33;
	v29 =	vld [tilespmem:s29+$0x10540];
	v36 =	vmul.f32 v36, v31;
	v26 =	vadd.f32 v38, v26;
	[tilespmem:s29+$0x4950] =	vst v28  }
0x2af: {  	v22 =	vmul.f32 v22, v33;
	v28 =	vld [tilespmem:s29+$0x10530];
	v35 =	vmul.f32 v35, v31;
	v25 =	vadd.f32 v37, v25;
	[tilespmem:s29+$0x4940] =	vst v27  }
0x2b0: {  	v21 =	vmul.f32 v21, v33;
	v27 =	vld [tilespmem:s29+$0x10520];
	v34 =	vmul.f32 v34, v31;
	v24 =	vadd.f32 v36, v24;
	[tilespmem:s29+$0x4930] =	vst v26  }
0x2b1: {  	v20 =	vmul.f32 v20, v33;
	v26 =	vld [tilespmem:s29+$0x10510];
	v32 =	vmul.f32 v32, v31;
	v23 =	vadd.f32 v35, v23;
	[tilespmem:s29+$0x4920] =	vst v25  }
0x2b2: {  	v19 =	vmul.f32 v19, v33;
	v25 =	vld [tilespmem:s29+$0x10500];
	v30 =	vmul.f32 v30, v31;
	v22 =	vadd.f32 v34, v22;
	[tilespmem:s29+$0x4910] =	vst v24  }
0x2b3: {  	v18 =	vmul.f32 v18, v33;
	v24 =	vld [tilespmem:s29+$0x10170];
	v29 =	vmul.f32 v29, v31;
	v21 =	vadd.f32 v32, v21;
	[tilespmem:s29+$0x4900] =	vst v23  }
0x2b4: {  	v17 =	vmul.f32 v17, v33;
	v23 =	vld [tilespmem:s29+$0x10160];
	v28 =	vmul.f32 v28, v31;
	v20 =	vadd.f32 v30, v20;
	[tilespmem:s29+$0x4570] =	vst v22  }
0x2b5: {  	v16 =	vmul.f32 v16, v33;
	v22 =	vmul.f32 v27, v31;
	v19 =	vadd.f32 v29, v19;
	[tilespmem:s29+$0x4560] =	vst v21;
	v21 =	vld [tilespmem:s29+$0x11540]  }
0x2b6: {  	v15 =	vmul.f32 v15, v33;
	v26 =	vmul.f32 v26, v31;
	v18 =	vadd.f32 v28, v18;
	[tilespmem:s29+$0x4550] =	vst v20;
	v20 =	vld [tilespmem:s29+$0x11550]  }
0x2b7: {  	v14 =	vmul.f32 v14, v33;
	v25 =	vmul.f32 v25, v31;
	v17 =	vadd.f32 v22, v17;
	[tilespmem:s29+$0x4540] =	vst v19;
	v19 =	vld [tilespmem:s29+$0x11560]  }
0x2b8: {  	v13 =	vmul.f32 v13, v33;
	v22 =	vmul.f32 v24, v31;
	v16 =	vadd.f32 v26, v16;
	[tilespmem:s29+$0x4530] =	vst v18;
	v18 =	vld [tilespmem:s29+$0x11570]  }
0x2b9: {  	v12 =	vmul.f32 v12, v33;
	v23 =	vmul.f32 v23, v31;
	v15 =	vadd.f32 v25, v15;
	[tilespmem:s29+$0x4520] =	vst v17;
	v17 =	vld [tilespmem:s29+$0x5540]  }
0x2ba: {  	v10 =	vmul.f32 v10, v33;
	v11 =	vmul.f32 v11, v31;
	v14 =	vadd.f32 v22, v14;
	[tilespmem:s29+$0x4510] =	vst v16;
	v16 =	vld [tilespmem:s29+$0x5550]  }
0x2bb: {  	v8 =	vmul.f32 v8, v33;
	v9 =	vmul.f32 v9, v31;
	v13 =	vadd.f32 v23, v13;
	[tilespmem:s29+$0x4500] =	vst v15;
	v15 =	vld [tilespmem:s29+$0x5560]  }
0x2bc: {  	v6 =	vmul.f32 v6, v33;
	v7 =	vmul.f32 v7, v31;
	v11 =	vadd.f32 v11, v12;
	[tilespmem:s29+$0x4170] =	vst v14;
	v12 =	vld [tilespmem:s29+$0x5570]  }
0x2bd: {  	v3 =	vmul.f32 v3, v33;
	v5 =	vmul.f32 v5, v31;
	v9 =	vadd.f32 v9, v10;
	v14 =	vld [tilespmem:s29+$0x4100];
	[tilespmem:s29+$0x4160] =	vst v13  }
0x2be: {  	v4 =	vmul.f32 v4, v31;
	v7 =	vadd.f32 v7, v8;
	v10 =	vld [tilespmem:s29+$0x10100];
	[tilespmem:s29+$0x4150] =	vst v11;
	v8 =	vmul.f32 v17, v33  }
0x2bf: {  	s1 =	sshrl.u32 s0, $0x3;
	v5 =	vadd.f32 v5, v6;
	v6 =	vmul.f32 v21, v31;
	[tilespmem:s29+$0x4140] =	vst v9;
	v9 =	vmul.f32 v16, v33  }
0x2c0: {  	s31 =	sadd.s32 $0x80, s31;
	s1 =	smul.u32 $0x1800, s1;
	v3 =	vadd.f32 v4, v3;
	v4 =	vmul.f32 v20, v31;
	[tilespmem:s29+$0x4130] =	vst v7;
	v7 =	vmul.f32 v15, v33  }
0x2c1: {  	s13 =	sand.u32 $0x380, s31;
	[tilespmem:s29+$0x4120] =	vst v5;
	v5 =	vadd.f32 v6, v8;
	v6 =	vmul.f32 v19, v31;
	v8 =	vmul.f32 v12, v33  }
0x2c2: {  	s1 =	sor.u32 s13, s1;
	v9 =	vadd.f32 v4, v9;
	v12 =	vmul.f32 v18, v31;
	v11 =	vmul.f32 v14, v33;
	[tilespmem:s29+$0x4110] =	vst v3  }
0x2c3: {  	v3 =	vld [tilespmem:s1+$0x4110];
	v10 =	vmul.f32 v10, v31;
	[tilespmem:s29+$0x5540] =	vst v5;
	v5 =	vadd.f32 v6, v7  }
0x2c4: {  	v7 =	vadd.f32 v12, v8;
	v4 =	vld [tilespmem:s1+$0x10110];
	[tilespmem:s29+$0x5550] =	vst v9  }
0x2c5: {  	v6 =	vld [tilespmem:s1+$0x4120];
	v9 =	vadd.f32 v10, v11;
	[tilespmem:s29+$0x5560] =	vst v5  }
0x2c6: {  	v5 =	vld [tilespmem:s1+$0x10120];
	[tilespmem:s29+$0x5570] =	vst v7  }
0x2c7: {  	v8 =	vld [tilespmem:s1+$0x4130];
	[tilespmem:s29+$0x4100] =	vst v9;
	s29 =	smov.u32 s1  }
0x2c8: {  	v7 =	vld [tilespmem:s29+$0x10130]  }
0x2c9: {  	v10 =	vld [tilespmem:s29+$0x4140]  }
0x2ca: {  	v9 =	vld [tilespmem:s29+$0x10140]  }
0x2cb: {  	v12 =	vld [tilespmem:s29+$0x4150]  }
0x2cc: {  	v11 =	vld [tilespmem:s29+$0x10150]  }
0x2cd: {  	v13 =	vld [tilespmem:s29+$0x4160]  }
0x2ce: {  	v14 =	vld [tilespmem:s29+$0x4170]  }
0x2cf: {  	v15 =	vld [tilespmem:s29+$0x4500]  }
0x2d0: {  	v16 =	vld [tilespmem:s29+$0x4510]  }
0x2d1: {  	v17 =	vld [tilespmem:s29+$0x4520]  }
0x2d2: {  	v18 =	vld [tilespmem:s29+$0x4530]  }
0x2d3: {  	v19 =	vld [tilespmem:s29+$0x4540]  }
0x2d4: {  	v20 =	vld [tilespmem:s29+$0x4550]  }
0x2d5: {  	v21 =	vld [tilespmem:s29+$0x4560]  }
0x2d6: {  	v22 =	vld [tilespmem:s29+$0x4570]  }
0x2d7: {  	v23 =	vld [tilespmem:s29+$0x4900]  }
0x2d8: {  	v24 =	vld [tilespmem:s29+$0x4910]  }
0x2d9: {  	v25 =	vld [tilespmem:s29+$0x4920]  }
0x2da: {  	v26 =	vld [tilespmem:s29+$0x4930]  }
0x2db: {  	v27 =	vld [tilespmem:s29+$0x4940]  }
0x2dc: {  	v28 =	vld [tilespmem:s29+$0x4950]  }
0x2dd: {  	v29 =	vld [tilespmem:s29+$0x4960]  }
0x2de: {  	v30 =	vld [tilespmem:s29+$0x4970]  }
0x2df: {  	v32 =	vld [tilespmem:s29+$0x4D00]  }
0x2e0: {  	v34 =	vld [tilespmem:s29+$0x4D10]  }
0x2e1: {  	v35 =	vld [tilespmem:s29+$0x4D20]  }
0x2e2: {  	v36 =	vld [tilespmem:s29+$0x4D30]  }
0x2e3: {  	v37 =	vld [tilespmem:s29+$0x4D40]  }
0x2e4: {  	v38 =	vld [tilespmem:s29+$0x4D50]  }
0x2e5: {  	v39 =	vld [tilespmem:s29+$0x4D60]  }
0x2e6: {  	v40 =	vld [tilespmem:s29+$0x4D70]  }
0x2e7: {  	v41 =	vld [tilespmem:s29+$0x5100]  }
0x2e8: {  	v42 =	vld [tilespmem:s29+$0x5110]  }
0x2e9: {  	v43 =	vld [tilespmem:s29+$0x5120]  }
0x2ea: {  	v44 =	vld [tilespmem:s29+$0x5130]  }
0x2eb: {  	v45 =	vld [tilespmem:s29+$0x5140]  }
0x2ec: {  	v46 =	vld [tilespmem:s29+$0x5150]  }
.Ltmp1:
0x2ed: {  	v47 =	vld [tilespmem:s29+$0x5160];
	(pc) =	sbr.rel @p0 .LBB2_4-.Ltmp1, $4  }
0x2ee: {  	v48 =	vld [tilespmem:s29+$0x5500]  }
0x2ef: {  	v50 =	vld [tilespmem:s29+$0x5510]  }
0x2f0: {  	v49 =	vld [tilespmem:s29+$0x11510]  }
0x2f1: {  	s0 =	sadd.s32 $0x1, s0;
	v51 =	vld [tilespmem:s29+$0x11530]  }
0x2f2: {  	v52 =	vld [tilespmem:s29+$0x5530]  }
0x2f3: {  	v53 =	vld [tilespmem:s29+$0x5520];
	s0 =	sadd.s32 $0x100, s30  }
0x2f4: {  	v31 =	vld [tilespmem:s0+$0xFFFFFF80]  }
0x2f5: {  	v33 =	vld [tilespmem:s0+$0x0]  }
0x2f6: {  	v54 =	vld [tilespmem:s29+$0x11520];
	_ =	sdelay $0x1  }
0x2f7: {  	v55 =	vld [tilespmem:s29+$0x11500]  }
0x2f8: {  	v56 =	vld [tilespmem:s29+$0x5170]  }
0x2f9: {  	v58 =	vld [tilespmem:s29+$0x11160];
	v52 =	vmul.f32 v52, v31;
	v51 =	vmul.f32 v51, v33  }
0x2fa: {  	v57 =	vld [tilespmem:s29+$0x11170];
	v53 =	vmul.f32 v53, v31;
	v54 =	vmul.f32 v54, v33  }
0x2fb: {  	v59 =	vld [tilespmem:s29+$0x11150];
	v50 =	vmul.f32 v50, v31;
	v49 =	vmul.f32 v49, v33  }
0x2fc: {  	v60 =	vld [tilespmem:s29+$0x11140];
	v48 =	vmul.f32 v48, v31;
	v62 =	vmul.f32 v55, v33;
	v51 =	vadd.f32 v51, v52  }
0x2fd: {  	v61 =	vld [tilespmem:s29+$0x11120];
	v63 =	vmul.f32 v56, v31;
	v47 =	vmul.f32 v47, v31;
	v53 =	vadd.f32 v54, v53  }
0x2fe: {  	v58 =	vmul.f32 v58, v33;
	v55 =	vld [tilespmem:s29+$0x10560];
	v12 =	vmul.f32 v12, v31;
	v49 =	vadd.f32 v49, v50;
	[tilespmem:s29+$0x5530] =	vst v51  }
0x2ff: {  	v56 =	vld [tilespmem:s29+$0x10550];
	v11 =	vmul.f32 v11, v33;
	v10 =	vmul.f32 v10, v31;
	v48 =	vadd.f32 v62, v48;
	[tilespmem:s29+$0x5520] =	vst v53  }
0x300: {  	v9 =	vmul.f32 v9, v33;
	v8 =	vmul.f32 v8, v31;
	v52 =	vld [tilespmem:s29+$0x11130];
	v47 =	vadd.f32 v58, v47;
	[tilespmem:s29+$0x5510] =	vst v49  }
0x301: {  	v7 =	vmul.f32 v7, v33;
	v6 =	vmul.f32 v6, v31;
	v50 =	vld [tilespmem:s29+$0x11100];
	v11 =	vadd.f32 v11, v12;
	[tilespmem:s29+$0x5500] =	vst v48  }
0x302: {  	v5 =	vmul.f32 v5, v33;
	v3 =	vmul.f32 v3, v31;
	v58 =	vld [tilespmem:s29+$0x10D20];
	v9 =	vadd.f32 v9, v10;
	[tilespmem:s29+$0x5160] =	vst v47  }
0x303: {  	v4 =	vmul.f32 v4, v33;
	v62 =	vmul.f32 v59, v33;
	v59 =	vld [tilespmem:s29+$0x10D10];
	v7 =	vadd.f32 v7, v8;
	[tilespmem:s29+$0x4150] =	vst v11  }
0x304: {  	v57 =	vmul.f32 v57, v33;
	v54 =	vld [tilespmem:s29+$0x10570];
	v5 =	vadd.f32 v5, v6;
	[tilespmem:s29+$0x4140] =	vst v9  }
0x305: {  	v46 =	vmul.f32 v46, v31;
	v3 =	vadd.f32 v4, v3;
	v51 =	vld [tilespmem:s29+$0x11110];
	[tilespmem:s29+$0x4130] =	vst v7  }
0x306: {  	v45 =	vmul.f32 v45, v31;
	v49 =	vld [tilespmem:s29+$0x10D70];
	v53 =	vadd.f32 v57, v63;
	v63 =	vmul.f32 v60, v33;
	[tilespmem:s29+$0x4120] =	vst v5  }
0x307: {  	v43 =	vmul.f32 v43, v31;
	v48 =	vld [tilespmem:s29+$0x10D60];
	v46 =	vadd.f32 v62, v46;
	v57 =	vmul.f32 v61, v33;
	[tilespmem:s29+$0x4110] =	vst v3  }
0x308: {  	v44 =	vmul.f32 v44, v31;
	v47 =	vld [tilespmem:s29+$0x10D40];
	[tilespmem:s29+$0x5170] =	vst v53;
	v45 =	vadd.f32 v63, v45;
	v52 =	vmul.f32 v52, v33  }
0x309: {  	v41 =	vmul.f32 v41, v31;
	v60 =	vld [tilespmem:s29+$0x10D00];
	[tilespmem:s29+$0x5150] =	vst v46;
	v43 =	vadd.f32 v57, v43;
	v50 =	vmul.f32 v50, v33  }
0x30a: {  	v35 =	vmul.f32 v35, v31;
	v61 =	vld [tilespmem:s29+$0x10970];
	[tilespmem:s29+$0x5140] =	vst v45;
	v45 =	vmul.f32 v58, v33;
	v44 =	vadd.f32 v52, v44  }
0x30b: {  	v42 =	vmul.f32 v42, v31;
	v53 =	vld [tilespmem:s29+$0x10D50];
	[tilespmem:s29+$0x5120] =	vst v43;
	v51 =	vmul.f32 v51, v33;
	v41 =	vadd.f32 v50, v41  }
0x30c: {  	v40 =	vmul.f32 v40, v31;
	v46 =	vld [tilespmem:s29+$0x10D30];
	v49 =	vmul.f32 v49, v33;
	v35 =	vadd.f32 v45, v35;
	[tilespmem:s29+$0x5130] =	vst v44  }
0x30d: {  	v39 =	vmul.f32 v39, v31;
	v62 =	vld [tilespmem:s29+$0x10960];
	v48 =	vmul.f32 v48, v33;
	v42 =	vadd.f32 v51, v42;
	[tilespmem:s29+$0x5100] =	vst v41  }
0x30e: {  	v37 =	vmul.f32 v37, v31;
	v57 =	vld [tilespmem:s29+$0x10540];
	v47 =	vmul.f32 v47, v33;
	v40 =	vadd.f32 v49, v40;
	[tilespmem:s29+$0x4D20] =	vst v35  }
0x30f: {  	v32 =	vmul.f32 v32, v31;
	v58 =	vld [tilespmem:s29+$0x10530];
	v43 =	vmul.f32 v60, v33;
	v39 =	vadd.f32 v48, v39;
	[tilespmem:s29+$0x5110] =	vst v42  }
0x310: {  	v38 =	vmul.f32 v38, v31;
	v50 =	vld [tilespmem:s29+$0x10930];
	v63 =	vmul.f32 v53, v33;
	v37 =	vadd.f32 v47, v37;
	[tilespmem:s29+$0x4D70] =	vst v40  }
0x311: {  	v36 =	vmul.f32 v36, v31;
	v60 =	vld [tilespmem:s29+$0x10510];
	v46 =	vmul.f32 v46, v33;
	v32 =	vadd.f32 v43, v32;
	[tilespmem:s29+$0x4D60] =	vst v39  }
0x312: {  	v34 =	vmul.f32 v34, v31;
	v52 =	vld [tilespmem:s29+$0x10910];
	v44 =	vmul.f32 v59, v33;
	v38 =	vadd.f32 v63, v38;
	[tilespmem:s29+$0x4D40] =	vst v37  }
0x313: {  	v29 =	vmul.f32 v29, v31;
	v45 =	vld [tilespmem:s29+$0x5540];
	v41 =	vmul.f32 v62, v33;
	v36 =	vadd.f32 v46, v36;
	[tilespmem:s29+$0x4D00] =	vst v32  }
0x314: {  	v21 =	vmul.f32 v21, v31;
	v48 =	vld [tilespmem:s29+$0x10950];
	v62 =	vmul.f32 v55, v33;
	v34 =	vadd.f32 v44, v34;
	[tilespmem:s29+$0x4D50] =	vst v38  }
0x315: {  	v30 =	vmul.f32 v30, v31;
	v49 =	vld [tilespmem:s29+$0x10940];
	v42 =	vmul.f32 v61, v33;
	v29 =	vadd.f32 v41, v29;
	[tilespmem:s29+$0x4D30] =	vst v36  }
0x316: {  	v16 =	vmul.f32 v16, v31;
	v51 =	vld [tilespmem:s29+$0x10920];
	v21 =	vadd.f32 v62, v21;
	v41 =	vmul.f32 v60, v33;
	[tilespmem:s29+$0x4D10] =	vst v34  }
0x317: {  	v26 =	vmul.f32 v26, v31;
	v53 =	vld [tilespmem:s29+$0x10900];
	v30 =	vadd.f32 v42, v30;
	[tilespmem:s29+$0x4960] =	vst v29;
	v38 =	vmul.f32 v50, v33  }
0x318: {  	v24 =	vmul.f32 v24, v31;
	v59 =	vld [tilespmem:s29+$0x10520];
	v36 =	vmul.f32 v52, v33;
	[tilespmem:s29+$0x4560] =	vst v21;
	v16 =	vadd.f32 v41, v16  }
0x319: {  	v22 =	vmul.f32 v22, v31;
	v43 =	vld [tilespmem:s29+$0x11570];
	v34 =	vmul.f32 v54, v33;
	[tilespmem:s29+$0x4970] =	vst v30;
	v26 =	vadd.f32 v38, v26  }
0x31a: {  	v28 =	vmul.f32 v28, v31;
	v61 =	vld [tilespmem:s29+$0x10500];
	v40 =	vmul.f32 v48, v33;
	v24 =	vadd.f32 v36, v24;
	[tilespmem:s29+$0x4510] =	vst v16  }
0x31b: {  	v27 =	vmul.f32 v27, v31;
	v63 =	vld [tilespmem:s29+$0x10170];
	v39 =	vmul.f32 v49, v33;
	v22 =	vadd.f32 v34, v22;
	[tilespmem:s29+$0x4930] =	vst v26  }
0x31c: {  	v25 =	vmul.f32 v25, v31;
	v46 =	vld [tilespmem:s29+$0x5550];
	v37 =	vmul.f32 v51, v33;
	v28 =	vadd.f32 v40, v28;
	[tilespmem:s29+$0x4910] =	vst v24  }
0x31d: {  	v23 =	vmul.f32 v23, v31;
	v50 =	vld [tilespmem:s29+$0x10100];
	v35 =	vmul.f32 v53, v33;
	v27 =	vadd.f32 v39, v27;
	[tilespmem:s29+$0x4570] =	vst v22  }
0x31e: {  	v20 =	vmul.f32 v20, v31;
	v48 =	vld [tilespmem:s29+$0x5560];
	v30 =	vmul.f32 v56, v33;
	v25 =	vadd.f32 v37, v25;
	[tilespmem:s29+$0x4950] =	vst v28  }
0x31f: {  	v19 =	vmul.f32 v19, v31;
	v51 =	vld [tilespmem:s29+$0x4100];
	v23 =	vadd.f32 v35, v23;
	v35 =	vmul.f32 v57, v33;
	[tilespmem:s29+$0x4940] =	vst v27  }
0x320: {  	v18 =	vmul.f32 v18, v31;
	v34 =	vld [tilespmem:s29+$0x10160];
	v37 =	vmul.f32 v58, v33;
	v20 =	vadd.f32 v30, v20;
	[tilespmem:s29+$0x4920] =	vst v25  }
0x321: {  	v17 =	vmul.f32 v17, v31;
	v36 =	vld [tilespmem:s29+$0x11540];
	v39 =	vmul.f32 v59, v33;
	[tilespmem:s29+$0x4900] =	vst v23;
	v19 =	vadd.f32 v35, v19  }
0x322: {  	v15 =	vmul.f32 v15, v31;
	v38 =	vld [tilespmem:s29+$0x11550];
	v42 =	vmul.f32 v61, v33;
	v18 =	vadd.f32 v37, v18;
	[tilespmem:s29+$0x4550] =	vst v20  }
0x323: {  	v14 =	vmul.f32 v14, v31;
	v40 =	vld [tilespmem:s29+$0x11560];
	v44 =	vmul.f32 v63, v33;
	v17 =	vadd.f32 v39, v17;
	[tilespmem:s29+$0x4540] =	vst v19  }
0x324: {  	v49 =	vld [tilespmem:s29+$0x5570];
	v15 =	vadd.f32 v42, v15;
	v10 =	vmul.f32 v50, v33;
	v61 =	vmul.f32 v51, v31;
	[tilespmem:s29+$0x4530] =	vst v18  }
0x325: {  	v13 =	vmul.f32 v13, v31;
	v14 =	vadd.f32 v44, v14;
	[tilespmem:s29+$0x4520] =	vst v17;
	v47 =	vmul.f32 v34, v33  }
0x326: {  	v52 =	vmul.f32 v45, v31;
	[tilespmem:s29+$0x4500] =	vst v15;
	v53 =	vmul.f32 v36, v33;
	v63 =	vadd.f32 v10, v61  }
0x327: {  	v54 =	vmul.f32 v46, v31;
	[tilespmem:s29+$0x4170] =	vst v14;
	v55 =	vmul.f32 v38, v33;
	v13 =	vadd.f32 v47, v13  }
0x328: {  	v56 =	vmul.f32 v48, v31;
	v58 =	vmul.f32 v40, v33;
	v57 =	vadd.f32 v53, v52;
	[tilespmem:s29+$0x4100] =	vst v63  }
0x329: {  	v60 =	vmul.f32 v43, v33;
	v59 =	vmul.f32 v49, v31;
	v3 =	vadd.f32 v55, v54;
	[tilespmem:s29+$0x4160] =	vst v13  }
0x32a: {  	v62 =	vadd.f32 v58, v56;
	[tilespmem:s29+$0x5540] =	vst v57  }
0x32b: {  	[tilespmem:s29+$0x5550] =	vst v3;
	v3 =	vadd.f32 v60, v59  }
0x32c: {  	[tilespmem:s29+$0x5560] =	vst v62  }
0x32d: {  	[tilespmem:s29+$0x5570] =	vst v3  }
0x32e: {  	s28 =	sadd.s32 $0x1, s28;
	_ =	swait.ge [sflag:s26], $0x6000  }
0x32f: {  	p0 =	sne.s32 s28, s11;
	[sflag:s26] =	ssyncset.done $0x0  }
.Ltmp2:
0x330: {  	[sflag:s26] =	ssyncadd.s32 $0xFFFFA000;
	(pc) =	sbr.rel @p0 .LBB2_1-.Ltmp2, $4  }
0x331: {  	[hbm4b:s10+s2] =	stream.linear.scatter [tilespmem:s20], [sflag:$0x2], $0x6000, $0x38;
	[tilespmem:$0x1C100] =	vst v63  }
0x332: {  	_ =	swait.ge [sflag:s12], $0x6000  }
0x333: {  	[sflag:s12] =	ssyncset.done $0x0  }
0x334: {  	[sflag:s12] =	ssyncadd.s32 $0xFFFFA000  }
0x335: {  	_ =	sfence.sel $0x180000  }
0x336: {  	[bflag:$0x0] =	sbarrier.arrive $0xFFFF  }
0x337: {  	_ =	strace $0x9000004A  }
0x338: {  	s0 =	stileid.u32;
	[bflag:$0x2] =	sbarrier.arrive $0xFFFF  }
0x339: {  	p0 =	sne.s32 s0, $0x0;
	s0 =	rddreg [dreg:$0x2]  }
0x33a: {  	s0 =	sadd.s32 @!p0 $0x100000, s0  }
0x33b: {  	[sflag:s0] =	ssyncadd.tile.s32 @!p0 $0x1;
	_ =	shalt  }
.Lfunc_end2:
_tile_overlayer_lowered:
.L_overlay_start_2:
0x33c: {  	(tag) =	ssettag $0x2  }
0x33d: {  	s0 =	rddreg [dreg:$0x0];
	s2 =	stileid.u32  }
0x33e: {  	s1 =	rddreg [dreg:$0x1];
	p0 =	sne.s32 s2, $0x0  }
0x33f: {  	s3 =	rddreg [dreg:$0x2];
	[bflag:$0x3] =	sbarrier.arrive $0xFFFF;
	s2 =	simm.s32 @!p0 $0x1C02  }
0x340: {  	[timem:s3], [sflag:s2] =	dma.local @!p0 [hbm:s0], s1  }
0x341: {  	s0 =	simm.s32 @!p0 $0x2  }
0x342: {  	_ =	swait.ge @!p0 [sflag:s0], s1  }
0x343: {  	s1 =	ssub.s32 @!p0 $0x0, s1;
	[sflag:s0] =	ssyncset.done @!p0 $0x0  }
0x344: {  	[sflag:s0] =	ssyncadd.s32 @!p0 s1  }
0x345: {  	[bflag:$0x3] =	sbarrier.arrive $0xFFFF  }
0x346: {  	_ =	shalt  }

</sc_bundles>
